<compile_context>
chip_gen: v7x
topology: tpu7x:2x2x1
jax: 0.10.2.dev20260603
libtpu: 0.0.44.dev20260713+nightly
codegen_flags: <defaults>
</compile_context>

<pallas_src>
import functools

import jax
import jax.numpy as jnp
from jax import lax
from jax.experimental import pallas as pl
from jax.experimental.pallas import tpu as pltpu
from jax.experimental.pallas import tpu_sc as plsc

N = 10000
E = 320000
NC, NS = 2, 16
NW = NC * NS
E_PAD = 327680
EPW = E_PAD // NW
CG = 160
NG = EPW // CG
CS = 128
NCH = EPW // CS
N_PAD = 10240
NPT = N_PAD // NS
BE = 512
BN = 2048
NB = N_PAD // BN

_HIGH = jax.lax.Precision.HIGHEST


def _mesh():
    return plsc.VectorSubcoreMesh(core_axis_name="c", subcore_axis_name="s")



def _gather_body(prow_h, pcol_h, row_h, col_h, dep_h, grow_h, gcol_h,
                 idx_r0, idx_r1, idx_c0, idx_c1,
                 buf_r0, buf_r1, buf_c0, buf_c1,
                 sem_gr0, sem_gr1, sem_gc0, sem_gc1,
                 sem_wr0, sem_wr1, sem_wc0, sem_wc1):
    wid = lax.axis_index("s") * NC + lax.axis_index("c")
    base = wid * EPW
    phases = (
        (idx_r0, idx_c0, buf_r0, buf_c0, sem_gr0, sem_gc0, sem_wr0, sem_wc0),
        (idx_r1, idx_c1, buf_r1, buf_c1, sem_gr1, sem_gc1, sem_wr1, sem_wc1),
    )

    def load_idx(j, ph):
        ir, ic = phases[ph][0], phases[ph][1]
        off = base + j * CG
        pltpu.sync_copy(row_h.at[pl.ds(off, CG)], ir)
        pltpu.sync_copy(col_h.at[pl.ds(off, CG)], ic)

    def start_gather(j, ph):
        ir, ic, br, bc, gr, gc = phases[ph][:6]
        pltpu.async_copy(prow_h.at[ir], br, gr)
        pltpu.async_copy(pcol_h.at[ic], bc, gc)

    def wait_gather(j, ph):
        ir, ic, br, bc, gr, gc = phases[ph][:6]
        pltpu.make_async_copy(prow_h.at[ir], br, gr).wait()
        pltpu.make_async_copy(pcol_h.at[ic], bc, gc).wait()

    def start_wb(j, ph):
        br, bc = phases[ph][2], phases[ph][3]
        wr, wc = phases[ph][6], phases[ph][7]
        off = base + j * CG
        pltpu.async_copy(br, grow_h.at[pl.ds(off, CG)], wr)
        pltpu.async_copy(bc, gcol_h.at[pl.ds(off, CG)], wc)

    def wait_wb(j, ph):
        br, bc = phases[ph][2], phases[ph][3]
        wr, wc = phases[ph][6], phases[ph][7]
        off = base + j * CG
        pltpu.make_async_copy(br, grow_h.at[pl.ds(off, CG)], wr).wait()
        pltpu.make_async_copy(bc, gcol_h.at[pl.ds(off, CG)], wc).wait()

    load_idx(0, 0)
    start_gather(0, 0)
    load_idx(1, 1)
    start_gather(1, 1)

    def body(k, carry):
        for ph in range(2):
            j = 2 * k + ph
            wait_gather(j, ph)
            start_wb(j, ph)

            @pl.when(j + 2 < NG)
            def _():
                load_idx(j + 2, ph)
            wait_wb(j, ph)

            @pl.when(j + 2 < NG)
            def _():
                start_gather(j + 2, ph)
        return carry

    lax.fori_loop(0, NG // 2, body, 0)


def _sc_gather(prow, pcol, row, col, dep):
    return pl.kernel(
        _gather_body,
        out_type=[jax.ShapeDtypeStruct((E_PAD, 128), jnp.float32),
                  jax.ShapeDtypeStruct((E_PAD, 128), jnp.float32)],
        mesh=_mesh(),
        scratch_types=(
            [pltpu.VMEM((CG,), jnp.int32)] * 4
            + [pltpu.VMEM((CG, 128), jnp.float32)] * 4
            + [pltpu.SemaphoreType.DMA] * 8
        ),
    )(prow, pcol, row, col, dep)



def _scatter_body(m_h, col_h, zero_h, sums_h, idx_a, idx_b, vals_a, vals_b,
                  acc_s):
    ci = lax.axis_index("c")
    si = lax.axis_index("s")
    wid = si * NC + ci
    pltpu.sync_copy(zero_h.at[pl.ds(si * NPT, NPT)],
                    acc_s.at[pl.ds(si * NPT, NPT)])
    plsc.subcore_barrier()

    def body(k, carry):
        for ph, ibuf, vbuf in ((0, idx_a, vals_a), (1, idx_b, vals_b)):
            j = 2 * k + ph
            off = wid * EPW + j * CS
            pltpu.sync_copy(col_h.at[pl.ds(off, CS)], ibuf)
            pltpu.sync_copy(m_h.at[pl.ds(off, CS)], vbuf)
            pltpu.sync_copy(vbuf, acc_s.at[ibuf], add=True)
        return carry

    lax.fori_loop(0, NCH // 2, body, 0)
    plsc.subcore_barrier()
    pltpu.sync_copy(acc_s.at[pl.ds(si * NPT, NPT)],
                    sums_h.at[pl.ds(ci * N_PAD + si * NPT, NPT)])


def _sc_scatter(m, colp, zeros64):
    return pl.kernel(
        _scatter_body,
        out_type=jax.ShapeDtypeStruct((NC * N_PAD, 64), jnp.float32),
        mesh=_mesh(),
        scratch_types=[
            pltpu.VMEM((CS,), jnp.int32),
            pltpu.VMEM((CS,), jnp.int32),
            pltpu.VMEM((CS, 64), jnp.float32),
            pltpu.VMEM((CS, 64), jnp.float32),
            pltpu.VMEM_SHARED((N_PAD, 64), jnp.float32),
        ],
    )(m, colp, zeros64)



def _count_body(col_h, zero_h, ones_h, cnt_h, idx_a, idx_b, ones_v, acc_s):
    ci = lax.axis_index("c")
    si = lax.axis_index("s")
    wid = si * NC + ci
    pltpu.sync_copy(zero_h.at[pl.ds(si * NPT, NPT)],
                    acc_s.at[pl.ds(si * NPT, NPT)])
    pltpu.sync_copy(ones_h, ones_v)
    plsc.subcore_barrier()

    def body(k, carry):
        for ph, ibuf in ((0, idx_a), (1, idx_b)):
            j = 2 * k + ph
            off = wid * EPW + j * CS
            pltpu.sync_copy(col_h.at[pl.ds(off, CS)], ibuf)
            pltpu.sync_copy(ones_v, acc_s.at[ibuf], add=True)
        return carry

    lax.fori_loop(0, NCH // 2, body, 0)
    plsc.subcore_barrier()
    pltpu.sync_copy(acc_s.at[pl.ds(si * NPT, NPT)],
                    cnt_h.at[pl.ds(ci * N_PAD + si * NPT, NPT)])


def _sc_count(colp, zeros64, ones64):
    return pl.kernel(
        _count_body,
        out_type=jax.ShapeDtypeStruct((NC * N_PAD, 64), jnp.float32),
        mesh=_mesh(),
        scratch_types=[
            pltpu.VMEM((CS,), jnp.int32),
            pltpu.VMEM((CS,), jnp.int32),
            pltpu.VMEM((CS, 64), jnp.float32),
            pltpu.VMEM_SHARED((N_PAD, 64), jnp.float32),
        ],
    )(colp, zeros64, ones64)



def _edge_body(last, g_ref, gc_ref, ea_ref, wee_ref, w1e_ref,
               be_ref, b1_ref, e_ref, m_ref):
    g = g_ref[...]
    e = (g[:, :64] + gc_ref[...][:, :64]
         + jnp.dot(ea_ref[...], wee_ref[...], precision=_HIGH,
                   preferred_element_type=jnp.float32)
         + be_ref[...])
    if not last:
        e = jnp.maximum(e, 0.0)
    e_ref[...] = e
    m = (g[:, 64:]
         + jnp.dot(e, w1e_ref[...], precision=_HIGH,
                   preferred_element_type=jnp.float32)
         + b1_ref[...])
    if not last:
        m = jnp.maximum(m, 0.0)
    m_ref[...] = m


def _edge_mlp(grow, gcol, ea, wee, w1e, be_, b1, last):
    de = ea.shape[1]
    return pl.pallas_call(
        functools.partial(_edge_body, last),
        grid=(E_PAD // BE,),
        in_specs=[
            pl.BlockSpec((BE, 128), lambda i: (i, 0)),
            pl.BlockSpec((BE, 128), lambda i: (i, 0)),
            pl.BlockSpec((BE, de), lambda i: (i, 0)),
            pl.BlockSpec((de, 64), lambda i: (0, 0)),
            pl.BlockSpec((64, 64), lambda i: (0, 0)),
            pl.BlockSpec((1, 64), lambda i: (0, 0)),
            pl.BlockSpec((1, 64), lambda i: (0, 0)),
        ],
        out_specs=[pl.BlockSpec((BE, 64), lambda i: (i, 0)),
                   pl.BlockSpec((BE, 64), lambda i: (i, 0))],
        out_shape=[jax.ShapeDtypeStruct((E_PAD, 64), jnp.float32),
                   jax.ShapeDtypeStruct((E_PAD, 64), jnp.float32)],
    )(grow, gcol, ea, wee, w1e, be_, b1)



def _node_body(last, x_ref, s0_ref, s1_ref, c0_ref, c1_ref, w2x_ref,
               w2a_ref, b2_ref, *rest):
    cnt = c0_ref[...][:, 0:1] + c1_ref[...][:, 0:1]
    recip = 1.0 / jnp.maximum(cnt, 1.0)
    agg = (s0_ref[...] + s1_ref[...]) * recip
    h = (jnp.dot(x_ref[...], w2x_ref[...], precision=_HIGH,
                 preferred_element_type=jnp.float32)
         + jnp.dot(agg, w2a_ref[...], precision=_HIGH,
                   preferred_element_type=jnp.float32)
         + b2_ref[...])
    if not last:
        h = jnp.maximum(h, 0.0)
    if last:
        (xn_ref,) = rest
        xn_ref[...] = h
    else:
        wrow_ref, wcol_ref, xn_ref, prow_ref, pcol_ref = rest
        xn_ref[...] = h
        prow_ref[...] = jnp.dot(h, wrow_ref[...], precision=_HIGH,
                                preferred_element_type=jnp.float32)
        pcol_ref[...] = jnp.dot(h, wcol_ref[...], precision=_HIGH,
                                preferred_element_type=jnp.float32)


def _node_update(x, sums, cnt, w2x, w2a, b2, wrow_n, wcol_n, last):
    dx = x.shape[1]
    in_specs = [
        pl.BlockSpec((BN, dx), lambda i: (i, 0)),
        pl.BlockSpec((BN, 64), lambda i: (i, 0)),
        pl.BlockSpec((BN, 64), lambda i: (i + NB, 0)),
        pl.BlockSpec((BN, 64), lambda i: (i, 0)),
        pl.BlockSpec((BN, 64), lambda i: (i + NB, 0)),
        pl.BlockSpec((dx, 64), lambda i: (0, 0)),
        pl.BlockSpec((64, 64), lambda i: (0, 0)),
        pl.BlockSpec((1, 64), lambda i: (0, 0)),
    ]
    args = [x, sums, sums, cnt, cnt, w2x, w2a, b2]
    if last:
        out_specs = pl.BlockSpec((BN, 64), lambda i: (i, 0))
        out_shape = jax.ShapeDtypeStruct((N, 64), jnp.float32)
    else:
        in_specs += [pl.BlockSpec((64, 128), lambda i: (0, 0)),
                     pl.BlockSpec((64, 128), lambda i: (0, 0))]
        args += [wrow_n, wcol_n]
        out_specs = [pl.BlockSpec((BN, 64), lambda i: (i, 0)),
                     pl.BlockSpec((BN, 128), lambda i: (i, 0)),
                     pl.BlockSpec((BN, 128), lambda i: (i, 0))]
        out_shape = [jax.ShapeDtypeStruct((N, 64), jnp.float32),
                     jax.ShapeDtypeStruct((N, 128), jnp.float32),
                     jax.ShapeDtypeStruct((N, 128), jnp.float32)]
    return pl.pallas_call(
        functools.partial(_node_body, last),
        grid=(NB,),
        in_specs=in_specs,
        out_specs=out_specs,
        out_shape=out_shape,
    )(*args)



def _proj_body(x_ref, wrow_ref, wcol_ref, prow_ref, pcol_ref):
    xv = x_ref[...]
    prow_ref[...] = jnp.dot(xv, wrow_ref[...], precision=_HIGH,
                            preferred_element_type=jnp.float32)
    pcol_ref[...] = jnp.dot(xv, wcol_ref[...], precision=_HIGH,
                            preferred_element_type=jnp.float32)


def _project(x, wrow, wcol):
    dx = x.shape[1]
    return pl.pallas_call(
        _proj_body,
        grid=(NB,),
        in_specs=[
            pl.BlockSpec((BN, dx), lambda i: (i, 0)),
            pl.BlockSpec((dx, 128), lambda i: (0, 0)),
            pl.BlockSpec((dx, 128), lambda i: (0, 0)),
        ],
        out_specs=[pl.BlockSpec((BN, 128), lambda i: (i, 0)),
                   pl.BlockSpec((BN, 128), lambda i: (i, 0))],
        out_shape=[jax.ShapeDtypeStruct((N, 128), jnp.float32),
                   jax.ShapeDtypeStruct((N, 128), jnp.float32)],
    )(x, wrow, wcol)



def _split_params(p, dn):
    We, W1, W2 = p["We"], p["W1"], p["W2"]
    return dict(
        wes=We[:dn],
        wedp=jnp.concatenate(
            [We[dn:2 * dn], jnp.zeros((dn, 64), jnp.float32)], axis=1),
        wee=We[2 * dn:],
        w1x=W1[:dn], w1e=W1[dn:],
        w2x=W2[:dn], w2a=W2[dn:],
        be=p["be"][None, :], b1=p["b1"][None, :], b2=p["b2"][None, :],
    )


def kernel(x, edge_index, edge_attr, params):
    row1d = jnp.concatenate(
        [edge_index[0], jnp.zeros((E_PAD - E,), jnp.int32)])
    colg1d = jnp.concatenate(
        [edge_index[1], jnp.zeros((E_PAD - E,), jnp.int32)])
    colp1d = jnp.concatenate(
        [edge_index[1], jnp.full((E_PAD - E,), N_PAD - 1, jnp.int32)])

    ea = jnp.concatenate(
        [edge_attr, jnp.zeros((E_PAD - E, edge_attr.shape[1]),
                              jnp.float32)])
    zeros64 = jnp.zeros((N_PAD, 64), jnp.float32)
    ones64 = jnp.ones((CS, 64), jnp.float32)

    sp = [_split_params(p, 128 if i == 0 else 64)
          for i, p in enumerate(params)]

    cnt = _sc_count(colp1d, zeros64, ones64)

    wrow1 = jnp.concatenate([sp[0]["wes"], sp[0]["w1x"]], axis=1)
    prow, pcol = _project(x, wrow1, sp[0]["wedp"])

    for i in range(3):
        last = i == 2
        s = sp[i]
        grow, gcol = _sc_gather(prow, pcol, row1d, colg1d, cnt)
        e, m = _edge_mlp(grow, gcol, ea, s["wee"], s["w1e"],
                         s["be"], s["b1"], last)
        sums = _sc_scatter(m, colp1d, zeros64)
        if last:
            x = _node_update(x, sums, cnt, s["w2x"], s["w2a"], s["b2"],
                             None, None, True)
        else:
            sn = sp[i + 1]
            wrow_n = jnp.concatenate([sn["wes"], sn["w1x"]], axis=1)
            x, prow, pcol = _node_update(x, sums, cnt, s["w2x"], s["w2a"],
                                         s["b2"], wrow_n, sn["wedp"], False)
        ea = e
    return x, ea[:E]

# --- scband reference (transcript-rebuilt; emitter-appended) ---
"""Pipeline reference for scband-edge-mpnn-17806934409783 (READ-ONLY COPY).

The authoritative reference and input builder live on the scoring server;
editing this copy changes nothing except your own understanding.
"""

import jax, jax.numpy as jnp
import numpy as np

N = 10000
E = 320000
D_NODE = 128
D_EDGE = 16
H = 64
D_OUT = 64


def _make_params(key):
    layer_dims = [
        {"We": (D_EDGE + 2 * D_NODE, H), "W1": (D_NODE + H, H), "W2": (D_NODE + H, H)},
        {"We": (3 * H, H), "W1": (2 * H, H), "W2": (2 * H, H)},
        {"We": (3 * H, D_OUT), "W1": (H + D_OUT, D_OUT), "W2": (H + D_OUT, D_OUT)},
    ]
    params = []
    for ld in layer_dims:
        p = {}
        for name, shp in ld.items():
            key, k1 = jax.random.split(key)
            p[name] = (jax.random.normal(k1, shp, dtype=jnp.float32) * (1.0 / np.sqrt(shp[0]))).astype(jnp.float32)
            p["b" + name[1:]] = jnp.zeros((shp[1],), dtype=jnp.float32)
        params.append(p)
    return params


def _scatter_mean(vals, idx, n):
    sums = jax.ops.segment_sum(vals, idx, num_segments=n)
    cnt = jax.ops.segment_sum(jnp.ones((vals.shape[0], 1), vals.dtype), idx, num_segments=n)
    return sums / jnp.maximum(cnt, 1.0)


def _forward(x, edge_attr, params, row, col):
    n_layers = len(params)
    for i, p in enumerate(params):
        last = i == n_layers - 1
        # EdgeModel: edge_mlp(cat([src, dest, edge_attr]))
        e = jnp.concatenate([x[row], x[col], edge_attr], axis=1) @ p["We"] + p["be"]
        if not last:
            e = jax.nn.relu(e)
        edge_attr = e
        # NodeModel: mlp1(cat([x[row], edge_attr])) -> scatter mean over col -> mlp2(cat([x, agg]))
        m = jnp.concatenate([x[row], edge_attr], axis=1) @ p["W1"] + p["b1"]
        if not last:
            m = jax.nn.relu(m)
        agg = _scatter_mean(m, col, x.shape[0])
        h = jnp.concatenate([x, agg], axis=1) @ p["W2"] + p["b2"]
        if not last:
            h = jax.nn.relu(h)
        x = h
    return x, edge_attr


def setup_inputs(seed: int = 0):
    key = jax.random.key(seed)
    kx, ke, ki, kp = jax.random.split(key, 4)
    x = jax.random.normal(kx, (N, D_NODE), dtype=jnp.float32)
    edge_attr = jax.random.normal(ke, (E, D_EDGE), dtype=jnp.float32)
    edge_index = jax.random.randint(ki, (2, E), 0, N, dtype=jnp.int32)
    params = _make_params(kp)
    return {"x": x, "edge_index": edge_index, "edge_attr": edge_attr, "params": params}


def reference(x, edge_index, edge_attr, params):
    row, col = edge_index[0], edge_index[1]
    return _forward(x, edge_attr, params, row, col)

if __name__ == "__main__":
    import jax
    _d = setup_inputs()
    print(jax.jit(kernel)(*tuple(_d.values())))

</pallas_src>

<mosaic_0001>
#map = affine_map<(d0, d1) -> (0)>
#map1 = affine_map<(d0, d1) -> (0, 0)>
module attributes {stable_mosaic.version = 14 : i64} {
  func.func @_count_body(%arg0: i32, %arg1: i32, %arg2: memref<327680xi32, #tpu.memory_space<hbm>>, %arg3: memref<10240x64xf32, #tpu.memory_space<hbm>>, %arg4: memref<128x64xf32, #tpu.memory_space<hbm>>, %arg5: memref<20480x64xf32, #tpu.memory_space<hbm>>, %arg6: memref<128xi32, #tpu.memory_space<vmem>>, %arg7: memref<128xi32, #tpu.memory_space<vmem>>, %arg8: memref<128x64xf32, #tpu.memory_space<vmem>>, %arg9: memref<10240x64xf32, #tpu.memory_space<vmem_shared>>) attributes {dimension_semantics = [#tpu.dimension_semantics<core_parallel>, #tpu.dimension_semantics<subcore_parallel>], iteration_bounds = array<i64: 2, 16>, scalar_prefetch = 0 : i64, scratch_operands = 4 : i64, tpu.core_type = #tpu.core_type<sc_vector_subcore>, window_params = [{transform_indices = #map}, {transform_indices = #map1}, {transform_indices = #map1}, {transform_indices = #map1}]} {
    %mul3A = arith.constant 2 : i32
    %mul3A_0 = arith.muli %arg1, %mul3A : i32
    %add3A = arith.addi %mul3A_0, %arg0 : i32
    %mul3A_1 = arith.constant 640 : i32
    %mul3A_2 = arith.muli %arg1, %mul3A_1 : i32
    %mul3A_3 = arith.constant 640 : i32
    %mul3A_4 = arith.muli %arg1, %mul3A_3 : i32
    "tpu.region"() ({
      %run_scoped3A = tpu.sem_alloc : memref<!tpu.dma_semaphore, #tpu.memory_space<semaphore_mem>>
      %dma_start3A = arith.constant 0 : i32
      %dma_start3A_18 = tpu.memref_slice %arg9[%mul3A_4, %dma_start3A] : memref<10240x64xf32, #tpu.memory_space<vmem_shared>> -> memref<640x64xf32, #tpu.memory_space<vmem_shared>>
      %dma_start3A_19 = arith.constant 0 : i32
      %dma_start3A_20 = tpu.memref_slice %arg3[%mul3A_2, %dma_start3A_19] : memref<10240x64xf32, #tpu.memory_space<hbm>> -> memref<640x64xf32, #tpu.memory_space<hbm>>
      tpu.enqueue_dma source(%dma_start3A_20 : memref<640x64xf32, #tpu.memory_space<hbm>>) target(%dma_start3A_18 : memref<640x64xf32, #tpu.memory_space<vmem_shared>>) target_semaphore(%run_scoped3A : memref<!tpu.dma_semaphore, #tpu.memory_space<semaphore_mem>>)
      %dma_wait3A = arith.constant 0 : i32
      %dma_wait3A_21 = tpu.memref_slice %arg9[%mul3A_4, %dma_wait3A] : memref<10240x64xf32, #tpu.memory_space<vmem_shared>> -> memref<640x64xf32, #tpu.memory_space<vmem_shared>>
      %dma_wait3A_22 = arith.constant 0 : i32
      %dma_wait3A_23 = tpu.memref_slice %arg3[%mul3A_2, %dma_wait3A_22] : memref<10240x64xf32, #tpu.memory_space<hbm>> -> memref<640x64xf32, #tpu.memory_space<hbm>>
      tpu.wait_dma2 semaphore(%run_scoped3A : memref<!tpu.dma_semaphore, #tpu.memory_space<semaphore_mem>>) src(%dma_wait3A_23 : memref<640x64xf32, #tpu.memory_space<hbm>>) dst(%dma_wait3A_21 : memref<640x64xf32, #tpu.memory_space<vmem_shared>>)
      tpu.yield
    }) : () -> ()
    "tpu.region"() ({
      %run_scoped3A = tpu.sem_alloc : memref<!tpu.dma_semaphore, #tpu.memory_space<semaphore_mem>>
      tpu.enqueue_dma source(%arg4 : memref<128x64xf32, #tpu.memory_space<hbm>>) target(%arg8 : memref<128x64xf32, #tpu.memory_space<vmem>>) target_semaphore(%run_scoped3A : memref<!tpu.dma_semaphore, #tpu.memory_space<semaphore_mem>>)
      tpu.wait_dma2 semaphore(%run_scoped3A : memref<!tpu.dma_semaphore, #tpu.memory_space<semaphore_mem>>) src(%arg4 : memref<128x64xf32, #tpu.memory_space<hbm>>) dst(%arg8 : memref<128x64xf32, #tpu.memory_space<vmem>>)
      tpu.yield
    }) : () -> ()
    %barrier3A = arith.constant 0 : index
    tpu.barrier barrier_id(%barrier3A)
    %scan3A = arith.constant 0 : i32
    %scan3A_5 = arith.constant 0 : i32
    %scan3A_6 = arith.constant 40 : i32
    %scan3A_7 = arith.addi %scan3A_5, %scan3A_6 : i32
    %scan3A_8 = arith.constant 1 : i32
    scf.for %scan3A_18 = %scan3A_5 to %scan3A_7 step %scan3A_8  : i32 {
      %mul3A_19 = arith.constant 2 : i32
      %mul3A_20 = arith.muli %mul3A_19, %scan3A_18 : i32
      %add3A_21 = arith.constant 0 : i32
      %add3A_22 = arith.addi %mul3A_20, %add3A_21 : i32
      %mul3A_23 = arith.constant 10240 : i32
      %mul3A_24 = arith.muli %add3A, %mul3A_23 : i32
      %mul3A_25 = arith.constant 128 : i32
      %mul3A_26 = arith.muli %add3A_22, %mul3A_25 : i32
      %add3A_27 = arith.addi %mul3A_24, %mul3A_26 : i32
      "tpu.region"() ({
        %run_scoped3A = tpu.sem_alloc : memref<!tpu.dma_semaphore, #tpu.memory_space<semaphore_mem>>
        %dma_start3A = tpu.memref_slice %arg2[%add3A_27] : memref<327680xi32, #tpu.memory_space<hbm>> -> memref<128xi32, #tpu.memory_space<hbm>>
        %dma_start3A_37 = tpu.memref_slice %arg2[%add3A_27] : memref<327680xi32, #tpu.memory_space<hbm>> -> memref<128xi32, #tpu.memory_space<hbm>>
        tpu.enqueue_dma source(%dma_start3A_37 : memref<128xi32, #tpu.memory_space<hbm>>) target(%arg6 : memref<128xi32, #tpu.memory_space<vmem>>) target_semaphore(%run_scoped3A : memref<!tpu.dma_semaphore, #tpu.memory_space<semaphore_mem>>)
        %dma_wait3A = tpu.memref_slice %arg2[%add3A_27] : memref<327680xi32, #tpu.memory_space<hbm>> -> memref<128xi32, #tpu.memory_space<hbm>>
        %dma_wait3A_38 = tpu.memref_slice %arg2[%add3A_27] : memref<327680xi32, #tpu.memory_space<hbm>> -> memref<128xi32, #tpu.memory_space<hbm>>
        tpu.wait_dma2 semaphore(%run_scoped3A : memref<!tpu.dma_semaphore, #tpu.memory_space<semaphore_mem>>) src(%dma_wait3A_38 : memref<128xi32, #tpu.memory_space<hbm>>) dst(%arg6 : memref<128xi32, #tpu.memory_space<vmem>>)
        tpu.yield
      }) : () -> ()
      "tpu.region"() ({
        %run_scoped3A = tpu.sem_alloc : memref<!tpu.dma_semaphore, #tpu.memory_space<semaphore_mem>>
        %dma_start3A = arith.constant 0 : i32
        %dma_start3A_37 = arith.constant 0 : i32
        %dma_start3A_38 = tpu.memref_slice %arg9[%dma_start3A, %dma_start3A_37] : memref<10240x64xf32, #tpu.memory_space<vmem_shared>> -> memref<10240x64xf32, #tpu.memory_space<vmem_shared>>
        tpu.enqueue_indirect_dma source(%arg8 : memref<128x64xf32, #tpu.memory_space<vmem>>) target(%dma_start3A_38 : memref<10240x64xf32, #tpu.memory_space<vmem_shared>>) offsets(%arg6 : memref<128xi32, #tpu.memory_space<vmem>>) semaphore(%run_scoped3A : memref<!tpu.dma_semaphore, #tpu.memory_space<semaphore_mem>>) {add = true}
        %dma_wait3A = arith.constant 0 : i32
        %dma_wait3A_39 = arith.constant 0 : i32
        %dma_wait3A_40 = tpu.memref_slice %arg9[%dma_wait3A, %dma_wait3A_39] : memref<10240x64xf32, #tpu.memory_space<vmem_shared>> -> memref<10240x64xf32, #tpu.memory_space<vmem_shared>>
        tpu.wait_indirect_dma semaphore(%run_scoped3A : memref<!tpu.dma_semaphore, #tpu.memory_space<semaphore_mem>>) src(%arg8 : memref<128x64xf32, #tpu.memory_space<vmem>>) dst(%dma_wait3A_40 : memref<10240x64xf32, #tpu.memory_space<vmem_shared>>)
        tpu.yield
      }) : () -> ()
      %mul3A_28 = arith.constant 2 : i32
      %mul3A_29 = arith.muli %mul3A_28, %scan3A_18 : i32
      %add3A_30 = arith.constant 1 : i32
      %add3A_31 = arith.addi %mul3A_29, %add3A_30 : i32
      %mul3A_32 = arith.constant 10240 : i32
      %mul3A_33 = arith.muli %add3A, %mul3A_32 : i32
      %mul3A_34 = arith.constant 128 : i32
      %mul3A_35 = arith.muli %add3A_31, %mul3A_34 : i32
      %add3A_36 = arith.addi %mul3A_33, %mul3A_35 : i32
      "tpu.region"() ({
        %run_scoped3A = tpu.sem_alloc : memref<!tpu.dma_semaphore, #tpu.memory_space<semaphore_mem>>
        %dma_start3A = tpu.memref_slice %arg2[%add3A_36] : memref<327680xi32, #tpu.memory_space<hbm>> -> memref<128xi32, #tpu.memory_space<hbm>>
        %dma_start3A_37 = tpu.memref_slice %arg2[%add3A_36] : memref<327680xi32, #tpu.memory_space<hbm>> -> memref<128xi32, #tpu.memory_space<hbm>>
        tpu.enqueue_dma source(%dma_start3A_37 : memref<128xi32, #tpu.memory_space<hbm>>) target(%arg7 : memref<128xi32, #tpu.memory_space<vmem>>) target_semaphore(%run_scoped3A : memref<!tpu.dma_semaphore, #tpu.memory_space<semaphore_mem>>)
        %dma_wait3A = tpu.memref_slice %arg2[%add3A_36] : memref<327680xi32, #tpu.memory_space<hbm>> -> memref<128xi32, #tpu.memory_space<hbm>>
        %dma_wait3A_38 = tpu.memref_slice %arg2[%add3A_36] : memref<327680xi32, #tpu.memory_space<hbm>> -> memref<128xi32, #tpu.memory_space<hbm>>
        tpu.wait_dma2 semaphore(%run_scoped3A : memref<!tpu.dma_semaphore, #tpu.memory_space<semaphore_mem>>) src(%dma_wait3A_38 : memref<128xi32, #tpu.memory_space<hbm>>) dst(%arg7 : memref<128xi32, #tpu.memory_space<vmem>>)
        tpu.yield
      }) : () -> ()
      "tpu.region"() ({
        %run_scoped3A = tpu.sem_alloc : memref<!tpu.dma_semaphore, #tpu.memory_space<semaphore_mem>>
        %dma_start3A = arith.constant 0 : i32
        %dma_start3A_37 = arith.constant 0 : i32
        %dma_start3A_38 = tpu.memref_slice %arg9[%dma_start3A, %dma_start3A_37] : memref<10240x64xf32, #tpu.memory_space<vmem_shared>> -> memref<10240x64xf32, #tpu.memory_space<vmem_shared>>
        tpu.enqueue_indirect_dma source(%arg8 : memref<128x64xf32, #tpu.memory_space<vmem>>) target(%dma_start3A_38 : memref<10240x64xf32, #tpu.memory_space<vmem_shared>>) offsets(%arg7 : memref<128xi32, #tpu.memory_space<vmem>>) semaphore(%run_scoped3A : memref<!tpu.dma_semaphore, #tpu.memory_space<semaphore_mem>>) {add = true}
        %dma_wait3A = arith.constant 0 : i32
        %dma_wait3A_39 = arith.constant 0 : i32
        %dma_wait3A_40 = tpu.memref_slice %arg9[%dma_wait3A, %dma_wait3A_39] : memref<10240x64xf32, #tpu.memory_space<vmem_shared>> -> memref<10240x64xf32, #tpu.memory_space<vmem_shared>>
        tpu.wait_indirect_dma semaphore(%run_scoped3A : memref<!tpu.dma_semaphore, #tpu.memory_space<semaphore_mem>>) src(%arg8 : memref<128x64xf32, #tpu.memory_space<vmem>>) dst(%dma_wait3A_40 : memref<10240x64xf32, #tpu.memory_space<vmem_shared>>)
        tpu.yield
      }) : () -> ()
    }
    %scan3A_9 = arith.constant 40 : i32
    %barrier3A_10 = arith.constant 0 : index
    tpu.barrier barrier_id(%barrier3A_10)
    %mul3A_11 = arith.constant 640 : i32
    %mul3A_12 = arith.muli %arg1, %mul3A_11 : i32
    %mul3A_13 = arith.constant 10240 : i32
    %mul3A_14 = arith.muli %arg0, %mul3A_13 : i32
    %mul3A_15 = arith.constant 640 : i32
    %mul3A_16 = arith.muli %arg1, %mul3A_15 : i32
    %add3A_17 = arith.addi %mul3A_14, %mul3A_16 : i32
    "tpu.region"() ({
      %run_scoped3A = tpu.sem_alloc : memref<!tpu.dma_semaphore, #tpu.memory_space<semaphore_mem>>
      %dma_start3A = arith.constant 0 : i32
      %dma_start3A_18 = tpu.memref_slice %arg5[%add3A_17, %dma_start3A] : memref<20480x64xf32, #tpu.memory_space<hbm>> -> memref<640x64xf32, #tpu.memory_space<hbm>>
      %dma_start3A_19 = arith.constant 0 : i32
      %dma_start3A_20 = tpu.memref_slice %arg9[%mul3A_12, %dma_start3A_19] : memref<10240x64xf32, #tpu.memory_space<vmem_shared>> -> memref<640x64xf32, #tpu.memory_space<vmem_shared>>
      tpu.enqueue_dma source(%dma_start3A_20 : memref<640x64xf32, #tpu.memory_space<vmem_shared>>) target(%dma_start3A_18 : memref<640x64xf32, #tpu.memory_space<hbm>>) target_semaphore(%run_scoped3A : memref<!tpu.dma_semaphore, #tpu.memory_space<semaphore_mem>>)
      %dma_wait3A = arith.constant 0 : i32
      %dma_wait3A_21 = tpu.memref_slice %arg5[%add3A_17, %dma_wait3A] : memref<20480x64xf32, #tpu.memory_space<hbm>> -> memref<640x64xf32, #tpu.memory_space<hbm>>
      %dma_wait3A_22 = arith.constant 0 : i32
      %dma_wait3A_23 = tpu.memref_slice %arg9[%mul3A_12, %dma_wait3A_22] : memref<10240x64xf32, #tpu.memory_space<vmem_shared>> -> memref<640x64xf32, #tpu.memory_space<vmem_shared>>
      tpu.wait_dma2 semaphore(%run_scoped3A : memref<!tpu.dma_semaphore, #tpu.memory_space<semaphore_mem>>) src(%dma_wait3A_23 : memref<640x64xf32, #tpu.memory_space<vmem_shared>>) dst(%dma_wait3A_21 : memref<640x64xf32, #tpu.memory_space<hbm>>)
      tpu.yield
    }) : () -> ()
    return
  }
}

#map = affine_map<(d0, d1) -> (0, 0)>
#map1 = affine_map<(d0, d1) -> (0)>
module attributes {stable_mosaic.version = 14 : i64} {
  func.func @_scatter_body(%arg0: i32, %arg1: i32, %arg2: memref<327680x64xf32, #tpu.memory_space<hbm>>, %arg3: memref<327680xi32, #tpu.memory_space<hbm>>, %arg4: memref<10240x64xf32, #tpu.memory_space<hbm>>, %arg5: memref<20480x64xf32, #tpu.memory_space<hbm>>, %arg6: memref<128xi32, #tpu.memory_space<vmem>>, %arg7: memref<128xi32, #tpu.memory_space<vmem>>, %arg8: memref<128x64xf32, #tpu.memory_space<vmem>>, %arg9: memref<128x64xf32, #tpu.memory_space<vmem>>, %arg10: memref<10240x64xf32, #tpu.memory_space<vmem_shared>>) attributes {dimension_semantics = [#tpu.dimension_semantics<core_parallel>, #tpu.dimension_semantics<subcore_parallel>], iteration_bounds = array<i64: 2, 16>, scalar_prefetch = 0 : i64, scratch_operands = 5 : i64, tpu.core_type = #tpu.core_type<sc_vector_subcore>, window_params = [{transform_indices = #map}, {transform_indices = #map1}, {transform_indices = #map}, {transform_indices = #map}]} {
    %mul3A = arith.constant 2 : i32
    %mul3A_0 = arith.muli %arg1, %mul3A : i32
    %add3A = arith.addi %mul3A_0, %arg0 : i32
    %mul3A_1 = arith.constant 640 : i32
    %mul3A_2 = arith.muli %arg1, %mul3A_1 : i32
    %mul3A_3 = arith.constant 640 : i32
    %mul3A_4 = arith.muli %arg1, %mul3A_3 : i32
    "tpu.region"() ({
      %run_scoped3A = tpu.sem_alloc : memref<!tpu.dma_semaphore, #tpu.memory_space<semaphore_mem>>
      %dma_start3A = arith.constant 0 : i32
      %dma_start3A_18 = tpu.memref_slice %arg10[%mul3A_4, %dma_start3A] : memref<10240x64xf32, #tpu.memory_space<vmem_shared>> -> memref<640x64xf32, #tpu.memory_space<vmem_shared>>
      %dma_start3A_19 = arith.constant 0 : i32
      %dma_start3A_20 = tpu.memref_slice %arg4[%mul3A_2, %dma_start3A_19] : memref<10240x64xf32, #tpu.memory_space<hbm>> -> memref<640x64xf32, #tpu.memory_space<hbm>>
      tpu.enqueue_dma source(%dma_start3A_20 : memref<640x64xf32, #tpu.memory_space<hbm>>) target(%dma_start3A_18 : memref<640x64xf32, #tpu.memory_space<vmem_shared>>) target_semaphore(%run_scoped3A : memref<!tpu.dma_semaphore, #tpu.memory_space<semaphore_mem>>)
      %dma_wait3A = arith.constant 0 : i32
      %dma_wait3A_21 = tpu.memref_slice %arg10[%mul3A_4, %dma_wait3A] : memref<10240x64xf32, #tpu.memory_space<vmem_shared>> -> memref<640x64xf32, #tpu.memory_space<vmem_shared>>
      %dma_wait3A_22 = arith.constant 0 : i32
      %dma_wait3A_23 = tpu.memref_slice %arg4[%mul3A_2, %dma_wait3A_22] : memref<10240x64xf32, #tpu.memory_space<hbm>> -> memref<640x64xf32, #tpu.memory_space<hbm>>
      tpu.wait_dma2 semaphore(%run_scoped3A : memref<!tpu.dma_semaphore, #tpu.memory_space<semaphore_mem>>) src(%dma_wait3A_23 : memref<640x64xf32, #tpu.memory_space<hbm>>) dst(%dma_wait3A_21 : memref<640x64xf32, #tpu.memory_space<vmem_shared>>)
      tpu.yield
    }) : () -> ()
    %barrier3A = arith.constant 0 : index
    tpu.barrier barrier_id(%barrier3A)
    %scan3A = arith.constant 0 : i32
    %scan3A_5 = arith.constant 0 : i32
    %scan3A_6 = arith.constant 40 : i32
    %scan3A_7 = arith.addi %scan3A_5, %scan3A_6 : i32
    %scan3A_8 = arith.constant 1 : i32
    scf.for %scan3A_18 = %scan3A_5 to %scan3A_7 step %scan3A_8  : i32 {
      %mul3A_19 = arith.constant 2 : i32
      %mul3A_20 = arith.muli %mul3A_19, %scan3A_18 : i32
      %add3A_21 = arith.constant 0 : i32
      %add3A_22 = arith.addi %mul3A_20, %add3A_21 : i32
      %mul3A_23 = arith.constant 10240 : i32
      %mul3A_24 = arith.muli %add3A, %mul3A_23 : i32
      %mul3A_25 = arith.constant 128 : i32
      %mul3A_26 = arith.muli %add3A_22, %mul3A_25 : i32
      %add3A_27 = arith.addi %mul3A_24, %mul3A_26 : i32
      "tpu.region"() ({
        %run_scoped3A = tpu.sem_alloc : memref<!tpu.dma_semaphore, #tpu.memory_space<semaphore_mem>>
        %dma_start3A = tpu.memref_slice %arg3[%add3A_27] : memref<327680xi32, #tpu.memory_space<hbm>> -> memref<128xi32, #tpu.memory_space<hbm>>
        %dma_start3A_37 = tpu.memref_slice %arg3[%add3A_27] : memref<327680xi32, #tpu.memory_space<hbm>> -> memref<128xi32, #tpu.memory_space<hbm>>
        tpu.enqueue_dma source(%dma_start3A_37 : memref<128xi32, #tpu.memory_space<hbm>>) target(%arg6 : memref<128xi32, #tpu.memory_space<vmem>>) target_semaphore(%run_scoped3A : memref<!tpu.dma_semaphore, #tpu.memory_space<semaphore_mem>>)
        %dma_wait3A = tpu.memref_slice %arg3[%add3A_27] : memref<327680xi32, #tpu.memory_space<hbm>> -> memref<128xi32, #tpu.memory_space<hbm>>
        %dma_wait3A_38 = tpu.memref_slice %arg3[%add3A_27] : memref<327680xi32, #tpu.memory_space<hbm>> -> memref<128xi32, #tpu.memory_space<hbm>>
        tpu.wait_dma2 semaphore(%run_scoped3A : memref<!tpu.dma_semaphore, #tpu.memory_space<semaphore_mem>>) src(%dma_wait3A_38 : memref<128xi32, #tpu.memory_space<hbm>>) dst(%arg6 : memref<128xi32, #tpu.memory_space<vmem>>)
        tpu.yield
      }) : () -> ()
      "tpu.region"() ({
        %run_scoped3A = tpu.sem_alloc : memref<!tpu.dma_semaphore, #tpu.memory_space<semaphore_mem>>
        %dma_start3A = arith.constant 0 : i32
        %dma_start3A_37 = tpu.memref_slice %arg2[%add3A_27, %dma_start3A] : memref<327680x64xf32, #tpu.memory_space<hbm>> -> memref<128x64xf32, #tpu.memory_space<hbm>>
        %dma_start3A_38 = arith.constant 0 : i32
        %dma_start3A_39 = tpu.memref_slice %arg2[%add3A_27, %dma_start3A_38] : memref<327680x64xf32, #tpu.memory_space<hbm>> -> memref<128x64xf32, #tpu.memory_space<hbm>>
        tpu.enqueue_dma source(%dma_start3A_39 : memref<128x64xf32, #tpu.memory_space<hbm>>) target(%arg8 : memref<128x64xf32, #tpu.memory_space<vmem>>) target_semaphore(%run_scoped3A : memref<!tpu.dma_semaphore, #tpu.memory_space<semaphore_mem>>)
        %dma_wait3A = arith.constant 0 : i32
        %dma_wait3A_40 = tpu.memref_slice %arg2[%add3A_27, %dma_wait3A] : memref<327680x64xf32, #tpu.memory_space<hbm>> -> memref<128x64xf32, #tpu.memory_space<hbm>>
        %dma_wait3A_41 = arith.constant 0 : i32
        %dma_wait3A_42 = tpu.memref_slice %arg2[%add3A_27, %dma_wait3A_41] : memref<327680x64xf32, #tpu.memory_space<hbm>> -> memref<128x64xf32, #tpu.memory_space<hbm>>
        tpu.wait_dma2 semaphore(%run_scoped3A : memref<!tpu.dma_semaphore, #tpu.memory_space<semaphore_mem>>) src(%dma_wait3A_42 : memref<128x64xf32, #tpu.memory_space<hbm>>) dst(%arg8 : memref<128x64xf32, #tpu.memory_space<vmem>>)
        tpu.yield
      }) : () -> ()
      "tpu.region"() ({
        %run_scoped3A = tpu.sem_alloc : memref<!tpu.dma_semaphore, #tpu.memory_space<semaphore_mem>>
        %dma_start3A = arith.constant 0 : i32
        %dma_start3A_37 = arith.constant 0 : i32
        %dma_start3A_38 = tpu.memref_slice %arg10[%dma_start3A, %dma_start3A_37] : memref<10240x64xf32, #tpu.memory_space<vmem_shared>> -> memref<10240x64xf32, #tpu.memory_space<vmem_shared>>
        tpu.enqueue_indirect_dma source(%arg8 : memref<128x64xf32, #tpu.memory_space<vmem>>) target(%dma_start3A_38 : memref<10240x64xf32, #tpu.memory_space<vmem_shared>>) offsets(%arg6 : memref<128xi32, #tpu.memory_space<vmem>>) semaphore(%run_scoped3A : memref<!tpu.dma_semaphore, #tpu.memory_space<semaphore_mem>>) {add = true}
        %dma_wait3A = arith.constant 0 : i32
        %dma_wait3A_39 = arith.constant 0 : i32
        %dma_wait3A_40 = tpu.memref_slice %arg10[%dma_wait3A, %dma_wait3A_39] : memref<10240x64xf32, #tpu.memory_space<vmem_shared>> -> memref<10240x64xf32, #tpu.memory_space<vmem_shared>>
        tpu.wait_indirect_dma semaphore(%run_scoped3A : memref<!tpu.dma_semaphore, #tpu.memory_space<semaphore_mem>>) src(%arg8 : memref<128x64xf32, #tpu.memory_space<vmem>>) dst(%dma_wait3A_40 : memref<10240x64xf32, #tpu.memory_space<vmem_shared>>)
        tpu.yield
      }) : () -> ()
      %mul3A_28 = arith.constant 2 : i32
      %mul3A_29 = arith.muli %mul3A_28, %scan3A_18 : i32
      %add3A_30 = arith.constant 1 : i32
      %add3A_31 = arith.addi %mul3A_29, %add3A_30 : i32
      %mul3A_32 = arith.constant 10240 : i32
      %mul3A_33 = arith.muli %add3A, %mul3A_32 : i32
      %mul3A_34 = arith.constant 128 : i32
      %mul3A_35 = arith.muli %add3A_31, %mul3A_34 : i32
      %add3A_36 = arith.addi %mul3A_33, %mul3A_35 : i32
      "tpu.region"() ({
        %run_scoped3A = tpu.sem_alloc : memref<!tpu.dma_semaphore, #tpu.memory_space<semaphore_mem>>
        %dma_start3A = tpu.memref_slice %arg3[%add3A_36] : memref<327680xi32, #tpu.memory_space<hbm>> -> memref<128xi32, #tpu.memory_space<hbm>>
        %dma_start3A_37 = tpu.memref_slice %arg3[%add3A_36] : memref<327680xi32, #tpu.memory_space<hbm>> -> memref<128xi32, #tpu.memory_space<hbm>>
        tpu.enqueue_dma source(%dma_start3A_37 : memref<128xi32, #tpu.memory_space<hbm>>) target(%arg7 : memref<128xi32, #tpu.memory_space<vmem>>) target_semaphore(%run_scoped3A : memref<!tpu.dma_semaphore, #tpu.memory_space<semaphore_mem>>)
        %dma_wait3A = tpu.memref_slice %arg3[%add3A_36] : memref<327680xi32, #tpu.memory_space<hbm>> -> memref<128xi32, #tpu.memory_space<hbm>>
        %dma_wait3A_38 = tpu.memref_slice %arg3[%add3A_36] : memref<327680xi32, #tpu.memory_space<hbm>> -> memref<128xi32, #tpu.memory_space<hbm>>
        tpu.wait_dma2 semaphore(%run_scoped3A : memref<!tpu.dma_semaphore, #tpu.memory_space<semaphore_mem>>) src(%dma_wait3A_38 : memref<128xi32, #tpu.memory_space<hbm>>) dst(%arg7 : memref<128xi32, #tpu.memory_space<vmem>>)
        tpu.yield
      }) : () -> ()
      "tpu.region"() ({
        %run_scoped3A = tpu.sem_alloc : memref<!tpu.dma_semaphore, #tpu.memory_space<semaphore_mem>>
        %dma_start3A = arith.constant 0 : i32
        %dma_start3A_37 = tpu.memref_slice %arg2[%add3A_36, %dma_start3A] : memref<327680x64xf32, #tpu.memory_space<hbm>> -> memref<128x64xf32, #tpu.memory_space<hbm>>
        %dma_start3A_38 = arith.constant 0 : i32
        %dma_start3A_39 = tpu.memref_slice %arg2[%add3A_36, %dma_start3A_38] : memref<327680x64xf32, #tpu.memory_space<hbm>> -> memref<128x64xf32, #tpu.memory_space<hbm>>
        tpu.enqueue_dma source(%dma_start3A_39 : memref<128x64xf32, #tpu.memory_space<hbm>>) target(%arg9 : memref<128x64xf32, #tpu.memory_space<vmem>>) target_semaphore(%run_scoped3A : memref<!tpu.dma_semaphore, #tpu.memory_space<semaphore_mem>>)
        %dma_wait3A = arith.constant 0 : i32
        %dma_wait3A_40 = tpu.memref_slice %arg2[%add3A_36, %dma_wait3A] : memref<327680x64xf32, #tpu.memory_space<hbm>> -> memref<128x64xf32, #tpu.memory_space<hbm>>
        %dma_wait3A_41 = arith.constant 0 : i32
        %dma_wait3A_42 = tpu.memref_slice %arg2[%add3A_36, %dma_wait3A_41] : memref<327680x64xf32, #tpu.memory_space<hbm>> -> memref<128x64xf32, #tpu.memory_space<hbm>>
        tpu.wait_dma2 semaphore(%run_scoped3A : memref<!tpu.dma_semaphore, #tpu.memory_space<semaphore_mem>>) src(%dma_wait3A_42 : memref<128x64xf32, #tpu.memory_space<hbm>>) dst(%arg9 : memref<128x64xf32, #tpu.memory_space<vmem>>)
        tpu.yield
      }) : () -> ()
      "tpu.region"() ({
        %run_scoped3A = tpu.sem_alloc : memref<!tpu.dma_semaphore, #tpu.memory_space<semaphore_mem>>
        %dma_start3A = arith.constant 0 : i32
        %dma_start3A_37 = arith.constant 0 : i32
        %dma_start3A_38 = tpu.memref_slice %arg10[%dma_start3A, %dma_start3A_37] : memref<10240x64xf32, #tpu.memory_space<vmem_shared>> -> memref<10240x64xf32, #tpu.memory_space<vmem_shared>>
        tpu.enqueue_indirect_dma source(%arg9 : memref<128x64xf32, #tpu.memory_space<vmem>>) target(%dma_start3A_38 : memref<10240x64xf32, #tpu.memory_space<vmem_shared>>) offsets(%arg7 : memref<128xi32, #tpu.memory_space<vmem>>) semaphore(%run_scoped3A : memref<!tpu.dma_semaphore, #tpu.memory_space<semaphore_mem>>) {add = true}
        %dma_wait3A = arith.constant 0 : i32
        %dma_wait3A_39 = arith.constant 0 : i32
        %dma_wait3A_40 = tpu.memref_slice %arg10[%dma_wait3A, %dma_wait3A_39] : memref<10240x64xf32, #tpu.memory_space<vmem_shared>> -> memref<10240x64xf32, #tpu.memory_space<vmem_shared>>
        tpu.wait_indirect_dma semaphore(%run_scoped3A : memref<!tpu.dma_semaphore, #tpu.memory_space<semaphore_mem>>) src(%arg9 : memref<128x64xf32, #tpu.memory_space<vmem>>) dst(%dma_wait3A_40 : memref<10240x64xf32, #tpu.memory_space<vmem_shared>>)
        tpu.yield
      }) : () -> ()
    }
    %scan3A_9 = arith.constant 40 : i32
    %barrier3A_10 = arith.constant 0 : index
    tpu.barrier barrier_id(%barrier3A_10)
    %mul3A_11 = arith.constant 640 : i32
    %mul3A_12 = arith.muli %arg1, %mul3A_11 : i32
    %mul3A_13 = arith.constant 10240 : i32
    %mul3A_14 = arith.muli %arg0, %mul3A_13 : i32
    %mul3A_15 = arith.constant 640 : i32
    %mul3A_16 = arith.muli %arg1, %mul3A_15 : i32
    %add3A_17 = arith.addi %mul3A_14, %mul3A_16 : i32
    "tpu.region"() ({
      %run_scoped3A = tpu.sem_alloc : memref<!tpu.dma_semaphore, #tpu.memory_space<semaphore_mem>>
      %dma_start3A = arith.constant 0 : i32
      %dma_start3A_18 = tpu.memref_slice %arg5[%add3A_17, %dma_start3A] : memref<20480x64xf32, #tpu.memory_space<hbm>> -> memref<640x64xf32, #tpu.memory_space<hbm>>
      %dma_start3A_19 = arith.constant 0 : i32
      %dma_start3A_20 = tpu.memref_slice %arg10[%mul3A_12, %dma_start3A_19] : memref<10240x64xf32, #tpu.memory_space<vmem_shared>> -> memref<640x64xf32, #tpu.memory_space<vmem_shared>>
      tpu.enqueue_dma source(%dma_start3A_20 : memref<640x64xf32, #tpu.memory_space<vmem_shared>>) target(%dma_start3A_18 : memref<640x64xf32, #tpu.memory_space<hbm>>) target_semaphore(%run_scoped3A : memref<!tpu.dma_semaphore, #tpu.memory_space<semaphore_mem>>)
      %dma_wait3A = arith.constant 0 : i32
      %dma_wait3A_21 = tpu.memref_slice %arg5[%add3A_17, %dma_wait3A] : memref<20480x64xf32, #tpu.memory_space<hbm>> -> memref<640x64xf32, #tpu.memory_space<hbm>>
      %dma_wait3A_22 = arith.constant 0 : i32
      %dma_wait3A_23 = tpu.memref_slice %arg10[%mul3A_12, %dma_wait3A_22] : memref<10240x64xf32, #tpu.memory_space<vmem_shared>> -> memref<640x64xf32, #tpu.memory_space<vmem_shared>>
      tpu.wait_dma2 semaphore(%run_scoped3A : memref<!tpu.dma_semaphore, #tpu.memory_space<semaphore_mem>>) src(%dma_wait3A_23 : memref<640x64xf32, #tpu.memory_space<vmem_shared>>) dst(%dma_wait3A_21 : memref<640x64xf32, #tpu.memory_space<hbm>>)
      tpu.yield
    }) : () -> ()
    return
  }
}

#map = affine_map<(d0, d1) -> (0, 0)>
#map1 = affine_map<(d0, d1) -> (0)>
module attributes {stable_mosaic.version = 14 : i64} {
  func.func @_gather_body(%arg0: i32, %arg1: i32, %arg2: memref<10000x128xf32, #tpu.memory_space<hbm>>, %arg3: memref<10000x128xf32, #tpu.memory_space<hbm>>, %arg4: memref<327680xi32, #tpu.memory_space<hbm>>, %arg5: memref<327680xi32, #tpu.memory_space<hbm>>, %arg6: memref<20480x64xf32, #tpu.memory_space<hbm>>, %arg7: memref<327680x128xf32, #tpu.memory_space<hbm>>, %arg8: memref<327680x128xf32, #tpu.memory_space<hbm>>, %arg9: memref<160xi32, #tpu.memory_space<vmem>>, %arg10: memref<160xi32, #tpu.memory_space<vmem>>, %arg11: memref<160xi32, #tpu.memory_space<vmem>>, %arg12: memref<160xi32, #tpu.memory_space<vmem>>, %arg13: memref<160x128xf32, #tpu.memory_space<vmem>>, %arg14: memref<160x128xf32, #tpu.memory_space<vmem>>, %arg15: memref<160x128xf32, #tpu.memory_space<vmem>>, %arg16: memref<160x128xf32, #tpu.memory_space<vmem>>, %arg17: memref<!tpu.dma_semaphore, #tpu.memory_space<semaphore_mem>>, %arg18: memref<!tpu.dma_semaphore, #tpu.memory_space<semaphore_mem>>, %arg19: memref<!tpu.dma_semaphore, #tpu.memory_space<semaphore_mem>>, %arg20: memref<!tpu.dma_semaphore, #tpu.memory_space<semaphore_mem>>, %arg21: memref<!tpu.dma_semaphore, #tpu.memory_space<semaphore_mem>>, %arg22: memref<!tpu.dma_semaphore, #tpu.memory_space<semaphore_mem>>, %arg23: memref<!tpu.dma_semaphore, #tpu.memory_space<semaphore_mem>>, %arg24: memref<!tpu.dma_semaphore, #tpu.memory_space<semaphore_mem>>) attributes {dimension_semantics = [#tpu.dimension_semantics<core_parallel>, #tpu.dimension_semantics<subcore_parallel>], iteration_bounds = array<i64: 2, 16>, scalar_prefetch = 0 : i64, scratch_operands = 16 : i64, tpu.core_type = #tpu.core_type<sc_vector_subcore>, window_params = [{transform_indices = #map}, {transform_indices = #map}, {transform_indices = #map1}, {transform_indices = #map1}, {transform_indices = #map}, {transform_indices = #map}, {transform_indices = #map}]} {
    %mul3A = arith.constant 2 : i32
    %mul3A_0 = arith.muli %arg1, %mul3A : i32
    %add3A = arith.addi %mul3A_0, %arg0 : i32
    %mul3A_1 = arith.constant 10240 : i32
    %mul3A_2 = arith.muli %add3A, %mul3A_1 : i32
    %add3A_3 = arith.constant 0 : i32
    %add3A_4 = arith.addi %mul3A_2, %add3A_3 : i32
    "tpu.region"() ({
      %run_scoped3A = tpu.sem_alloc : memref<!tpu.dma_semaphore, #tpu.memory_space<semaphore_mem>>
      %dma_start3A_23 = tpu.memref_slice %arg4[%add3A_4] : memref<327680xi32, #tpu.memory_space<hbm>> -> memref<160xi32, #tpu.memory_space<hbm>>
      %dma_start3A_24 = tpu.memref_slice %arg4[%add3A_4] : memref<327680xi32, #tpu.memory_space<hbm>> -> memref<160xi32, #tpu.memory_space<hbm>>
      tpu.enqueue_dma source(%dma_start3A_24 : memref<160xi32, #tpu.memory_space<hbm>>) target(%arg9 : memref<160xi32, #tpu.memory_space<vmem>>) target_semaphore(%run_scoped3A : memref<!tpu.dma_semaphore, #tpu.memory_space<semaphore_mem>>)
      %dma_wait3A = tpu.memref_slice %arg4[%add3A_4] : memref<327680xi32, #tpu.memory_space<hbm>> -> memref<160xi32, #tpu.memory_space<hbm>>
      %dma_wait3A_25 = tpu.memref_slice %arg4[%add3A_4] : memref<327680xi32, #tpu.memory_space<hbm>> -> memref<160xi32, #tpu.memory_space<hbm>>
      tpu.wait_dma2 semaphore(%run_scoped3A : memref<!tpu.dma_semaphore, #tpu.memory_space<semaphore_mem>>) src(%dma_wait3A_25 : memref<160xi32, #tpu.memory_space<hbm>>) dst(%arg9 : memref<160xi32, #tpu.memory_space<vmem>>)
      tpu.yield
    }) : () -> ()
    "tpu.region"() ({
      %run_scoped3A = tpu.sem_alloc : memref<!tpu.dma_semaphore, #tpu.memory_space<semaphore_mem>>
      %dma_start3A_23 = tpu.memref_slice %arg5[%add3A_4] : memref<327680xi32, #tpu.memory_space<hbm>> -> memref<160xi32, #tpu.memory_space<hbm>>
      %dma_start3A_24 = tpu.memref_slice %arg5[%add3A_4] : memref<327680xi32, #tpu.memory_space<hbm>> -> memref<160xi32, #tpu.memory_space<hbm>>
      tpu.enqueue_dma source(%dma_start3A_24 : memref<160xi32, #tpu.memory_space<hbm>>) target(%arg11 : memref<160xi32, #tpu.memory_space<vmem>>) target_semaphore(%run_scoped3A : memref<!tpu.dma_semaphore, #tpu.memory_space<semaphore_mem>>)
      %dma_wait3A = tpu.memref_slice %arg5[%add3A_4] : memref<327680xi32, #tpu.memory_space<hbm>> -> memref<160xi32, #tpu.memory_space<hbm>>
      %dma_wait3A_25 = tpu.memref_slice %arg5[%add3A_4] : memref<327680xi32, #tpu.memory_space<hbm>> -> memref<160xi32, #tpu.memory_space<hbm>>
      tpu.wait_dma2 semaphore(%run_scoped3A : memref<!tpu.dma_semaphore, #tpu.memory_space<semaphore_mem>>) src(%dma_wait3A_25 : memref<160xi32, #tpu.memory_space<hbm>>) dst(%arg11 : memref<160xi32, #tpu.memory_space<vmem>>)
      tpu.yield
    }) : () -> ()
    %dma_start3A = arith.constant 0 : i32
    %dma_start3A_5 = arith.constant 0 : i32
    %dma_start3A_6 = tpu.memref_slice %arg2[%dma_start3A, %dma_start3A_5] : memref<10000x128xf32, #tpu.memory_space<hbm>> -> memref<10000x128xf32, #tpu.memory_space<hbm>>
    tpu.enqueue_indirect_dma source(%dma_start3A_6 : memref<10000x128xf32, #tpu.memory_space<hbm>>) target(%arg13 : memref<160x128xf32, #tpu.memory_space<vmem>>) offsets(%arg9 : memref<160xi32, #tpu.memory_space<vmem>>) semaphore(%arg17 : memref<!tpu.dma_semaphore, #tpu.memory_space<semaphore_mem>>)
    %dma_start3A_7 = arith.constant 0 : i32
    %dma_start3A_8 = arith.constant 0 : i32
    %dma_start3A_9 = tpu.memref_slice %arg3[%dma_start3A_7, %dma_start3A_8] : memref<10000x128xf32, #tpu.memory_space<hbm>> -> memref<10000x128xf32, #tpu.memory_space<hbm>>
    tpu.enqueue_indirect_dma source(%dma_start3A_9 : memref<10000x128xf32, #tpu.memory_space<hbm>>) target(%arg15 : memref<160x128xf32, #tpu.memory_space<vmem>>) offsets(%arg11 : memref<160xi32, #tpu.memory_space<vmem>>) semaphore(%arg19 : memref<!tpu.dma_semaphore, #tpu.memory_space<semaphore_mem>>)
    %add3A_10 = arith.constant 160 : i32
    %add3A_11 = arith.addi %mul3A_2, %add3A_10 : i32
    "tpu.region"() ({
      %run_scoped3A = tpu.sem_alloc : memref<!tpu.dma_semaphore, #tpu.memory_space<semaphore_mem>>
      %dma_start3A_23 = tpu.memref_slice %arg4[%add3A_11] : memref<327680xi32, #tpu.memory_space<hbm>> -> memref<160xi32, #tpu.memory_space<hbm>>
      %dma_start3A_24 = tpu.memref_slice %arg4[%add3A_11] : memref<327680xi32, #tpu.memory_space<hbm>> -> memref<160xi32, #tpu.memory_space<hbm>>
      tpu.enqueue_dma source(%dma_start3A_24 : memref<160xi32, #tpu.memory_space<hbm>>) target(%arg10 : memref<160xi32, #tpu.memory_space<vmem>>) target_semaphore(%run_scoped3A : memref<!tpu.dma_semaphore, #tpu.memory_space<semaphore_mem>>)
      %dma_wait3A = tpu.memref_slice %arg4[%add3A_11] : memref<327680xi32, #tpu.memory_space<hbm>> -> memref<160xi32, #tpu.memory_space<hbm>>
      %dma_wait3A_25 = tpu.memref_slice %arg4[%add3A_11] : memref<327680xi32, #tpu.memory_space<hbm>> -> memref<160xi32, #tpu.memory_space<hbm>>
      tpu.wait_dma2 semaphore(%run_scoped3A : memref<!tpu.dma_semaphore, #tpu.memory_space<semaphore_mem>>) src(%dma_wait3A_25 : memref<160xi32, #tpu.memory_space<hbm>>) dst(%arg10 : memref<160xi32, #tpu.memory_space<vmem>>)
      tpu.yield
    }) : () -> ()
    "tpu.region"() ({
      %run_scoped3A = tpu.sem_alloc : memref<!tpu.dma_semaphore, #tpu.memory_space<semaphore_mem>>
      %dma_start3A_23 = tpu.memref_slice %arg5[%add3A_11] : memref<327680xi32, #tpu.memory_space<hbm>> -> memref<160xi32, #tpu.memory_space<hbm>>
      %dma_start3A_24 = tpu.memref_slice %arg5[%add3A_11] : memref<327680xi32, #tpu.memory_space<hbm>> -> memref<160xi32, #tpu.memory_space<hbm>>
      tpu.enqueue_dma source(%dma_start3A_24 : memref<160xi32, #tpu.memory_space<hbm>>) target(%arg12 : memref<160xi32, #tpu.memory_space<vmem>>) target_semaphore(%run_scoped3A : memref<!tpu.dma_semaphore, #tpu.memory_space<semaphore_mem>>)
      %dma_wait3A = tpu.memref_slice %arg5[%add3A_11] : memref<327680xi32, #tpu.memory_space<hbm>> -> memref<160xi32, #tpu.memory_space<hbm>>
      %dma_wait3A_25 = tpu.memref_slice %arg5[%add3A_11] : memref<327680xi32, #tpu.memory_space<hbm>> -> memref<160xi32, #tpu.memory_space<hbm>>
      tpu.wait_dma2 semaphore(%run_scoped3A : memref<!tpu.dma_semaphore, #tpu.memory_space<semaphore_mem>>) src(%dma_wait3A_25 : memref<160xi32, #tpu.memory_space<hbm>>) dst(%arg12 : memref<160xi32, #tpu.memory_space<vmem>>)
      tpu.yield
    }) : () -> ()
    %dma_start3A_12 = arith.constant 0 : i32
    %dma_start3A_13 = arith.constant 0 : i32
    %dma_start3A_14 = tpu.memref_slice %arg2[%dma_start3A_12, %dma_start3A_13] : memref<10000x128xf32, #tpu.memory_space<hbm>> -> memref<10000x128xf32, #tpu.memory_space<hbm>>
    tpu.enqueue_indirect_dma source(%dma_start3A_14 : memref<10000x128xf32, #tpu.memory_space<hbm>>) target(%arg14 : memref<160x128xf32, #tpu.memory_space<vmem>>) offsets(%arg10 : memref<160xi32, #tpu.memory_space<vmem>>) semaphore(%arg18 : memref<!tpu.dma_semaphore, #tpu.memory_space<semaphore_mem>>)
    %dma_start3A_15 = arith.constant 0 : i32
    %dma_start3A_16 = arith.constant 0 : i32
    %dma_start3A_17 = tpu.memref_slice %arg3[%dma_start3A_15, %dma_start3A_16] : memref<10000x128xf32, #tpu.memory_space<hbm>> -> memref<10000x128xf32, #tpu.memory_space<hbm>>
    tpu.enqueue_indirect_dma source(%dma_start3A_17 : memref<10000x128xf32, #tpu.memory_space<hbm>>) target(%arg16 : memref<160x128xf32, #tpu.memory_space<vmem>>) offsets(%arg12 : memref<160xi32, #tpu.memory_space<vmem>>) semaphore(%arg20 : memref<!tpu.dma_semaphore, #tpu.memory_space<semaphore_mem>>)
    %scan3A = arith.constant 0 : i32
    %scan3A_18 = arith.constant 0 : i32
    %scan3A_19 = arith.constant 32 : i32
    %scan3A_20 = arith.addi %scan3A_18, %scan3A_19 : i32
    %scan3A_21 = arith.constant 1 : i32
    scf.for %scan3A_23 = %scan3A_18 to %scan3A_20 step %scan3A_21  : i32 {
      %mul3A_24 = arith.constant 2 : i32
      %mul3A_25 = arith.muli %mul3A_24, %scan3A_23 : i32
      %add3A_26 = arith.constant 0 : i32
      %add3A_27 = arith.addi %mul3A_25, %add3A_26 : i32
      %dma_wait3A = arith.constant 0 : i32
      %dma_wait3A_28 = arith.constant 0 : i32
      %dma_wait3A_29 = tpu.memref_slice %arg2[%dma_wait3A, %dma_wait3A_28] : memref<10000x128xf32, #tpu.memory_space<hbm>> -> memref<10000x128xf32, #tpu.memory_space<hbm>>
      tpu.wait_indirect_dma semaphore(%arg17 : memref<!tpu.dma_semaphore, #tpu.memory_space<semaphore_mem>>) src(%dma_wait3A_29 : memref<10000x128xf32, #tpu.memory_space<hbm>>) dst(%arg13 : memref<160x128xf32, #tpu.memory_space<vmem>>)
      %dma_wait3A_30 = arith.constant 0 : i32
      %dma_wait3A_31 = arith.constant 0 : i32
      %dma_wait3A_32 = tpu.memref_slice %arg3[%dma_wait3A_30, %dma_wait3A_31] : memref<10000x128xf32, #tpu.memory_space<hbm>> -> memref<10000x128xf32, #tpu.memory_space<hbm>>
      tpu.wait_indirect_dma semaphore(%arg19 : memref<!tpu.dma_semaphore, #tpu.memory_space<semaphore_mem>>) src(%dma_wait3A_32 : memref<10000x128xf32, #tpu.memory_space<hbm>>) dst(%arg15 : memref<160x128xf32, #tpu.memory_space<vmem>>)
      %mul3A_33 = arith.constant 160 : i32
      %mul3A_34 = arith.muli %add3A_27, %mul3A_33 : i32
      %add3A_35 = arith.addi %mul3A_2, %mul3A_34 : i32
      %dma_start3A_36 = arith.constant 0 : i32
      %dma_start3A_37 = tpu.memref_slice %arg7[%add3A_35, %dma_start3A_36] : memref<327680x128xf32, #tpu.memory_space<hbm>> -> memref<160x128xf32, #tpu.memory_space<hbm>>
      %dma_start3A_38 = arith.constant 0 : i32
      %dma_start3A_39 = tpu.memref_slice %arg7[%add3A_35, %dma_start3A_38] : memref<327680x128xf32, #tpu.memory_space<hbm>> -> memref<160x128xf32, #tpu.memory_space<hbm>>
      tpu.enqueue_dma source(%arg13 : memref<160x128xf32, #tpu.memory_space<vmem>>) target(%dma_start3A_39 : memref<160x128xf32, #tpu.memory_space<hbm>>) target_semaphore(%arg21 : memref<!tpu.dma_semaphore, #tpu.memory_space<semaphore_mem>>)
      %dma_start3A_40 = arith.constant 0 : i32
      %dma_start3A_41 = tpu.memref_slice %arg8[%add3A_35, %dma_start3A_40] : memref<327680x128xf32, #tpu.memory_space<hbm>> -> memref<160x128xf32, #tpu.memory_space<hbm>>
      %dma_start3A_42 = arith.constant 0 : i32
      %dma_start3A_43 = tpu.memref_slice %arg8[%add3A_35, %dma_start3A_42] : memref<327680x128xf32, #tpu.memory_space<hbm>> -> memref<160x128xf32, #tpu.memory_space<hbm>>
      tpu.enqueue_dma source(%arg15 : memref<160x128xf32, #tpu.memory_space<vmem>>) target(%dma_start3A_43 : memref<160x128xf32, #tpu.memory_space<hbm>>) target_semaphore(%arg23 : memref<!tpu.dma_semaphore, #tpu.memory_space<semaphore_mem>>)
      %add3A_44 = arith.constant 2 : i32
      %add3A_45 = arith.addi %add3A_27, %add3A_44 : i32
      %lt3A = arith.constant 64 : i32
      %lt3A_46 = arith.cmpi slt, %add3A_45, %lt3A : i32
      %convert_element_type3A = arith.extui %lt3A_46 : i1 to i32
      %cond3A = arith.constant 0 : i32
      %cond3A_47 = arith.cmpi ne, %convert_element_type3A, %cond3A : i32
      scf.if %cond3A_47 {
        %add3A_112 = arith.constant 2 : i32
        %add3A_113 = arith.addi %add3A_27, %add3A_112 : i32
        %mul3A_114 = arith.constant 160 : i32
        %mul3A_115 = arith.muli %add3A_113, %mul3A_114 : i32
        %add3A_116 = arith.addi %mul3A_2, %mul3A_115 : i32
        "tpu.region"() ({
          %run_scoped3A = tpu.sem_alloc : memref<!tpu.dma_semaphore, #tpu.memory_space<semaphore_mem>>
          %dma_start3A_117 = tpu.memref_slice %arg4[%add3A_116] : memref<327680xi32, #tpu.memory_space<hbm>> -> memref<160xi32, #tpu.memory_space<hbm>>
          %dma_start3A_118 = tpu.memref_slice %arg4[%add3A_116] : memref<327680xi32, #tpu.memory_space<hbm>> -> memref<160xi32, #tpu.memory_space<hbm>>
          tpu.enqueue_dma source(%dma_start3A_118 : memref<160xi32, #tpu.memory_space<hbm>>) target(%arg9 : memref<160xi32, #tpu.memory_space<vmem>>) target_semaphore(%run_scoped3A : memref<!tpu.dma_semaphore, #tpu.memory_space<semaphore_mem>>)
          %dma_wait3A_119 = tpu.memref_slice %arg4[%add3A_116] : memref<327680xi32, #tpu.memory_space<hbm>> -> memref<160xi32, #tpu.memory_space<hbm>>
          %dma_wait3A_120 = tpu.memref_slice %arg4[%add3A_116] : memref<327680xi32, #tpu.memory_space<hbm>> -> memref<160xi32, #tpu.memory_space<hbm>>
          tpu.wait_dma2 semaphore(%run_scoped3A : memref<!tpu.dma_semaphore, #tpu.memory_space<semaphore_mem>>) src(%dma_wait3A_120 : memref<160xi32, #tpu.memory_space<hbm>>) dst(%arg9 : memref<160xi32, #tpu.memory_space<vmem>>)
          tpu.yield
        }) : () -> ()
        "tpu.region"() ({
          %run_scoped3A = tpu.sem_alloc : memref<!tpu.dma_semaphore, #tpu.memory_space<semaphore_mem>>
          %dma_start3A_117 = tpu.memref_slice %arg5[%add3A_116] : memref<327680xi32, #tpu.memory_space<hbm>> -> memref<160xi32, #tpu.memory_space<hbm>>
          %dma_start3A_118 = tpu.memref_slice %arg5[%add3A_116] : memref<327680xi32, #tpu.memory_space<hbm>> -> memref<160xi32, #tpu.memory_space<hbm>>
          tpu.enqueue_dma source(%dma_start3A_118 : memref<160xi32, #tpu.memory_space<hbm>>) target(%arg11 : memref<160xi32, #tpu.memory_space<vmem>>) target_semaphore(%run_scoped3A : memref<!tpu.dma_semaphore, #tpu.memory_space<semaphore_mem>>)
          %dma_wait3A_119 = tpu.memref_slice %arg5[%add3A_116] : memref<327680xi32, #tpu.memory_space<hbm>> -> memref<160xi32, #tpu.memory_space<hbm>>
          %dma_wait3A_120 = tpu.memref_slice %arg5[%add3A_116] : memref<327680xi32, #tpu.memory_space<hbm>> -> memref<160xi32, #tpu.memory_space<hbm>>
          tpu.wait_dma2 semaphore(%run_scoped3A : memref<!tpu.dma_semaphore, #tpu.memory_space<semaphore_mem>>) src(%dma_wait3A_120 : memref<160xi32, #tpu.memory_space<hbm>>) dst(%arg11 : memref<160xi32, #tpu.memory_space<vmem>>)
          tpu.yield
        }) : () -> ()
      } else {
      }
      %mul3A_48 = arith.constant 160 : i32
      %mul3A_49 = arith.muli %add3A_27, %mul3A_48 : i32
      %add3A_50 = arith.addi %mul3A_2, %mul3A_49 : i32
      %dma_wait3A_51 = arith.constant 0 : i32
      %dma_wait3A_52 = tpu.memref_slice %arg7[%add3A_50, %dma_wait3A_51] : memref<327680x128xf32, #tpu.memory_space<hbm>> -> memref<160x128xf32, #tpu.memory_space<hbm>>
      %dma_wait3A_53 = arith.constant 0 : i32
      %dma_wait3A_54 = tpu.memref_slice %arg7[%add3A_50, %dma_wait3A_53] : memref<327680x128xf32, #tpu.memory_space<hbm>> -> memref<160x128xf32, #tpu.memory_space<hbm>>
      tpu.wait_dma2 semaphore(%arg21 : memref<!tpu.dma_semaphore, #tpu.memory_space<semaphore_mem>>) src(%arg13 : memref<160x128xf32, #tpu.memory_space<vmem>>) dst(%dma_wait3A_54 : memref<160x128xf32, #tpu.memory_space<hbm>>)
      %dma_wait3A_55 = arith.constant 0 : i32
      %dma_wait3A_56 = tpu.memref_slice %arg8[%add3A_50, %dma_wait3A_55] : memref<327680x128xf32, #tpu.memory_space<hbm>> -> memref<160x128xf32, #tpu.memory_space<hbm>>
      %dma_wait3A_57 = arith.constant 0 : i32
      %dma_wait3A_58 = tpu.memref_slice %arg8[%add3A_50, %dma_wait3A_57] : memref<327680x128xf32, #tpu.memory_space<hbm>> -> memref<160x128xf32, #tpu.memory_space<hbm>>
      tpu.wait_dma2 semaphore(%arg23 : memref<!tpu.dma_semaphore, #tpu.memory_space<semaphore_mem>>) src(%arg15 : memref<160x128xf32, #tpu.memory_space<vmem>>) dst(%dma_wait3A_58 : memref<160x128xf32, #tpu.memory_space<hbm>>)
      %add3A_59 = arith.constant 2 : i32
      %add3A_60 = arith.addi %add3A_27, %add3A_59 : i32
      %lt3A_61 = arith.constant 64 : i32
      %lt3A_62 = arith.cmpi slt, %add3A_60, %lt3A_61 : i32
      %convert_element_type3A_63 = arith.extui %lt3A_62 : i1 to i32
      %cond3A_64 = arith.constant 0 : i32
      %cond3A_65 = arith.cmpi ne, %convert_element_type3A_63, %cond3A_64 : i32
      scf.if %cond3A_65 {
        %add3A_112 = arith.constant 2 : i32
        %add3A_113 = arith.addi %add3A_27, %add3A_112 : i32
        %dma_start3A_114 = arith.constant 0 : i32
        %dma_start3A_115 = arith.constant 0 : i32
        %dma_start3A_116 = tpu.memref_slice %arg2[%dma_start3A_114, %dma_start3A_115] : memref<10000x128xf32, #tpu.memory_space<hbm>> -> memref<10000x128xf32, #tpu.memory_space<hbm>>
        tpu.enqueue_indirect_dma source(%dma_start3A_116 : memref<10000x128xf32, #tpu.memory_space<hbm>>) target(%arg13 : memref<160x128xf32, #tpu.memory_space<vmem>>) offsets(%arg9 : memref<160xi32, #tpu.memory_space<vmem>>) semaphore(%arg17 : memref<!tpu.dma_semaphore, #tpu.memory_space<semaphore_mem>>)
        %dma_start3A_117 = arith.constant 0 : i32
        %dma_start3A_118 = arith.constant 0 : i32
        %dma_start3A_119 = tpu.memref_slice %arg3[%dma_start3A_117, %dma_start3A_118] : memref<10000x128xf32, #tpu.memory_space<hbm>> -> memref<10000x128xf32, #tpu.memory_space<hbm>>
        tpu.enqueue_indirect_dma source(%dma_start3A_119 : memref<10000x128xf32, #tpu.memory_space<hbm>>) target(%arg15 : memref<160x128xf32, #tpu.memory_space<vmem>>) offsets(%arg11 : memref<160xi32, #tpu.memory_space<vmem>>) semaphore(%arg19 : memref<!tpu.dma_semaphore, #tpu.memory_space<semaphore_mem>>)
      } else {
      }
      %mul3A_66 = arith.constant 2 : i32
      %mul3A_67 = arith.muli %mul3A_66, %scan3A_23 : i32
      %add3A_68 = arith.constant 1 : i32
      %add3A_69 = arith.addi %mul3A_67, %add3A_68 : i32
      %dma_wait3A_70 = arith.constant 0 : i32
      %dma_wait3A_71 = arith.constant 0 : i32
      %dma_wait3A_72 = tpu.memref_slice %arg2[%dma_wait3A_70, %dma_wait3A_71] : memref<10000x128xf32, #tpu.memory_space<hbm>> -> memref<10000x128xf32, #tpu.memory_space<hbm>>
      tpu.wait_indirect_dma semaphore(%arg18 : memref<!tpu.dma_semaphore, #tpu.memory_space<semaphore_mem>>) src(%dma_wait3A_72 : memref<10000x128xf32, #tpu.memory_space<hbm>>) dst(%arg14 : memref<160x128xf32, #tpu.memory_space<vmem>>)
      %dma_wait3A_73 = arith.constant 0 : i32
      %dma_wait3A_74 = arith.constant 0 : i32
      %dma_wait3A_75 = tpu.memref_slice %arg3[%dma_wait3A_73, %dma_wait3A_74] : memref<10000x128xf32, #tpu.memory_space<hbm>> -> memref<10000x128xf32, #tpu.memory_space<hbm>>
      tpu.wait_indirect_dma semaphore(%arg20 : memref<!tpu.dma_semaphore, #tpu.memory_space<semaphore_mem>>) src(%dma_wait3A_75 : memref<10000x128xf32, #tpu.memory_space<hbm>>) dst(%arg16 : memref<160x128xf32, #tpu.memory_space<vmem>>)
      %mul3A_76 = arith.constant 160 : i32
      %mul3A_77 = arith.muli %add3A_69, %mul3A_76 : i32
      %add3A_78 = arith.addi %mul3A_2, %mul3A_77 : i32
      %dma_start3A_79 = arith.constant 0 : i32
      %dma_start3A_80 = tpu.memref_slice %arg7[%add3A_78, %dma_start3A_79] : memref<327680x128xf32, #tpu.memory_space<hbm>> -> memref<160x128xf32, #tpu.memory_space<hbm>>
      %dma_start3A_81 = arith.constant 0 : i32
      %dma_start3A_82 = tpu.memref_slice %arg7[%add3A_78, %dma_start3A_81] : memref<327680x128xf32, #tpu.memory_space<hbm>> -> memref<160x128xf32, #tpu.memory_space<hbm>>
      tpu.enqueue_dma source(%arg14 : memref<160x128xf32, #tpu.memory_space<vmem>>) target(%dma_start3A_82 : memref<160x128xf32, #tpu.memory_space<hbm>>) target_semaphore(%arg22 : memref<!tpu.dma_semaphore, #tpu.memory_space<semaphore_mem>>)
      %dma_start3A_83 = arith.constant 0 : i32
      %dma_start3A_84 = tpu.memref_slice %arg8[%add3A_78, %dma_start3A_83] : memref<327680x128xf32, #tpu.memory_space<hbm>> -> memref<160x128xf32, #tpu.memory_space<hbm>>
      %dma_start3A_85 = arith.constant 0 : i32
      %dma_start3A_86 = tpu.memref_slice %arg8[%add3A_78, %dma_start3A_85] : memref<327680x128xf32, #tpu.memory_space<hbm>> -> memref<160x128xf32, #tpu.memory_space<hbm>>
      tpu.enqueue_dma source(%arg16 : memref<160x128xf32, #tpu.memory_space<vmem>>) target(%dma_start3A_86 : memref<160x128xf32, #tpu.memory_space<hbm>>) target_semaphore(%arg24 : memref<!tpu.dma_semaphore, #tpu.memory_space<semaphore_mem>>)
      %add3A_87 = arith.constant 2 : i32
      %add3A_88 = arith.addi %add3A_69, %add3A_87 : i32
      %lt3A_89 = arith.constant 64 : i32
      %lt3A_90 = arith.cmpi slt, %add3A_88, %lt3A_89 : i32
      %convert_element_type3A_91 = arith.extui %lt3A_90 : i1 to i32
      %cond3A_92 = arith.constant 0 : i32
      %cond3A_93 = arith.cmpi ne, %convert_element_type3A_91, %cond3A_92 : i32
      scf.if %cond3A_93 {
        %add3A_112 = arith.constant 2 : i32
        %add3A_113 = arith.addi %add3A_69, %add3A_112 : i32
        %mul3A_114 = arith.constant 160 : i32
        %mul3A_115 = arith.muli %add3A_113, %mul3A_114 : i32
        %add3A_116 = arith.addi %mul3A_2, %mul3A_115 : i32
        "tpu.region"() ({
          %run_scoped3A = tpu.sem_alloc : memref<!tpu.dma_semaphore, #tpu.memory_space<semaphore_mem>>
          %dma_start3A_117 = tpu.memref_slice %arg4[%add3A_116] : memref<327680xi32, #tpu.memory_space<hbm>> -> memref<160xi32, #tpu.memory_space<hbm>>
          %dma_start3A_118 = tpu.memref_slice %arg4[%add3A_116] : memref<327680xi32, #tpu.memory_space<hbm>> -> memref<160xi32, #tpu.memory_space<hbm>>
          tpu.enqueue_dma source(%dma_start3A_118 : memref<160xi32, #tpu.memory_space<hbm>>) target(%arg10 : memref<160xi32, #tpu.memory_space<vmem>>) target_semaphore(%run_scoped3A : memref<!tpu.dma_semaphore, #tpu.memory_space<semaphore_mem>>)
          %dma_wait3A_119 = tpu.memref_slice %arg4[%add3A_116] : memref<327680xi32, #tpu.memory_space<hbm>> -> memref<160xi32, #tpu.memory_space<hbm>>
          %dma_wait3A_120 = tpu.memref_slice %arg4[%add3A_116] : memref<327680xi32, #tpu.memory_space<hbm>> -> memref<160xi32, #tpu.memory_space<hbm>>
          tpu.wait_dma2 semaphore(%run_scoped3A : memref<!tpu.dma_semaphore, #tpu.memory_space<semaphore_mem>>) src(%dma_wait3A_120 : memref<160xi32, #tpu.memory_space<hbm>>) dst(%arg10 : memref<160xi32, #tpu.memory_space<vmem>>)
          tpu.yield
        }) : () -> ()
        "tpu.region"() ({
          %run_scoped3A = tpu.sem_alloc : memref<!tpu.dma_semaphore, #tpu.memory_space<semaphore_mem>>
          %dma_start3A_117 = tpu.memref_slice %arg5[%add3A_116] : memref<327680xi32, #tpu.memory_space<hbm>> -> memref<160xi32, #tpu.memory_space<hbm>>
          %dma_start3A_118 = tpu.memref_slice %arg5[%add3A_116] : memref<327680xi32, #tpu.memory_space<hbm>> -> memref<160xi32, #tpu.memory_space<hbm>>
          tpu.enqueue_dma source(%dma_start3A_118 : memref<160xi32, #tpu.memory_space<hbm>>) target(%arg12 : memref<160xi32, #tpu.memory_space<vmem>>) target_semaphore(%run_scoped3A : memref<!tpu.dma_semaphore, #tpu.memory_space<semaphore_mem>>)
          %dma_wait3A_119 = tpu.memref_slice %arg5[%add3A_116] : memref<327680xi32, #tpu.memory_space<hbm>> -> memref<160xi32, #tpu.memory_space<hbm>>
          %dma_wait3A_120 = tpu.memref_slice %arg5[%add3A_116] : memref<327680xi32, #tpu.memory_space<hbm>> -> memref<160xi32, #tpu.memory_space<hbm>>
          tpu.wait_dma2 semaphore(%run_scoped3A : memref<!tpu.dma_semaphore, #tpu.memory_space<semaphore_mem>>) src(%dma_wait3A_120 : memref<160xi32, #tpu.memory_space<hbm>>) dst(%arg12 : memref<160xi32, #tpu.memory_space<vmem>>)
          tpu.yield
        }) : () -> ()
      } else {
      }
      %mul3A_94 = arith.constant 160 : i32
      %mul3A_95 = arith.muli %add3A_69, %mul3A_94 : i32
      %add3A_96 = arith.addi %mul3A_2, %mul3A_95 : i32
      %dma_wait3A_97 = arith.constant 0 : i32
      %dma_wait3A_98 = tpu.memref_slice %arg7[%add3A_96, %dma_wait3A_97] : memref<327680x128xf32, #tpu.memory_space<hbm>> -> memref<160x128xf32, #tpu.memory_space<hbm>>
      %dma_wait3A_99 = arith.constant 0 : i32
      %dma_wait3A_100 = tpu.memref_slice %arg7[%add3A_96, %dma_wait3A_99] : memref<327680x128xf32, #tpu.memory_space<hbm>> -> memref<160x128xf32, #tpu.memory_space<hbm>>
      tpu.wait_dma2 semaphore(%arg22 : memref<!tpu.dma_semaphore, #tpu.memory_space<semaphore_mem>>) src(%arg14 : memref<160x128xf32, #tpu.memory_space<vmem>>) dst(%dma_wait3A_100 : memref<160x128xf32, #tpu.memory_space<hbm>>)
      %dma_wait3A_101 = arith.constant 0 : i32
      %dma_wait3A_102 = tpu.memref_slice %arg8[%add3A_96, %dma_wait3A_101] : memref<327680x128xf32, #tpu.memory_space<hbm>> -> memref<160x128xf32, #tpu.memory_space<hbm>>
      %dma_wait3A_103 = arith.constant 0 : i32
      %dma_wait3A_104 = tpu.memref_slice %arg8[%add3A_96, %dma_wait3A_103] : memref<327680x128xf32, #tpu.memory_space<hbm>> -> memref<160x128xf32, #tpu.memory_space<hbm>>
      tpu.wait_dma2 semaphore(%arg24 : memref<!tpu.dma_semaphore, #tpu.memory_space<semaphore_mem>>) src(%arg16 : memref<160x128xf32, #tpu.memory_space<vmem>>) dst(%dma_wait3A_104 : memref<160x128xf32, #tpu.memory_space<hbm>>)
      %add3A_105 = arith.constant 2 : i32
      %add3A_106 = arith.addi %add3A_69, %add3A_105 : i32
      %lt3A_107 = arith.constant 64 : i32
      %lt3A_108 = arith.cmpi slt, %add3A_106, %lt3A_107 : i32
      %convert_element_type3A_109 = arith.extui %lt3A_108 : i1 to i32
      %cond3A_110 = arith.constant 0 : i32
      %cond3A_111 = arith.cmpi ne, %convert_element_type3A_109, %cond3A_110 : i32
      scf.if %cond3A_111 {
        %add3A_112 = arith.constant 2 : i32
        %add3A_113 = arith.addi %add3A_69, %add3A_112 : i32
        %dma_start3A_114 = arith.constant 0 : i32
        %dma_start3A_115 = arith.constant 0 : i32
        %dma_start3A_116 = tpu.memref_slice %arg2[%dma_start3A_114, %dma_start3A_115] : memref<10000x128xf32, #tpu.memory_space<hbm>> -> memref<10000x128xf32, #tpu.memory_space<hbm>>
        tpu.enqueue_indirect_dma source(%dma_start3A_116 : memref<10000x128xf32, #tpu.memory_space<hbm>>) target(%arg14 : memref<160x128xf32, #tpu.memory_space<vmem>>) offsets(%arg10 : memref<160xi32, #tpu.memory_space<vmem>>) semaphore(%arg18 : memref<!tpu.dma_semaphore, #tpu.memory_space<semaphore_mem>>)
        %dma_start3A_117 = arith.constant 0 : i32
        %dma_start3A_118 = arith.constant 0 : i32
        %dma_start3A_119 = tpu.memref_slice %arg3[%dma_start3A_117, %dma_start3A_118] : memref<10000x128xf32, #tpu.memory_space<hbm>> -> memref<10000x128xf32, #tpu.memory_space<hbm>>
        tpu.enqueue_indirect_dma source(%dma_start3A_119 : memref<10000x128xf32, #tpu.memory_space<hbm>>) target(%arg16 : memref<160x128xf32, #tpu.memory_space<vmem>>) offsets(%arg12 : memref<160xi32, #tpu.memory_space<vmem>>) semaphore(%arg20 : memref<!tpu.dma_semaphore, #tpu.memory_space<semaphore_mem>>)
      } else {
      }
    }
    %scan3A_22 = arith.constant 32 : i32
    return
  }
}

#map = affine_map<(d0, d1) -> (0, 0)>
#map1 = affine_map<(d0, d1) -> (0)>
module attributes {stable_mosaic.version = 14 : i64} {
  func.func @_gather_body(%arg0: i32, %arg1: i32, %arg2: memref<10000x128xf32, #tpu.memory_space<hbm>>, %arg3: memref<10000x128xf32, #tpu.memory_space<hbm>>, %arg4: memref<327680xi32, #tpu.memory_space<hbm>>, %arg5: memref<327680xi32, #tpu.memory_space<hbm>>, %arg6: memref<20480x64xf32, #tpu.memory_space<hbm>>, %arg7: memref<327680x128xf32, #tpu.memory_space<hbm>>, %arg8: memref<327680x128xf32, #tpu.memory_space<hbm>>, %arg9: memref<160xi32, #tpu.memory_space<vmem>>, %arg10: memref<160xi32, #tpu.memory_space<vmem>>, %arg11: memref<160xi32, #tpu.memory_space<vmem>>, %arg12: memref<160xi32, #tpu.memory_space<vmem>>, %arg13: memref<160x128xf32, #tpu.memory_space<vmem>>, %arg14: memref<160x128xf32, #tpu.memory_space<vmem>>, %arg15: memref<160x128xf32, #tpu.memory_space<vmem>>, %arg16: memref<160x128xf32, #tpu.memory_space<vmem>>, %arg17: memref<!tpu.dma_semaphore, #tpu.memory_space<semaphore_mem>>, %arg18: memref<!tpu.dma_semaphore, #tpu.memory_space<semaphore_mem>>, %arg19: memref<!tpu.dma_semaphore, #tpu.memory_space<semaphore_mem>>, %arg20: memref<!tpu.dma_semaphore, #tpu.memory_space<semaphore_mem>>, %arg21: memref<!tpu.dma_semaphore, #tpu.memory_space<semaphore_mem>>, %arg22: memref<!tpu.dma_semaphore, #tpu.memory_space<semaphore_mem>>, %arg23: memref<!tpu.dma_semaphore, #tpu.memory_space<semaphore_mem>>, %arg24: memref<!tpu.dma_semaphore, #tpu.memory_space<semaphore_mem>>) attributes {dimension_semantics = [#tpu.dimension_semantics<core_parallel>, #tpu.dimension_semantics<subcore_parallel>], iteration_bounds = array<i64: 2, 16>, scalar_prefetch = 0 : i64, scratch_operands = 16 : i64, tpu.core_type = #tpu.core_type<sc_vector_subcore>, window_params = [{transform_indices = #map}, {transform_indices = #map}, {transform_indices = #map1}, {transform_indices = #map1}, {transform_indices = #map}, {transform_indices = #map}, {transform_indices = #map}]} {
    %mul3A = arith.constant 2 : i32
    %mul3A_0 = arith.muli %arg1, %mul3A : i32
    %add3A = arith.addi %mul3A_0, %arg0 : i32
    %mul3A_1 = arith.constant 10240 : i32
    %mul3A_2 = arith.muli %add3A, %mul3A_1 : i32
    %add3A_3 = arith.constant 0 : i32
    %add3A_4 = arith.addi %mul3A_2, %add3A_3 : i32
    "tpu.region"() ({
      %run_scoped3A = tpu.sem_alloc : memref<!tpu.dma_semaphore, #tpu.memory_space<semaphore_mem>>
      %dma_start3A_23 = tpu.memref_slice %arg4[%add3A_4] : memref<327680xi32, #tpu.memory_space<hbm>> -> memref<160xi32, #tpu.memory_space<hbm>>
      %dma_start3A_24 = tpu.memref_slice %arg4[%add3A_4] : memref<327680xi32, #tpu.memory_space<hbm>> -> memref<160xi32, #tpu.memory_space<hbm>>
      tpu.enqueue_dma source(%dma_start3A_24 : memref<160xi32, #tpu.memory_space<hbm>>) target(%arg9 : memref<160xi32, #tpu.memory_space<vmem>>) target_semaphore(%run_scoped3A : memref<!tpu.dma_semaphore, #tpu.memory_space<semaphore_mem>>)
      %dma_wait3A = tpu.memref_slice %arg4[%add3A_4] : memref<327680xi32, #tpu.memory_space<hbm>> -> memref<160xi32, #tpu.memory_space<hbm>>
      %dma_wait3A_25 = tpu.memref_slice %arg4[%add3A_4] : memref<327680xi32, #tpu.memory_space<hbm>> -> memref<160xi32, #tpu.memory_space<hbm>>
      tpu.wait_dma2 semaphore(%run_scoped3A : memref<!tpu.dma_semaphore, #tpu.memory_space<semaphore_mem>>) src(%dma_wait3A_25 : memref<160xi32, #tpu.memory_space<hbm>>) dst(%arg9 : memref<160xi32, #tpu.memory_space<vmem>>)
      tpu.yield
    }) : () -> ()
    "tpu.region"() ({
      %run_scoped3A = tpu.sem_alloc : memref<!tpu.dma_semaphore, #tpu.memory_space<semaphore_mem>>
      %dma_start3A_23 = tpu.memref_slice %arg5[%add3A_4] : memref<327680xi32, #tpu.memory_space<hbm>> -> memref<160xi32, #tpu.memory_space<hbm>>
      %dma_start3A_24 = tpu.memref_slice %arg5[%add3A_4] : memref<327680xi32, #tpu.memory_space<hbm>> -> memref<160xi32, #tpu.memory_space<hbm>>
      tpu.enqueue_dma source(%dma_start3A_24 : memref<160xi32, #tpu.memory_space<hbm>>) target(%arg11 : memref<160xi32, #tpu.memory_space<vmem>>) target_semaphore(%run_scoped3A : memref<!tpu.dma_semaphore, #tpu.memory_space<semaphore_mem>>)
      %dma_wait3A = tpu.memref_slice %arg5[%add3A_4] : memref<327680xi32, #tpu.memory_space<hbm>> -> memref<160xi32, #tpu.memory_space<hbm>>
      %dma_wait3A_25 = tpu.memref_slice %arg5[%add3A_4] : memref<327680xi32, #tpu.memory_space<hbm>> -> memref<160xi32, #tpu.memory_space<hbm>>
      tpu.wait_dma2 semaphore(%run_scoped3A : memref<!tpu.dma_semaphore, #tpu.memory_space<semaphore_mem>>) src(%dma_wait3A_25 : memref<160xi32, #tpu.memory_space<hbm>>) dst(%arg11 : memref<160xi32, #tpu.memory_space<vmem>>)
      tpu.yield
    }) : () -> ()
    %dma_start3A = arith.constant 0 : i32
    %dma_start3A_5 = arith.constant 0 : i32
    %dma_start3A_6 = tpu.memref_slice %arg2[%dma_start3A, %dma_start3A_5] : memref<10000x128xf32, #tpu.memory_space<hbm>> -> memref<10000x128xf32, #tpu.memory_space<hbm>>
    tpu.enqueue_indirect_dma source(%dma_start3A_6 : memref<10000x128xf32, #tpu.memory_space<hbm>>) target(%arg13 : memref<160x128xf32, #tpu.memory_space<vmem>>) offsets(%arg9 : memref<160xi32, #tpu.memory_space<vmem>>) semaphore(%arg17 : memref<!tpu.dma_semaphore, #tpu.memory_space<semaphore_mem>>)
    %dma_start3A_7 = arith.constant 0 : i32
    %dma_start3A_8 = arith.constant 0 : i32
    %dma_start3A_9 = tpu.memref_slice %arg3[%dma_start3A_7, %dma_start3A_8] : memref<10000x128xf32, #tpu.memory_space<hbm>> -> memref<10000x128xf32, #tpu.memory_space<hbm>>
    tpu.enqueue_indirect_dma source(%dma_start3A_9 : memref<10000x128xf32, #tpu.memory_space<hbm>>) target(%arg15 : memref<160x128xf32, #tpu.memory_space<vmem>>) offsets(%arg11 : memref<160xi32, #tpu.memory_space<vmem>>) semaphore(%arg19 : memref<!tpu.dma_semaphore, #tpu.memory_space<semaphore_mem>>)
    %add3A_10 = arith.constant 160 : i32
    %add3A_11 = arith.addi %mul3A_2, %add3A_10 : i32
    "tpu.region"() ({
      %run_scoped3A = tpu.sem_alloc : memref<!tpu.dma_semaphore, #tpu.memory_space<semaphore_mem>>
      %dma_start3A_23 = tpu.memref_slice %arg4[%add3A_11] : memref<327680xi32, #tpu.memory_space<hbm>> -> memref<160xi32, #tpu.memory_space<hbm>>
      %dma_start3A_24 = tpu.memref_slice %arg4[%add3A_11] : memref<327680xi32, #tpu.memory_space<hbm>> -> memref<160xi32, #tpu.memory_space<hbm>>
      tpu.enqueue_dma source(%dma_start3A_24 : memref<160xi32, #tpu.memory_space<hbm>>) target(%arg10 : memref<160xi32, #tpu.memory_space<vmem>>) target_semaphore(%run_scoped3A : memref<!tpu.dma_semaphore, #tpu.memory_space<semaphore_mem>>)
      %dma_wait3A = tpu.memref_slice %arg4[%add3A_11] : memref<327680xi32, #tpu.memory_space<hbm>> -> memref<160xi32, #tpu.memory_space<hbm>>
      %dma_wait3A_25 = tpu.memref_slice %arg4[%add3A_11] : memref<327680xi32, #tpu.memory_space<hbm>> -> memref<160xi32, #tpu.memory_space<hbm>>
      tpu.wait_dma2 semaphore(%run_scoped3A : memref<!tpu.dma_semaphore, #tpu.memory_space<semaphore_mem>>) src(%dma_wait3A_25 : memref<160xi32, #tpu.memory_space<hbm>>) dst(%arg10 : memref<160xi32, #tpu.memory_space<vmem>>)
      tpu.yield
    }) : () -> ()
    "tpu.region"() ({
      %run_scoped3A = tpu.sem_alloc : memref<!tpu.dma_semaphore, #tpu.memory_space<semaphore_mem>>
      %dma_start3A_23 = tpu.memref_slice %arg5[%add3A_11] : memref<327680xi32, #tpu.memory_space<hbm>> -> memref<160xi32, #tpu.memory_space<hbm>>
      %dma_start3A_24 = tpu.memref_slice %arg5[%add3A_11] : memref<327680xi32, #tpu.memory_space<hbm>> -> memref<160xi32, #tpu.memory_space<hbm>>
      tpu.enqueue_dma source(%dma_start3A_24 : memref<160xi32, #tpu.memory_space<hbm>>) target(%arg12 : memref<160xi32, #tpu.memory_space<vmem>>) target_semaphore(%run_scoped3A : memref<!tpu.dma_semaphore, #tpu.memory_space<semaphore_mem>>)
      %dma_wait3A = tpu.memref_slice %arg5[%add3A_11] : memref<327680xi32, #tpu.memory_space<hbm>> -> memref<160xi32, #tpu.memory_space<hbm>>
      %dma_wait3A_25 = tpu.memref_slice %arg5[%add3A_11] : memref<327680xi32, #tpu.memory_space<hbm>> -> memref<160xi32, #tpu.memory_space<hbm>>
      tpu.wait_dma2 semaphore(%run_scoped3A : memref<!tpu.dma_semaphore, #tpu.memory_space<semaphore_mem>>) src(%dma_wait3A_25 : memref<160xi32, #tpu.memory_space<hbm>>) dst(%arg12 : memref<160xi32, #tpu.memory_space<vmem>>)
      tpu.yield
    }) : () -> ()
    %dma_start3A_12 = arith.constant 0 : i32
    %dma_start3A_13 = arith.constant 0 : i32
    %dma_start3A_14 = tpu.memref_slice %arg2[%dma_start3A_12, %dma_start3A_13] : memref<10000x128xf32, #tpu.memory_space<hbm>> -> memref<10000x128xf32, #tpu.memory_space<hbm>>
    tpu.enqueue_indirect_dma source(%dma_start3A_14 : memref<10000x128xf32, #tpu.memory_space<hbm>>) target(%arg14 : memref<160x128xf32, #tpu.memory_space<vmem>>) offsets(%arg10 : memref<160xi32, #tpu.memory_space<vmem>>) semaphore(%arg18 : memref<!tpu.dma_semaphore, #tpu.memory_space<semaphore_mem>>)
    %dma_start3A_15 = arith.constant 0 : i32
    %dma_start3A_16 = arith.constant 0 : i32
    %dma_start3A_17 = tpu.memref_slice %arg3[%dma_start3A_15, %dma_start3A_16] : memref<10000x128xf32, #tpu.memory_space<hbm>> -> memref<10000x128xf32, #tpu.memory_space<hbm>>
    tpu.enqueue_indirect_dma source(%dma_start3A_17 : memref<10000x128xf32, #tpu.memory_space<hbm>>) target(%arg16 : memref<160x128xf32, #tpu.memory_space<vmem>>) offsets(%arg12 : memref<160xi32, #tpu.memory_space<vmem>>) semaphore(%arg20 : memref<!tpu.dma_semaphore, #tpu.memory_space<semaphore_mem>>)
    %scan3A = arith.constant 0 : i32
    %scan3A_18 = arith.constant 0 : i32
    %scan3A_19 = arith.constant 32 : i32
    %scan3A_20 = arith.addi %scan3A_18, %scan3A_19 : i32
    %scan3A_21 = arith.constant 1 : i32
    scf.for %scan3A_23 = %scan3A_18 to %scan3A_20 step %scan3A_21  : i32 {
      %mul3A_24 = arith.constant 2 : i32
      %mul3A_25 = arith.muli %mul3A_24, %scan3A_23 : i32
      %add3A_26 = arith.constant 0 : i32
      %add3A_27 = arith.addi %mul3A_25, %add3A_26 : i32
      %dma_wait3A = arith.constant 0 : i32
      %dma_wait3A_28 = arith.constant 0 : i32
      %dma_wait3A_29 = tpu.memref_slice %arg2[%dma_wait3A, %dma_wait3A_28] : memref<10000x128xf32, #tpu.memory_space<hbm>> -> memref<10000x128xf32, #tpu.memory_space<hbm>>
      tpu.wait_indirect_dma semaphore(%arg17 : memref<!tpu.dma_semaphore, #tpu.memory_space<semaphore_mem>>) src(%dma_wait3A_29 : memref<10000x128xf32, #tpu.memory_space<hbm>>) dst(%arg13 : memref<160x128xf32, #tpu.memory_space<vmem>>)
      %dma_wait3A_30 = arith.constant 0 : i32
      %dma_wait3A_31 = arith.constant 0 : i32
      %dma_wait3A_32 = tpu.memref_slice %arg3[%dma_wait3A_30, %dma_wait3A_31] : memref<10000x128xf32, #tpu.memory_space<hbm>> -> memref<10000x128xf32, #tpu.memory_space<hbm>>
      tpu.wait_indirect_dma semaphore(%arg19 : memref<!tpu.dma_semaphore, #tpu.memory_space<semaphore_mem>>) src(%dma_wait3A_32 : memref<10000x128xf32, #tpu.memory_space<hbm>>) dst(%arg15 : memref<160x128xf32, #tpu.memory_space<vmem>>)
      %mul3A_33 = arith.constant 160 : i32
      %mul3A_34 = arith.muli %add3A_27, %mul3A_33 : i32
      %add3A_35 = arith.addi %mul3A_2, %mul3A_34 : i32
      %dma_start3A_36 = arith.constant 0 : i32
      %dma_start3A_37 = tpu.memref_slice %arg7[%add3A_35, %dma_start3A_36] : memref<327680x128xf32, #tpu.memory_space<hbm>> -> memref<160x128xf32, #tpu.memory_space<hbm>>
      %dma_start3A_38 = arith.constant 0 : i32
      %dma_start3A_39 = tpu.memref_slice %arg7[%add3A_35, %dma_start3A_38] : memref<327680x128xf32, #tpu.memory_space<hbm>> -> memref<160x128xf32, #tpu.memory_space<hbm>>
      tpu.enqueue_dma source(%arg13 : memref<160x128xf32, #tpu.memory_space<vmem>>) target(%dma_start3A_39 : memref<160x128xf32, #tpu.memory_space<hbm>>) target_semaphore(%arg21 : memref<!tpu.dma_semaphore, #tpu.memory_space<semaphore_mem>>)
      %dma_start3A_40 = arith.constant 0 : i32
      %dma_start3A_41 = tpu.memref_slice %arg8[%add3A_35, %dma_start3A_40] : memref<327680x128xf32, #tpu.memory_space<hbm>> -> memref<160x128xf32, #tpu.memory_space<hbm>>
      %dma_start3A_42 = arith.constant 0 : i32
      %dma_start3A_43 = tpu.memref_slice %arg8[%add3A_35, %dma_start3A_42] : memref<327680x128xf32, #tpu.memory_space<hbm>> -> memref<160x128xf32, #tpu.memory_space<hbm>>
      tpu.enqueue_dma source(%arg15 : memref<160x128xf32, #tpu.memory_space<vmem>>) target(%dma_start3A_43 : memref<160x128xf32, #tpu.memory_space<hbm>>) target_semaphore(%arg23 : memref<!tpu.dma_semaphore, #tpu.memory_space<semaphore_mem>>)
      %add3A_44 = arith.constant 2 : i32
      %add3A_45 = arith.addi %add3A_27, %add3A_44 : i32
      %lt3A = arith.constant 64 : i32
      %lt3A_46 = arith.cmpi slt, %add3A_45, %lt3A : i32
      %convert_element_type3A = arith.extui %lt3A_46 : i1 to i32
      %cond3A = arith.constant 0 : i32
      %cond3A_47 = arith.cmpi ne, %convert_element_type3A, %cond3A : i32
      scf.if %cond3A_47 {
        %add3A_112 = arith.constant 2 : i32
        %add3A_113 = arith.addi %add3A_27, %add3A_112 : i32
        %mul3A_114 = arith.constant 160 : i32
        %mul3A_115 = arith.muli %add3A_113, %mul3A_114 : i32
        %add3A_116 = arith.addi %mul3A_2, %mul3A_115 : i32
        "tpu.region"() ({
          %run_scoped3A = tpu.sem_alloc : memref<!tpu.dma_semaphore, #tpu.memory_space<semaphore_mem>>
          %dma_start3A_117 = tpu.memref_slice %arg4[%add3A_116] : memref<327680xi32, #tpu.memory_space<hbm>> -> memref<160xi32, #tpu.memory_space<hbm>>
          %dma_start3A_118 = tpu.memref_slice %arg4[%add3A_116] : memref<327680xi32, #tpu.memory_space<hbm>> -> memref<160xi32, #tpu.memory_space<hbm>>
          tpu.enqueue_dma source(%dma_start3A_118 : memref<160xi32, #tpu.memory_space<hbm>>) target(%arg9 : memref<160xi32, #tpu.memory_space<vmem>>) target_semaphore(%run_scoped3A : memref<!tpu.dma_semaphore, #tpu.memory_space<semaphore_mem>>)
          %dma_wait3A_119 = tpu.memref_slice %arg4[%add3A_116] : memref<327680xi32, #tpu.memory_space<hbm>> -> memref<160xi32, #tpu.memory_space<hbm>>
          %dma_wait3A_120 = tpu.memref_slice %arg4[%add3A_116] : memref<327680xi32, #tpu.memory_space<hbm>> -> memref<160xi32, #tpu.memory_space<hbm>>
          tpu.wait_dma2 semaphore(%run_scoped3A : memref<!tpu.dma_semaphore, #tpu.memory_space<semaphore_mem>>) src(%dma_wait3A_120 : memref<160xi32, #tpu.memory_space<hbm>>) dst(%arg9 : memref<160xi32, #tpu.memory_space<vmem>>)
          tpu.yield
        }) : () -> ()
        "tpu.region"() ({
          %run_scoped3A = tpu.sem_alloc : memref<!tpu.dma_semaphore, #tpu.memory_space<semaphore_mem>>
          %dma_start3A_117 = tpu.memref_slice %arg5[%add3A_116] : memref<327680xi32, #tpu.memory_space<hbm>> -> memref<160xi32, #tpu.memory_space<hbm>>
          %dma_start3A_118 = tpu.memref_slice %arg5[%add3A_116] : memref<327680xi32, #tpu.memory_space<hbm>> -> memref<160xi32, #tpu.memory_space<hbm>>
          tpu.enqueue_dma source(%dma_start3A_118 : memref<160xi32, #tpu.memory_space<hbm>>) target(%arg11 : memref<160xi32, #tpu.memory_space<vmem>>) target_semaphore(%run_scoped3A : memref<!tpu.dma_semaphore, #tpu.memory_space<semaphore_mem>>)
          %dma_wait3A_119 = tpu.memref_slice %arg5[%add3A_116] : memref<327680xi32, #tpu.memory_space<hbm>> -> memref<160xi32, #tpu.memory_space<hbm>>
          %dma_wait3A_120 = tpu.memref_slice %arg5[%add3A_116] : memref<327680xi32, #tpu.memory_space<hbm>> -> memref<160xi32, #tpu.memory_space<hbm>>
          tpu.wait_dma2 semaphore(%run_scoped3A : memref<!tpu.dma_semaphore, #tpu.memory_space<semaphore_mem>>) src(%dma_wait3A_120 : memref<160xi32, #tpu.memory_space<hbm>>) dst(%arg11 : memref<160xi32, #tpu.memory_space<vmem>>)
          tpu.yield
        }) : () -> ()
      } else {
      }
      %mul3A_48 = arith.constant 160 : i32
      %mul3A_49 = arith.muli %add3A_27, %mul3A_48 : i32
      %add3A_50 = arith.addi %mul3A_2, %mul3A_49 : i32
      %dma_wait3A_51 = arith.constant 0 : i32
      %dma_wait3A_52 = tpu.memref_slice %arg7[%add3A_50, %dma_wait3A_51] : memref<327680x128xf32, #tpu.memory_space<hbm>> -> memref<160x128xf32, #tpu.memory_space<hbm>>
      %dma_wait3A_53 = arith.constant 0 : i32
      %dma_wait3A_54 = tpu.memref_slice %arg7[%add3A_50, %dma_wait3A_53] : memref<327680x128xf32, #tpu.memory_space<hbm>> -> memref<160x128xf32, #tpu.memory_space<hbm>>
      tpu.wait_dma2 semaphore(%arg21 : memref<!tpu.dma_semaphore, #tpu.memory_space<semaphore_mem>>) src(%arg13 : memref<160x128xf32, #tpu.memory_space<vmem>>) dst(%dma_wait3A_54 : memref<160x128xf32, #tpu.memory_space<hbm>>)
      %dma_wait3A_55 = arith.constant 0 : i32
      %dma_wait3A_56 = tpu.memref_slice %arg8[%add3A_50, %dma_wait3A_55] : memref<327680x128xf32, #tpu.memory_space<hbm>> -> memref<160x128xf32, #tpu.memory_space<hbm>>
      %dma_wait3A_57 = arith.constant 0 : i32
      %dma_wait3A_58 = tpu.memref_slice %arg8[%add3A_50, %dma_wait3A_57] : memref<327680x128xf32, #tpu.memory_space<hbm>> -> memref<160x128xf32, #tpu.memory_space<hbm>>
      tpu.wait_dma2 semaphore(%arg23 : memref<!tpu.dma_semaphore, #tpu.memory_space<semaphore_mem>>) src(%arg15 : memref<160x128xf32, #tpu.memory_space<vmem>>) dst(%dma_wait3A_58 : memref<160x128xf32, #tpu.memory_space<hbm>>)
      %add3A_59 = arith.constant 2 : i32
      %add3A_60 = arith.addi %add3A_27, %add3A_59 : i32
      %lt3A_61 = arith.constant 64 : i32
      %lt3A_62 = arith.cmpi slt, %add3A_60, %lt3A_61 : i32
      %convert_element_type3A_63 = arith.extui %lt3A_62 : i1 to i32
      %cond3A_64 = arith.constant 0 : i32
      %cond3A_65 = arith.cmpi ne, %convert_element_type3A_63, %cond3A_64 : i32
      scf.if %cond3A_65 {
        %add3A_112 = arith.constant 2 : i32
        %add3A_113 = arith.addi %add3A_27, %add3A_112 : i32
        %dma_start3A_114 = arith.constant 0 : i32
        %dma_start3A_115 = arith.constant 0 : i32
        %dma_start3A_116 = tpu.memref_slice %arg2[%dma_start3A_114, %dma_start3A_115] : memref<10000x128xf32, #tpu.memory_space<hbm>> -> memref<10000x128xf32, #tpu.memory_space<hbm>>
        tpu.enqueue_indirect_dma source(%dma_start3A_116 : memref<10000x128xf32, #tpu.memory_space<hbm>>) target(%arg13 : memref<160x128xf32, #tpu.memory_space<vmem>>) offsets(%arg9 : memref<160xi32, #tpu.memory_space<vmem>>) semaphore(%arg17 : memref<!tpu.dma_semaphore, #tpu.memory_space<semaphore_mem>>)
        %dma_start3A_117 = arith.constant 0 : i32
        %dma_start3A_118 = arith.constant 0 : i32
        %dma_start3A_119 = tpu.memref_slice %arg3[%dma_start3A_117, %dma_start3A_118] : memref<10000x128xf32, #tpu.memory_space<hbm>> -> memref<10000x128xf32, #tpu.memory_space<hbm>>
        tpu.enqueue_indirect_dma source(%dma_start3A_119 : memref<10000x128xf32, #tpu.memory_space<hbm>>) target(%arg15 : memref<160x128xf32, #tpu.memory_space<vmem>>) offsets(%arg11 : memref<160xi32, #tpu.memory_space<vmem>>) semaphore(%arg19 : memref<!tpu.dma_semaphore, #tpu.memory_space<semaphore_mem>>)
      } else {
      }
      %mul3A_66 = arith.constant 2 : i32
      %mul3A_67 = arith.muli %mul3A_66, %scan3A_23 : i32
      %add3A_68 = arith.constant 1 : i32
      %add3A_69 = arith.addi %mul3A_67, %add3A_68 : i32
      %dma_wait3A_70 = arith.constant 0 : i32
      %dma_wait3A_71 = arith.constant 0 : i32
      %dma_wait3A_72 = tpu.memref_slice %arg2[%dma_wait3A_70, %dma_wait3A_71] : memref<10000x128xf32, #tpu.memory_space<hbm>> -> memref<10000x128xf32, #tpu.memory_space<hbm>>
      tpu.wait_indirect_dma semaphore(%arg18 : memref<!tpu.dma_semaphore, #tpu.memory_space<semaphore_mem>>) src(%dma_wait3A_72 : memref<10000x128xf32, #tpu.memory_space<hbm>>) dst(%arg14 : memref<160x128xf32, #tpu.memory_space<vmem>>)
      %dma_wait3A_73 = arith.constant 0 : i32
      %dma_wait3A_74 = arith.constant 0 : i32
      %dma_wait3A_75 = tpu.memref_slice %arg3[%dma_wait3A_73, %dma_wait3A_74] : memref<10000x128xf32, #tpu.memory_space<hbm>> -> memref<10000x128xf32, #tpu.memory_space<hbm>>
      tpu.wait_indirect_dma semaphore(%arg20 : memref<!tpu.dma_semaphore, #tpu.memory_space<semaphore_mem>>) src(%dma_wait3A_75 : memref<10000x128xf32, #tpu.memory_space<hbm>>) dst(%arg16 : memref<160x128xf32, #tpu.memory_space<vmem>>)
      %mul3A_76 = arith.constant 160 : i32
      %mul3A_77 = arith.muli %add3A_69, %mul3A_76 : i32
      %add3A_78 = arith.addi %mul3A_2, %mul3A_77 : i32
      %dma_start3A_79 = arith.constant 0 : i32
      %dma_start3A_80 = tpu.memref_slice %arg7[%add3A_78, %dma_start3A_79] : memref<327680x128xf32, #tpu.memory_space<hbm>> -> memref<160x128xf32, #tpu.memory_space<hbm>>
      %dma_start3A_81 = arith.constant 0 : i32
      %dma_start3A_82 = tpu.memref_slice %arg7[%add3A_78, %dma_start3A_81] : memref<327680x128xf32, #tpu.memory_space<hbm>> -> memref<160x128xf32, #tpu.memory_space<hbm>>
      tpu.enqueue_dma source(%arg14 : memref<160x128xf32, #tpu.memory_space<vmem>>) target(%dma_start3A_82 : memref<160x128xf32, #tpu.memory_space<hbm>>) target_semaphore(%arg22 : memref<!tpu.dma_semaphore, #tpu.memory_space<semaphore_mem>>)
      %dma_start3A_83 = arith.constant 0 : i32
      %dma_start3A_84 = tpu.memref_slice %arg8[%add3A_78, %dma_start3A_83] : memref<327680x128xf32, #tpu.memory_space<hbm>> -> memref<160x128xf32, #tpu.memory_space<hbm>>
      %dma_start3A_85 = arith.constant 0 : i32
      %dma_start3A_86 = tpu.memref_slice %arg8[%add3A_78, %dma_start3A_85] : memref<327680x128xf32, #tpu.memory_space<hbm>> -> memref<160x128xf32, #tpu.memory_space<hbm>>
      tpu.enqueue_dma source(%arg16 : memref<160x128xf32, #tpu.memory_space<vmem>>) target(%dma_start3A_86 : memref<160x128xf32, #tpu.memory_space<hbm>>) target_semaphore(%arg24 : memref<!tpu.dma_semaphore, #tpu.memory_space<semaphore_mem>>)
      %add3A_87 = arith.constant 2 : i32
      %add3A_88 = arith.addi %add3A_69, %add3A_87 : i32
      %lt3A_89 = arith.constant 64 : i32
      %lt3A_90 = arith.cmpi slt, %add3A_88, %lt3A_89 : i32
      %convert_element_type3A_91 = arith.extui %lt3A_90 : i1 to i32
      %cond3A_92 = arith.constant 0 : i32
      %cond3A_93 = arith.cmpi ne, %convert_element_type3A_91, %cond3A_92 : i32
      scf.if %cond3A_93 {
        %add3A_112 = arith.constant 2 : i32
        %add3A_113 = arith.addi %add3A_69, %add3A_112 : i32
        %mul3A_114 = arith.constant 160 : i32
        %mul3A_115 = arith.muli %add3A_113, %mul3A_114 : i32
        %add3A_116 = arith.addi %mul3A_2, %mul3A_115 : i32
        "tpu.region"() ({
          %run_scoped3A = tpu.sem_alloc : memref<!tpu.dma_semaphore, #tpu.memory_space<semaphore_mem>>
          %dma_start3A_117 = tpu.memref_slice %arg4[%add3A_116] : memref<327680xi32, #tpu.memory_space<hbm>> -> memref<160xi32, #tpu.memory_space<hbm>>
          %dma_start3A_118 = tpu.memref_slice %arg4[%add3A_116] : memref<327680xi32, #tpu.memory_space<hbm>> -> memref<160xi32, #tpu.memory_space<hbm>>
          tpu.enqueue_dma source(%dma_start3A_118 : memref<160xi32, #tpu.memory_space<hbm>>) target(%arg10 : memref<160xi32, #tpu.memory_space<vmem>>) target_semaphore(%run_scoped3A : memref<!tpu.dma_semaphore, #tpu.memory_space<semaphore_mem>>)
          %dma_wait3A_119 = tpu.memref_slice %arg4[%add3A_116] : memref<327680xi32, #tpu.memory_space<hbm>> -> memref<160xi32, #tpu.memory_space<hbm>>
          %dma_wait3A_120 = tpu.memref_slice %arg4[%add3A_116] : memref<327680xi32, #tpu.memory_space<hbm>> -> memref<160xi32, #tpu.memory_space<hbm>>
          tpu.wait_dma2 semaphore(%run_scoped3A : memref<!tpu.dma_semaphore, #tpu.memory_space<semaphore_mem>>) src(%dma_wait3A_120 : memref<160xi32, #tpu.memory_space<hbm>>) dst(%arg10 : memref<160xi32, #tpu.memory_space<vmem>>)
          tpu.yield
        }) : () -> ()
        "tpu.region"() ({
          %run_scoped3A = tpu.sem_alloc : memref<!tpu.dma_semaphore, #tpu.memory_space<semaphore_mem>>
          %dma_start3A_117 = tpu.memref_slice %arg5[%add3A_116] : memref<327680xi32, #tpu.memory_space<hbm>> -> memref<160xi32, #tpu.memory_space<hbm>>
          %dma_start3A_118 = tpu.memref_slice %arg5[%add3A_116] : memref<327680xi32, #tpu.memory_space<hbm>> -> memref<160xi32, #tpu.memory_space<hbm>>
          tpu.enqueue_dma source(%dma_start3A_118 : memref<160xi32, #tpu.memory_space<hbm>>) target(%arg12 : memref<160xi32, #tpu.memory_space<vmem>>) target_semaphore(%run_scoped3A : memref<!tpu.dma_semaphore, #tpu.memory_space<semaphore_mem>>)
          %dma_wait3A_119 = tpu.memref_slice %arg5[%add3A_116] : memref<327680xi32, #tpu.memory_space<hbm>> -> memref<160xi32, #tpu.memory_space<hbm>>
          %dma_wait3A_120 = tpu.memref_slice %arg5[%add3A_116] : memref<327680xi32, #tpu.memory_space<hbm>> -> memref<160xi32, #tpu.memory_space<hbm>>
          tpu.wait_dma2 semaphore(%run_scoped3A : memref<!tpu.dma_semaphore, #tpu.memory_space<semaphore_mem>>) src(%dma_wait3A_120 : memref<160xi32, #tpu.memory_space<hbm>>) dst(%arg12 : memref<160xi32, #tpu.memory_space<vmem>>)
          tpu.yield
        }) : () -> ()
      } else {
      }
      %mul3A_94 = arith.constant 160 : i32
      %mul3A_95 = arith.muli %add3A_69, %mul3A_94 : i32
      %add3A_96 = arith.addi %mul3A_2, %mul3A_95 : i32
      %dma_wait3A_97 = arith.constant 0 : i32
      %dma_wait3A_98 = tpu.memref_slice %arg7[%add3A_96, %dma_wait3A_97] : memref<327680x128xf32, #tpu.memory_space<hbm>> -> memref<160x128xf32, #tpu.memory_space<hbm>>
      %dma_wait3A_99 = arith.constant 0 : i32
      %dma_wait3A_100 = tpu.memref_slice %arg7[%add3A_96, %dma_wait3A_99] : memref<327680x128xf32, #tpu.memory_space<hbm>> -> memref<160x128xf32, #tpu.memory_space<hbm>>
      tpu.wait_dma2 semaphore(%arg22 : memref<!tpu.dma_semaphore, #tpu.memory_space<semaphore_mem>>) src(%arg14 : memref<160x128xf32, #tpu.memory_space<vmem>>) dst(%dma_wait3A_100 : memref<160x128xf32, #tpu.memory_space<hbm>>)
      %dma_wait3A_101 = arith.constant 0 : i32
      %dma_wait3A_102 = tpu.memref_slice %arg8[%add3A_96, %dma_wait3A_101] : memref<327680x128xf32, #tpu.memory_space<hbm>> -> memref<160x128xf32, #tpu.memory_space<hbm>>
      %dma_wait3A_103 = arith.constant 0 : i32
      %dma_wait3A_104 = tpu.memref_slice %arg8[%add3A_96, %dma_wait3A_103] : memref<327680x128xf32, #tpu.memory_space<hbm>> -> memref<160x128xf32, #tpu.memory_space<hbm>>
      tpu.wait_dma2 semaphore(%arg24 : memref<!tpu.dma_semaphore, #tpu.memory_space<semaphore_mem>>) src(%arg16 : memref<160x128xf32, #tpu.memory_space<vmem>>) dst(%dma_wait3A_104 : memref<160x128xf32, #tpu.memory_space<hbm>>)
      %add3A_105 = arith.constant 2 : i32
      %add3A_106 = arith.addi %add3A_69, %add3A_105 : i32
      %lt3A_107 = arith.constant 64 : i32
      %lt3A_108 = arith.cmpi slt, %add3A_106, %lt3A_107 : i32
      %convert_element_type3A_109 = arith.extui %lt3A_108 : i1 to i32
      %cond3A_110 = arith.constant 0 : i32
      %cond3A_111 = arith.cmpi ne, %convert_element_type3A_109, %cond3A_110 : i32
      scf.if %cond3A_111 {
        %add3A_112 = arith.constant 2 : i32
        %add3A_113 = arith.addi %add3A_69, %add3A_112 : i32
        %dma_start3A_114 = arith.constant 0 : i32
        %dma_start3A_115 = arith.constant 0 : i32
        %dma_start3A_116 = tpu.memref_slice %arg2[%dma_start3A_114, %dma_start3A_115] : memref<10000x128xf32, #tpu.memory_space<hbm>> -> memref<10000x128xf32, #tpu.memory_space<hbm>>
        tpu.enqueue_indirect_dma source(%dma_start3A_116 : memref<10000x128xf32, #tpu.memory_space<hbm>>) target(%arg14 : memref<160x128xf32, #tpu.memory_space<vmem>>) offsets(%arg10 : memref<160xi32, #tpu.memory_space<vmem>>) semaphore(%arg18 : memref<!tpu.dma_semaphore, #tpu.memory_space<semaphore_mem>>)
        %dma_start3A_117 = arith.constant 0 : i32
        %dma_start3A_118 = arith.constant 0 : i32
        %dma_start3A_119 = tpu.memref_slice %arg3[%dma_start3A_117, %dma_start3A_118] : memref<10000x128xf32, #tpu.memory_space<hbm>> -> memref<10000x128xf32, #tpu.memory_space<hbm>>
        tpu.enqueue_indirect_dma source(%dma_start3A_119 : memref<10000x128xf32, #tpu.memory_space<hbm>>) target(%arg16 : memref<160x128xf32, #tpu.memory_space<vmem>>) offsets(%arg12 : memref<160xi32, #tpu.memory_space<vmem>>) semaphore(%arg20 : memref<!tpu.dma_semaphore, #tpu.memory_space<semaphore_mem>>)
      } else {
      }
    }
    %scan3A_22 = arith.constant 32 : i32
    return
  }
}

#map = affine_map<(d0, d1) -> (0, 0)>
#map1 = affine_map<(d0, d1) -> (0)>
module attributes {stable_mosaic.version = 14 : i64} {
  func.func @_scatter_body(%arg0: i32, %arg1: i32, %arg2: memref<327680x64xf32, #tpu.memory_space<hbm>>, %arg3: memref<327680xi32, #tpu.memory_space<hbm>>, %arg4: memref<10240x64xf32, #tpu.memory_space<hbm>>, %arg5: memref<20480x64xf32, #tpu.memory_space<hbm>>, %arg6: memref<128xi32, #tpu.memory_space<vmem>>, %arg7: memref<128xi32, #tpu.memory_space<vmem>>, %arg8: memref<128x64xf32, #tpu.memory_space<vmem>>, %arg9: memref<128x64xf32, #tpu.memory_space<vmem>>, %arg10: memref<10240x64xf32, #tpu.memory_space<vmem_shared>>) attributes {dimension_semantics = [#tpu.dimension_semantics<core_parallel>, #tpu.dimension_semantics<subcore_parallel>], iteration_bounds = array<i64: 2, 16>, scalar_prefetch = 0 : i64, scratch_operands = 5 : i64, tpu.core_type = #tpu.core_type<sc_vector_subcore>, window_params = [{transform_indices = #map}, {transform_indices = #map1}, {transform_indices = #map}, {transform_indices = #map}]} {
    %mul3A = arith.constant 2 : i32
    %mul3A_0 = arith.muli %arg1, %mul3A : i32
    %add3A = arith.addi %mul3A_0, %arg0 : i32
    %mul3A_1 = arith.constant 640 : i32
    %mul3A_2 = arith.muli %arg1, %mul3A_1 : i32
    %mul3A_3 = arith.constant 640 : i32
    %mul3A_4 = arith.muli %arg1, %mul3A_3 : i32
    "tpu.region"() ({
      %run_scoped3A = tpu.sem_alloc : memref<!tpu.dma_semaphore, #tpu.memory_space<semaphore_mem>>
      %dma_start3A = arith.constant 0 : i32
      %dma_start3A_18 = tpu.memref_slice %arg10[%mul3A_4, %dma_start3A] : memref<10240x64xf32, #tpu.memory_space<vmem_shared>> -> memref<640x64xf32, #tpu.memory_space<vmem_shared>>
      %dma_start3A_19 = arith.constant 0 : i32
      %dma_start3A_20 = tpu.memref_slice %arg4[%mul3A_2, %dma_start3A_19] : memref<10240x64xf32, #tpu.memory_space<hbm>> -> memref<640x64xf32, #tpu.memory_space<hbm>>
      tpu.enqueue_dma source(%dma_start3A_20 : memref<640x64xf32, #tpu.memory_space<hbm>>) target(%dma_start3A_18 : memref<640x64xf32, #tpu.memory_space<vmem_shared>>) target_semaphore(%run_scoped3A : memref<!tpu.dma_semaphore, #tpu.memory_space<semaphore_mem>>)
      %dma_wait3A = arith.constant 0 : i32
      %dma_wait3A_21 = tpu.memref_slice %arg10[%mul3A_4, %dma_wait3A] : memref<10240x64xf32, #tpu.memory_space<vmem_shared>> -> memref<640x64xf32, #tpu.memory_space<vmem_shared>>
      %dma_wait3A_22 = arith.constant 0 : i32
      %dma_wait3A_23 = tpu.memref_slice %arg4[%mul3A_2, %dma_wait3A_22] : memref<10240x64xf32, #tpu.memory_space<hbm>> -> memref<640x64xf32, #tpu.memory_space<hbm>>
      tpu.wait_dma2 semaphore(%run_scoped3A : memref<!tpu.dma_semaphore, #tpu.memory_space<semaphore_mem>>) src(%dma_wait3A_23 : memref<640x64xf32, #tpu.memory_space<hbm>>) dst(%dma_wait3A_21 : memref<640x64xf32, #tpu.memory_space<vmem_shared>>)
      tpu.yield
    }) : () -> ()
    %barrier3A = arith.constant 0 : index
    tpu.barrier barrier_id(%barrier3A)
    %scan3A = arith.constant 0 : i32
    %scan3A_5 = arith.constant 0 : i32
    %scan3A_6 = arith.constant 40 : i32
    %scan3A_7 = arith.addi %scan3A_5, %scan3A_6 : i32
    %scan3A_8 = arith.constant 1 : i32
    scf.for %scan3A_18 = %scan3A_5 to %scan3A_7 step %scan3A_8  : i32 {
      %mul3A_19 = arith.constant 2 : i32
      %mul3A_20 = arith.muli %mul3A_19, %scan3A_18 : i32
      %add3A_21 = arith.constant 0 : i32
      %add3A_22 = arith.addi %mul3A_20, %add3A_21 : i32
      %mul3A_23 = arith.constant 10240 : i32
      %mul3A_24 = arith.muli %add3A, %mul3A_23 : i32
      %mul3A_25 = arith.constant 128 : i32
      %mul3A_26 = arith.muli %add3A_22, %mul3A_25 : i32
      %add3A_27 = arith.addi %mul3A_24, %mul3A_26 : i32
      "tpu.region"() ({
        %run_scoped3A = tpu.sem_alloc : memref<!tpu.dma_semaphore, #tpu.memory_space<semaphore_mem>>
        %dma_start3A = tpu.memref_slice %arg3[%add3A_27] : memref<327680xi32, #tpu.memory_space<hbm>> -> memref<128xi32, #tpu.memory_space<hbm>>
        %dma_start3A_37 = tpu.memref_slice %arg3[%add3A_27] : memref<327680xi32, #tpu.memory_space<hbm>> -> memref<128xi32, #tpu.memory_space<hbm>>
        tpu.enqueue_dma source(%dma_start3A_37 : memref<128xi32, #tpu.memory_space<hbm>>) target(%arg6 : memref<128xi32, #tpu.memory_space<vmem>>) target_semaphore(%run_scoped3A : memref<!tpu.dma_semaphore, #tpu.memory_space<semaphore_mem>>)
        %dma_wait3A = tpu.memref_slice %arg3[%add3A_27] : memref<327680xi32, #tpu.memory_space<hbm>> -> memref<128xi32, #tpu.memory_space<hbm>>
        %dma_wait3A_38 = tpu.memref_slice %arg3[%add3A_27] : memref<327680xi32, #tpu.memory_space<hbm>> -> memref<128xi32, #tpu.memory_space<hbm>>
        tpu.wait_dma2 semaphore(%run_scoped3A : memref<!tpu.dma_semaphore, #tpu.memory_space<semaphore_mem>>) src(%dma_wait3A_38 : memref<128xi32, #tpu.memory_space<hbm>>) dst(%arg6 : memref<128xi32, #tpu.memory_space<vmem>>)
        tpu.yield
      }) : () -> ()
      "tpu.region"() ({
        %run_scoped3A = tpu.sem_alloc : memref<!tpu.dma_semaphore, #tpu.memory_space<semaphore_mem>>
        %dma_start3A = arith.constant 0 : i32
        %dma_start3A_37 = tpu.memref_slice %arg2[%add3A_27, %dma_start3A] : memref<327680x64xf32, #tpu.memory_space<hbm>> -> memref<128x64xf32, #tpu.memory_space<hbm>>
        %dma_start3A_38 = arith.constant 0 : i32
        %dma_start3A_39 = tpu.memref_slice %arg2[%add3A_27, %dma_start3A_38] : memref<327680x64xf32, #tpu.memory_space<hbm>> -> memref<128x64xf32, #tpu.memory_space<hbm>>
        tpu.enqueue_dma source(%dma_start3A_39 : memref<128x64xf32, #tpu.memory_space<hbm>>) target(%arg8 : memref<128x64xf32, #tpu.memory_space<vmem>>) target_semaphore(%run_scoped3A : memref<!tpu.dma_semaphore, #tpu.memory_space<semaphore_mem>>)
        %dma_wait3A = arith.constant 0 : i32
        %dma_wait3A_40 = tpu.memref_slice %arg2[%add3A_27, %dma_wait3A] : memref<327680x64xf32, #tpu.memory_space<hbm>> -> memref<128x64xf32, #tpu.memory_space<hbm>>
        %dma_wait3A_41 = arith.constant 0 : i32
        %dma_wait3A_42 = tpu.memref_slice %arg2[%add3A_27, %dma_wait3A_41] : memref<327680x64xf32, #tpu.memory_space<hbm>> -> memref<128x64xf32, #tpu.memory_space<hbm>>
        tpu.wait_dma2 semaphore(%run_scoped3A : memref<!tpu.dma_semaphore, #tpu.memory_space<semaphore_mem>>) src(%dma_wait3A_42 : memref<128x64xf32, #tpu.memory_space<hbm>>) dst(%arg8 : memref<128x64xf32, #tpu.memory_space<vmem>>)
        tpu.yield
      }) : () -> ()
      "tpu.region"() ({
        %run_scoped3A = tpu.sem_alloc : memref<!tpu.dma_semaphore, #tpu.memory_space<semaphore_mem>>
        %dma_start3A = arith.constant 0 : i32
        %dma_start3A_37 = arith.constant 0 : i32
        %dma_start3A_38 = tpu.memref_slice %arg10[%dma_start3A, %dma_start3A_37] : memref<10240x64xf32, #tpu.memory_space<vmem_shared>> -> memref<10240x64xf32, #tpu.memory_space<vmem_shared>>
        tpu.enqueue_indirect_dma source(%arg8 : memref<128x64xf32, #tpu.memory_space<vmem>>) target(%dma_start3A_38 : memref<10240x64xf32, #tpu.memory_space<vmem_shared>>) offsets(%arg6 : memref<128xi32, #tpu.memory_space<vmem>>) semaphore(%run_scoped3A : memref<!tpu.dma_semaphore, #tpu.memory_space<semaphore_mem>>) {add = true}
        %dma_wait3A = arith.constant 0 : i32
        %dma_wait3A_39 = arith.constant 0 : i32
        %dma_wait3A_40 = tpu.memref_slice %arg10[%dma_wait3A, %dma_wait3A_39] : memref<10240x64xf32, #tpu.memory_space<vmem_shared>> -> memref<10240x64xf32, #tpu.memory_space<vmem_shared>>
        tpu.wait_indirect_dma semaphore(%run_scoped3A : memref<!tpu.dma_semaphore, #tpu.memory_space<semaphore_mem>>) src(%arg8 : memref<128x64xf32, #tpu.memory_space<vmem>>) dst(%dma_wait3A_40 : memref<10240x64xf32, #tpu.memory_space<vmem_shared>>)
        tpu.yield
      }) : () -> ()
      %mul3A_28 = arith.constant 2 : i32
      %mul3A_29 = arith.muli %mul3A_28, %scan3A_18 : i32
      %add3A_30 = arith.constant 1 : i32
      %add3A_31 = arith.addi %mul3A_29, %add3A_30 : i32
      %mul3A_32 = arith.constant 10240 : i32
      %mul3A_33 = arith.muli %add3A, %mul3A_32 : i32
      %mul3A_34 = arith.constant 128 : i32
      %mul3A_35 = arith.muli %add3A_31, %mul3A_34 : i32
      %add3A_36 = arith.addi %mul3A_33, %mul3A_35 : i32
      "tpu.region"() ({
        %run_scoped3A = tpu.sem_alloc : memref<!tpu.dma_semaphore, #tpu.memory_space<semaphore_mem>>
        %dma_start3A = tpu.memref_slice %arg3[%add3A_36] : memref<327680xi32, #tpu.memory_space<hbm>> -> memref<128xi32, #tpu.memory_space<hbm>>
        %dma_start3A_37 = tpu.memref_slice %arg3[%add3A_36] : memref<327680xi32, #tpu.memory_space<hbm>> -> memref<128xi32, #tpu.memory_space<hbm>>
        tpu.enqueue_dma source(%dma_start3A_37 : memref<128xi32, #tpu.memory_space<hbm>>) target(%arg7 : memref<128xi32, #tpu.memory_space<vmem>>) target_semaphore(%run_scoped3A : memref<!tpu.dma_semaphore, #tpu.memory_space<semaphore_mem>>)
        %dma_wait3A = tpu.memref_slice %arg3[%add3A_36] : memref<327680xi32, #tpu.memory_space<hbm>> -> memref<128xi32, #tpu.memory_space<hbm>>
        %dma_wait3A_38 = tpu.memref_slice %arg3[%add3A_36] : memref<327680xi32, #tpu.memory_space<hbm>> -> memref<128xi32, #tpu.memory_space<hbm>>
        tpu.wait_dma2 semaphore(%run_scoped3A : memref<!tpu.dma_semaphore, #tpu.memory_space<semaphore_mem>>) src(%dma_wait3A_38 : memref<128xi32, #tpu.memory_space<hbm>>) dst(%arg7 : memref<128xi32, #tpu.memory_space<vmem>>)
        tpu.yield
      }) : () -> ()
      "tpu.region"() ({
        %run_scoped3A = tpu.sem_alloc : memref<!tpu.dma_semaphore, #tpu.memory_space<semaphore_mem>>
        %dma_start3A = arith.constant 0 : i32
        %dma_start3A_37 = tpu.memref_slice %arg2[%add3A_36, %dma_start3A] : memref<327680x64xf32, #tpu.memory_space<hbm>> -> memref<128x64xf32, #tpu.memory_space<hbm>>
        %dma_start3A_38 = arith.constant 0 : i32
        %dma_start3A_39 = tpu.memref_slice %arg2[%add3A_36, %dma_start3A_38] : memref<327680x64xf32, #tpu.memory_space<hbm>> -> memref<128x64xf32, #tpu.memory_space<hbm>>
        tpu.enqueue_dma source(%dma_start3A_39 : memref<128x64xf32, #tpu.memory_space<hbm>>) target(%arg9 : memref<128x64xf32, #tpu.memory_space<vmem>>) target_semaphore(%run_scoped3A : memref<!tpu.dma_semaphore, #tpu.memory_space<semaphore_mem>>)
        %dma_wait3A = arith.constant 0 : i32
        %dma_wait3A_40 = tpu.memref_slice %arg2[%add3A_36, %dma_wait3A] : memref<327680x64xf32, #tpu.memory_space<hbm>> -> memref<128x64xf32, #tpu.memory_space<hbm>>
        %dma_wait3A_41 = arith.constant 0 : i32
        %dma_wait3A_42 = tpu.memref_slice %arg2[%add3A_36, %dma_wait3A_41] : memref<327680x64xf32, #tpu.memory_space<hbm>> -> memref<128x64xf32, #tpu.memory_space<hbm>>
        tpu.wait_dma2 semaphore(%run_scoped3A : memref<!tpu.dma_semaphore, #tpu.memory_space<semaphore_mem>>) src(%dma_wait3A_42 : memref<128x64xf32, #tpu.memory_space<hbm>>) dst(%arg9 : memref<128x64xf32, #tpu.memory_space<vmem>>)
        tpu.yield
      }) : () -> ()
      "tpu.region"() ({
        %run_scoped3A = tpu.sem_alloc : memref<!tpu.dma_semaphore, #tpu.memory_space<semaphore_mem>>
        %dma_start3A = arith.constant 0 : i32
        %dma_start3A_37 = arith.constant 0 : i32
        %dma_start3A_38 = tpu.memref_slice %arg10[%dma_start3A, %dma_start3A_37] : memref<10240x64xf32, #tpu.memory_space<vmem_shared>> -> memref<10240x64xf32, #tpu.memory_space<vmem_shared>>
        tpu.enqueue_indirect_dma source(%arg9 : memref<128x64xf32, #tpu.memory_space<vmem>>) target(%dma_start3A_38 : memref<10240x64xf32, #tpu.memory_space<vmem_shared>>) offsets(%arg7 : memref<128xi32, #tpu.memory_space<vmem>>) semaphore(%run_scoped3A : memref<!tpu.dma_semaphore, #tpu.memory_space<semaphore_mem>>) {add = true}
        %dma_wait3A = arith.constant 0 : i32
        %dma_wait3A_39 = arith.constant 0 : i32
        %dma_wait3A_40 = tpu.memref_slice %arg10[%dma_wait3A, %dma_wait3A_39] : memref<10240x64xf32, #tpu.memory_space<vmem_shared>> -> memref<10240x64xf32, #tpu.memory_space<vmem_shared>>
        tpu.wait_indirect_dma semaphore(%run_scoped3A : memref<!tpu.dma_semaphore, #tpu.memory_space<semaphore_mem>>) src(%arg9 : memref<128x64xf32, #tpu.memory_space<vmem>>) dst(%dma_wait3A_40 : memref<10240x64xf32, #tpu.memory_space<vmem_shared>>)
        tpu.yield
      }) : () -> ()
    }
    %scan3A_9 = arith.constant 40 : i32
    %barrier3A_10 = arith.constant 0 : index
    tpu.barrier barrier_id(%barrier3A_10)
    %mul3A_11 = arith.constant 640 : i32
    %mul3A_12 = arith.muli %arg1, %mul3A_11 : i32
    %mul3A_13 = arith.constant 10240 : i32
    %mul3A_14 = arith.muli %arg0, %mul3A_13 : i32
    %mul3A_15 = arith.constant 640 : i32
    %mul3A_16 = arith.muli %arg1, %mul3A_15 : i32
    %add3A_17 = arith.addi %mul3A_14, %mul3A_16 : i32
    "tpu.region"() ({
      %run_scoped3A = tpu.sem_alloc : memref<!tpu.dma_semaphore, #tpu.memory_space<semaphore_mem>>
      %dma_start3A = arith.constant 0 : i32
      %dma_start3A_18 = tpu.memref_slice %arg5[%add3A_17, %dma_start3A] : memref<20480x64xf32, #tpu.memory_space<hbm>> -> memref<640x64xf32, #tpu.memory_space<hbm>>
      %dma_start3A_19 = arith.constant 0 : i32
      %dma_start3A_20 = tpu.memref_slice %arg10[%mul3A_12, %dma_start3A_19] : memref<10240x64xf32, #tpu.memory_space<vmem_shared>> -> memref<640x64xf32, #tpu.memory_space<vmem_shared>>
      tpu.enqueue_dma source(%dma_start3A_20 : memref<640x64xf32, #tpu.memory_space<vmem_shared>>) target(%dma_start3A_18 : memref<640x64xf32, #tpu.memory_space<hbm>>) target_semaphore(%run_scoped3A : memref<!tpu.dma_semaphore, #tpu.memory_space<semaphore_mem>>)
      %dma_wait3A = arith.constant 0 : i32
      %dma_wait3A_21 = tpu.memref_slice %arg5[%add3A_17, %dma_wait3A] : memref<20480x64xf32, #tpu.memory_space<hbm>> -> memref<640x64xf32, #tpu.memory_space<hbm>>
      %dma_wait3A_22 = arith.constant 0 : i32
      %dma_wait3A_23 = tpu.memref_slice %arg10[%mul3A_12, %dma_wait3A_22] : memref<10240x64xf32, #tpu.memory_space<vmem_shared>> -> memref<640x64xf32, #tpu.memory_space<vmem_shared>>
      tpu.wait_dma2 semaphore(%run_scoped3A : memref<!tpu.dma_semaphore, #tpu.memory_space<semaphore_mem>>) src(%dma_wait3A_23 : memref<640x64xf32, #tpu.memory_space<vmem_shared>>) dst(%dma_wait3A_21 : memref<640x64xf32, #tpu.memory_space<hbm>>)
      tpu.yield
    }) : () -> ()
    return
  }
}

#map = affine_map<(d0, d1) -> (0, 0)>
#map1 = affine_map<(d0, d1) -> (0)>
module attributes {stable_mosaic.version = 14 : i64} {
  func.func @_gather_body(%arg0: i32, %arg1: i32, %arg2: memref<10000x128xf32, #tpu.memory_space<hbm>>, %arg3: memref<10000x128xf32, #tpu.memory_space<hbm>>, %arg4: memref<327680xi32, #tpu.memory_space<hbm>>, %arg5: memref<327680xi32, #tpu.memory_space<hbm>>, %arg6: memref<20480x64xf32, #tpu.memory_space<hbm>>, %arg7: memref<327680x128xf32, #tpu.memory_space<hbm>>, %arg8: memref<327680x128xf32, #tpu.memory_space<hbm>>, %arg9: memref<160xi32, #tpu.memory_space<vmem>>, %arg10: memref<160xi32, #tpu.memory_space<vmem>>, %arg11: memref<160xi32, #tpu.memory_space<vmem>>, %arg12: memref<160xi32, #tpu.memory_space<vmem>>, %arg13: memref<160x128xf32, #tpu.memory_space<vmem>>, %arg14: memref<160x128xf32, #tpu.memory_space<vmem>>, %arg15: memref<160x128xf32, #tpu.memory_space<vmem>>, %arg16: memref<160x128xf32, #tpu.memory_space<vmem>>, %arg17: memref<!tpu.dma_semaphore, #tpu.memory_space<semaphore_mem>>, %arg18: memref<!tpu.dma_semaphore, #tpu.memory_space<semaphore_mem>>, %arg19: memref<!tpu.dma_semaphore, #tpu.memory_space<semaphore_mem>>, %arg20: memref<!tpu.dma_semaphore, #tpu.memory_space<semaphore_mem>>, %arg21: memref<!tpu.dma_semaphore, #tpu.memory_space<semaphore_mem>>, %arg22: memref<!tpu.dma_semaphore, #tpu.memory_space<semaphore_mem>>, %arg23: memref<!tpu.dma_semaphore, #tpu.memory_space<semaphore_mem>>, %arg24: memref<!tpu.dma_semaphore, #tpu.memory_space<semaphore_mem>>) attributes {dimension_semantics = [#tpu.dimension_semantics<core_parallel>, #tpu.dimension_semantics<subcore_parallel>], iteration_bounds = array<i64: 2, 16>, scalar_prefetch = 0 : i64, scratch_operands = 16 : i64, tpu.core_type = #tpu.core_type<sc_vector_subcore>, window_params = [{transform_indices = #map}, {transform_indices = #map}, {transform_indices = #map1}, {transform_indices = #map1}, {transform_indices = #map}, {transform_indices = #map}, {transform_indices = #map}]} {
    %mul3A = arith.constant 2 : i32
    %mul3A_0 = arith.muli %arg1, %mul3A : i32
    %add3A = arith.addi %mul3A_0, %arg0 : i32
    %mul3A_1 = arith.constant 10240 : i32
    %mul3A_2 = arith.muli %add3A, %mul3A_1 : i32
    %add3A_3 = arith.constant 0 : i32
    %add3A_4 = arith.addi %mul3A_2, %add3A_3 : i32
    "tpu.region"() ({
      %run_scoped3A = tpu.sem_alloc : memref<!tpu.dma_semaphore, #tpu.memory_space<semaphore_mem>>
      %dma_start3A_23 = tpu.memref_slice %arg4[%add3A_4] : memref<327680xi32, #tpu.memory_space<hbm>> -> memref<160xi32, #tpu.memory_space<hbm>>
      %dma_start3A_24 = tpu.memref_slice %arg4[%add3A_4] : memref<327680xi32, #tpu.memory_space<hbm>> -> memref<160xi32, #tpu.memory_space<hbm>>
      tpu.enqueue_dma source(%dma_start3A_24 : memref<160xi32, #tpu.memory_space<hbm>>) target(%arg9 : memref<160xi32, #tpu.memory_space<vmem>>) target_semaphore(%run_scoped3A : memref<!tpu.dma_semaphore, #tpu.memory_space<semaphore_mem>>)
      %dma_wait3A = tpu.memref_slice %arg4[%add3A_4] : memref<327680xi32, #tpu.memory_space<hbm>> -> memref<160xi32, #tpu.memory_space<hbm>>
      %dma_wait3A_25 = tpu.memref_slice %arg4[%add3A_4] : memref<327680xi32, #tpu.memory_space<hbm>> -> memref<160xi32, #tpu.memory_space<hbm>>
      tpu.wait_dma2 semaphore(%run_scoped3A : memref<!tpu.dma_semaphore, #tpu.memory_space<semaphore_mem>>) src(%dma_wait3A_25 : memref<160xi32, #tpu.memory_space<hbm>>) dst(%arg9 : memref<160xi32, #tpu.memory_space<vmem>>)
      tpu.yield
    }) : () -> ()
    "tpu.region"() ({
      %run_scoped3A = tpu.sem_alloc : memref<!tpu.dma_semaphore, #tpu.memory_space<semaphore_mem>>
      %dma_start3A_23 = tpu.memref_slice %arg5[%add3A_4] : memref<327680xi32, #tpu.memory_space<hbm>> -> memref<160xi32, #tpu.memory_space<hbm>>
      %dma_start3A_24 = tpu.memref_slice %arg5[%add3A_4] : memref<327680xi32, #tpu.memory_space<hbm>> -> memref<160xi32, #tpu.memory_space<hbm>>
      tpu.enqueue_dma source(%dma_start3A_24 : memref<160xi32, #tpu.memory_space<hbm>>) target(%arg11 : memref<160xi32, #tpu.memory_space<vmem>>) target_semaphore(%run_scoped3A : memref<!tpu.dma_semaphore, #tpu.memory_space<semaphore_mem>>)
      %dma_wait3A = tpu.memref_slice %arg5[%add3A_4] : memref<327680xi32, #tpu.memory_space<hbm>> -> memref<160xi32, #tpu.memory_space<hbm>>
      %dma_wait3A_25 = tpu.memref_slice %arg5[%add3A_4] : memref<327680xi32, #tpu.memory_space<hbm>> -> memref<160xi32, #tpu.memory_space<hbm>>
      tpu.wait_dma2 semaphore(%run_scoped3A : memref<!tpu.dma_semaphore, #tpu.memory_space<semaphore_mem>>) src(%dma_wait3A_25 : memref<160xi32, #tpu.memory_space<hbm>>) dst(%arg11 : memref<160xi32, #tpu.memory_space<vmem>>)
      tpu.yield
    }) : () -> ()
    %dma_start3A = arith.constant 0 : i32
    %dma_start3A_5 = arith.constant 0 : i32
    %dma_start3A_6 = tpu.memref_slice %arg2[%dma_start3A, %dma_start3A_5] : memref<10000x128xf32, #tpu.memory_space<hbm>> -> memref<10000x128xf32, #tpu.memory_space<hbm>>
    tpu.enqueue_indirect_dma source(%dma_start3A_6 : memref<10000x128xf32, #tpu.memory_space<hbm>>) target(%arg13 : memref<160x128xf32, #tpu.memory_space<vmem>>) offsets(%arg9 : memref<160xi32, #tpu.memory_space<vmem>>) semaphore(%arg17 : memref<!tpu.dma_semaphore, #tpu.memory_space<semaphore_mem>>)
    %dma_start3A_7 = arith.constant 0 : i32
    %dma_start3A_8 = arith.constant 0 : i32
    %dma_start3A_9 = tpu.memref_slice %arg3[%dma_start3A_7, %dma_start3A_8] : memref<10000x128xf32, #tpu.memory_space<hbm>> -> memref<10000x128xf32, #tpu.memory_space<hbm>>
    tpu.enqueue_indirect_dma source(%dma_start3A_9 : memref<10000x128xf32, #tpu.memory_space<hbm>>) target(%arg15 : memref<160x128xf32, #tpu.memory_space<vmem>>) offsets(%arg11 : memref<160xi32, #tpu.memory_space<vmem>>) semaphore(%arg19 : memref<!tpu.dma_semaphore, #tpu.memory_space<semaphore_mem>>)
    %add3A_10 = arith.constant 160 : i32
    %add3A_11 = arith.addi %mul3A_2, %add3A_10 : i32
    "tpu.region"() ({
      %run_scoped3A = tpu.sem_alloc : memref<!tpu.dma_semaphore, #tpu.memory_space<semaphore_mem>>
      %dma_start3A_23 = tpu.memref_slice %arg4[%add3A_11] : memref<327680xi32, #tpu.memory_space<hbm>> -> memref<160xi32, #tpu.memory_space<hbm>>
      %dma_start3A_24 = tpu.memref_slice %arg4[%add3A_11] : memref<327680xi32, #tpu.memory_space<hbm>> -> memref<160xi32, #tpu.memory_space<hbm>>
      tpu.enqueue_dma source(%dma_start3A_24 : memref<160xi32, #tpu.memory_space<hbm>>) target(%arg10 : memref<160xi32, #tpu.memory_space<vmem>>) target_semaphore(%run_scoped3A : memref<!tpu.dma_semaphore, #tpu.memory_space<semaphore_mem>>)
      %dma_wait3A = tpu.memref_slice %arg4[%add3A_11] : memref<327680xi32, #tpu.memory_space<hbm>> -> memref<160xi32, #tpu.memory_space<hbm>>
      %dma_wait3A_25 = tpu.memref_slice %arg4[%add3A_11] : memref<327680xi32, #tpu.memory_space<hbm>> -> memref<160xi32, #tpu.memory_space<hbm>>
      tpu.wait_dma2 semaphore(%run_scoped3A : memref<!tpu.dma_semaphore, #tpu.memory_space<semaphore_mem>>) src(%dma_wait3A_25 : memref<160xi32, #tpu.memory_space<hbm>>) dst(%arg10 : memref<160xi32, #tpu.memory_space<vmem>>)
      tpu.yield
    }) : () -> ()
    "tpu.region"() ({
      %run_scoped3A = tpu.sem_alloc : memref<!tpu.dma_semaphore, #tpu.memory_space<semaphore_mem>>
      %dma_start3A_23 = tpu.memref_slice %arg5[%add3A_11] : memref<327680xi32, #tpu.memory_space<hbm>> -> memref<160xi32, #tpu.memory_space<hbm>>
      %dma_start3A_24 = tpu.memref_slice %arg5[%add3A_11] : memref<327680xi32, #tpu.memory_space<hbm>> -> memref<160xi32, #tpu.memory_space<hbm>>
      tpu.enqueue_dma source(%dma_start3A_24 : memref<160xi32, #tpu.memory_space<hbm>>) target(%arg12 : memref<160xi32, #tpu.memory_space<vmem>>) target_semaphore(%run_scoped3A : memref<!tpu.dma_semaphore, #tpu.memory_space<semaphore_mem>>)
      %dma_wait3A = tpu.memref_slice %arg5[%add3A_11] : memref<327680xi32, #tpu.memory_space<hbm>> -> memref<160xi32, #tpu.memory_space<hbm>>
      %dma_wait3A_25 = tpu.memref_slice %arg5[%add3A_11] : memref<327680xi32, #tpu.memory_space<hbm>> -> memref<160xi32, #tpu.memory_space<hbm>>
      tpu.wait_dma2 semaphore(%run_scoped3A : memref<!tpu.dma_semaphore, #tpu.memory_space<semaphore_mem>>) src(%dma_wait3A_25 : memref<160xi32, #tpu.memory_space<hbm>>) dst(%arg12 : memref<160xi32, #tpu.memory_space<vmem>>)
      tpu.yield
    }) : () -> ()
    %dma_start3A_12 = arith.constant 0 : i32
    %dma_start3A_13 = arith.constant 0 : i32
    %dma_start3A_14 = tpu.memref_slice %arg2[%dma_start3A_12, %dma_start3A_13] : memref<10000x128xf32, #tpu.memory_space<hbm>> -> memref<10000x128xf32, #tpu.memory_space<hbm>>
    tpu.enqueue_indirect_dma source(%dma_start3A_14 : memref<10000x128xf32, #tpu.memory_space<hbm>>) target(%arg14 : memref<160x128xf32, #tpu.memory_space<vmem>>) offsets(%arg10 : memref<160xi32, #tpu.memory_space<vmem>>) semaphore(%arg18 : memref<!tpu.dma_semaphore, #tpu.memory_space<semaphore_mem>>)
    %dma_start3A_15 = arith.constant 0 : i32
    %dma_start3A_16 = arith.constant 0 : i32
    %dma_start3A_17 = tpu.memref_slice %arg3[%dma_start3A_15, %dma_start3A_16] : memref<10000x128xf32, #tpu.memory_space<hbm>> -> memref<10000x128xf32, #tpu.memory_space<hbm>>
    tpu.enqueue_indirect_dma source(%dma_start3A_17 : memref<10000x128xf32, #tpu.memory_space<hbm>>) target(%arg16 : memref<160x128xf32, #tpu.memory_space<vmem>>) offsets(%arg12 : memref<160xi32, #tpu.memory_space<vmem>>) semaphore(%arg20 : memref<!tpu.dma_semaphore, #tpu.memory_space<semaphore_mem>>)
    %scan3A = arith.constant 0 : i32
    %scan3A_18 = arith.constant 0 : i32
    %scan3A_19 = arith.constant 32 : i32
    %scan3A_20 = arith.addi %scan3A_18, %scan3A_19 : i32
    %scan3A_21 = arith.constant 1 : i32
    scf.for %scan3A_23 = %scan3A_18 to %scan3A_20 step %scan3A_21  : i32 {
      %mul3A_24 = arith.constant 2 : i32
      %mul3A_25 = arith.muli %mul3A_24, %scan3A_23 : i32
      %add3A_26 = arith.constant 0 : i32
      %add3A_27 = arith.addi %mul3A_25, %add3A_26 : i32
      %dma_wait3A = arith.constant 0 : i32
      %dma_wait3A_28 = arith.constant 0 : i32
      %dma_wait3A_29 = tpu.memref_slice %arg2[%dma_wait3A, %dma_wait3A_28] : memref<10000x128xf32, #tpu.memory_space<hbm>> -> memref<10000x128xf32, #tpu.memory_space<hbm>>
      tpu.wait_indirect_dma semaphore(%arg17 : memref<!tpu.dma_semaphore, #tpu.memory_space<semaphore_mem>>) src(%dma_wait3A_29 : memref<10000x128xf32, #tpu.memory_space<hbm>>) dst(%arg13 : memref<160x128xf32, #tpu.memory_space<vmem>>)
      %dma_wait3A_30 = arith.constant 0 : i32
      %dma_wait3A_31 = arith.constant 0 : i32
      %dma_wait3A_32 = tpu.memref_slice %arg3[%dma_wait3A_30, %dma_wait3A_31] : memref<10000x128xf32, #tpu.memory_space<hbm>> -> memref<10000x128xf32, #tpu.memory_space<hbm>>
      tpu.wait_indirect_dma semaphore(%arg19 : memref<!tpu.dma_semaphore, #tpu.memory_space<semaphore_mem>>) src(%dma_wait3A_32 : memref<10000x128xf32, #tpu.memory_space<hbm>>) dst(%arg15 : memref<160x128xf32, #tpu.memory_space<vmem>>)
      %mul3A_33 = arith.constant 160 : i32
      %mul3A_34 = arith.muli %add3A_27, %mul3A_33 : i32
      %add3A_35 = arith.addi %mul3A_2, %mul3A_34 : i32
      %dma_start3A_36 = arith.constant 0 : i32
      %dma_start3A_37 = tpu.memref_slice %arg7[%add3A_35, %dma_start3A_36] : memref<327680x128xf32, #tpu.memory_space<hbm>> -> memref<160x128xf32, #tpu.memory_space<hbm>>
      %dma_start3A_38 = arith.constant 0 : i32
      %dma_start3A_39 = tpu.memref_slice %arg7[%add3A_35, %dma_start3A_38] : memref<327680x128xf32, #tpu.memory_space<hbm>> -> memref<160x128xf32, #tpu.memory_space<hbm>>
      tpu.enqueue_dma source(%arg13 : memref<160x128xf32, #tpu.memory_space<vmem>>) target(%dma_start3A_39 : memref<160x128xf32, #tpu.memory_space<hbm>>) target_semaphore(%arg21 : memref<!tpu.dma_semaphore, #tpu.memory_space<semaphore_mem>>)
      %dma_start3A_40 = arith.constant 0 : i32
      %dma_start3A_41 = tpu.memref_slice %arg8[%add3A_35, %dma_start3A_40] : memref<327680x128xf32, #tpu.memory_space<hbm>> -> memref<160x128xf32, #tpu.memory_space<hbm>>
      %dma_start3A_42 = arith.constant 0 : i32
      %dma_start3A_43 = tpu.memref_slice %arg8[%add3A_35, %dma_start3A_42] : memref<327680x128xf32, #tpu.memory_space<hbm>> -> memref<160x128xf32, #tpu.memory_space<hbm>>
      tpu.enqueue_dma source(%arg15 : memref<160x128xf32, #tpu.memory_space<vmem>>) target(%dma_start3A_43 : memref<160x128xf32, #tpu.memory_space<hbm>>) target_semaphore(%arg23 : memref<!tpu.dma_semaphore, #tpu.memory_space<semaphore_mem>>)
      %add3A_44 = arith.constant 2 : i32
      %add3A_45 = arith.addi %add3A_27, %add3A_44 : i32
      %lt3A = arith.constant 64 : i32
      %lt3A_46 = arith.cmpi slt, %add3A_45, %lt3A : i32
      %convert_element_type3A = arith.extui %lt3A_46 : i1 to i32
      %cond3A = arith.constant 0 : i32
      %cond3A_47 = arith.cmpi ne, %convert_element_type3A, %cond3A : i32
      scf.if %cond3A_47 {
        %add3A_112 = arith.constant 2 : i32
        %add3A_113 = arith.addi %add3A_27, %add3A_112 : i32
        %mul3A_114 = arith.constant 160 : i32
        %mul3A_115 = arith.muli %add3A_113, %mul3A_114 : i32
        %add3A_116 = arith.addi %mul3A_2, %mul3A_115 : i32
        "tpu.region"() ({
          %run_scoped3A = tpu.sem_alloc : memref<!tpu.dma_semaphore, #tpu.memory_space<semaphore_mem>>
          %dma_start3A_117 = tpu.memref_slice %arg4[%add3A_116] : memref<327680xi32, #tpu.memory_space<hbm>> -> memref<160xi32, #tpu.memory_space<hbm>>
          %dma_start3A_118 = tpu.memref_slice %arg4[%add3A_116] : memref<327680xi32, #tpu.memory_space<hbm>> -> memref<160xi32, #tpu.memory_space<hbm>>
          tpu.enqueue_dma source(%dma_start3A_118 : memref<160xi32, #tpu.memory_space<hbm>>) target(%arg9 : memref<160xi32, #tpu.memory_space<vmem>>) target_semaphore(%run_scoped3A : memref<!tpu.dma_semaphore, #tpu.memory_space<semaphore_mem>>)
          %dma_wait3A_119 = tpu.memref_slice %arg4[%add3A_116] : memref<327680xi32, #tpu.memory_space<hbm>> -> memref<160xi32, #tpu.memory_space<hbm>>
          %dma_wait3A_120 = tpu.memref_slice %arg4[%add3A_116] : memref<327680xi32, #tpu.memory_space<hbm>> -> memref<160xi32, #tpu.memory_space<hbm>>
          tpu.wait_dma2 semaphore(%run_scoped3A : memref<!tpu.dma_semaphore, #tpu.memory_space<semaphore_mem>>) src(%dma_wait3A_120 : memref<160xi32, #tpu.memory_space<hbm>>) dst(%arg9 : memref<160xi32, #tpu.memory_space<vmem>>)
          tpu.yield
        }) : () -> ()
        "tpu.region"() ({
          %run_scoped3A = tpu.sem_alloc : memref<!tpu.dma_semaphore, #tpu.memory_space<semaphore_mem>>
          %dma_start3A_117 = tpu.memref_slice %arg5[%add3A_116] : memref<327680xi32, #tpu.memory_space<hbm>> -> memref<160xi32, #tpu.memory_space<hbm>>
          %dma_start3A_118 = tpu.memref_slice %arg5[%add3A_116] : memref<327680xi32, #tpu.memory_space<hbm>> -> memref<160xi32, #tpu.memory_space<hbm>>
          tpu.enqueue_dma source(%dma_start3A_118 : memref<160xi32, #tpu.memory_space<hbm>>) target(%arg11 : memref<160xi32, #tpu.memory_space<vmem>>) target_semaphore(%run_scoped3A : memref<!tpu.dma_semaphore, #tpu.memory_space<semaphore_mem>>)
          %dma_wait3A_119 = tpu.memref_slice %arg5[%add3A_116] : memref<327680xi32, #tpu.memory_space<hbm>> -> memref<160xi32, #tpu.memory_space<hbm>>
          %dma_wait3A_120 = tpu.memref_slice %arg5[%add3A_116] : memref<327680xi32, #tpu.memory_space<hbm>> -> memref<160xi32, #tpu.memory_space<hbm>>
          tpu.wait_dma2 semaphore(%run_scoped3A : memref<!tpu.dma_semaphore, #tpu.memory_space<semaphore_mem>>) src(%dma_wait3A_120 : memref<160xi32, #tpu.memory_space<hbm>>) dst(%arg11 : memref<160xi32, #tpu.memory_space<vmem>>)
          tpu.yield
        }) : () -> ()
      } else {
      }
      %mul3A_48 = arith.constant 160 : i32
      %mul3A_49 = arith.muli %add3A_27, %mul3A_48 : i32
      %add3A_50 = arith.addi %mul3A_2, %mul3A_49 : i32
      %dma_wait3A_51 = arith.constant 0 : i32
      %dma_wait3A_52 = tpu.memref_slice %arg7[%add3A_50, %dma_wait3A_51] : memref<327680x128xf32, #tpu.memory_space<hbm>> -> memref<160x128xf32, #tpu.memory_space<hbm>>
      %dma_wait3A_53 = arith.constant 0 : i32
      %dma_wait3A_54 = tpu.memref_slice %arg7[%add3A_50, %dma_wait3A_53] : memref<327680x128xf32, #tpu.memory_space<hbm>> -> memref<160x128xf32, #tpu.memory_space<hbm>>
      tpu.wait_dma2 semaphore(%arg21 : memref<!tpu.dma_semaphore, #tpu.memory_space<semaphore_mem>>) src(%arg13 : memref<160x128xf32, #tpu.memory_space<vmem>>) dst(%dma_wait3A_54 : memref<160x128xf32, #tpu.memory_space<hbm>>)
      %dma_wait3A_55 = arith.constant 0 : i32
      %dma_wait3A_56 = tpu.memref_slice %arg8[%add3A_50, %dma_wait3A_55] : memref<327680x128xf32, #tpu.memory_space<hbm>> -> memref<160x128xf32, #tpu.memory_space<hbm>>
      %dma_wait3A_57 = arith.constant 0 : i32
      %dma_wait3A_58 = tpu.memref_slice %arg8[%add3A_50, %dma_wait3A_57] : memref<327680x128xf32, #tpu.memory_space<hbm>> -> memref<160x128xf32, #tpu.memory_space<hbm>>
      tpu.wait_dma2 semaphore(%arg23 : memref<!tpu.dma_semaphore, #tpu.memory_space<semaphore_mem>>) src(%arg15 : memref<160x128xf32, #tpu.memory_space<vmem>>) dst(%dma_wait3A_58 : memref<160x128xf32, #tpu.memory_space<hbm>>)
      %add3A_59 = arith.constant 2 : i32
      %add3A_60 = arith.addi %add3A_27, %add3A_59 : i32
      %lt3A_61 = arith.constant 64 : i32
      %lt3A_62 = arith.cmpi slt, %add3A_60, %lt3A_61 : i32
      %convert_element_type3A_63 = arith.extui %lt3A_62 : i1 to i32
      %cond3A_64 = arith.constant 0 : i32
      %cond3A_65 = arith.cmpi ne, %convert_element_type3A_63, %cond3A_64 : i32
      scf.if %cond3A_65 {
        %add3A_112 = arith.constant 2 : i32
        %add3A_113 = arith.addi %add3A_27, %add3A_112 : i32
        %dma_start3A_114 = arith.constant 0 : i32
        %dma_start3A_115 = arith.constant 0 : i32
        %dma_start3A_116 = tpu.memref_slice %arg2[%dma_start3A_114, %dma_start3A_115] : memref<10000x128xf32, #tpu.memory_space<hbm>> -> memref<10000x128xf32, #tpu.memory_space<hbm>>
        tpu.enqueue_indirect_dma source(%dma_start3A_116 : memref<10000x128xf32, #tpu.memory_space<hbm>>) target(%arg13 : memref<160x128xf32, #tpu.memory_space<vmem>>) offsets(%arg9 : memref<160xi32, #tpu.memory_space<vmem>>) semaphore(%arg17 : memref<!tpu.dma_semaphore, #tpu.memory_space<semaphore_mem>>)
        %dma_start3A_117 = arith.constant 0 : i32
        %dma_start3A_118 = arith.constant 0 : i32
        %dma_start3A_119 = tpu.memref_slice %arg3[%dma_start3A_117, %dma_start3A_118] : memref<10000x128xf32, #tpu.memory_space<hbm>> -> memref<10000x128xf32, #tpu.memory_space<hbm>>
        tpu.enqueue_indirect_dma source(%dma_start3A_119 : memref<10000x128xf32, #tpu.memory_space<hbm>>) target(%arg15 : memref<160x128xf32, #tpu.memory_space<vmem>>) offsets(%arg11 : memref<160xi32, #tpu.memory_space<vmem>>) semaphore(%arg19 : memref<!tpu.dma_semaphore, #tpu.memory_space<semaphore_mem>>)
      } else {
      }
      %mul3A_66 = arith.constant 2 : i32
      %mul3A_67 = arith.muli %mul3A_66, %scan3A_23 : i32
      %add3A_68 = arith.constant 1 : i32
      %add3A_69 = arith.addi %mul3A_67, %add3A_68 : i32
      %dma_wait3A_70 = arith.constant 0 : i32
      %dma_wait3A_71 = arith.constant 0 : i32
      %dma_wait3A_72 = tpu.memref_slice %arg2[%dma_wait3A_70, %dma_wait3A_71] : memref<10000x128xf32, #tpu.memory_space<hbm>> -> memref<10000x128xf32, #tpu.memory_space<hbm>>
      tpu.wait_indirect_dma semaphore(%arg18 : memref<!tpu.dma_semaphore, #tpu.memory_space<semaphore_mem>>) src(%dma_wait3A_72 : memref<10000x128xf32, #tpu.memory_space<hbm>>) dst(%arg14 : memref<160x128xf32, #tpu.memory_space<vmem>>)
      %dma_wait3A_73 = arith.constant 0 : i32
      %dma_wait3A_74 = arith.constant 0 : i32
      %dma_wait3A_75 = tpu.memref_slice %arg3[%dma_wait3A_73, %dma_wait3A_74] : memref<10000x128xf32, #tpu.memory_space<hbm>> -> memref<10000x128xf32, #tpu.memory_space<hbm>>
      tpu.wait_indirect_dma semaphore(%arg20 : memref<!tpu.dma_semaphore, #tpu.memory_space<semaphore_mem>>) src(%dma_wait3A_75 : memref<10000x128xf32, #tpu.memory_space<hbm>>) dst(%arg16 : memref<160x128xf32, #tpu.memory_space<vmem>>)
      %mul3A_76 = arith.constant 160 : i32
      %mul3A_77 = arith.muli %add3A_69, %mul3A_76 : i32
      %add3A_78 = arith.addi %mul3A_2, %mul3A_77 : i32
      %dma_start3A_79 = arith.constant 0 : i32
      %dma_start3A_80 = tpu.memref_slice %arg7[%add3A_78, %dma_start3A_79] : memref<327680x128xf32, #tpu.memory_space<hbm>> -> memref<160x128xf32, #tpu.memory_space<hbm>>
      %dma_start3A_81 = arith.constant 0 : i32
      %dma_start3A_82 = tpu.memref_slice %arg7[%add3A_78, %dma_start3A_81] : memref<327680x128xf32, #tpu.memory_space<hbm>> -> memref<160x128xf32, #tpu.memory_space<hbm>>
      tpu.enqueue_dma source(%arg14 : memref<160x128xf32, #tpu.memory_space<vmem>>) target(%dma_start3A_82 : memref<160x128xf32, #tpu.memory_space<hbm>>) target_semaphore(%arg22 : memref<!tpu.dma_semaphore, #tpu.memory_space<semaphore_mem>>)
      %dma_start3A_83 = arith.constant 0 : i32
      %dma_start3A_84 = tpu.memref_slice %arg8[%add3A_78, %dma_start3A_83] : memref<327680x128xf32, #tpu.memory_space<hbm>> -> memref<160x128xf32, #tpu.memory_space<hbm>>
      %dma_start3A_85 = arith.constant 0 : i32
      %dma_start3A_86 = tpu.memref_slice %arg8[%add3A_78, %dma_start3A_85] : memref<327680x128xf32, #tpu.memory_space<hbm>> -> memref<160x128xf32, #tpu.memory_space<hbm>>
      tpu.enqueue_dma source(%arg16 : memref<160x128xf32, #tpu.memory_space<vmem>>) target(%dma_start3A_86 : memref<160x128xf32, #tpu.memory_space<hbm>>) target_semaphore(%arg24 : memref<!tpu.dma_semaphore, #tpu.memory_space<semaphore_mem>>)
      %add3A_87 = arith.constant 2 : i32
      %add3A_88 = arith.addi %add3A_69, %add3A_87 : i32
      %lt3A_89 = arith.constant 64 : i32
      %lt3A_90 = arith.cmpi slt, %add3A_88, %lt3A_89 : i32
      %convert_element_type3A_91 = arith.extui %lt3A_90 : i1 to i32
      %cond3A_92 = arith.constant 0 : i32
      %cond3A_93 = arith.cmpi ne, %convert_element_type3A_91, %cond3A_92 : i32
      scf.if %cond3A_93 {
        %add3A_112 = arith.constant 2 : i32
        %add3A_113 = arith.addi %add3A_69, %add3A_112 : i32
        %mul3A_114 = arith.constant 160 : i32
        %mul3A_115 = arith.muli %add3A_113, %mul3A_114 : i32
        %add3A_116 = arith.addi %mul3A_2, %mul3A_115 : i32
        "tpu.region"() ({
          %run_scoped3A = tpu.sem_alloc : memref<!tpu.dma_semaphore, #tpu.memory_space<semaphore_mem>>
          %dma_start3A_117 = tpu.memref_slice %arg4[%add3A_116] : memref<327680xi32, #tpu.memory_space<hbm>> -> memref<160xi32, #tpu.memory_space<hbm>>
          %dma_start3A_118 = tpu.memref_slice %arg4[%add3A_116] : memref<327680xi32, #tpu.memory_space<hbm>> -> memref<160xi32, #tpu.memory_space<hbm>>
          tpu.enqueue_dma source(%dma_start3A_118 : memref<160xi32, #tpu.memory_space<hbm>>) target(%arg10 : memref<160xi32, #tpu.memory_space<vmem>>) target_semaphore(%run_scoped3A : memref<!tpu.dma_semaphore, #tpu.memory_space<semaphore_mem>>)
          %dma_wait3A_119 = tpu.memref_slice %arg4[%add3A_116] : memref<327680xi32, #tpu.memory_space<hbm>> -> memref<160xi32, #tpu.memory_space<hbm>>
          %dma_wait3A_120 = tpu.memref_slice %arg4[%add3A_116] : memref<327680xi32, #tpu.memory_space<hbm>> -> memref<160xi32, #tpu.memory_space<hbm>>
          tpu.wait_dma2 semaphore(%run_scoped3A : memref<!tpu.dma_semaphore, #tpu.memory_space<semaphore_mem>>) src(%dma_wait3A_120 : memref<160xi32, #tpu.memory_space<hbm>>) dst(%arg10 : memref<160xi32, #tpu.memory_space<vmem>>)
          tpu.yield
        }) : () -> ()
        "tpu.region"() ({
          %run_scoped3A = tpu.sem_alloc : memref<!tpu.dma_semaphore, #tpu.memory_space<semaphore_mem>>
          %dma_start3A_117 = tpu.memref_slice %arg5[%add3A_116] : memref<327680xi32, #tpu.memory_space<hbm>> -> memref<160xi32, #tpu.memory_space<hbm>>
          %dma_start3A_118 = tpu.memref_slice %arg5[%add3A_116] : memref<327680xi32, #tpu.memory_space<hbm>> -> memref<160xi32, #tpu.memory_space<hbm>>
          tpu.enqueue_dma source(%dma_start3A_118 : memref<160xi32, #tpu.memory_space<hbm>>) target(%arg12 : memref<160xi32, #tpu.memory_space<vmem>>) target_semaphore(%run_scoped3A : memref<!tpu.dma_semaphore, #tpu.memory_space<semaphore_mem>>)
          %dma_wait3A_119 = tpu.memref_slice %arg5[%add3A_116] : memref<327680xi32, #tpu.memory_space<hbm>> -> memref<160xi32, #tpu.memory_space<hbm>>
          %dma_wait3A_120 = tpu.memref_slice %arg5[%add3A_116] : memref<327680xi32, #tpu.memory_space<hbm>> -> memref<160xi32, #tpu.memory_space<hbm>>
          tpu.wait_dma2 semaphore(%run_scoped3A : memref<!tpu.dma_semaphore, #tpu.memory_space<semaphore_mem>>) src(%dma_wait3A_120 : memref<160xi32, #tpu.memory_space<hbm>>) dst(%arg12 : memref<160xi32, #tpu.memory_space<vmem>>)
          tpu.yield
        }) : () -> ()
      } else {
      }
      %mul3A_94 = arith.constant 160 : i32
      %mul3A_95 = arith.muli %add3A_69, %mul3A_94 : i32
      %add3A_96 = arith.addi %mul3A_2, %mul3A_95 : i32
      %dma_wait3A_97 = arith.constant 0 : i32
      %dma_wait3A_98 = tpu.memref_slice %arg7[%add3A_96, %dma_wait3A_97] : memref<327680x128xf32, #tpu.memory_space<hbm>> -> memref<160x128xf32, #tpu.memory_space<hbm>>
      %dma_wait3A_99 = arith.constant 0 : i32
      %dma_wait3A_100 = tpu.memref_slice %arg7[%add3A_96, %dma_wait3A_99] : memref<327680x128xf32, #tpu.memory_space<hbm>> -> memref<160x128xf32, #tpu.memory_space<hbm>>
      tpu.wait_dma2 semaphore(%arg22 : memref<!tpu.dma_semaphore, #tpu.memory_space<semaphore_mem>>) src(%arg14 : memref<160x128xf32, #tpu.memory_space<vmem>>) dst(%dma_wait3A_100 : memref<160x128xf32, #tpu.memory_space<hbm>>)
      %dma_wait3A_101 = arith.constant 0 : i32
      %dma_wait3A_102 = tpu.memref_slice %arg8[%add3A_96, %dma_wait3A_101] : memref<327680x128xf32, #tpu.memory_space<hbm>> -> memref<160x128xf32, #tpu.memory_space<hbm>>
      %dma_wait3A_103 = arith.constant 0 : i32
      %dma_wait3A_104 = tpu.memref_slice %arg8[%add3A_96, %dma_wait3A_103] : memref<327680x128xf32, #tpu.memory_space<hbm>> -> memref<160x128xf32, #tpu.memory_space<hbm>>
      tpu.wait_dma2 semaphore(%arg24 : memref<!tpu.dma_semaphore, #tpu.memory_space<semaphore_mem>>) src(%arg16 : memref<160x128xf32, #tpu.memory_space<vmem>>) dst(%dma_wait3A_104 : memref<160x128xf32, #tpu.memory_space<hbm>>)
      %add3A_105 = arith.constant 2 : i32
      %add3A_106 = arith.addi %add3A_69, %add3A_105 : i32
      %lt3A_107 = arith.constant 64 : i32
      %lt3A_108 = arith.cmpi slt, %add3A_106, %lt3A_107 : i32
      %convert_element_type3A_109 = arith.extui %lt3A_108 : i1 to i32
      %cond3A_110 = arith.constant 0 : i32
      %cond3A_111 = arith.cmpi ne, %convert_element_type3A_109, %cond3A_110 : i32
      scf.if %cond3A_111 {
        %add3A_112 = arith.constant 2 : i32
        %add3A_113 = arith.addi %add3A_69, %add3A_112 : i32
        %dma_start3A_114 = arith.constant 0 : i32
        %dma_start3A_115 = arith.constant 0 : i32
        %dma_start3A_116 = tpu.memref_slice %arg2[%dma_start3A_114, %dma_start3A_115] : memref<10000x128xf32, #tpu.memory_space<hbm>> -> memref<10000x128xf32, #tpu.memory_space<hbm>>
        tpu.enqueue_indirect_dma source(%dma_start3A_116 : memref<10000x128xf32, #tpu.memory_space<hbm>>) target(%arg14 : memref<160x128xf32, #tpu.memory_space<vmem>>) offsets(%arg10 : memref<160xi32, #tpu.memory_space<vmem>>) semaphore(%arg18 : memref<!tpu.dma_semaphore, #tpu.memory_space<semaphore_mem>>)
        %dma_start3A_117 = arith.constant 0 : i32
        %dma_start3A_118 = arith.constant 0 : i32
        %dma_start3A_119 = tpu.memref_slice %arg3[%dma_start3A_117, %dma_start3A_118] : memref<10000x128xf32, #tpu.memory_space<hbm>> -> memref<10000x128xf32, #tpu.memory_space<hbm>>
        tpu.enqueue_indirect_dma source(%dma_start3A_119 : memref<10000x128xf32, #tpu.memory_space<hbm>>) target(%arg16 : memref<160x128xf32, #tpu.memory_space<vmem>>) offsets(%arg12 : memref<160xi32, #tpu.memory_space<vmem>>) semaphore(%arg20 : memref<!tpu.dma_semaphore, #tpu.memory_space<semaphore_mem>>)
      } else {
      }
    }
    %scan3A_22 = arith.constant 32 : i32
    return
  }
}

#map = affine_map<(d0, d1) -> (0, 0)>
#map1 = affine_map<(d0, d1) -> (0)>
module attributes {stable_mosaic.version = 14 : i64} {
  func.func @_scatter_body(%arg0: i32, %arg1: i32, %arg2: memref<327680x64xf32, #tpu.memory_space<hbm>>, %arg3: memref<327680xi32, #tpu.memory_space<hbm>>, %arg4: memref<10240x64xf32, #tpu.memory_space<hbm>>, %arg5: memref<20480x64xf32, #tpu.memory_space<hbm>>, %arg6: memref<128xi32, #tpu.memory_space<vmem>>, %arg7: memref<128xi32, #tpu.memory_space<vmem>>, %arg8: memref<128x64xf32, #tpu.memory_space<vmem>>, %arg9: memref<128x64xf32, #tpu.memory_space<vmem>>, %arg10: memref<10240x64xf32, #tpu.memory_space<vmem_shared>>) attributes {dimension_semantics = [#tpu.dimension_semantics<core_parallel>, #tpu.dimension_semantics<subcore_parallel>], iteration_bounds = array<i64: 2, 16>, scalar_prefetch = 0 : i64, scratch_operands = 5 : i64, tpu.core_type = #tpu.core_type<sc_vector_subcore>, window_params = [{transform_indices = #map}, {transform_indices = #map1}, {transform_indices = #map}, {transform_indices = #map}]} {
    %mul3A = arith.constant 2 : i32
    %mul3A_0 = arith.muli %arg1, %mul3A : i32
    %add3A = arith.addi %mul3A_0, %arg0 : i32
    %mul3A_1 = arith.constant 640 : i32
    %mul3A_2 = arith.muli %arg1, %mul3A_1 : i32
    %mul3A_3 = arith.constant 640 : i32
    %mul3A_4 = arith.muli %arg1, %mul3A_3 : i32
    "tpu.region"() ({
      %run_scoped3A = tpu.sem_alloc : memref<!tpu.dma_semaphore, #tpu.memory_space<semaphore_mem>>
      %dma_start3A = arith.constant 0 : i32
      %dma_start3A_18 = tpu.memref_slice %arg10[%mul3A_4, %dma_start3A] : memref<10240x64xf32, #tpu.memory_space<vmem_shared>> -> memref<640x64xf32, #tpu.memory_space<vmem_shared>>
      %dma_start3A_19 = arith.constant 0 : i32
      %dma_start3A_20 = tpu.memref_slice %arg4[%mul3A_2, %dma_start3A_19] : memref<10240x64xf32, #tpu.memory_space<hbm>> -> memref<640x64xf32, #tpu.memory_space<hbm>>
      tpu.enqueue_dma source(%dma_start3A_20 : memref<640x64xf32, #tpu.memory_space<hbm>>) target(%dma_start3A_18 : memref<640x64xf32, #tpu.memory_space<vmem_shared>>) target_semaphore(%run_scoped3A : memref<!tpu.dma_semaphore, #tpu.memory_space<semaphore_mem>>)
      %dma_wait3A = arith.constant 0 : i32
      %dma_wait3A_21 = tpu.memref_slice %arg10[%mul3A_4, %dma_wait3A] : memref<10240x64xf32, #tpu.memory_space<vmem_shared>> -> memref<640x64xf32, #tpu.memory_space<vmem_shared>>
      %dma_wait3A_22 = arith.constant 0 : i32
      %dma_wait3A_23 = tpu.memref_slice %arg4[%mul3A_2, %dma_wait3A_22] : memref<10240x64xf32, #tpu.memory_space<hbm>> -> memref<640x64xf32, #tpu.memory_space<hbm>>
      tpu.wait_dma2 semaphore(%run_scoped3A : memref<!tpu.dma_semaphore, #tpu.memory_space<semaphore_mem>>) src(%dma_wait3A_23 : memref<640x64xf32, #tpu.memory_space<hbm>>) dst(%dma_wait3A_21 : memref<640x64xf32, #tpu.memory_space<vmem_shared>>)
      tpu.yield
    }) : () -> ()
    %barrier3A = arith.constant 0 : index
    tpu.barrier barrier_id(%barrier3A)
    %scan3A = arith.constant 0 : i32
    %scan3A_5 = arith.constant 0 : i32
    %scan3A_6 = arith.constant 40 : i32
    %scan3A_7 = arith.addi %scan3A_5, %scan3A_6 : i32
    %scan3A_8 = arith.constant 1 : i32
    scf.for %scan3A_18 = %scan3A_5 to %scan3A_7 step %scan3A_8  : i32 {
      %mul3A_19 = arith.constant 2 : i32
      %mul3A_20 = arith.muli %mul3A_19, %scan3A_18 : i32
      %add3A_21 = arith.constant 0 : i32
      %add3A_22 = arith.addi %mul3A_20, %add3A_21 : i32
      %mul3A_23 = arith.constant 10240 : i32
      %mul3A_24 = arith.muli %add3A, %mul3A_23 : i32
      %mul3A_25 = arith.constant 128 : i32
      %mul3A_26 = arith.muli %add3A_22, %mul3A_25 : i32
      %add3A_27 = arith.addi %mul3A_24, %mul3A_26 : i32
      "tpu.region"() ({
        %run_scoped3A = tpu.sem_alloc : memref<!tpu.dma_semaphore, #tpu.memory_space<semaphore_mem>>
        %dma_start3A = tpu.memref_slice %arg3[%add3A_27] : memref<327680xi32, #tpu.memory_space<hbm>> -> memref<128xi32, #tpu.memory_space<hbm>>
        %dma_start3A_37 = tpu.memref_slice %arg3[%add3A_27] : memref<327680xi32, #tpu.memory_space<hbm>> -> memref<128xi32, #tpu.memory_space<hbm>>
        tpu.enqueue_dma source(%dma_start3A_37 : memref<128xi32, #tpu.memory_space<hbm>>) target(%arg6 : memref<128xi32, #tpu.memory_space<vmem>>) target_semaphore(%run_scoped3A : memref<!tpu.dma_semaphore, #tpu.memory_space<semaphore_mem>>)
        %dma_wait3A = tpu.memref_slice %arg3[%add3A_27] : memref<327680xi32, #tpu.memory_space<hbm>> -> memref<128xi32, #tpu.memory_space<hbm>>
        %dma_wait3A_38 = tpu.memref_slice %arg3[%add3A_27] : memref<327680xi32, #tpu.memory_space<hbm>> -> memref<128xi32, #tpu.memory_space<hbm>>
        tpu.wait_dma2 semaphore(%run_scoped3A : memref<!tpu.dma_semaphore, #tpu.memory_space<semaphore_mem>>) src(%dma_wait3A_38 : memref<128xi32, #tpu.memory_space<hbm>>) dst(%arg6 : memref<128xi32, #tpu.memory_space<vmem>>)
        tpu.yield
      }) : () -> ()
      "tpu.region"() ({
        %run_scoped3A = tpu.sem_alloc : memref<!tpu.dma_semaphore, #tpu.memory_space<semaphore_mem>>
        %dma_start3A = arith.constant 0 : i32
        %dma_start3A_37 = tpu.memref_slice %arg2[%add3A_27, %dma_start3A] : memref<327680x64xf32, #tpu.memory_space<hbm>> -> memref<128x64xf32, #tpu.memory_space<hbm>>
        %dma_start3A_38 = arith.constant 0 : i32
        %dma_start3A_39 = tpu.memref_slice %arg2[%add3A_27, %dma_start3A_38] : memref<327680x64xf32, #tpu.memory_space<hbm>> -> memref<128x64xf32, #tpu.memory_space<hbm>>
        tpu.enqueue_dma source(%dma_start3A_39 : memref<128x64xf32, #tpu.memory_space<hbm>>) target(%arg8 : memref<128x64xf32, #tpu.memory_space<vmem>>) target_semaphore(%run_scoped3A : memref<!tpu.dma_semaphore, #tpu.memory_space<semaphore_mem>>)
        %dma_wait3A = arith.constant 0 : i32
        %dma_wait3A_40 = tpu.memref_slice %arg2[%add3A_27, %dma_wait3A] : memref<327680x64xf32, #tpu.memory_space<hbm>> -> memref<128x64xf32, #tpu.memory_space<hbm>>
        %dma_wait3A_41 = arith.constant 0 : i32
        %dma_wait3A_42 = tpu.memref_slice %arg2[%add3A_27, %dma_wait3A_41] : memref<327680x64xf32, #tpu.memory_space<hbm>> -> memref<128x64xf32, #tpu.memory_space<hbm>>
        tpu.wait_dma2 semaphore(%run_scoped3A : memref<!tpu.dma_semaphore, #tpu.memory_space<semaphore_mem>>) src(%dma_wait3A_42 : memref<128x64xf32, #tpu.memory_space<hbm>>) dst(%arg8 : memref<128x64xf32, #tpu.memory_space<vmem>>)
        tpu.yield
      }) : () -> ()
      "tpu.region"() ({
        %run_scoped3A = tpu.sem_alloc : memref<!tpu.dma_semaphore, #tpu.memory_space<semaphore_mem>>
        %dma_start3A = arith.constant 0 : i32
        %dma_start3A_37 = arith.constant 0 : i32
        %dma_start3A_38 = tpu.memref_slice %arg10[%dma_start3A, %dma_start3A_37] : memref<10240x64xf32, #tpu.memory_space<vmem_shared>> -> memref<10240x64xf32, #tpu.memory_space<vmem_shared>>
        tpu.enqueue_indirect_dma source(%arg8 : memref<128x64xf32, #tpu.memory_space<vmem>>) target(%dma_start3A_38 : memref<10240x64xf32, #tpu.memory_space<vmem_shared>>) offsets(%arg6 : memref<128xi32, #tpu.memory_space<vmem>>) semaphore(%run_scoped3A : memref<!tpu.dma_semaphore, #tpu.memory_space<semaphore_mem>>) {add = true}
        %dma_wait3A = arith.constant 0 : i32
        %dma_wait3A_39 = arith.constant 0 : i32
        %dma_wait3A_40 = tpu.memref_slice %arg10[%dma_wait3A, %dma_wait3A_39] : memref<10240x64xf32, #tpu.memory_space<vmem_shared>> -> memref<10240x64xf32, #tpu.memory_space<vmem_shared>>
        tpu.wait_indirect_dma semaphore(%run_scoped3A : memref<!tpu.dma_semaphore, #tpu.memory_space<semaphore_mem>>) src(%arg8 : memref<128x64xf32, #tpu.memory_space<vmem>>) dst(%dma_wait3A_40 : memref<10240x64xf32, #tpu.memory_space<vmem_shared>>)
        tpu.yield
      }) : () -> ()
      %mul3A_28 = arith.constant 2 : i32
      %mul3A_29 = arith.muli %mul3A_28, %scan3A_18 : i32
      %add3A_30 = arith.constant 1 : i32
      %add3A_31 = arith.addi %mul3A_29, %add3A_30 : i32
      %mul3A_32 = arith.constant 10240 : i32
      %mul3A_33 = arith.muli %add3A, %mul3A_32 : i32
      %mul3A_34 = arith.constant 128 : i32
      %mul3A_35 = arith.muli %add3A_31, %mul3A_34 : i32
      %add3A_36 = arith.addi %mul3A_33, %mul3A_35 : i32
      "tpu.region"() ({
        %run_scoped3A = tpu.sem_alloc : memref<!tpu.dma_semaphore, #tpu.memory_space<semaphore_mem>>
        %dma_start3A = tpu.memref_slice %arg3[%add3A_36] : memref<327680xi32, #tpu.memory_space<hbm>> -> memref<128xi32, #tpu.memory_space<hbm>>
        %dma_start3A_37 = tpu.memref_slice %arg3[%add3A_36] : memref<327680xi32, #tpu.memory_space<hbm>> -> memref<128xi32, #tpu.memory_space<hbm>>
        tpu.enqueue_dma source(%dma_start3A_37 : memref<128xi32, #tpu.memory_space<hbm>>) target(%arg7 : memref<128xi32, #tpu.memory_space<vmem>>) target_semaphore(%run_scoped3A : memref<!tpu.dma_semaphore, #tpu.memory_space<semaphore_mem>>)
        %dma_wait3A = tpu.memref_slice %arg3[%add3A_36] : memref<327680xi32, #tpu.memory_space<hbm>> -> memref<128xi32, #tpu.memory_space<hbm>>
        %dma_wait3A_38 = tpu.memref_slice %arg3[%add3A_36] : memref<327680xi32, #tpu.memory_space<hbm>> -> memref<128xi32, #tpu.memory_space<hbm>>
        tpu.wait_dma2 semaphore(%run_scoped3A : memref<!tpu.dma_semaphore, #tpu.memory_space<semaphore_mem>>) src(%dma_wait3A_38 : memref<128xi32, #tpu.memory_space<hbm>>) dst(%arg7 : memref<128xi32, #tpu.memory_space<vmem>>)
        tpu.yield
      }) : () -> ()
      "tpu.region"() ({
        %run_scoped3A = tpu.sem_alloc : memref<!tpu.dma_semaphore, #tpu.memory_space<semaphore_mem>>
        %dma_start3A = arith.constant 0 : i32
        %dma_start3A_37 = tpu.memref_slice %arg2[%add3A_36, %dma_start3A] : memref<327680x64xf32, #tpu.memory_space<hbm>> -> memref<128x64xf32, #tpu.memory_space<hbm>>
        %dma_start3A_38 = arith.constant 0 : i32
        %dma_start3A_39 = tpu.memref_slice %arg2[%add3A_36, %dma_start3A_38] : memref<327680x64xf32, #tpu.memory_space<hbm>> -> memref<128x64xf32, #tpu.memory_space<hbm>>
        tpu.enqueue_dma source(%dma_start3A_39 : memref<128x64xf32, #tpu.memory_space<hbm>>) target(%arg9 : memref<128x64xf32, #tpu.memory_space<vmem>>) target_semaphore(%run_scoped3A : memref<!tpu.dma_semaphore, #tpu.memory_space<semaphore_mem>>)
        %dma_wait3A = arith.constant 0 : i32
        %dma_wait3A_40 = tpu.memref_slice %arg2[%add3A_36, %dma_wait3A] : memref<327680x64xf32, #tpu.memory_space<hbm>> -> memref<128x64xf32, #tpu.memory_space<hbm>>
        %dma_wait3A_41 = arith.constant 0 : i32
        %dma_wait3A_42 = tpu.memref_slice %arg2[%add3A_36, %dma_wait3A_41] : memref<327680x64xf32, #tpu.memory_space<hbm>> -> memref<128x64xf32, #tpu.memory_space<hbm>>
        tpu.wait_dma2 semaphore(%run_scoped3A : memref<!tpu.dma_semaphore, #tpu.memory_space<semaphore_mem>>) src(%dma_wait3A_42 : memref<128x64xf32, #tpu.memory_space<hbm>>) dst(%arg9 : memref<128x64xf32, #tpu.memory_space<vmem>>)
        tpu.yield
      }) : () -> ()
      "tpu.region"() ({
        %run_scoped3A = tpu.sem_alloc : memref<!tpu.dma_semaphore, #tpu.memory_space<semaphore_mem>>
        %dma_start3A = arith.constant 0 : i32
        %dma_start3A_37 = arith.constant 0 : i32
        %dma_start3A_38 = tpu.memref_slice %arg10[%dma_start3A, %dma_start3A_37] : memref<10240x64xf32, #tpu.memory_space<vmem_shared>> -> memref<10240x64xf32, #tpu.memory_space<vmem_shared>>
        tpu.enqueue_indirect_dma source(%arg9 : memref<128x64xf32, #tpu.memory_space<vmem>>) target(%dma_start3A_38 : memref<10240x64xf32, #tpu.memory_space<vmem_shared>>) offsets(%arg7 : memref<128xi32, #tpu.memory_space<vmem>>) semaphore(%run_scoped3A : memref<!tpu.dma_semaphore, #tpu.memory_space<semaphore_mem>>) {add = true}
        %dma_wait3A = arith.constant 0 : i32
        %dma_wait3A_39 = arith.constant 0 : i32
        %dma_wait3A_40 = tpu.memref_slice %arg10[%dma_wait3A, %dma_wait3A_39] : memref<10240x64xf32, #tpu.memory_space<vmem_shared>> -> memref<10240x64xf32, #tpu.memory_space<vmem_shared>>
        tpu.wait_indirect_dma semaphore(%run_scoped3A : memref<!tpu.dma_semaphore, #tpu.memory_space<semaphore_mem>>) src(%arg9 : memref<128x64xf32, #tpu.memory_space<vmem>>) dst(%dma_wait3A_40 : memref<10240x64xf32, #tpu.memory_space<vmem_shared>>)
        tpu.yield
      }) : () -> ()
    }
    %scan3A_9 = arith.constant 40 : i32
    %barrier3A_10 = arith.constant 0 : index
    tpu.barrier barrier_id(%barrier3A_10)
    %mul3A_11 = arith.constant 640 : i32
    %mul3A_12 = arith.muli %arg1, %mul3A_11 : i32
    %mul3A_13 = arith.constant 10240 : i32
    %mul3A_14 = arith.muli %arg0, %mul3A_13 : i32
    %mul3A_15 = arith.constant 640 : i32
    %mul3A_16 = arith.muli %arg1, %mul3A_15 : i32
    %add3A_17 = arith.addi %mul3A_14, %mul3A_16 : i32
    "tpu.region"() ({
      %run_scoped3A = tpu.sem_alloc : memref<!tpu.dma_semaphore, #tpu.memory_space<semaphore_mem>>
      %dma_start3A = arith.constant 0 : i32
      %dma_start3A_18 = tpu.memref_slice %arg5[%add3A_17, %dma_start3A] : memref<20480x64xf32, #tpu.memory_space<hbm>> -> memref<640x64xf32, #tpu.memory_space<hbm>>
      %dma_start3A_19 = arith.constant 0 : i32
      %dma_start3A_20 = tpu.memref_slice %arg10[%mul3A_12, %dma_start3A_19] : memref<10240x64xf32, #tpu.memory_space<vmem_shared>> -> memref<640x64xf32, #tpu.memory_space<vmem_shared>>
      tpu.enqueue_dma source(%dma_start3A_20 : memref<640x64xf32, #tpu.memory_space<vmem_shared>>) target(%dma_start3A_18 : memref<640x64xf32, #tpu.memory_space<hbm>>) target_semaphore(%run_scoped3A : memref<!tpu.dma_semaphore, #tpu.memory_space<semaphore_mem>>)
      %dma_wait3A = arith.constant 0 : i32
      %dma_wait3A_21 = tpu.memref_slice %arg5[%add3A_17, %dma_wait3A] : memref<20480x64xf32, #tpu.memory_space<hbm>> -> memref<640x64xf32, #tpu.memory_space<hbm>>
      %dma_wait3A_22 = arith.constant 0 : i32
      %dma_wait3A_23 = tpu.memref_slice %arg10[%mul3A_12, %dma_wait3A_22] : memref<10240x64xf32, #tpu.memory_space<vmem_shared>> -> memref<640x64xf32, #tpu.memory_space<vmem_shared>>
      tpu.wait_dma2 semaphore(%run_scoped3A : memref<!tpu.dma_semaphore, #tpu.memory_space<semaphore_mem>>) src(%dma_wait3A_23 : memref<640x64xf32, #tpu.memory_space<vmem_shared>>) dst(%dma_wait3A_21 : memref<640x64xf32, #tpu.memory_space<hbm>>)
      tpu.yield
    }) : () -> ()
    return
  }
}

module attributes {stable_mosaic.version = 14 : i64} {
  func.func @_proj_body(%arg0: i32, %arg1: memref<2048x128xf32, #tpu.memory_space<vmem>>, %arg2: memref<128x128xf32, #tpu.memory_space<vmem>>, %arg3: memref<128x128xf32, #tpu.memory_space<vmem>>, %arg4: memref<2048x128xf32, #tpu.memory_space<vmem>>, %arg5: memref<2048x128xf32, #tpu.memory_space<vmem>>) attributes {dimension_semantics = [#tpu.dimension_semantics<arbitrary>], iteration_bounds = array<i64: 5>, scalar_prefetch = 0 : i64, scratch_operands = 0 : i64, tpu.core_type = #tpu.core_type<tc>, window_params = [{transform_indices = @transform_0, window_bounds = array<i64: 2048, 128>}, {pipeline_mode = #tpu.pipeline_mode<synchronous>, transform_indices = @transform_1, window_bounds = array<i64: 128, 128>}, {pipeline_mode = #tpu.pipeline_mode<synchronous>, transform_indices = @transform_2, window_bounds = array<i64: 128, 128>}, {transform_indices = @transform_3, window_bounds = array<i64: 2048, 128>}, {transform_indices = @transform_4, window_bounds = array<i64: 2048, 128>}]} {
    %get3A = arith.constant 0 : index
    %get3A_0 = arith.constant 0 : index
    %get3A_1 = vector.load %arg1[%get3A, %get3A_0] : memref<2048x128xf32, #tpu.memory_space<vmem>>, vector<2048x128xf32>
    %get3A_2 = arith.constant 0 : index
    %get3A_3 = arith.constant 0 : index
    %get3A_4 = vector.load %arg2[%get3A_2, %get3A_3] : memref<128x128xf32, #tpu.memory_space<vmem>>, vector<128x128xf32>
    %dot_general3A = arith.constant dense<0.000000e+00> : vector<2048x128xf32>
    %dot_general3A_5 = tpu.matmul %get3A_1, %get3A_4, %dot_general3A {dimension_numbers = #tpu.dot_dimension_numbers<[1], [0], [0], [1], [0, 0, 1, 1], [], []>, precision = #tpu.contract_precision<fp32>, transpose_lhs_hint = false} : vector<2048x128xf32>, vector<128x128xf32>, vector<2048x128xf32> -> vector<2048x128xf32>
    %swap3A = arith.constant 0 : index
    %swap3A_6 = arith.constant 0 : index
    %swap3A_7 = vector.load %arg4[%swap3A, %swap3A_6] : memref<2048x128xf32, #tpu.memory_space<vmem>>, vector<2048x128xf32>
    tpu.vector_store %arg4[%swap3A, %swap3A_6], %dot_general3A_5 {strides = array<i32>} : memref<2048x128xf32, #tpu.memory_space<vmem>>, vector<2048x128xf32>,
    %get3A_8 = arith.constant 0 : index
    %get3A_9 = arith.constant 0 : index
    %get3A_10 = vector.load %arg3[%get3A_8, %get3A_9] : memref<128x128xf32, #tpu.memory_space<vmem>>, vector<128x128xf32>
    %dot_general3A_11 = arith.constant dense<0.000000e+00> : vector<2048x128xf32>
    %dot_general3A_12 = tpu.matmul %get3A_1, %get3A_10, %dot_general3A_11 {dimension_numbers = #tpu.dot_dimension_numbers<[1], [0], [0], [1], [0, 0, 1, 1], [], []>, precision = #tpu.contract_precision<fp32>, transpose_lhs_hint = false} : vector<2048x128xf32>, vector<128x128xf32>, vector<2048x128xf32> -> vector<2048x128xf32>
    %swap3A_13 = arith.constant 0 : index
    %swap3A_14 = arith.constant 0 : index
    %swap3A_15 = vector.load %arg5[%swap3A_13, %swap3A_14] : memref<2048x128xf32, #tpu.memory_space<vmem>>, vector<2048x128xf32>
    tpu.vector_store %arg5[%swap3A_13, %swap3A_14], %dot_general3A_12 {strides = array<i32>} : memref<2048x128xf32, #tpu.memory_space<vmem>>, vector<2048x128xf32>,
    return
  }
  func.func @transform_0(%arg0: i32) -> (i32, i32) {
    %c0_i32 = arith.constant 0 : i32
    %c0_i32_0 = arith.constant 0 : i32
    return %arg0, %c0_i32 : i32, i32
  }
  func.func @transform_1(%arg0: i32) -> (i32, i32) {
    %c0_i32 = arith.constant 0 : i32
    %c0_i32_0 = arith.constant 0 : i32
    %c0_i32_1 = arith.constant 0 : i32
    return %c0_i32, %c0_i32_0 : i32, i32
  }
  func.func @transform_2(%arg0: i32) -> (i32, i32) {
    %c0_i32 = arith.constant 0 : i32
    %c0_i32_0 = arith.constant 0 : i32
    %c0_i32_1 = arith.constant 0 : i32
    return %c0_i32, %c0_i32_0 : i32, i32
  }
  func.func @transform_3(%arg0: i32) -> (i32, i32) {
    %c0_i32 = arith.constant 0 : i32
    %c0_i32_0 = arith.constant 0 : i32
    return %arg0, %c0_i32 : i32, i32
  }
  func.func @transform_4(%arg0: i32) -> (i32, i32) {
    %c0_i32 = arith.constant 0 : i32
    %c0_i32_0 = arith.constant 0 : i32
    return %arg0, %c0_i32 : i32, i32
  }
}

module attributes {stable_mosaic.version = 14 : i64} {
  func.func @_edge_body(%arg0: i32, %arg1: memref<512x128xf32, #tpu.memory_space<vmem>>, %arg2: memref<512x128xf32, #tpu.memory_space<vmem>>, %arg3: memref<512x16xf32, #tpu.memory_space<vmem>>, %arg4: memref<16x64xf32, #tpu.memory_space<vmem>>, %arg5: memref<64x64xf32, #tpu.memory_space<vmem>>, %arg6: memref<1x64xf32, #tpu.memory_space<vmem>>, %arg7: memref<1x64xf32, #tpu.memory_space<vmem>>, %arg8: memref<512x64xf32, #tpu.memory_space<vmem>>, %arg9: memref<512x64xf32, #tpu.memory_space<vmem>>) attributes {dimension_semantics = [#tpu.dimension_semantics<arbitrary>], iteration_bounds = array<i64: 640>, scalar_prefetch = 0 : i64, scratch_operands = 0 : i64, tpu.core_type = #tpu.core_type<tc>, window_params = [{transform_indices = @transform_0, window_bounds = array<i64: 512, 128>}, {transform_indices = @transform_1, window_bounds = array<i64: 512, 128>}, {transform_indices = @transform_2, window_bounds = array<i64: 512, 16>}, {pipeline_mode = #tpu.pipeline_mode<synchronous>, transform_indices = @transform_3, window_bounds = array<i64: 16, 64>}, {pipeline_mode = #tpu.pipeline_mode<synchronous>, transform_indices = @transform_4, window_bounds = array<i64: 64, 64>}, {pipeline_mode = #tpu.pipeline_mode<synchronous>, transform_indices = @transform_5, window_bounds = array<i64: 1, 64>}, {pipeline_mode = #tpu.pipeline_mode<synchronous>, transform_indices = @transform_6, window_bounds = array<i64: 1, 64>}, {transform_indices = @transform_7, window_bounds = array<i64: 512, 64>}, {transform_indices = @transform_8, window_bounds = array<i64: 512, 64>}]} {
    %get3A = arith.constant 0 : index
    %get3A_0 = arith.constant 0 : index
    %get3A_1 = vector.load %arg1[%get3A, %get3A_0] : memref<512x128xf32, #tpu.memory_space<vmem>>, vector<512x128xf32>
    %slice3A = vector.extract_strided_slice %get3A_1 {offsets = [0, 0], sizes = [512, 64], strides = [1, 1]} : vector<512x128xf32> to vector<512x64xf32>
    %get3A_2 = arith.constant 0 : index
    %get3A_3 = arith.constant 0 : index
    %get3A_4 = vector.load %arg2[%get3A_2, %get3A_3] : memref<512x128xf32, #tpu.memory_space<vmem>>, vector<512x128xf32>
    %slice3A_5 = vector.extract_strided_slice %get3A_4 {offsets = [0, 0], sizes = [512, 64], strides = [1, 1]} : vector<512x128xf32> to vector<512x64xf32>
    %add3A = arith.addf %slice3A, %slice3A_5 : vector<512x64xf32>
    %get3A_6 = arith.constant 0 : index
    %get3A_7 = arith.constant 0 : index
    %get3A_8 = vector.load %arg3[%get3A_6, %get3A_7] : memref<512x16xf32, #tpu.memory_space<vmem>>, vector<512x16xf32>
    %get3A_9 = arith.constant 0 : index
    %get3A_10 = arith.constant 0 : index
    %get3A_11 = vector.load %arg4[%get3A_9, %get3A_10] : memref<16x64xf32, #tpu.memory_space<vmem>>, vector<16x64xf32>
    %dot_general3A = arith.constant dense<0.000000e+00> : vector<512x64xf32>
    %dot_general3A_12 = tpu.matmul %get3A_8, %get3A_11, %dot_general3A {dimension_numbers = #tpu.dot_dimension_numbers<[1], [0], [0], [1], [0, 0, 1, 1], [], []>, precision = #tpu.contract_precision<fp32>, transpose_lhs_hint = false} : vector<512x16xf32>, vector<16x64xf32>, vector<512x64xf32> -> vector<512x64xf32>
    %add3A_13 = arith.addf %add3A, %dot_general3A_12 : vector<512x64xf32>
    %get3A_14 = arith.constant 0 : index
    %get3A_15 = arith.constant 0 : index
    %get3A_16 = vector.load %arg6[%get3A_14, %get3A_15] : memref<1x64xf32, #tpu.memory_space<vmem>>, vector<1x64xf32>
    %add3A_17 = vector.broadcast %get3A_16 : vector<1x64xf32> to vector<512x64xf32>
    %add3A_18 = arith.addf %add3A_13, %add3A_17 : vector<512x64xf32>
    %max3A = arith.constant 0.000000e+00 : f32
    %max3A_19 = vector.broadcast %max3A : f32 to vector<512x64xf32>
    %max3A_20 = arith.maximumf %add3A_18, %max3A_19 : vector<512x64xf32>
    %swap3A = arith.constant 0 : index
    %swap3A_21 = arith.constant 0 : index
    %swap3A_22 = vector.load %arg8[%swap3A, %swap3A_21] : memref<512x64xf32, #tpu.memory_space<vmem>>, vector<512x64xf32>
    tpu.vector_store %arg8[%swap3A, %swap3A_21], %max3A_20 {strides = array<i32>} : memref<512x64xf32, #tpu.memory_space<vmem>>, vector<512x64xf32>,
    %slice3A_23 = vector.extract_strided_slice %get3A_1 {offsets = [0, 64], sizes = [512, 64], strides = [1, 1]} : vector<512x128xf32> to vector<512x64xf32>
    %get3A_24 = arith.constant 0 : index
    %get3A_25 = arith.constant 0 : index
    %get3A_26 = vector.load %arg5[%get3A_24, %get3A_25] : memref<64x64xf32, #tpu.memory_space<vmem>>, vector<64x64xf32>
    %dot_general3A_27 = arith.constant dense<0.000000e+00> : vector<512x64xf32>
    %dot_general3A_28 = tpu.matmul %max3A_20, %get3A_26, %dot_general3A_27 {dimension_numbers = #tpu.dot_dimension_numbers<[1], [0], [0], [1], [0, 0, 1, 1], [], []>, precision = #tpu.contract_precision<fp32>, transpose_lhs_hint = false} : vector<512x64xf32>, vector<64x64xf32>, vector<512x64xf32> -> vector<512x64xf32>
    %add3A_29 = arith.addf %slice3A_23, %dot_general3A_28 : vector<512x64xf32>
    %get3A_30 = arith.constant 0 : index
    %get3A_31 = arith.constant 0 : index
    %get3A_32 = vector.load %arg7[%get3A_30, %get3A_31] : memref<1x64xf32, #tpu.memory_space<vmem>>, vector<1x64xf32>
    %add3A_33 = vector.broadcast %get3A_32 : vector<1x64xf32> to vector<512x64xf32>
    %add3A_34 = arith.addf %add3A_29, %add3A_33 : vector<512x64xf32>
    %max3A_35 = arith.constant 0.000000e+00 : f32
    %max3A_36 = vector.broadcast %max3A_35 : f32 to vector<512x64xf32>
    %max3A_37 = arith.maximumf %add3A_34, %max3A_36 : vector<512x64xf32>
    %swap3A_38 = arith.constant 0 : index
    %swap3A_39 = arith.constant 0 : index
    %swap3A_40 = vector.load %arg9[%swap3A_38, %swap3A_39] : memref<512x64xf32, #tpu.memory_space<vmem>>, vector<512x64xf32>
    tpu.vector_store %arg9[%swap3A_38, %swap3A_39], %max3A_37 {strides = array<i32>} : memref<512x64xf32, #tpu.memory_space<vmem>>, vector<512x64xf32>,
    return
  }
  func.func @transform_0(%arg0: i32) -> (i32, i32) {
    %c0_i32 = arith.constant 0 : i32
    %c0_i32_0 = arith.constant 0 : i32
    return %arg0, %c0_i32 : i32, i32
  }
  func.func @transform_1(%arg0: i32) -> (i32, i32) {
    %c0_i32 = arith.constant 0 : i32
    %c0_i32_0 = arith.constant 0 : i32
    return %arg0, %c0_i32 : i32, i32
  }
  func.func @transform_2(%arg0: i32) -> (i32, i32) {
    %c0_i32 = arith.constant 0 : i32
    %c0_i32_0 = arith.constant 0 : i32
    return %arg0, %c0_i32 : i32, i32
  }
  func.func @transform_3(%arg0: i32) -> (i32, i32) {
    %c0_i32 = arith.constant 0 : i32
    %c0_i32_0 = arith.constant 0 : i32
    %c0_i32_1 = arith.constant 0 : i32
    return %c0_i32, %c0_i32_0 : i32, i32
  }
  func.func @transform_4(%arg0: i32) -> (i32, i32) {
    %c0_i32 = arith.constant 0 : i32
    %c0_i32_0 = arith.constant 0 : i32
    %c0_i32_1 = arith.constant 0 : i32
    return %c0_i32, %c0_i32_0 : i32, i32
  }
  func.func @transform_5(%arg0: i32) -> (i32, i32) {
    %c0_i32 = arith.constant 0 : i32
    %c0_i32_0 = arith.constant 0 : i32
    %c0_i32_1 = arith.constant 0 : i32
    return %c0_i32, %c0_i32_0 : i32, i32
  }
  func.func @transform_6(%arg0: i32) -> (i32, i32) {
    %c0_i32 = arith.constant 0 : i32
    %c0_i32_0 = arith.constant 0 : i32
    %c0_i32_1 = arith.constant 0 : i32
    return %c0_i32, %c0_i32_0 : i32, i32
  }
  func.func @transform_7(%arg0: i32) -> (i32, i32) {
    %c0_i32 = arith.constant 0 : i32
    %c0_i32_0 = arith.constant 0 : i32
    return %arg0, %c0_i32 : i32, i32
  }
  func.func @transform_8(%arg0: i32) -> (i32, i32) {
    %c0_i32 = arith.constant 0 : i32
    %c0_i32_0 = arith.constant 0 : i32
    return %arg0, %c0_i32 : i32, i32
  }
}

module attributes {stable_mosaic.version = 14 : i64} {
  func.func @_node_body(%arg0: i32, %arg1: memref<2048x128xf32, #tpu.memory_space<vmem>>, %arg2: memref<2048x64xf32, #tpu.memory_space<vmem>>, %arg3: memref<2048x64xf32, #tpu.memory_space<vmem>>, %arg4: memref<2048x64xf32, #tpu.memory_space<vmem>>, %arg5: memref<2048x64xf32, #tpu.memory_space<vmem>>, %arg6: memref<128x64xf32, #tpu.memory_space<vmem>>, %arg7: memref<64x64xf32, #tpu.memory_space<vmem>>, %arg8: memref<1x64xf32, #tpu.memory_space<vmem>>, %arg9: memref<64x128xf32, #tpu.memory_space<vmem>>, %arg10: memref<64x128xf32, #tpu.memory_space<vmem>>, %arg11: memref<2048x64xf32, #tpu.memory_space<vmem>>, %arg12: memref<2048x128xf32, #tpu.memory_space<vmem>>, %arg13: memref<2048x128xf32, #tpu.memory_space<vmem>>) attributes {dimension_semantics = [#tpu.dimension_semantics<arbitrary>], iteration_bounds = array<i64: 5>, scalar_prefetch = 0 : i64, scratch_operands = 0 : i64, tpu.core_type = #tpu.core_type<tc>, window_params = [{transform_indices = @transform_0, window_bounds = array<i64: 2048, 128>}, {transform_indices = @transform_1, window_bounds = array<i64: 2048, 64>}, {transform_indices = @transform_2, window_bounds = array<i64: 2048, 64>}, {transform_indices = @transform_3, window_bounds = array<i64: 2048, 64>}, {transform_indices = @transform_4, window_bounds = array<i64: 2048, 64>}, {pipeline_mode = #tpu.pipeline_mode<synchronous>, transform_indices = @transform_5, window_bounds = array<i64: 128, 64>}, {pipeline_mode = #tpu.pipeline_mode<synchronous>, transform_indices = @transform_6, window_bounds = array<i64: 64, 64>}, {pipeline_mode = #tpu.pipeline_mode<synchronous>, transform_indices = @transform_7, window_bounds = array<i64: 1, 64>}, {pipeline_mode = #tpu.pipeline_mode<synchronous>, transform_indices = @transform_8, window_bounds = array<i64: 64, 128>}, {pipeline_mode = #tpu.pipeline_mode<synchronous>, transform_indices = @transform_9, window_bounds = array<i64: 64, 128>}, {transform_indices = @transform_10, window_bounds = array<i64: 2048, 64>}, {transform_indices = @transform_11, window_bounds = array<i64: 2048, 128>}, {transform_indices = @transform_12, window_bounds = array<i64: 2048, 128>}]} {
    %get3A = arith.constant 0 : index
    %get3A_0 = arith.constant 0 : index
    %get3A_1 = vector.load %arg4[%get3A, %get3A_0] : memref<2048x64xf32, #tpu.memory_space<vmem>>, vector<2048x64xf32>
    %slice3A = vector.extract_strided_slice %get3A_1 {offsets = [0, 0], sizes = [2048, 1], strides = [1, 1]} : vector<2048x64xf32> to vector<2048x1xf32>
    %get3A_2 = arith.constant 0 : index
    %get3A_3 = arith.constant 0 : index
    %get3A_4 = vector.load %arg5[%get3A_2, %get3A_3] : memref<2048x64xf32, #tpu.memory_space<vmem>>, vector<2048x64xf32>
    %slice3A_5 = vector.extract_strided_slice %get3A_4 {offsets = [0, 0], sizes = [2048, 1], strides = [1, 1]} : vector<2048x64xf32> to vector<2048x1xf32>
    %add3A = arith.addf %slice3A, %slice3A_5 : vector<2048x1xf32>
    %max3A = arith.constant 1.000000e+00 : f32
    %max3A_6 = vector.broadcast %max3A : f32 to vector<2048x1xf32>
    %max3A_7 = arith.maximumf %add3A, %max3A_6 : vector<2048x1xf32>
    %div3A = arith.constant 1.000000e+00 : f32
    %div3A_8 = vector.broadcast %div3A : f32 to vector<2048x1xf32>
    %div3A_9 = arith.divf %div3A_8, %max3A_7 : vector<2048x1xf32>
    %get3A_10 = arith.constant 0 : index
    %get3A_11 = arith.constant 0 : index
    %get3A_12 = vector.load %arg2[%get3A_10, %get3A_11] : memref<2048x64xf32, #tpu.memory_space<vmem>>, vector<2048x64xf32>
    %get3A_13 = arith.constant 0 : index
    %get3A_14 = arith.constant 0 : index
    %get3A_15 = vector.load %arg3[%get3A_13, %get3A_14] : memref<2048x64xf32, #tpu.memory_space<vmem>>, vector<2048x64xf32>
    %add3A_16 = arith.addf %get3A_12, %get3A_15 : vector<2048x64xf32>
    %mul3A = vector.broadcast %div3A_9 : vector<2048x1xf32> to vector<2048x64xf32>
    %mul3A_17 = arith.mulf %add3A_16, %mul3A : vector<2048x64xf32>
    %get3A_18 = arith.constant 0 : index
    %get3A_19 = arith.constant 0 : index
    %get3A_20 = vector.load %arg1[%get3A_18, %get3A_19] : memref<2048x128xf32, #tpu.memory_space<vmem>>, vector<2048x128xf32>
    %get3A_21 = arith.constant 0 : index
    %get3A_22 = arith.constant 0 : index
    %get3A_23 = vector.load %arg6[%get3A_21, %get3A_22] : memref<128x64xf32, #tpu.memory_space<vmem>>, vector<128x64xf32>
    %dot_general3A = arith.constant dense<0.000000e+00> : vector<2048x64xf32>
    %dot_general3A_24 = tpu.matmul %get3A_20, %get3A_23, %dot_general3A {dimension_numbers = #tpu.dot_dimension_numbers<[1], [0], [0], [1], [0, 0, 1, 1], [], []>, precision = #tpu.contract_precision<fp32>, transpose_lhs_hint = false} : vector<2048x128xf32>, vector<128x64xf32>, vector<2048x64xf32> -> vector<2048x64xf32>
    %get3A_25 = arith.constant 0 : index
    %get3A_26 = arith.constant 0 : index
    %get3A_27 = vector.load %arg7[%get3A_25, %get3A_26] : memref<64x64xf32, #tpu.memory_space<vmem>>, vector<64x64xf32>
    %dot_general3A_28 = arith.constant dense<0.000000e+00> : vector<2048x64xf32>
    %dot_general3A_29 = tpu.matmul %mul3A_17, %get3A_27, %dot_general3A_28 {dimension_numbers = #tpu.dot_dimension_numbers<[1], [0], [0], [1], [0, 0, 1, 1], [], []>, precision = #tpu.contract_precision<fp32>, transpose_lhs_hint = false} : vector<2048x64xf32>, vector<64x64xf32>, vector<2048x64xf32> -> vector<2048x64xf32>
    %add3A_30 = arith.addf %dot_general3A_24, %dot_general3A_29 : vector<2048x64xf32>
    %get3A_31 = arith.constant 0 : index
    %get3A_32 = arith.constant 0 : index
    %get3A_33 = vector.load %arg8[%get3A_31, %get3A_32] : memref<1x64xf32, #tpu.memory_space<vmem>>, vector<1x64xf32>
    %add3A_34 = vector.broadcast %get3A_33 : vector<1x64xf32> to vector<2048x64xf32>
    %add3A_35 = arith.addf %add3A_30, %add3A_34 : vector<2048x64xf32>
    %max3A_36 = arith.constant 0.000000e+00 : f32
    %max3A_37 = vector.broadcast %max3A_36 : f32 to vector<2048x64xf32>
    %max3A_38 = arith.maximumf %add3A_35, %max3A_37 : vector<2048x64xf32>
    %swap3A = arith.constant 0 : index
    %swap3A_39 = arith.constant 0 : index
    %swap3A_40 = vector.load %arg11[%swap3A, %swap3A_39] : memref<2048x64xf32, #tpu.memory_space<vmem>>, vector<2048x64xf32>
    tpu.vector_store %arg11[%swap3A, %swap3A_39], %max3A_38 {strides = array<i32>} : memref<2048x64xf32, #tpu.memory_space<vmem>>, vector<2048x64xf32>,
    %get3A_41 = arith.constant 0 : index
    %get3A_42 = arith.constant 0 : index
    %get3A_43 = vector.load %arg9[%get3A_41, %get3A_42] : memref<64x128xf32, #tpu.memory_space<vmem>>, vector<64x128xf32>
    %dot_general3A_44 = arith.constant dense<0.000000e+00> : vector<2048x128xf32>
    %dot_general3A_45 = tpu.matmul %max3A_38, %get3A_43, %dot_general3A_44 {dimension_numbers = #tpu.dot_dimension_numbers<[1], [0], [0], [1], [0, 0, 1, 1], [], []>, precision = #tpu.contract_precision<fp32>, transpose_lhs_hint = false} : vector<2048x64xf32>, vector<64x128xf32>, vector<2048x128xf32> -> vector<2048x128xf32>
    %swap3A_46 = arith.constant 0 : index
    %swap3A_47 = arith.constant 0 : index
    %swap3A_48 = vector.load %arg12[%swap3A_46, %swap3A_47] : memref<2048x128xf32, #tpu.memory_space<vmem>>, vector<2048x128xf32>
    tpu.vector_store %arg12[%swap3A_46, %swap3A_47], %dot_general3A_45 {strides = array<i32>} : memref<2048x128xf32, #tpu.memory_space<vmem>>, vector<2048x128xf32>,
    %get3A_49 = arith.constant 0 : index
    %get3A_50 = arith.constant 0 : index
    %get3A_51 = vector.load %arg10[%get3A_49, %get3A_50] : memref<64x128xf32, #tpu.memory_space<vmem>>, vector<64x128xf32>
    %dot_general3A_52 = arith.constant dense<0.000000e+00> : vector<2048x128xf32>
    %dot_general3A_53 = tpu.matmul %max3A_38, %get3A_51, %dot_general3A_52 {dimension_numbers = #tpu.dot_dimension_numbers<[1], [0], [0], [1], [0, 0, 1, 1], [], []>, precision = #tpu.contract_precision<fp32>, transpose_lhs_hint = false} : vector<2048x64xf32>, vector<64x128xf32>, vector<2048x128xf32> -> vector<2048x128xf32>
    %swap3A_54 = arith.constant 0 : index
    %swap3A_55 = arith.constant 0 : index
    %swap3A_56 = vector.load %arg13[%swap3A_54, %swap3A_55] : memref<2048x128xf32, #tpu.memory_space<vmem>>, vector<2048x128xf32>
    tpu.vector_store %arg13[%swap3A_54, %swap3A_55], %dot_general3A_53 {strides = array<i32>} : memref<2048x128xf32, #tpu.memory_space<vmem>>, vector<2048x128xf32>,
    return
  }
  func.func @transform_0(%arg0: i32) -> (i32, i32) {
    %c0_i32 = arith.constant 0 : i32
    %c0_i32_0 = arith.constant 0 : i32
    return %arg0, %c0_i32 : i32, i32
  }
  func.func @transform_1(%arg0: i32) -> (i32, i32) {
    %c0_i32 = arith.constant 0 : i32
    %c0_i32_0 = arith.constant 0 : i32
    return %arg0, %c0_i32 : i32, i32
  }
  func.func @transform_2(%arg0: i32) -> (i32, i32) {
    %add3A = arith.constant 5 : i32
    %add3A_0 = arith.addi %arg0, %add3A : i32
    %c0_i32 = arith.constant 0 : i32
    %c0_i32_1 = arith.constant 0 : i32
    return %add3A_0, %c0_i32 : i32, i32
  }
  func.func @transform_3(%arg0: i32) -> (i32, i32) {
    %c0_i32 = arith.constant 0 : i32
    %c0_i32_0 = arith.constant 0 : i32
    return %arg0, %c0_i32 : i32, i32
  }
  func.func @transform_4(%arg0: i32) -> (i32, i32) {
    %add3A = arith.constant 5 : i32
    %add3A_0 = arith.addi %arg0, %add3A : i32
    %c0_i32 = arith.constant 0 : i32
    %c0_i32_1 = arith.constant 0 : i32
    return %add3A_0, %c0_i32 : i32, i32
  }
  func.func @transform_5(%arg0: i32) -> (i32, i32) {
    %c0_i32 = arith.constant 0 : i32
    %c0_i32_0 = arith.constant 0 : i32
    %c0_i32_1 = arith.constant 0 : i32
    return %c0_i32, %c0_i32_0 : i32, i32
  }
  func.func @transform_6(%arg0: i32) -> (i32, i32) {
    %c0_i32 = arith.constant 0 : i32
    %c0_i32_0 = arith.constant 0 : i32
    %c0_i32_1 = arith.constant 0 : i32
    return %c0_i32, %c0_i32_0 : i32, i32
  }
  func.func @transform_7(%arg0: i32) -> (i32, i32) {
    %c0_i32 = arith.constant 0 : i32
    %c0_i32_0 = arith.constant 0 : i32
    %c0_i32_1 = arith.constant 0 : i32
    return %c0_i32, %c0_i32_0 : i32, i32
  }
  func.func @transform_8(%arg0: i32) -> (i32, i32) {
    %c0_i32 = arith.constant 0 : i32
    %c0_i32_0 = arith.constant 0 : i32
    %c0_i32_1 = arith.constant 0 : i32
    return %c0_i32, %c0_i32_0 : i32, i32
  }
  func.func @transform_9(%arg0: i32) -> (i32, i32) {
    %c0_i32 = arith.constant 0 : i32
    %c0_i32_0 = arith.constant 0 : i32
    %c0_i32_1 = arith.constant 0 : i32
    return %c0_i32, %c0_i32_0 : i32, i32
  }
  func.func @transform_10(%arg0: i32) -> (i32, i32) {
    %c0_i32 = arith.constant 0 : i32
    %c0_i32_0 = arith.constant 0 : i32
    return %arg0, %c0_i32 : i32, i32
  }
  func.func @transform_11(%arg0: i32) -> (i32, i32) {
    %c0_i32 = arith.constant 0 : i32
    %c0_i32_0 = arith.constant 0 : i32
    return %arg0, %c0_i32 : i32, i32
  }
  func.func @transform_12(%arg0: i32) -> (i32, i32) {
    %c0_i32 = arith.constant 0 : i32
    %c0_i32_0 = arith.constant 0 : i32
    return %arg0, %c0_i32 : i32, i32
  }
}

module attributes {stable_mosaic.version = 14 : i64} {
  func.func @_edge_body(%arg0: i32, %arg1: memref<512x128xf32, #tpu.memory_space<vmem>>, %arg2: memref<512x128xf32, #tpu.memory_space<vmem>>, %arg3: memref<512x64xf32, #tpu.memory_space<vmem>>, %arg4: memref<64x64xf32, #tpu.memory_space<vmem>>, %arg5: memref<64x64xf32, #tpu.memory_space<vmem>>, %arg6: memref<1x64xf32, #tpu.memory_space<vmem>>, %arg7: memref<1x64xf32, #tpu.memory_space<vmem>>, %arg8: memref<512x64xf32, #tpu.memory_space<vmem>>, %arg9: memref<512x64xf32, #tpu.memory_space<vmem>>) attributes {dimension_semantics = [#tpu.dimension_semantics<arbitrary>], iteration_bounds = array<i64: 640>, scalar_prefetch = 0 : i64, scratch_operands = 0 : i64, tpu.core_type = #tpu.core_type<tc>, window_params = [{transform_indices = @transform_0, window_bounds = array<i64: 512, 128>}, {transform_indices = @transform_1, window_bounds = array<i64: 512, 128>}, {transform_indices = @transform_2, window_bounds = array<i64: 512, 64>}, {pipeline_mode = #tpu.pipeline_mode<synchronous>, transform_indices = @transform_3, window_bounds = array<i64: 64, 64>}, {pipeline_mode = #tpu.pipeline_mode<synchronous>, transform_indices = @transform_4, window_bounds = array<i64: 64, 64>}, {pipeline_mode = #tpu.pipeline_mode<synchronous>, transform_indices = @transform_5, window_bounds = array<i64: 1, 64>}, {pipeline_mode = #tpu.pipeline_mode<synchronous>, transform_indices = @transform_6, window_bounds = array<i64: 1, 64>}, {transform_indices = @transform_7, window_bounds = array<i64: 512, 64>}, {transform_indices = @transform_8, window_bounds = array<i64: 512, 64>}]} {
    %get3A = arith.constant 0 : index
    %get3A_0 = arith.constant 0 : index
    %get3A_1 = vector.load %arg1[%get3A, %get3A_0] : memref<512x128xf32, #tpu.memory_space<vmem>>, vector<512x128xf32>
    %slice3A = vector.extract_strided_slice %get3A_1 {offsets = [0, 0], sizes = [512, 64], strides = [1, 1]} : vector<512x128xf32> to vector<512x64xf32>
    %get3A_2 = arith.constant 0 : index
    %get3A_3 = arith.constant 0 : index
    %get3A_4 = vector.load %arg2[%get3A_2, %get3A_3] : memref<512x128xf32, #tpu.memory_space<vmem>>, vector<512x128xf32>
    %slice3A_5 = vector.extract_strided_slice %get3A_4 {offsets = [0, 0], sizes = [512, 64], strides = [1, 1]} : vector<512x128xf32> to vector<512x64xf32>
    %add3A = arith.addf %slice3A, %slice3A_5 : vector<512x64xf32>
    %get3A_6 = arith.constant 0 : index
    %get3A_7 = arith.constant 0 : index
    %get3A_8 = vector.load %arg3[%get3A_6, %get3A_7] : memref<512x64xf32, #tpu.memory_space<vmem>>, vector<512x64xf32>
    %get3A_9 = arith.constant 0 : index
    %get3A_10 = arith.constant 0 : index
    %get3A_11 = vector.load %arg4[%get3A_9, %get3A_10] : memref<64x64xf32, #tpu.memory_space<vmem>>, vector<64x64xf32>
    %dot_general3A = arith.constant dense<0.000000e+00> : vector<512x64xf32>
    %dot_general3A_12 = tpu.matmul %get3A_8, %get3A_11, %dot_general3A {dimension_numbers = #tpu.dot_dimension_numbers<[1], [0], [0], [1], [0, 0, 1, 1], [], []>, precision = #tpu.contract_precision<fp32>, transpose_lhs_hint = false} : vector<512x64xf32>, vector<64x64xf32>, vector<512x64xf32> -> vector<512x64xf32>
    %add3A_13 = arith.addf %add3A, %dot_general3A_12 : vector<512x64xf32>
    %get3A_14 = arith.constant 0 : index
    %get3A_15 = arith.constant 0 : index
    %get3A_16 = vector.load %arg6[%get3A_14, %get3A_15] : memref<1x64xf32, #tpu.memory_space<vmem>>, vector<1x64xf32>
    %add3A_17 = vector.broadcast %get3A_16 : vector<1x64xf32> to vector<512x64xf32>
    %add3A_18 = arith.addf %add3A_13, %add3A_17 : vector<512x64xf32>
    %max3A = arith.constant 0.000000e+00 : f32
    %max3A_19 = vector.broadcast %max3A : f32 to vector<512x64xf32>
    %max3A_20 = arith.maximumf %add3A_18, %max3A_19 : vector<512x64xf32>
    %swap3A = arith.constant 0 : index
    %swap3A_21 = arith.constant 0 : index
    %swap3A_22 = vector.load %arg8[%swap3A, %swap3A_21] : memref<512x64xf32, #tpu.memory_space<vmem>>, vector<512x64xf32>
    tpu.vector_store %arg8[%swap3A, %swap3A_21], %max3A_20 {strides = array<i32>} : memref<512x64xf32, #tpu.memory_space<vmem>>, vector<512x64xf32>,
    %slice3A_23 = vector.extract_strided_slice %get3A_1 {offsets = [0, 64], sizes = [512, 64], strides = [1, 1]} : vector<512x128xf32> to vector<512x64xf32>
    %get3A_24 = arith.constant 0 : index
    %get3A_25 = arith.constant 0 : index
    %get3A_26 = vector.load %arg5[%get3A_24, %get3A_25] : memref<64x64xf32, #tpu.memory_space<vmem>>, vector<64x64xf32>
    %dot_general3A_27 = arith.constant dense<0.000000e+00> : vector<512x64xf32>
    %dot_general3A_28 = tpu.matmul %max3A_20, %get3A_26, %dot_general3A_27 {dimension_numbers = #tpu.dot_dimension_numbers<[1], [0], [0], [1], [0, 0, 1, 1], [], []>, precision = #tpu.contract_precision<fp32>, transpose_lhs_hint = false} : vector<512x64xf32>, vector<64x64xf32>, vector<512x64xf32> -> vector<512x64xf32>
    %add3A_29 = arith.addf %slice3A_23, %dot_general3A_28 : vector<512x64xf32>
    %get3A_30 = arith.constant 0 : index
    %get3A_31 = arith.constant 0 : index
    %get3A_32 = vector.load %arg7[%get3A_30, %get3A_31] : memref<1x64xf32, #tpu.memory_space<vmem>>, vector<1x64xf32>
    %add3A_33 = vector.broadcast %get3A_32 : vector<1x64xf32> to vector<512x64xf32>
    %add3A_34 = arith.addf %add3A_29, %add3A_33 : vector<512x64xf32>
    %max3A_35 = arith.constant 0.000000e+00 : f32
    %max3A_36 = vector.broadcast %max3A_35 : f32 to vector<512x64xf32>
    %max3A_37 = arith.maximumf %add3A_34, %max3A_36 : vector<512x64xf32>
    %swap3A_38 = arith.constant 0 : index
    %swap3A_39 = arith.constant 0 : index
    %swap3A_40 = vector.load %arg9[%swap3A_38, %swap3A_39] : memref<512x64xf32, #tpu.memory_space<vmem>>, vector<512x64xf32>
    tpu.vector_store %arg9[%swap3A_38, %swap3A_39], %max3A_37 {strides = array<i32>} : memref<512x64xf32, #tpu.memory_space<vmem>>, vector<512x64xf32>,
    return
  }
  func.func @transform_0(%arg0: i32) -> (i32, i32) {
    %c0_i32 = arith.constant 0 : i32
    %c0_i32_0 = arith.constant 0 : i32
    return %arg0, %c0_i32 : i32, i32
  }
  func.func @transform_1(%arg0: i32) -> (i32, i32) {
    %c0_i32 = arith.constant 0 : i32
    %c0_i32_0 = arith.constant 0 : i32
    return %arg0, %c0_i32 : i32, i32
  }
  func.func @transform_2(%arg0: i32) -> (i32, i32) {
    %c0_i32 = arith.constant 0 : i32
    %c0_i32_0 = arith.constant 0 : i32
    return %arg0, %c0_i32 : i32, i32
  }
  func.func @transform_3(%arg0: i32) -> (i32, i32) {
    %c0_i32 = arith.constant 0 : i32
    %c0_i32_0 = arith.constant 0 : i32
    %c0_i32_1 = arith.constant 0 : i32
    return %c0_i32, %c0_i32_0 : i32, i32
  }
  func.func @transform_4(%arg0: i32) -> (i32, i32) {
    %c0_i32 = arith.constant 0 : i32
    %c0_i32_0 = arith.constant 0 : i32
    %c0_i32_1 = arith.constant 0 : i32
    return %c0_i32, %c0_i32_0 : i32, i32
  }
  func.func @transform_5(%arg0: i32) -> (i32, i32) {
    %c0_i32 = arith.constant 0 : i32
    %c0_i32_0 = arith.constant 0 : i32
    %c0_i32_1 = arith.constant 0 : i32
    return %c0_i32, %c0_i32_0 : i32, i32
  }
  func.func @transform_6(%arg0: i32) -> (i32, i32) {
    %c0_i32 = arith.constant 0 : i32
    %c0_i32_0 = arith.constant 0 : i32
    %c0_i32_1 = arith.constant 0 : i32
    return %c0_i32, %c0_i32_0 : i32, i32
  }
  func.func @transform_7(%arg0: i32) -> (i32, i32) {
    %c0_i32 = arith.constant 0 : i32
    %c0_i32_0 = arith.constant 0 : i32
    return %arg0, %c0_i32 : i32, i32
  }
  func.func @transform_8(%arg0: i32) -> (i32, i32) {
    %c0_i32 = arith.constant 0 : i32
    %c0_i32_0 = arith.constant 0 : i32
    return %arg0, %c0_i32 : i32, i32
  }
}

module attributes {stable_mosaic.version = 14 : i64} {
  func.func @_node_body(%arg0: i32, %arg1: memref<2048x64xf32, #tpu.memory_space<vmem>>, %arg2: memref<2048x64xf32, #tpu.memory_space<vmem>>, %arg3: memref<2048x64xf32, #tpu.memory_space<vmem>>, %arg4: memref<2048x64xf32, #tpu.memory_space<vmem>>, %arg5: memref<2048x64xf32, #tpu.memory_space<vmem>>, %arg6: memref<64x64xf32, #tpu.memory_space<vmem>>, %arg7: memref<64x64xf32, #tpu.memory_space<vmem>>, %arg8: memref<1x64xf32, #tpu.memory_space<vmem>>, %arg9: memref<64x128xf32, #tpu.memory_space<vmem>>, %arg10: memref<64x128xf32, #tpu.memory_space<vmem>>, %arg11: memref<2048x64xf32, #tpu.memory_space<vmem>>, %arg12: memref<2048x128xf32, #tpu.memory_space<vmem>>, %arg13: memref<2048x128xf32, #tpu.memory_space<vmem>>) attributes {dimension_semantics = [#tpu.dimension_semantics<arbitrary>], iteration_bounds = array<i64: 5>, scalar_prefetch = 0 : i64, scratch_operands = 0 : i64, tpu.core_type = #tpu.core_type<tc>, window_params = [{transform_indices = @transform_0, window_bounds = array<i64: 2048, 64>}, {transform_indices = @transform_1, window_bounds = array<i64: 2048, 64>}, {transform_indices = @transform_2, window_bounds = array<i64: 2048, 64>}, {transform_indices = @transform_3, window_bounds = array<i64: 2048, 64>}, {transform_indices = @transform_4, window_bounds = array<i64: 2048, 64>}, {pipeline_mode = #tpu.pipeline_mode<synchronous>, transform_indices = @transform_5, window_bounds = array<i64: 64, 64>}, {pipeline_mode = #tpu.pipeline_mode<synchronous>, transform_indices = @transform_6, window_bounds = array<i64: 64, 64>}, {pipeline_mode = #tpu.pipeline_mode<synchronous>, transform_indices = @transform_7, window_bounds = array<i64: 1, 64>}, {pipeline_mode = #tpu.pipeline_mode<synchronous>, transform_indices = @transform_8, window_bounds = array<i64: 64, 128>}, {pipeline_mode = #tpu.pipeline_mode<synchronous>, transform_indices = @transform_9, window_bounds = array<i64: 64, 128>}, {transform_indices = @transform_10, window_bounds = array<i64: 2048, 64>}, {transform_indices = @transform_11, window_bounds = array<i64: 2048, 128>}, {transform_indices = @transform_12, window_bounds = array<i64: 2048, 128>}]} {
    %get3A = arith.constant 0 : index
    %get3A_0 = arith.constant 0 : index
    %get3A_1 = vector.load %arg4[%get3A, %get3A_0] : memref<2048x64xf32, #tpu.memory_space<vmem>>, vector<2048x64xf32>
    %slice3A = vector.extract_strided_slice %get3A_1 {offsets = [0, 0], sizes = [2048, 1], strides = [1, 1]} : vector<2048x64xf32> to vector<2048x1xf32>
    %get3A_2 = arith.constant 0 : index
    %get3A_3 = arith.constant 0 : index
    %get3A_4 = vector.load %arg5[%get3A_2, %get3A_3] : memref<2048x64xf32, #tpu.memory_space<vmem>>, vector<2048x64xf32>
    %slice3A_5 = vector.extract_strided_slice %get3A_4 {offsets = [0, 0], sizes = [2048, 1], strides = [1, 1]} : vector<2048x64xf32> to vector<2048x1xf32>
    %add3A = arith.addf %slice3A, %slice3A_5 : vector<2048x1xf32>
    %max3A = arith.constant 1.000000e+00 : f32
    %max3A_6 = vector.broadcast %max3A : f32 to vector<2048x1xf32>
    %max3A_7 = arith.maximumf %add3A, %max3A_6 : vector<2048x1xf32>
    %div3A = arith.constant 1.000000e+00 : f32
    %div3A_8 = vector.broadcast %div3A : f32 to vector<2048x1xf32>
    %div3A_9 = arith.divf %div3A_8, %max3A_7 : vector<2048x1xf32>
    %get3A_10 = arith.constant 0 : index
    %get3A_11 = arith.constant 0 : index
    %get3A_12 = vector.load %arg2[%get3A_10, %get3A_11] : memref<2048x64xf32, #tpu.memory_space<vmem>>, vector<2048x64xf32>
    %get3A_13 = arith.constant 0 : index
    %get3A_14 = arith.constant 0 : index
    %get3A_15 = vector.load %arg3[%get3A_13, %get3A_14] : memref<2048x64xf32, #tpu.memory_space<vmem>>, vector<2048x64xf32>
    %add3A_16 = arith.addf %get3A_12, %get3A_15 : vector<2048x64xf32>
    %mul3A = vector.broadcast %div3A_9 : vector<2048x1xf32> to vector<2048x64xf32>
    %mul3A_17 = arith.mulf %add3A_16, %mul3A : vector<2048x64xf32>
    %get3A_18 = arith.constant 0 : index
    %get3A_19 = arith.constant 0 : index
    %get3A_20 = vector.load %arg1[%get3A_18, %get3A_19] : memref<2048x64xf32, #tpu.memory_space<vmem>>, vector<2048x64xf32>
    %get3A_21 = arith.constant 0 : index
    %get3A_22 = arith.constant 0 : index
    %get3A_23 = vector.load %arg6[%get3A_21, %get3A_22] : memref<64x64xf32, #tpu.memory_space<vmem>>, vector<64x64xf32>
    %dot_general3A = arith.constant dense<0.000000e+00> : vector<2048x64xf32>
    %dot_general3A_24 = tpu.matmul %get3A_20, %get3A_23, %dot_general3A {dimension_numbers = #tpu.dot_dimension_numbers<[1], [0], [0], [1], [0, 0, 1, 1], [], []>, precision = #tpu.contract_precision<fp32>, transpose_lhs_hint = false} : vector<2048x64xf32>, vector<64x64xf32>, vector<2048x64xf32> -> vector<2048x64xf32>
    %get3A_25 = arith.constant 0 : index
    %get3A_26 = arith.constant 0 : index
    %get3A_27 = vector.load %arg7[%get3A_25, %get3A_26] : memref<64x64xf32, #tpu.memory_space<vmem>>, vector<64x64xf32>
    %dot_general3A_28 = arith.constant dense<0.000000e+00> : vector<2048x64xf32>
    %dot_general3A_29 = tpu.matmul %mul3A_17, %get3A_27, %dot_general3A_28 {dimension_numbers = #tpu.dot_dimension_numbers<[1], [0], [0], [1], [0, 0, 1, 1], [], []>, precision = #tpu.contract_precision<fp32>, transpose_lhs_hint = false} : vector<2048x64xf32>, vector<64x64xf32>, vector<2048x64xf32> -> vector<2048x64xf32>
    %add3A_30 = arith.addf %dot_general3A_24, %dot_general3A_29 : vector<2048x64xf32>
    %get3A_31 = arith.constant 0 : index
    %get3A_32 = arith.constant 0 : index
    %get3A_33 = vector.load %arg8[%get3A_31, %get3A_32] : memref<1x64xf32, #tpu.memory_space<vmem>>, vector<1x64xf32>
    %add3A_34 = vector.broadcast %get3A_33 : vector<1x64xf32> to vector<2048x64xf32>
    %add3A_35 = arith.addf %add3A_30, %add3A_34 : vector<2048x64xf32>
    %max3A_36 = arith.constant 0.000000e+00 : f32
    %max3A_37 = vector.broadcast %max3A_36 : f32 to vector<2048x64xf32>
    %max3A_38 = arith.maximumf %add3A_35, %max3A_37 : vector<2048x64xf32>
    %swap3A = arith.constant 0 : index
    %swap3A_39 = arith.constant 0 : index
    %swap3A_40 = vector.load %arg11[%swap3A, %swap3A_39] : memref<2048x64xf32, #tpu.memory_space<vmem>>, vector<2048x64xf32>
    tpu.vector_store %arg11[%swap3A, %swap3A_39], %max3A_38 {strides = array<i32>} : memref<2048x64xf32, #tpu.memory_space<vmem>>, vector<2048x64xf32>,
    %get3A_41 = arith.constant 0 : index
    %get3A_42 = arith.constant 0 : index
    %get3A_43 = vector.load %arg9[%get3A_41, %get3A_42] : memref<64x128xf32, #tpu.memory_space<vmem>>, vector<64x128xf32>
    %dot_general3A_44 = arith.constant dense<0.000000e+00> : vector<2048x128xf32>
    %dot_general3A_45 = tpu.matmul %max3A_38, %get3A_43, %dot_general3A_44 {dimension_numbers = #tpu.dot_dimension_numbers<[1], [0], [0], [1], [0, 0, 1, 1], [], []>, precision = #tpu.contract_precision<fp32>, transpose_lhs_hint = false} : vector<2048x64xf32>, vector<64x128xf32>, vector<2048x128xf32> -> vector<2048x128xf32>
    %swap3A_46 = arith.constant 0 : index
    %swap3A_47 = arith.constant 0 : index
    %swap3A_48 = vector.load %arg12[%swap3A_46, %swap3A_47] : memref<2048x128xf32, #tpu.memory_space<vmem>>, vector<2048x128xf32>
    tpu.vector_store %arg12[%swap3A_46, %swap3A_47], %dot_general3A_45 {strides = array<i32>} : memref<2048x128xf32, #tpu.memory_space<vmem>>, vector<2048x128xf32>,
    %get3A_49 = arith.constant 0 : index
    %get3A_50 = arith.constant 0 : index
    %get3A_51 = vector.load %arg10[%get3A_49, %get3A_50] : memref<64x128xf32, #tpu.memory_space<vmem>>, vector<64x128xf32>
    %dot_general3A_52 = arith.constant dense<0.000000e+00> : vector<2048x128xf32>
    %dot_general3A_53 = tpu.matmul %max3A_38, %get3A_51, %dot_general3A_52 {dimension_numbers = #tpu.dot_dimension_numbers<[1], [0], [0], [1], [0, 0, 1, 1], [], []>, precision = #tpu.contract_precision<fp32>, transpose_lhs_hint = false} : vector<2048x64xf32>, vector<64x128xf32>, vector<2048x128xf32> -> vector<2048x128xf32>
    %swap3A_54 = arith.constant 0 : index
    %swap3A_55 = arith.constant 0 : index
    %swap3A_56 = vector.load %arg13[%swap3A_54, %swap3A_55] : memref<2048x128xf32, #tpu.memory_space<vmem>>, vector<2048x128xf32>
    tpu.vector_store %arg13[%swap3A_54, %swap3A_55], %dot_general3A_53 {strides = array<i32>} : memref<2048x128xf32, #tpu.memory_space<vmem>>, vector<2048x128xf32>,
    return
  }
  func.func @transform_0(%arg0: i32) -> (i32, i32) {
    %c0_i32 = arith.constant 0 : i32
    %c0_i32_0 = arith.constant 0 : i32
    return %arg0, %c0_i32 : i32, i32
  }
  func.func @transform_1(%arg0: i32) -> (i32, i32) {
    %c0_i32 = arith.constant 0 : i32
    %c0_i32_0 = arith.constant 0 : i32
    return %arg0, %c0_i32 : i32, i32
  }
  func.func @transform_2(%arg0: i32) -> (i32, i32) {
    %add3A = arith.constant 5 : i32
    %add3A_0 = arith.addi %arg0, %add3A : i32
    %c0_i32 = arith.constant 0 : i32
    %c0_i32_1 = arith.constant 0 : i32
    return %add3A_0, %c0_i32 : i32, i32
  }
  func.func @transform_3(%arg0: i32) -> (i32, i32) {
    %c0_i32 = arith.constant 0 : i32
    %c0_i32_0 = arith.constant 0 : i32
    return %arg0, %c0_i32 : i32, i32
  }
  func.func @transform_4(%arg0: i32) -> (i32, i32) {
    %add3A = arith.constant 5 : i32
    %add3A_0 = arith.addi %arg0, %add3A : i32
    %c0_i32 = arith.constant 0 : i32
    %c0_i32_1 = arith.constant 0 : i32
    return %add3A_0, %c0_i32 : i32, i32
  }
  func.func @transform_5(%arg0: i32) -> (i32, i32) {
    %c0_i32 = arith.constant 0 : i32
    %c0_i32_0 = arith.constant 0 : i32
    %c0_i32_1 = arith.constant 0 : i32
    return %c0_i32, %c0_i32_0 : i32, i32
  }
  func.func @transform_6(%arg0: i32) -> (i32, i32) {
    %c0_i32 = arith.constant 0 : i32
    %c0_i32_0 = arith.constant 0 : i32
    %c0_i32_1 = arith.constant 0 : i32
    return %c0_i32, %c0_i32_0 : i32, i32
  }
  func.func @transform_7(%arg0: i32) -> (i32, i32) {
    %c0_i32 = arith.constant 0 : i32
    %c0_i32_0 = arith.constant 0 : i32
    %c0_i32_1 = arith.constant 0 : i32
    return %c0_i32, %c0_i32_0 : i32, i32
  }
  func.func @transform_8(%arg0: i32) -> (i32, i32) {
    %c0_i32 = arith.constant 0 : i32
    %c0_i32_0 = arith.constant 0 : i32
    %c0_i32_1 = arith.constant 0 : i32
    return %c0_i32, %c0_i32_0 : i32, i32
  }
  func.func @transform_9(%arg0: i32) -> (i32, i32) {
    %c0_i32 = arith.constant 0 : i32
    %c0_i32_0 = arith.constant 0 : i32
    %c0_i32_1 = arith.constant 0 : i32
    return %c0_i32, %c0_i32_0 : i32, i32
  }
  func.func @transform_10(%arg0: i32) -> (i32, i32) {
    %c0_i32 = arith.constant 0 : i32
    %c0_i32_0 = arith.constant 0 : i32
    return %arg0, %c0_i32 : i32, i32
  }
  func.func @transform_11(%arg0: i32) -> (i32, i32) {
    %c0_i32 = arith.constant 0 : i32
    %c0_i32_0 = arith.constant 0 : i32
    return %arg0, %c0_i32 : i32, i32
  }
  func.func @transform_12(%arg0: i32) -> (i32, i32) {
    %c0_i32 = arith.constant 0 : i32
    %c0_i32_0 = arith.constant 0 : i32
    return %arg0, %c0_i32 : i32, i32
  }
}

module attributes {stable_mosaic.version = 14 : i64} {
  func.func @_edge_body(%arg0: i32, %arg1: memref<512x128xf32, #tpu.memory_space<vmem>>, %arg2: memref<512x128xf32, #tpu.memory_space<vmem>>, %arg3: memref<512x64xf32, #tpu.memory_space<vmem>>, %arg4: memref<64x64xf32, #tpu.memory_space<vmem>>, %arg5: memref<64x64xf32, #tpu.memory_space<vmem>>, %arg6: memref<1x64xf32, #tpu.memory_space<vmem>>, %arg7: memref<1x64xf32, #tpu.memory_space<vmem>>, %arg8: memref<512x64xf32, #tpu.memory_space<vmem>>, %arg9: memref<512x64xf32, #tpu.memory_space<vmem>>) attributes {dimension_semantics = [#tpu.dimension_semantics<arbitrary>], iteration_bounds = array<i64: 640>, scalar_prefetch = 0 : i64, scratch_operands = 0 : i64, tpu.core_type = #tpu.core_type<tc>, window_params = [{transform_indices = @transform_0, window_bounds = array<i64: 512, 128>}, {transform_indices = @transform_1, window_bounds = array<i64: 512, 128>}, {transform_indices = @transform_2, window_bounds = array<i64: 512, 64>}, {pipeline_mode = #tpu.pipeline_mode<synchronous>, transform_indices = @transform_3, window_bounds = array<i64: 64, 64>}, {pipeline_mode = #tpu.pipeline_mode<synchronous>, transform_indices = @transform_4, window_bounds = array<i64: 64, 64>}, {pipeline_mode = #tpu.pipeline_mode<synchronous>, transform_indices = @transform_5, window_bounds = array<i64: 1, 64>}, {pipeline_mode = #tpu.pipeline_mode<synchronous>, transform_indices = @transform_6, window_bounds = array<i64: 1, 64>}, {transform_indices = @transform_7, window_bounds = array<i64: 512, 64>}, {transform_indices = @transform_8, window_bounds = array<i64: 512, 64>}]} {
    %get3A = arith.constant 0 : index
    %get3A_0 = arith.constant 0 : index
    %get3A_1 = vector.load %arg1[%get3A, %get3A_0] : memref<512x128xf32, #tpu.memory_space<vmem>>, vector<512x128xf32>
    %slice3A = vector.extract_strided_slice %get3A_1 {offsets = [0, 0], sizes = [512, 64], strides = [1, 1]} : vector<512x128xf32> to vector<512x64xf32>
    %get3A_2 = arith.constant 0 : index
    %get3A_3 = arith.constant 0 : index
    %get3A_4 = vector.load %arg2[%get3A_2, %get3A_3] : memref<512x128xf32, #tpu.memory_space<vmem>>, vector<512x128xf32>
    %slice3A_5 = vector.extract_strided_slice %get3A_4 {offsets = [0, 0], sizes = [512, 64], strides = [1, 1]} : vector<512x128xf32> to vector<512x64xf32>
    %add3A = arith.addf %slice3A, %slice3A_5 : vector<512x64xf32>
    %get3A_6 = arith.constant 0 : index
    %get3A_7 = arith.constant 0 : index
    %get3A_8 = vector.load %arg3[%get3A_6, %get3A_7] : memref<512x64xf32, #tpu.memory_space<vmem>>, vector<512x64xf32>
    %get3A_9 = arith.constant 0 : index
    %get3A_10 = arith.constant 0 : index
    %get3A_11 = vector.load %arg4[%get3A_9, %get3A_10] : memref<64x64xf32, #tpu.memory_space<vmem>>, vector<64x64xf32>
    %dot_general3A = arith.constant dense<0.000000e+00> : vector<512x64xf32>
    %dot_general3A_12 = tpu.matmul %get3A_8, %get3A_11, %dot_general3A {dimension_numbers = #tpu.dot_dimension_numbers<[1], [0], [0], [1], [0, 0, 1, 1], [], []>, precision = #tpu.contract_precision<fp32>, transpose_lhs_hint = false} : vector<512x64xf32>, vector<64x64xf32>, vector<512x64xf32> -> vector<512x64xf32>
    %add3A_13 = arith.addf %add3A, %dot_general3A_12 : vector<512x64xf32>
    %get3A_14 = arith.constant 0 : index
    %get3A_15 = arith.constant 0 : index
    %get3A_16 = vector.load %arg6[%get3A_14, %get3A_15] : memref<1x64xf32, #tpu.memory_space<vmem>>, vector<1x64xf32>
    %add3A_17 = vector.broadcast %get3A_16 : vector<1x64xf32> to vector<512x64xf32>
    %add3A_18 = arith.addf %add3A_13, %add3A_17 : vector<512x64xf32>
    %swap3A = arith.constant 0 : index
    %swap3A_19 = arith.constant 0 : index
    %swap3A_20 = vector.load %arg8[%swap3A, %swap3A_19] : memref<512x64xf32, #tpu.memory_space<vmem>>, vector<512x64xf32>
    tpu.vector_store %arg8[%swap3A, %swap3A_19], %add3A_18 {strides = array<i32>} : memref<512x64xf32, #tpu.memory_space<vmem>>, vector<512x64xf32>,
    %slice3A_21 = vector.extract_strided_slice %get3A_1 {offsets = [0, 64], sizes = [512, 64], strides = [1, 1]} : vector<512x128xf32> to vector<512x64xf32>
    %get3A_22 = arith.constant 0 : index
    %get3A_23 = arith.constant 0 : index
    %get3A_24 = vector.load %arg5[%get3A_22, %get3A_23] : memref<64x64xf32, #tpu.memory_space<vmem>>, vector<64x64xf32>
    %dot_general3A_25 = arith.constant dense<0.000000e+00> : vector<512x64xf32>
    %dot_general3A_26 = tpu.matmul %add3A_18, %get3A_24, %dot_general3A_25 {dimension_numbers = #tpu.dot_dimension_numbers<[1], [0], [0], [1], [0, 0, 1, 1], [], []>, precision = #tpu.contract_precision<fp32>, transpose_lhs_hint = false} : vector<512x64xf32>, vector<64x64xf32>, vector<512x64xf32> -> vector<512x64xf32>
    %add3A_27 = arith.addf %slice3A_21, %dot_general3A_26 : vector<512x64xf32>
    %get3A_28 = arith.constant 0 : index
    %get3A_29 = arith.constant 0 : index
    %get3A_30 = vector.load %arg7[%get3A_28, %get3A_29] : memref<1x64xf32, #tpu.memory_space<vmem>>, vector<1x64xf32>
    %add3A_31 = vector.broadcast %get3A_30 : vector<1x64xf32> to vector<512x64xf32>
    %add3A_32 = arith.addf %add3A_27, %add3A_31 : vector<512x64xf32>
    %swap3A_33 = arith.constant 0 : index
    %swap3A_34 = arith.constant 0 : index
    %swap3A_35 = vector.load %arg9[%swap3A_33, %swap3A_34] : memref<512x64xf32, #tpu.memory_space<vmem>>, vector<512x64xf32>
    tpu.vector_store %arg9[%swap3A_33, %swap3A_34], %add3A_32 {strides = array<i32>} : memref<512x64xf32, #tpu.memory_space<vmem>>, vector<512x64xf32>,
    return
  }
  func.func @transform_0(%arg0: i32) -> (i32, i32) {
    %c0_i32 = arith.constant 0 : i32
    %c0_i32_0 = arith.constant 0 : i32
    return %arg0, %c0_i32 : i32, i32
  }
  func.func @transform_1(%arg0: i32) -> (i32, i32) {
    %c0_i32 = arith.constant 0 : i32
    %c0_i32_0 = arith.constant 0 : i32
    return %arg0, %c0_i32 : i32, i32
  }
  func.func @transform_2(%arg0: i32) -> (i32, i32) {
    %c0_i32 = arith.constant 0 : i32
    %c0_i32_0 = arith.constant 0 : i32
    return %arg0, %c0_i32 : i32, i32
  }
  func.func @transform_3(%arg0: i32) -> (i32, i32) {
    %c0_i32 = arith.constant 0 : i32
    %c0_i32_0 = arith.constant 0 : i32
    %c0_i32_1 = arith.constant 0 : i32
    return %c0_i32, %c0_i32_0 : i32, i32
  }
  func.func @transform_4(%arg0: i32) -> (i32, i32) {
    %c0_i32 = arith.constant 0 : i32
    %c0_i32_0 = arith.constant 0 : i32
    %c0_i32_1 = arith.constant 0 : i32
    return %c0_i32, %c0_i32_0 : i32, i32
  }
  func.func @transform_5(%arg0: i32) -> (i32, i32) {
    %c0_i32 = arith.constant 0 : i32
    %c0_i32_0 = arith.constant 0 : i32
    %c0_i32_1 = arith.constant 0 : i32
    return %c0_i32, %c0_i32_0 : i32, i32
  }
  func.func @transform_6(%arg0: i32) -> (i32, i32) {
    %c0_i32 = arith.constant 0 : i32
    %c0_i32_0 = arith.constant 0 : i32
    %c0_i32_1 = arith.constant 0 : i32
    return %c0_i32, %c0_i32_0 : i32, i32
  }
  func.func @transform_7(%arg0: i32) -> (i32, i32) {
    %c0_i32 = arith.constant 0 : i32
    %c0_i32_0 = arith.constant 0 : i32
    return %arg0, %c0_i32 : i32, i32
  }
  func.func @transform_8(%arg0: i32) -> (i32, i32) {
    %c0_i32 = arith.constant 0 : i32
    %c0_i32_0 = arith.constant 0 : i32
    return %arg0, %c0_i32 : i32, i32
  }
}

module attributes {stable_mosaic.version = 14 : i64} {
  func.func @_node_body(%arg0: i32, %arg1: memref<2048x64xf32, #tpu.memory_space<vmem>>, %arg2: memref<2048x64xf32, #tpu.memory_space<vmem>>, %arg3: memref<2048x64xf32, #tpu.memory_space<vmem>>, %arg4: memref<2048x64xf32, #tpu.memory_space<vmem>>, %arg5: memref<2048x64xf32, #tpu.memory_space<vmem>>, %arg6: memref<64x64xf32, #tpu.memory_space<vmem>>, %arg7: memref<64x64xf32, #tpu.memory_space<vmem>>, %arg8: memref<1x64xf32, #tpu.memory_space<vmem>>, %arg9: memref<2048x64xf32, #tpu.memory_space<vmem>>) attributes {dimension_semantics = [#tpu.dimension_semantics<arbitrary>], iteration_bounds = array<i64: 5>, scalar_prefetch = 0 : i64, scratch_operands = 0 : i64, tpu.core_type = #tpu.core_type<tc>, window_params = [{transform_indices = @transform_0, window_bounds = array<i64: 2048, 64>}, {transform_indices = @transform_1, window_bounds = array<i64: 2048, 64>}, {transform_indices = @transform_2, window_bounds = array<i64: 2048, 64>}, {transform_indices = @transform_3, window_bounds = array<i64: 2048, 64>}, {transform_indices = @transform_4, window_bounds = array<i64: 2048, 64>}, {pipeline_mode = #tpu.pipeline_mode<synchronous>, transform_indices = @transform_5, window_bounds = array<i64: 64, 64>}, {pipeline_mode = #tpu.pipeline_mode<synchronous>, transform_indices = @transform_6, window_bounds = array<i64: 64, 64>}, {pipeline_mode = #tpu.pipeline_mode<synchronous>, transform_indices = @transform_7, window_bounds = array<i64: 1, 64>}, {transform_indices = @transform_8, window_bounds = array<i64: 2048, 64>}]} {
    %get3A = arith.constant 0 : index
    %get3A_0 = arith.constant 0 : index
    %get3A_1 = vector.load %arg4[%get3A, %get3A_0] : memref<2048x64xf32, #tpu.memory_space<vmem>>, vector<2048x64xf32>
    %slice3A = vector.extract_strided_slice %get3A_1 {offsets = [0, 0], sizes = [2048, 1], strides = [1, 1]} : vector<2048x64xf32> to vector<2048x1xf32>
    %get3A_2 = arith.constant 0 : index
    %get3A_3 = arith.constant 0 : index
    %get3A_4 = vector.load %arg5[%get3A_2, %get3A_3] : memref<2048x64xf32, #tpu.memory_space<vmem>>, vector<2048x64xf32>
    %slice3A_5 = vector.extract_strided_slice %get3A_4 {offsets = [0, 0], sizes = [2048, 1], strides = [1, 1]} : vector<2048x64xf32> to vector<2048x1xf32>
    %add3A = arith.addf %slice3A, %slice3A_5 : vector<2048x1xf32>
    %max3A = arith.constant 1.000000e+00 : f32
    %max3A_6 = vector.broadcast %max3A : f32 to vector<2048x1xf32>
    %max3A_7 = arith.maximumf %add3A, %max3A_6 : vector<2048x1xf32>
    %div3A = arith.constant 1.000000e+00 : f32
    %div3A_8 = vector.broadcast %div3A : f32 to vector<2048x1xf32>
    %div3A_9 = arith.divf %div3A_8, %max3A_7 : vector<2048x1xf32>
    %get3A_10 = arith.constant 0 : index
    %get3A_11 = arith.constant 0 : index
    %get3A_12 = vector.load %arg2[%get3A_10, %get3A_11] : memref<2048x64xf32, #tpu.memory_space<vmem>>, vector<2048x64xf32>
    %get3A_13 = arith.constant 0 : index
    %get3A_14 = arith.constant 0 : index
    %get3A_15 = vector.load %arg3[%get3A_13, %get3A_14] : memref<2048x64xf32, #tpu.memory_space<vmem>>, vector<2048x64xf32>
    %add3A_16 = arith.addf %get3A_12, %get3A_15 : vector<2048x64xf32>
    %mul3A = vector.broadcast %div3A_9 : vector<2048x1xf32> to vector<2048x64xf32>
    %mul3A_17 = arith.mulf %add3A_16, %mul3A : vector<2048x64xf32>
    %get3A_18 = arith.constant 0 : index
    %get3A_19 = arith.constant 0 : index
    %get3A_20 = vector.load %arg1[%get3A_18, %get3A_19] : memref<2048x64xf32, #tpu.memory_space<vmem>>, vector<2048x64xf32>
    %get3A_21 = arith.constant 0 : index
    %get3A_22 = arith.constant 0 : index
    %get3A_23 = vector.load %arg6[%get3A_21, %get3A_22] : memref<64x64xf32, #tpu.memory_space<vmem>>, vector<64x64xf32>
    %dot_general3A = arith.constant dense<0.000000e+00> : vector<2048x64xf32>
    %dot_general3A_24 = tpu.matmul %get3A_20, %get3A_23, %dot_general3A {dimension_numbers = #tpu.dot_dimension_numbers<[1], [0], [0], [1], [0, 0, 1, 1], [], []>, precision = #tpu.contract_precision<fp32>, transpose_lhs_hint = false} : vector<2048x64xf32>, vector<64x64xf32>, vector<2048x64xf32> -> vector<2048x64xf32>
    %get3A_25 = arith.constant 0 : index
    %get3A_26 = arith.constant 0 : index
    %get3A_27 = vector.load %arg7[%get3A_25, %get3A_26] : memref<64x64xf32, #tpu.memory_space<vmem>>, vector<64x64xf32>
    %dot_general3A_28 = arith.constant dense<0.000000e+00> : vector<2048x64xf32>
    %dot_general3A_29 = tpu.matmul %mul3A_17, %get3A_27, %dot_general3A_28 {dimension_numbers = #tpu.dot_dimension_numbers<[1], [0], [0], [1], [0, 0, 1, 1], [], []>, precision = #tpu.contract_precision<fp32>, transpose_lhs_hint = false} : vector<2048x64xf32>, vector<64x64xf32>, vector<2048x64xf32> -> vector<2048x64xf32>
    %add3A_30 = arith.addf %dot_general3A_24, %dot_general3A_29 : vector<2048x64xf32>
    %get3A_31 = arith.constant 0 : index
    %get3A_32 = arith.constant 0 : index
    %get3A_33 = vector.load %arg8[%get3A_31, %get3A_32] : memref<1x64xf32, #tpu.memory_space<vmem>>, vector<1x64xf32>
    %add3A_34 = vector.broadcast %get3A_33 : vector<1x64xf32> to vector<2048x64xf32>
    %add3A_35 = arith.addf %add3A_30, %add3A_34 : vector<2048x64xf32>
    %swap3A = arith.constant 0 : index
    %swap3A_36 = arith.constant 0 : index
    %swap3A_37 = vector.load %arg9[%swap3A, %swap3A_36] : memref<2048x64xf32, #tpu.memory_space<vmem>>, vector<2048x64xf32>
    tpu.vector_store %arg9[%swap3A, %swap3A_36], %add3A_35 {strides = array<i32>} : memref<2048x64xf32, #tpu.memory_space<vmem>>, vector<2048x64xf32>,
    return
  }
  func.func @transform_0(%arg0: i32) -> (i32, i32) {
    %c0_i32 = arith.constant 0 : i32
    %c0_i32_0 = arith.constant 0 : i32
    return %arg0, %c0_i32 : i32, i32
  }
  func.func @transform_1(%arg0: i32) -> (i32, i32) {
    %c0_i32 = arith.constant 0 : i32
    %c0_i32_0 = arith.constant 0 : i32
    return %arg0, %c0_i32 : i32, i32
  }
  func.func @transform_2(%arg0: i32) -> (i32, i32) {
    %add3A = arith.constant 5 : i32
    %add3A_0 = arith.addi %arg0, %add3A : i32
    %c0_i32 = arith.constant 0 : i32
    %c0_i32_1 = arith.constant 0 : i32
    return %add3A_0, %c0_i32 : i32, i32
  }
  func.func @transform_3(%arg0: i32) -> (i32, i32) {
    %c0_i32 = arith.constant 0 : i32
    %c0_i32_0 = arith.constant 0 : i32
    return %arg0, %c0_i32 : i32, i32
  }
  func.func @transform_4(%arg0: i32) -> (i32, i32) {
    %add3A = arith.constant 5 : i32
    %add3A_0 = arith.addi %arg0, %add3A : i32
    %c0_i32 = arith.constant 0 : i32
    %c0_i32_1 = arith.constant 0 : i32
    return %add3A_0, %c0_i32 : i32, i32
  }
  func.func @transform_5(%arg0: i32) -> (i32, i32) {
    %c0_i32 = arith.constant 0 : i32
    %c0_i32_0 = arith.constant 0 : i32
    %c0_i32_1 = arith.constant 0 : i32
    return %c0_i32, %c0_i32_0 : i32, i32
  }
  func.func @transform_6(%arg0: i32) -> (i32, i32) {
    %c0_i32 = arith.constant 0 : i32
    %c0_i32_0 = arith.constant 0 : i32
    %c0_i32_1 = arith.constant 0 : i32
    return %c0_i32, %c0_i32_0 : i32, i32
  }
  func.func @transform_7(%arg0: i32) -> (i32, i32) {
    %c0_i32 = arith.constant 0 : i32
    %c0_i32_0 = arith.constant 0 : i32
    %c0_i32_1 = arith.constant 0 : i32
    return %c0_i32, %c0_i32_0 : i32, i32
  }
  func.func @transform_8(%arg0: i32) -> (i32, i32) {
    %c0_i32 = arith.constant 0 : i32
    %c0_i32_0 = arith.constant 0 : i32
    return %arg0, %c0_i32 : i32, i32
  }
}

</mosaic_0001>

<sc_bundles>
// kernel: kernel.16.cloned.1.call-start
scs
__scs_entry_jumppad:
0x0: {  	(pc) =	sbr.rel $0x88, $3  }
0x1: {  	(tag) =	ssettag $0x0;
	lr =	simm.s32 $0x1  }
0x2: {  	[smem:$0x3F8C] =	sst lr;
	_ =	strace $0xD0000000  }
0x3: {  	_ = 	snop  }
0x4: {  	_ = 	snop  }
0x5: {  	_ = 	snop  }
0x6: {  	_ = 	snop  }
0x7: {  	_ = 	snop  }
__scs_overlays_trampoline_lowered:
0x8: {  	[smem:$0x3F9B] =	sst s0  }
0x9: {  	[smem:$0x3F9C] =	sst s1  }
0xa: {  	[smem:$0x3F9D] =	sst s2  }
0xb: {  	[smem:$0x3F9E] =	sst s3  }
0xc: {  	[smem:$0x3F9F] =	sst s4  }
0xd: {  	[smem:$0x3FA0] =	sst s5  }
0xe: {  	[smem:$0x3FA1] =	sst s6  }
0xf: {  	[smem:$0x3FA2] =	sst s7  }
0x10: {  	[smem:$0x3FA3] =	sst s8  }
0x11: {  	[smem:$0x3FA4] =	sst s9;
	s0 =	simm.s32 @!p0 $0x0  }
0x12: {  	s1 =	sld [smem:$0x3F8A];
	s0 =	simm.s32 @p0 $0x1  }
0x13: {  	[smem:$0x3FA5] =	sst s0;
	s0 =	simm.s32 @!p1 $0x0  }
0x14: {  	s2 =	sld [smem:$0x3F89];
	s0 =	simm.s32 @p1 $0x1  }
0x15: {  	[smem:$0x3FA6] =	sst s0;
	s0 =	simm.s32 @!p2 $0x0  }
0x16: {  	s3 =	sld [smem:$0x3FDB];
	s0 =	simm.s32 @p2 $0x1  }
0x17: {  	s4 =	simm.s32 $0x1BF5;
	[smem:$0x3FA8] =	sst s0  }
0x18: {  	s0 =	sld [smem:$0x3F8B];
	_ =	swait.ge [sflag:s4], $0x0  }
0x19: {  	s7 =	sld [smem:$0x3F8C]  }
0x1a: {  	s8 =	sadd.s32 $0xFFFFE003, lr  }
0x1b: {  	s9 =	sadd.s32 $0xFFFFFEF7, lr;
	s5 =	simm.s32 $0xFFFFFFFF;
	p2 =	slt.u32 s8, $0xFFFFF086  }
0x1c: {  	p1 =	slt.u32 s9, $0xF7A;
	s5 =	simm.s32 @!p2 $0x0  }
0x1d: {  	s5 =	simm.s32 @p1 $0x1;
	p0 =	seq.s32 s7, s2  }
0x1e: {  	s7 =	smul.u32 @!p0 $0xF7A, s2;
	p2 =	seq.s32 @!p0 s5, $0x0  }
0x1f: {  	s9 =	smul.u32 $0xF7A, s1;
	s8 =	simm.s32 @!p0 $0x1BF5;
	p2 =	por !p2, p0  }
0x20: {  	[sflag:s8] =	ssyncset.s32 @!p0 $0xFFFFF086;
	s6 =	sadd.s32 @!p0 s3, s7;
	s7 =	simm.s32 @!p0 $0x108  }
0x21: {  	s3 =	sadd.s32 s3, s9;
	s6 =	sadd.s32 @!p0 $0x88, s6;
	s7 =	simm.s32 @p2 $0x1082  }
0x22: {  	[simem:s7], [sflag:s8] =	dma.local @!p0 [hbm:s6], $0xF7A  }
0x23: {  	s9 =	sor.u32 $0xD0000000, s2;
	s6 =	simm.s32 $0x108;
	_ =	swait.ge @!p0 [sflag:s8], $0x0  }
0x24: {  	s3 =	sadd.s32 $0x88, s3;
	s6 =	simm.s32 @!p1 $0x1082;
	[sflag:s4] =	ssyncset.s32 $0xFFFFF086  }
0x25: {  	[simem:s6], [sflag:s4] =	dma.local [hbm:s3], $0xF7A  }
0x26: {  	[smem:$0x3F8C] =	sst s1;
	(tag) =	ssettag s2;
	_ =	strace s9  }
0x27: {  	s1 =	sld [smem:$0x3F9C]  }
0x28: {  	s2 =	sld [smem:$0x3F9D]  }
0x29: {  	s4 =	sld [smem:$0x3F9F]  }
0x2a: {  	p0 =	seq.s32 s5, $0x0;
	s5 =	sld [smem:$0x3FA0]  }
0x2b: {  	s6 =	sld [smem:$0x3FA1]  }
0x2c: {  	s7 =	sld [smem:$0x3FA2]  }
0x2d: {  	s3 =	simm.s32 $0x108;
	s8 =	sld [smem:$0x3FA3]  }
0x2e: {  	s3 =	simm.s32 @!p0 $0x1082;
	s9 =	sld [smem:$0x3FA4]  }
0x2f: {  	lr =	sadd.s32 s0, s3;
	s0 =	sld [smem:$0x3F9B]  }
0x30: {  	s3 =	sld [smem:$0x3F9E]  }
0x31: {  	[smem:$0x3FA7] =	sst s10  }
0x32: {  	s10 =	sld [smem:$0x3FA5];
	_ =	sdelay $0x3  }
0x33: {  	p0 =	seq.s32 s10, $0x1;
	s10 =	sld [smem:$0x3FA7];
	_ =	sdelay $0x3  }
0x34: {  	[smem:$0x3FA7] =	sst s10  }
0x35: {  	s10 =	sld [smem:$0x3FA6];
	_ =	sdelay $0x3  }
0x36: {  	p1 =	seq.s32 s10, $0x1;
	s10 =	sld [smem:$0x3FA7];
	_ =	sdelay $0x3  }
0x37: {  	[smem:$0x3FA7] =	sst s10  }
0x38: {  	s10 =	sld [smem:$0x3FA8]  }
0x39: {  	_ = 	snop;
	(pc) =	sbr.ind lr, $3  }
0x3a: {  	_ = 	snop  }
0x3b: {  	_ = 	snop  }
0x3c: {  	p2 =	seq.s32 s10, $0x1;
	s10 =	sld [smem:$0x3FA7]  }
0x3d: {  	_ =	shalt  }
0x3e: {  	_ =	shalt  }
0x3f: {  	_ =	shalt  }
0x40: {  	_ =	shalt  }
0x41: {  	_ =	shalt  }
0x42: {  	_ =	shalt  }
0x43: {  	_ =	shalt  }
0x44: {  	_ =	shalt  }
0x45: {  	_ =	shalt  }
0x46: {  	_ =	shalt  }
0x47: {  	_ =	shalt  }
0x48: {  	_ =	shalt  }
0x49: {  	_ =	shalt  }
0x4a: {  	_ =	shalt  }
0x4b: {  	_ =	shalt  }
0x4c: {  	_ =	shalt  }
0x4d: {  	_ =	shalt  }
0x4e: {  	_ =	shalt  }
0x4f: {  	_ =	shalt  }
0x50: {  	_ =	shalt  }
0x51: {  	_ =	shalt  }
0x52: {  	_ =	shalt  }
0x53: {  	_ =	shalt  }
0x54: {  	_ =	shalt  }
0x55: {  	_ =	shalt  }
0x56: {  	_ =	shalt  }
0x57: {  	_ =	shalt  }
0x58: {  	_ =	shalt  }
0x59: {  	_ =	shalt  }
0x5a: {  	_ =	shalt  }
0x5b: {  	_ =	shalt  }
0x5c: {  	_ =	shalt  }
0x5d: {  	_ =	shalt  }
0x5e: {  	_ =	shalt  }
0x5f: {  	_ =	shalt  }
0x60: {  	_ =	shalt  }
0x61: {  	_ =	shalt  }
0x62: {  	_ =	shalt  }
0x63: {  	_ =	shalt  }
0x64: {  	_ =	shalt  }
0x65: {  	_ =	shalt  }
0x66: {  	_ =	shalt  }
0x67: {  	_ =	shalt  }
0x68: {  	_ =	shalt  }
0x69: {  	_ =	shalt  }
0x6a: {  	_ =	shalt  }
0x6b: {  	_ =	shalt  }
0x6c: {  	_ =	shalt  }
0x6d: {  	_ =	shalt  }
0x6e: {  	_ =	shalt  }
0x6f: {  	_ =	shalt  }
0x70: {  	_ =	shalt  }
0x71: {  	_ =	shalt  }
0x72: {  	_ =	shalt  }
0x73: {  	_ =	shalt  }
0x74: {  	_ =	shalt  }
0x75: {  	_ =	shalt  }
0x76: {  	_ =	shalt  }
0x77: {  	_ =	shalt  }
0x78: {  	_ =	shalt  }
0x79: {  	_ =	shalt  }
0x7a: {  	_ =	shalt  }
0x7b: {  	_ =	shalt  }
0x7c: {  	_ =	shalt  }
0x7d: {  	_ =	shalt  }
0x7e: {  	_ =	shalt  }
0x7f: {  	_ =	shalt  }
0x80: {  	_ =	shalt  }
0x81: {  	_ =	shalt  }
0x82: {  	_ =	shalt  }
0x83: {  	_ =	shalt  }
0x84: {  	_ =	shalt  }
0x85: {  	_ =	shalt  }
0x86: {  	_ =	shalt  }
0x87: {  	_ =	shalt  }
.Lfunc_end0:
.L_simem_size_0:
called_computation.1_lowered:
.L_overlay_start_0:
0x88: {  	s2 =	sld [smem:$0x3FD9]  }
0x89: {  	s3 =	sld [smem:$0x3FFE];
	_ =	sdelay $0x1  }
0x8a: {  	s1 =	srdreg.scid  }
0x8b: {  	s0 =	sand.u32 $0x1, s1  }
0x8c: {  	s16 =	sshll.u32 s0, $0xA;
	s2 =	sadd.s32 s3, s2  }
0x8d: {  	s2 =	sadd.s32 s2, s16  }
0x8e: {  	[smem:$0x3FB3] =	sst s2  }
0x8f: {  	_ = 	snop  }
0x90: {  	(tm) =	ssettm $0x1  }
0x91: {  	s17 =	sld [smem:$0x3FFB];
	_ =	sdelay $0x3  }
0x92: {  	_ =	strace s17  }
0x93: {  	s2 =	sld [smem:$0x3FFC];
	_ =	sdelay $0x3  }
0x94: {  	_ =	strace s2  }
0x95: {  	s2 =	sld [smem:$0x3FFD];
	_ =	sdelay $0x3  }
0x96: {  	_ =	strace s2  }
0x97: {  	_ =	strace $0x8FFFFFFF  }
0x98: {  	s18 =	sld [smem:$0x3FDB];
	_ =	sdelay $0x1  }
0x99: {  	s19 =	simm.s32 $_scs_section_size  }
0x9a: {  	s4 =	simm.s32 $_size__tile_overlayer_lowered;
	s5 =	simm.s32 $_tile_overlayer_lowered  }
0x9b: {  	s22 =	simm.s32 $0x1BFF;
	s21 =	sshll.u32 s5, $0x1;
	s2 =	sadd.s32 s19, s18  }
0x9c: {  	s6 =	simm.s32 $0x0;
	s20 =	sshll.u32 s4, $0x1;
	s4 =	sadd.s32 s21, s2  }
0x9d: {  	[timem:s6], [sflag:s22] =	dma.local [hbm:s4], s20  }
0x9e: {  	_ =	swait.ge [sflag:s22], s20  }
0x9f: {  	s3 =	ssub.s32 $0x0, s20;
	[sflag:s22] =	ssyncset.done $0x0  }
0xa0: {  	[sflag:s22] =	ssyncadd.s32 s3;
	_ =	sdelay $0x1  }
0xa1: {  	s23 =	simm.s32 $0x1B8B  }
0xa2: {  	_ =	swait.ge [sflag:s23], $0x1  }
0xa3: {  	[sflag:s23] =	ssyncset.done $0x0  }
0xa4: {  	s25 =	simm.s32 $0x1B8E;
	s24 =	sld [smem:$0x3FFE];
	[sflag:s23] =	ssyncadd.s32 $0xFFFFFFFF  }
0xa5: {  	s26 =	simm.s32 $execute0_lowered;
	[smem:$0x3FD2] =	sst s25  }
0xa6: {  	s4 =	sshll.u32 s26, $0x1;
	_ =	strace $0x80000046;
	[dreg:$0x1] =	wrdreg $0xFFFFFFFF  }
0xa7: {  	s28 =	simm.s32 $_size_execute0_lowered;
	s2 =	sadd.s32 s2, s4;
	[dreg:$0x0] =	wrdreg $0x0  }
0xa8: {  	s4 =	sshll.u32 s28, $0x1;
	[dreg:$0x2] =	wrdreg s2  }
0xa9: {  	[dreg:$0x3] =	wrdreg s4  }
0xaa: {  	[dreg:$0x4] =	wrdreg $0xC0  }
0xab: {  	_ =	task [dreg:s6], $0x5FFFF  }
0xac: {  	[dreg:$0x1] =	wrdreg $0xFFFFFFFF  }
0xad: {  	[dreg:$0x0] =	wrdreg $0x60  }
0xae: {  	[dreg:$0x2] =	wrdreg s24  }
0xaf: {  	[dreg:$0x3] =	wrdreg $0x41000  }
0xb0: {  	[dreg:$0x4] =	wrdreg $0x9  }
0xb1: {  	_ =	task.clear_ibuf [dreg:s6], $0x5FFFF;
	_ =	strace $0x90000046  }
0xb2: {  	s29 =	simm.s32 $0x9;
	_ =	strace $0x80000048  }
0xb3: {  	_ =	swait.ge [sflag:s29], $0x1  }
0xb4: {  	[sflag:s29] =	ssyncadd.s32 $0xFFFFFFFF  }
0xb5: {  	_ =	strace $0x90000048  }
0xb6: {  	_ =	sfence  }
0xb7: {  	s30 =	sld [smem:$0x0];
	_ =	sdelay $0x2  }
0xb8: {  	s31 =	sshll.u32 s1, $0xD;
	s1 =	sshrl.u32 s1, $0x2  }
0xb9: {  	s3 =	sand.u32 $0x4000, s31;
	s1 =	sadd.s32 s1, s30  }
0xba: {  	s0 =	sor.u32 s3, s0;
	s1 =	sshll.u32 s1, $0x11  }
0xbb: {  	s0 =	sor.u32 s1, s0  }
0xbc: {  	s0 =	sadd.s32 $0x8F2B, s0  }
0xbd: {  	[sflag:s0] =	ssyncadd.remote.s32 $0x1  }
0xbe: {  	_ =	sfence.sel $0xFFFF  }
0xbf: {  	[dreg:$0x0] =	wrdreg $0xFFFFFFFF;
	(pc) =	sbr.abs _section_cstart, $3  }
0xc0: {  	[dreg:$0x1] =	wrdreg $0xFFFFFFFF  }
0xc1: {  	_ =	task.clear_ibuf [dreg:s6], $0x2FFFF;
	_ =	strace $0x9FFFFFFF  }
0xc2: {  	(tm) =	ssettm $0x7FFFFFFF  }
0xc3: {  	_ =	shalt  }
tec
execute0_lowered:
.L_overlay_start_1:
0x0: {  	(tag) =	ssettag $0x1  }
0x1: {  	s5 =	rddreg [dreg:$0x0]  }
0x2: {  	s2 =	rddreg [dreg:$0x1]  }
0x3: {  	s0 =	rddreg [dreg:$0x2];
	s1 =	stileid.u32  }
0x4: {  	s4 =	srdreg.scid;
	s3 =	simm.s32 $0x0;
	s6 =	smul.u32 $0x2800, s1  }
0x5: {  	s15 =	simm.s32 $0x0;
	s7 =	sand.u32 $0x1, s4;
	s9 =	smul.u32 $0x50000, s1  }
0x6: {  	[smem:$0x7FF] =	sst s3;
	s10 =	sadd.s32 $0x14800, s5;
	s12 =	smul.u32 $0x5000, s1  }
0x7: {  	s4 =	sadd.s32 $0x46800, s5;
	s29 =	sshll.u32 s1, $0x6;
	s8 =	smul.u32 $0x28000, s7  }
0x8: {  	_ =	strace $0x80000047;
	s25 =	ssub.s32 $0x2, s7;
	s7 =	smul.u32 $0x2800, s7  }
0x9: {  	s11 =	sadd.s32 s6, s5;
	s26 =	sshrl.u32 s25, $0x1;
	s28 =	sshrl.u32 s9, $0x2  }
0xa: {  	s6 =	sadd.s32 s6, s8;
	s8 =	ssub.s32 s25, s26;
	s14 =	sadd.s32 s28, s2  }
0xb: {  	s12 =	sadd.s32 s7, s12;
	s13 =	sadd.s32 s6, s5;
	s5 =	sadd.s32 $0x1E800, s11  }
0xc: {  	s30 =	sor.u32 $0x80, s12;
	s6 =	sor.u32 $0x1C01, s29;
	s8 =	smax.u32 s8, $0x1  }
0xd: {  	s31 =	sshrl.u32 s12, $0x3;
	s11 =	sshrl.u32 s14, $0x3;
	s12 =	simm.s32 $0x1  }
0xe: {  	s14 =	simm.s32 $0x80;
	s7 =	sadd.s32 $0x47000, s13;
	s9 =	sshrl.u32 s30, $0x3  }
0xf: {  	s13 =	simm.s32 $0x100;
	s9 =	sadd.s32 s9, s10;
	s10 =	sadd.s32 s31, s10  }
.LBB2_1:
0x10: {  	[spmem:s11], [sflag:s6] =	dma.local [hbm:s5], $0x2800  }
0x11: {  	_ =	swait.ge [sflag:s12], $0x2800  }
0x12: {  	[sflag:s12] =	ssyncset.done $0x0  }
0x13: {  	[sflag:s12] =	ssyncadd.s32 $0xFFFFD800  }
0x14: {  	[tilespmem:s13], [sflag:$0x1] =	stream.linear.gather [hbm4b:s4+s3], $0x4000, $0x38;
	[tilespmem:$0xE100] =	vst v63  }
0x15: {  	_ =	swait.ge [sflag:s12], $0x4000  }
0x16: {  	[sflag:s12] =	ssyncset.done $0x0  }
0x17: {  	[sflag:s12] =	ssyncadd.s32 $0xFFFFC000  }
0x18: {  	s16 =	sadd.s32 $0x0, s10;
	[bflag:$0x0] =	sbarrier.arrive $0xFFFF  }
0x19: {  	[tilespmem:s3], [sflag:$0x1] =	stream.linear.gather [hbm4b:s16+s3], $0x80, $0x38;
	[tilespmem:$0xE100] =	vst v63  }
0x1a: {  	_ =	swait.ge [sflag:s12], $0x80  }
0x1b: {  	[sflag:s12] =	ssyncset.done $0x0  }
0x1c: {  	[sflag:s12] =	ssyncadd.s32 $0xFFFFFF80  }
0x1d: {  	[spmem:s2] =	stream.indirect.scatter.add.f32 [tilespmem:s13], [sflag:$0x1], $0x40, s3, s14, $0xb8;
	[tilespmem:$0xE100] =	vst v63  }
0x1e: {  	_ =	swait.ge [sflag:s12], $0x2000  }
0x1f: {  	[sflag:s12] =	ssyncset.done $0x0  }
0x20: {  	s31 =	sadd.s32 $0x0, s9;
	[sflag:s12] =	ssyncadd.s32 $0xFFFFE000  }
0x21: {  	[tilespmem:s14], [sflag:$0x1] =	stream.linear.gather [hbm4b:s31+s3], $0x80, $0x38;
	[tilespmem:$0xE100] =	vst v63  }
0x22: {  	_ =	swait.ge [sflag:s12], $0x80  }
0x23: {  	[sflag:s12] =	ssyncset.done $0x0  }
0x24: {  	[sflag:s12] =	ssyncadd.s32 $0xFFFFFF80  }
0x25: {  	[spmem:s2] =	stream.indirect.scatter.add.f32 [tilespmem:s13], [sflag:$0x1], $0x40, s14, s14, $0xb8;
	[tilespmem:$0xE100] =	vst v63  }
0x26: {  	_ =	swait.ge [sflag:s12], $0x2000  }
0x27: {  	s17 =	simm.s32 $0x40;
	s16 =	simm.s32 $0x20;
	[sflag:s12] =	ssyncset.done $0x0  }
.LBB2_2:
0x28: {  	s18 =	sadd.s32 s16, s10  }
0x29: {  	[sflag:s12] =	ssyncadd.s32 $0xFFFFE000;
	s19 =	smov.u32 s17;
	s20 =	sadd.s32 $0x20, s17  }
0x2a: {  	[tilespmem:s3], [sflag:$0x1] =	stream.linear.gather [hbm4b:s18+s3], $0x80, $0x38;
	[tilespmem:$0xE100] =	vst v63  }
0x2b: {  	p0 =	sne.s32 s17, $0x4E0;
	_ =	swait.ge [sflag:s12], $0x80  }
0x2c: {  	[sflag:s12] =	ssyncset.done $0x0  }
0x2d: {  	[sflag:s12] =	ssyncadd.s32 $0xFFFFFF80  }
0x2e: {  	[spmem:s2] =	stream.indirect.scatter.add.f32 [tilespmem:s13], [sflag:$0x1], $0x40, s3, s14, $0xb8;
	[tilespmem:$0xE100] =	vst v63  }
0x2f: {  	_ =	swait.ge [sflag:s12], $0x2000  }
0x30: {  	[sflag:s12] =	ssyncset.done $0x0  }
0x31: {  	s17 =	sadd.s32 s16, s9;
	s16 =	smov.u32 s19;
	[sflag:s12] =	ssyncadd.s32 $0xFFFFE000  }
0x32: {  	[tilespmem:s14], [sflag:$0x1] =	stream.linear.gather [hbm4b:s17+s3], $0x80, $0x38;
	[tilespmem:$0xE100] =	vst v63  }
0x33: {  	_ =	swait.ge [sflag:s12], $0x80  }
.Ltmp0:
0x34: {  	[sflag:s12] =	ssyncset.done $0x0;
	(pc) =	sbr.rel @p0 .LBB2_2-.Ltmp0, $4  }
0x35: {  	[sflag:s12] =	ssyncadd.s32 $0xFFFFFF80  }
0x36: {  	[spmem:s2] =	stream.indirect.scatter.add.f32 [tilespmem:s13], [sflag:$0x1], $0x40, s14, s14, $0xb8;
	[tilespmem:$0xE100] =	vst v63  }
0x37: {  	_ =	swait.ge [sflag:s12], $0x2000  }
0x38: {  	s17 =	smov.u32 s20;
	[sflag:s12] =	ssyncset.done $0x0  }
0x39: {  	s17 =	sadd.s32 s16, s10;
	[sflag:s12] =	ssyncadd.s32 $0xFFFFE000  }
0x3a: {  	[tilespmem:s3], [sflag:$0x1] =	stream.linear.gather [hbm4b:s17+s3], $0x80, $0x38;
	[tilespmem:$0xE100] =	vst v63  }
0x3b: {  	_ =	swait.ge [sflag:s12], $0x80  }
0x3c: {  	[sflag:s12] =	ssyncset.done $0x0  }
0x3d: {  	[sflag:s12] =	ssyncadd.s32 $0xFFFFFF80  }
0x3e: {  	[spmem:s2] =	stream.indirect.scatter.add.f32 [tilespmem:s13], [sflag:$0x1], $0x40, s3, s14, $0xb8;
	[tilespmem:$0xE100] =	vst v63  }
0x3f: {  	_ =	swait.ge [sflag:s12], $0x2000  }
0x40: {  	[sflag:s12] =	ssyncset.done $0x0  }
0x41: {  	s31 =	sadd.s32 s16, s9;
	[sflag:s12] =	ssyncadd.s32 $0xFFFFE000  }
0x42: {  	[tilespmem:s14], [sflag:$0x1] =	stream.linear.gather [hbm4b:s31+s3], $0x80, $0x38;
	[tilespmem:$0xE100] =	vst v63  }
0x43: {  	_ =	swait.ge [sflag:s12], $0x80  }
0x44: {  	[sflag:s12] =	ssyncset.done $0x0  }
0x45: {  	[sflag:s12] =	ssyncadd.s32 $0xFFFFFF80  }
0x46: {  	[spmem:s2] =	stream.indirect.scatter.add.f32 [tilespmem:s13], [sflag:$0x1], $0x40, s14, s14, $0xb8;
	[tilespmem:$0xE100] =	vst v63  }
0x47: {  	_ =	swait.ge [sflag:s12], $0x2000  }
0x48: {  	s15 =	sadd.s32 $0x1, s15;
	[sflag:s12] =	ssyncset.done $0x0  }
0x49: {  	p0 =	sne.s32 s15, s8;
	[sflag:s12] =	ssyncadd.s32 $0xFFFFE000  }
.Ltmp1:
0x4a: {  	[bflag:$0x0] =	sbarrier.arrive $0xFFFF;
	(pc) =	sbr.rel @p0 .LBB2_1-.Ltmp1, $4  }
0x4b: {  	[hbm:s7], [sflag:s6] =	dma.local [spmem:s11], $0x2800  }
0x4c: {  	_ =	swait.ge [sflag:s12], $0x2800  }
0x4d: {  	[sflag:s12] =	ssyncset.done $0x0  }
0x4e: {  	[sflag:s12] =	ssyncadd.s32 $0xFFFFD800  }
0x4f: {  	_ =	sfence.sel $0x180000  }
0x50: {  	[bflag:$0x0] =	sbarrier.arrive $0xFFFF  }
0x51: {  	p0 =	sne.s32 s1, $0x0;
	_ =	strace $0x90000047  }
0x52: {  	s0 =	sadd.s32 @!p0 $0x100000, s0;
	[bflag:$0x2] =	sbarrier.arrive $0xFFFF  }
0x53: {  	[sflag:s0] =	ssyncadd.tile.s32 @!p0 $0x1;
	_ =	shalt  }
.Lfunc_end2:
_tile_overlayer_lowered:
.L_overlay_start_2:
0x54: {  	(tag) =	ssettag $0x2  }
0x55: {  	s0 =	rddreg [dreg:$0x0];
	s2 =	stileid.u32  }
0x56: {  	s1 =	rddreg [dreg:$0x1];
	p0 =	sne.s32 s2, $0x0  }
0x57: {  	s3 =	rddreg [dreg:$0x2];
	[bflag:$0x3] =	sbarrier.arrive $0xFFFF;
	s2 =	simm.s32 @!p0 $0x1C01  }
0x58: {  	[timem:s3], [sflag:s2] =	dma.local @!p0 [hbm:s0], s1  }
0x59: {  	s0 =	simm.s32 @!p0 $0x1  }
0x5a: {  	_ =	swait.ge @!p0 [sflag:s0], s1  }
0x5b: {  	s1 =	ssub.s32 @!p0 $0x0, s1;
	[sflag:s0] =	ssyncset.done @!p0 $0x0  }
0x5c: {  	[sflag:s0] =	ssyncadd.s32 @!p0 s1  }
0x5d: {  	[bflag:$0x3] =	sbarrier.arrive $0xFFFF  }
0x5e: {  	_ =	shalt  }

// kernel: kernel.19.cloned.1.call-start
scs
__scs_entry_jumppad:
0x0: {  	(pc) =	sbr.rel $0x88, $3  }
0x1: {  	(tag) =	ssettag $0x0;
	lr =	simm.s32 $0x1  }
0x2: {  	[smem:$0x3F8C] =	sst lr;
	_ =	strace $0xD0000000  }
0x3: {  	_ = 	snop  }
0x4: {  	_ = 	snop  }
0x5: {  	_ = 	snop  }
0x6: {  	_ = 	snop  }
0x7: {  	_ = 	snop  }
__scs_overlays_trampoline_lowered:
0x8: {  	[smem:$0x3F9B] =	sst s0  }
0x9: {  	[smem:$0x3F9C] =	sst s1  }
0xa: {  	[smem:$0x3F9D] =	sst s2  }
0xb: {  	[smem:$0x3F9E] =	sst s3  }
0xc: {  	[smem:$0x3F9F] =	sst s4  }
0xd: {  	[smem:$0x3FA0] =	sst s5  }
0xe: {  	[smem:$0x3FA1] =	sst s6  }
0xf: {  	[smem:$0x3FA2] =	sst s7  }
0x10: {  	[smem:$0x3FA3] =	sst s8  }
0x11: {  	[smem:$0x3FA4] =	sst s9;
	s0 =	simm.s32 @!p0 $0x0  }
0x12: {  	s1 =	sld [smem:$0x3F8A];
	s0 =	simm.s32 @p0 $0x1  }
0x13: {  	[smem:$0x3FA5] =	sst s0;
	s0 =	simm.s32 @!p1 $0x0  }
0x14: {  	s2 =	sld [smem:$0x3F89];
	s0 =	simm.s32 @p1 $0x1  }
0x15: {  	[smem:$0x3FA6] =	sst s0;
	s0 =	simm.s32 @!p2 $0x0  }
0x16: {  	s3 =	sld [smem:$0x3FDB];
	s0 =	simm.s32 @p2 $0x1  }
0x17: {  	s4 =	simm.s32 $0x1BF5;
	[smem:$0x3FA8] =	sst s0  }
0x18: {  	s0 =	sld [smem:$0x3F8B];
	_ =	swait.ge [sflag:s4], $0x0  }
0x19: {  	s7 =	sld [smem:$0x3F8C]  }
0x1a: {  	s8 =	sadd.s32 $0xFFFFE003, lr  }
0x1b: {  	s9 =	sadd.s32 $0xFFFFFEF7, lr;
	s5 =	simm.s32 $0xFFFFFFFF;
	p2 =	slt.u32 s8, $0xFFFFF086  }
0x1c: {  	p1 =	slt.u32 s9, $0xF7A;
	s5 =	simm.s32 @!p2 $0x0  }
0x1d: {  	s5 =	simm.s32 @p1 $0x1;
	p0 =	seq.s32 s7, s2  }
0x1e: {  	s7 =	smul.u32 @!p0 $0xF7A, s2;
	p2 =	seq.s32 @!p0 s5, $0x0  }
0x1f: {  	s9 =	smul.u32 $0xF7A, s1;
	s8 =	simm.s32 @!p0 $0x1BF5;
	p2 =	por !p2, p0  }
0x20: {  	[sflag:s8] =	ssyncset.s32 @!p0 $0xFFFFF086;
	s6 =	sadd.s32 @!p0 s3, s7;
	s7 =	simm.s32 @!p0 $0x108  }
0x21: {  	s3 =	sadd.s32 s3, s9;
	s6 =	sadd.s32 @!p0 $0x88, s6;
	s7 =	simm.s32 @p2 $0x1082  }
0x22: {  	[simem:s7], [sflag:s8] =	dma.local @!p0 [hbm:s6], $0xF7A  }
0x23: {  	s9 =	sor.u32 $0xD0000000, s2;
	s6 =	simm.s32 $0x108;
	_ =	swait.ge @!p0 [sflag:s8], $0x0  }
0x24: {  	s3 =	sadd.s32 $0x88, s3;
	s6 =	simm.s32 @!p1 $0x1082;
	[sflag:s4] =	ssyncset.s32 $0xFFFFF086  }
0x25: {  	[simem:s6], [sflag:s4] =	dma.local [hbm:s3], $0xF7A  }
0x26: {  	[smem:$0x3F8C] =	sst s1;
	(tag) =	ssettag s2;
	_ =	strace s9  }
0x27: {  	s1 =	sld [smem:$0x3F9C]  }
0x28: {  	s2 =	sld [smem:$0x3F9D]  }
0x29: {  	s4 =	sld [smem:$0x3F9F]  }
0x2a: {  	p0 =	seq.s32 s5, $0x0;
	s5 =	sld [smem:$0x3FA0]  }
0x2b: {  	s6 =	sld [smem:$0x3FA1]  }
0x2c: {  	s7 =	sld [smem:$0x3FA2]  }
0x2d: {  	s3 =	simm.s32 $0x108;
	s8 =	sld [smem:$0x3FA3]  }
0x2e: {  	s3 =	simm.s32 @!p0 $0x1082;
	s9 =	sld [smem:$0x3FA4]  }
0x2f: {  	lr =	sadd.s32 s0, s3;
	s0 =	sld [smem:$0x3F9B]  }
0x30: {  	s3 =	sld [smem:$0x3F9E]  }
0x31: {  	[smem:$0x3FA7] =	sst s10  }
0x32: {  	s10 =	sld [smem:$0x3FA5];
	_ =	sdelay $0x3  }
0x33: {  	p0 =	seq.s32 s10, $0x1;
	s10 =	sld [smem:$0x3FA7];
	_ =	sdelay $0x3  }
0x34: {  	[smem:$0x3FA7] =	sst s10  }
0x35: {  	s10 =	sld [smem:$0x3FA6];
	_ =	sdelay $0x3  }
0x36: {  	p1 =	seq.s32 s10, $0x1;
	s10 =	sld [smem:$0x3FA7];
	_ =	sdelay $0x3  }
0x37: {  	[smem:$0x3FA7] =	sst s10  }
0x38: {  	s10 =	sld [smem:$0x3FA8]  }
0x39: {  	_ = 	snop;
	(pc) =	sbr.ind lr, $3  }
0x3a: {  	_ = 	snop  }
0x3b: {  	_ = 	snop  }
0x3c: {  	p2 =	seq.s32 s10, $0x1;
	s10 =	sld [smem:$0x3FA7]  }
0x3d: {  	_ =	shalt  }
0x3e: {  	_ =	shalt  }
0x3f: {  	_ =	shalt  }
0x40: {  	_ =	shalt  }
0x41: {  	_ =	shalt  }
0x42: {  	_ =	shalt  }
0x43: {  	_ =	shalt  }
0x44: {  	_ =	shalt  }
0x45: {  	_ =	shalt  }
0x46: {  	_ =	shalt  }
0x47: {  	_ =	shalt  }
0x48: {  	_ =	shalt  }
0x49: {  	_ =	shalt  }
0x4a: {  	_ =	shalt  }
0x4b: {  	_ =	shalt  }
0x4c: {  	_ =	shalt  }
0x4d: {  	_ =	shalt  }
0x4e: {  	_ =	shalt  }
0x4f: {  	_ =	shalt  }
0x50: {  	_ =	shalt  }
0x51: {  	_ =	shalt  }
0x52: {  	_ =	shalt  }
0x53: {  	_ =	shalt  }
0x54: {  	_ =	shalt  }
0x55: {  	_ =	shalt  }
0x56: {  	_ =	shalt  }
0x57: {  	_ =	shalt  }
0x58: {  	_ =	shalt  }
0x59: {  	_ =	shalt  }
0x5a: {  	_ =	shalt  }
0x5b: {  	_ =	shalt  }
0x5c: {  	_ =	shalt  }
0x5d: {  	_ =	shalt  }
0x5e: {  	_ =	shalt  }
0x5f: {  	_ =	shalt  }
0x60: {  	_ =	shalt  }
0x61: {  	_ =	shalt  }
0x62: {  	_ =	shalt  }
0x63: {  	_ =	shalt  }
0x64: {  	_ =	shalt  }
0x65: {  	_ =	shalt  }
0x66: {  	_ =	shalt  }
0x67: {  	_ =	shalt  }
0x68: {  	_ =	shalt  }
0x69: {  	_ =	shalt  }
0x6a: {  	_ =	shalt  }
0x6b: {  	_ =	shalt  }
0x6c: {  	_ =	shalt  }
0x6d: {  	_ =	shalt  }
0x6e: {  	_ =	shalt  }
0x6f: {  	_ =	shalt  }
0x70: {  	_ =	shalt  }
0x71: {  	_ =	shalt  }
0x72: {  	_ =	shalt  }
0x73: {  	_ =	shalt  }
0x74: {  	_ =	shalt  }
0x75: {  	_ =	shalt  }
0x76: {  	_ =	shalt  }
0x77: {  	_ =	shalt  }
0x78: {  	_ =	shalt  }
0x79: {  	_ =	shalt  }
0x7a: {  	_ =	shalt  }
0x7b: {  	_ =	shalt  }
0x7c: {  	_ =	shalt  }
0x7d: {  	_ =	shalt  }
0x7e: {  	_ =	shalt  }
0x7f: {  	_ =	shalt  }
0x80: {  	_ =	shalt  }
0x81: {  	_ =	shalt  }
0x82: {  	_ =	shalt  }
0x83: {  	_ =	shalt  }
0x84: {  	_ =	shalt  }
0x85: {  	_ =	shalt  }
0x86: {  	_ =	shalt  }
0x87: {  	_ =	shalt  }
.Lfunc_end0:
.L_simem_size_0:
called_computation.2_lowered:
.L_overlay_start_0:
0x88: {  	s2 =	sld [smem:$0x3FD9]  }
0x89: {  	s3 =	sld [smem:$0x3FFE];
	_ =	sdelay $0x1  }
0x8a: {  	s1 =	srdreg.scid  }
0x8b: {  	s0 =	sand.u32 $0x1, s1  }
0x8c: {  	s14 =	sshll.u32 s0, $0xA;
	s2 =	sadd.s32 s3, s2  }
0x8d: {  	s2 =	sadd.s32 s2, s14  }
0x8e: {  	[smem:$0x3FB3] =	sst s2  }
0x8f: {  	_ = 	snop  }
0x90: {  	s2 =	sld [smem:$0x3FD0];
	_ =	sdelay $0x2  }
0x91: {  	s15 =	simm.s32 $0xB;
	s4 =	simm.s32 $0x10  }
0x92: {  	[smem:s4], [sflag:s15] =	dma.local [hbm:s2], $0x1  }
0x93: {  	_ =	swait.eq [sflag:s15], $0x1  }
0x94: {  	[sflag:s15] =	ssyncset.done $0x0  }
0x95: {  	s16 =	sld [smem:$0x10];
	[sflag:s15] =	ssyncadd.s32 $0xFFFFFFFF  }
0x96: {  	s17 =	sld [smem:$0x11];
	(tm) =	ssettm $0x1  }
0x97: {  	s18 =	sld [smem:$0x3FFB];
	_ =	sdelay $0x3  }
0x98: {  	_ =	strace s18  }
0x99: {  	s4 =	sld [smem:$0x3FFC];
	_ =	sdelay $0x3  }
0x9a: {  	_ =	strace s4  }
0x9b: {  	s4 =	sld [smem:$0x3FFD];
	_ =	sdelay $0x3  }
0x9c: {  	_ =	strace s4  }
0x9d: {  	_ =	strace $0x8FFFFFFF  }
0x9e: {  	s19 =	sld [smem:$0x3FDB];
	_ =	sdelay $0x1  }
0x9f: {  	s5 =	simm.s32 $_scs_section_size  }
0xa0: {  	s6 =	simm.s32 $_size__tile_overlayer_lowered;
	s7 =	simm.s32 $_tile_overlayer_lowered  }
0xa1: {  	s22 =	simm.s32 $0x1BFF;
	s21 =	sshll.u32 s7, $0x1;
	s4 =	sadd.s32 s5, s19  }
0xa2: {  	s8 =	simm.s32 $0x0;
	s20 =	sshll.u32 s6, $0x1;
	s6 =	sadd.s32 s21, s4  }
0xa3: {  	[timem:s8], [sflag:s22] =	dma.local [hbm:s6], s20  }
0xa4: {  	_ =	swait.ge [sflag:s22], s20  }
0xa5: {  	s5 =	ssub.s32 $0x0, s20;
	[sflag:s22] =	ssyncset.done $0x0  }
0xa6: {  	[sflag:s22] =	ssyncadd.s32 s5;
	_ =	sdelay $0x1  }
0xa7: {  	s23 =	simm.s32 $0x1B8B  }
0xa8: {  	_ =	swait.ge [sflag:s23], $0x1  }
0xa9: {  	[sflag:s23] =	ssyncset.done $0x0  }
0xaa: {  	s25 =	simm.s32 $0x1B8E;
	s24 =	sld [smem:$0x3FFE];
	[sflag:s23] =	ssyncadd.s32 $0xFFFFFFFF  }
0xab: {  	s26 =	simm.s32 $execute0_lowered;
	[smem:$0x3FD2] =	sst s25  }
0xac: {  	s6 =	sshll.u32 s26, $0x1;
	_ =	strace $0x80000049;
	[dreg:$0x1] =	wrdreg $0xFFFFFFFF  }
0xad: {  	s28 =	simm.s32 $_size_execute0_lowered;
	s4 =	sadd.s32 s4, s6;
	[dreg:$0x0] =	wrdreg $0x0  }
0xae: {  	s6 =	sshll.u32 s28, $0x1;
	[dreg:$0x2] =	wrdreg s4  }
0xaf: {  	[dreg:$0x3] =	wrdreg s6  }
0xb0: {  	[dreg:$0x4] =	wrdreg $0xC0  }
0xb1: {  	_ =	task [dreg:s8], $0x5FFFF  }
0xb2: {  	[dreg:$0x1] =	wrdreg $0xFFFFFFFF  }
0xb3: {  	[dreg:$0x0] =	wrdreg $0x60  }
0xb4: {  	[dreg:$0x2] =	wrdreg s17  }
0xb5: {  	[dreg:$0x3] =	wrdreg s24  }
0xb6: {  	[dreg:$0x4] =	wrdreg s16  }
0xb7: {  	[dreg:$0x5] =	wrdreg $0x9  }
0xb8: {  	_ =	task.clear_ibuf [dreg:s8], $0x6FFFF;
	_ =	strace $0x90000049  }
0xb9: {  	s29 =	simm.s32 $0x9;
	_ =	strace $0x8000004B  }
0xba: {  	_ =	swait.ge [sflag:s29], $0x1  }
0xbb: {  	[sflag:s29] =	ssyncadd.s32 $0xFFFFFFFF  }
0xbc: {  	_ =	strace $0x9000004B  }
0xbd: {  	_ =	sfence  }
0xbe: {  	s30 =	sld [smem:$0x0];
	_ =	sdelay $0x2  }
0xbf: {  	s31 =	sshll.u32 s1, $0xD;
	s1 =	sshrl.u32 s1, $0x2  }
0xc0: {  	s3 =	sand.u32 $0x4000, s31;
	s1 =	sadd.s32 s1, s30  }
0xc1: {  	s0 =	sor.u32 s3, s0;
	s1 =	sshll.u32 s1, $0x11  }
0xc2: {  	s0 =	sor.u32 s1, s0  }
0xc3: {  	s0 =	sadd.s32 $0x8F2B, s0  }
0xc4: {  	[sflag:s0] =	ssyncadd.remote.s32 $0x1  }
0xc5: {  	_ =	sfence.sel $0xFFFF  }
0xc6: {  	[dreg:$0x0] =	wrdreg $0xFFFFFFFF;
	(pc) =	sbr.abs _section_cstart, $3  }
0xc7: {  	[dreg:$0x1] =	wrdreg $0xFFFFFFFF  }
0xc8: {  	_ =	task.clear_ibuf [dreg:s8], $0x2FFFF;
	_ =	strace $0x9FFFFFFF  }
0xc9: {  	(tm) =	ssettm $0x7FFFFFFF  }
tec
execute0_lowered:
.L_overlay_start_1:
0x0: {  	(tag) =	ssettag $0x1  }
0x1: {  	s2 =	rddreg [dreg:$0x0]  }
0x2: {  	s0 =	rddreg [dreg:$0x1]  }
0x3: {  	s6 =	rddreg [dreg:$0x2];
	s8 =	stileid.u32  }
0x4: {  	s1 =	srdreg.scid;
	s3 =	simm.s32 $0x0;
	s16 =	simm.s32 $0x9  }
0x5: {  	s17 =	simm.s32 $0x200;
	s18 =	simm.s32 $0xA0;
	s19 =	simm.s32 $0x400  }
0x6: {  	s28 =	simm.s32 $0x2;
	s29 =	simm.s32 $0x4;
	s30 =	simm.s32 $0x6  }
0x7: {  	s31 =	simm.s32 $0x8;
	s1 =	sand.u32 $0x1, s1;
	s5 =	smul.u32 $0x50000, s8  }
0x8: {  	s4 =	sshll.u32 s8, $0x1;
	[smem:$0x7FF] =	sst s3;
	s8 =	smul.u32 $0x5000, s8  }
0x9: {  	s12 =	sadd.s32 $0xA800, s0;
	s4 =	sor.u32 s1, s4;
	s10 =	smul.u32 $0x2800, s1  }
0xa: {  	_ =	strace $0x8000004A;
	s9 =	ssub.s32 $0x2, s1;
	s1 =	smul.u32 $0x28000, s1  }
0xb: {  	s7 =	smul.u32 $0x2800, s4;
	s4 =	sadd.s32 $0x97000, s0;
	s20 =	sshrl.u32 s9, $0x1  }
0xc: {  	s0 =	sadd.s32 s5, s0;
	s5 =	ssub.s32 s9, s20;
	s13 =	sadd.s32 s10, s8  }
0xd: {  	s0 =	sadd.s32 s1, s0;
	s20 =	simm.s32 $0xA400;
	s7 =	sshrl.u32 s7, $0x3  }
0xe: {  	s24 =	sor.u32 $0x1E0, s13;
	s5 =	smax.u32 s5, $0x1;
	s13 =	sor.u32 $0x140, s13  }
0xf: {  	s1 =	sadd.s32 $0xBEC00, s0;
	s21 =	sadd.s32 s6, s7;
	s22 =	sadd.s32 s12, s7  }
0x10: {  	s23 =	sor.u32 $0x14, s7;
	s11 =	sshrl.u32 s24, $0x3;
	[dreg:$0x8] =	wrdreg s5  }
0x11: {  	[dreg:$0x9] =	wrdreg s1;
	s1 =	sadd.s32 $0x5BEC00, s0;
	s26 =	sshrl.u32 s13, $0x3  }
0x12: {  	s24 =	simm.s32 $0xF400;
	s0 =	simm.s32 $0x0;
	[dreg:$0x4] =	wrdreg s21  }
.Ltmp0:
0x13: {  	[dreg:$0x5] =	wrdreg s22;
	s7 =	sadd.s32 s6, s23;
	(pc) =	sbr.rel .LBB2_1-.Ltmp0, $4  }
0x14: {  	s25 =	sadd.s32 s12, s23;
	s10 =	sadd.s32 s11, s12;
	s11 =	sadd.s32 s11, s6  }
0x15: {  	s14 =	sadd.s32 s26, s12;
	s15 =	sadd.s32 s26, s6;
	s21 =	simm.s32 $0x100  }
0x16: {  	s22 =	simm.s32 $0x300;
	s23 =	simm.s32 $0x5400;
	[dreg:$0x6] =	wrdreg s7  }
0x17: {  	s26 =	simm.s32 $0x3;
	[dreg:$0x7] =	wrdreg s25;
	s25 =	simm.s32 $0x1  }
.LBB2_4:
0x18: {  	_ =	swait.ge [sflag:s30], $0x5000  }
0x19: {  	[sflag:s30] =	ssyncset.done $0x0  }
0x1a: {  	[sflag:s30] =	ssyncadd.s32 $0xFFFFB000  }
0x1b: {  	_ =	swait.ge [sflag:s31], $0x5000  }
0x1c: {  	s0 =	sadd.s32 $0x1, s0;
	s5 =	rddreg [dreg:$0x8]  }
0x1d: {  	p0 =	sne.s32 s0, s5  }
.Ltmp1:
0x1e: {  	_ = 	snop;
	(pc) =	sbr.rel @!p0 .LBB2_5-.Ltmp1, $3  }
0x1f: {  	_ =	sdelay $0x1  }
0x20: {  	[sflag:s31] =	ssyncset.done $0x0  }
0x21: {  	[sflag:s31] =	ssyncadd.s32 $0xFFFFB000  }
.LBB2_1:
0x22: {  	s5 =	rddreg [dreg:$0x4]  }
0x23: {  	[tilespmem:s3], [sflag:$0x9] =	stream.linear.gather [hbm4b:s5+s3], $0xA0, $0x38;
	[tilespmem:$0x14400] =	vst v63  }
0x24: {  	_ =	swait.ge [sflag:s16], $0xA0  }
0x25: {  	[sflag:s16] =	ssyncset.done $0x0  }
0x26: {  	s9 =	rddreg [dreg:$0x5];
	[sflag:s16] =	ssyncadd.s32 $0xFFFFFF60  }
0x27: {  	[tilespmem:s17], [sflag:$0x9] =	stream.linear.gather [hbm4b:s9+s3], $0xA0, $0x38;
	[tilespmem:$0x14400] =	vst v63  }
0x28: {  	_ =	swait.ge [sflag:s16], $0xA0  }
0x29: {  	[sflag:s16] =	ssyncset.done $0x0  }
0x2a: {  	[sflag:s16] =	ssyncadd.s32 $0xFFFFFF60  }
0x2b: {  	[tilespmem:s19], [sflag:$0x1] =	stream.indirect.gather [hbm4b:s2+s18], $0x80, s3, s18, $0xb8;
	[tilespmem:$0x14400] =	vst v63  }
0x2c: {  	_ = 	snop  }
0x2d: {  	[tilespmem:s20], [sflag:$0x3] =	stream.indirect.gather [hbm4b:s4+s18], $0x80, s17, s18, $0xb8;
	[tilespmem:$0x14400] =	vst v63  }
0x2e: {  	s12 =	rddreg [dreg:$0x6]  }
0x2f: {  	[tilespmem:s21], [sflag:$0x9] =	stream.linear.gather [hbm4b:s12+s3], $0xA0, $0x38;
	[tilespmem:$0x14400] =	vst v63  }
0x30: {  	_ =	swait.ge [sflag:s16], $0xA0  }
0x31: {  	[sflag:s16] =	ssyncset.done $0x0  }
0x32: {  	s13 =	rddreg [dreg:$0x7];
	[sflag:s16] =	ssyncadd.s32 $0xFFFFFF60  }
0x33: {  	[tilespmem:s22], [sflag:$0x9] =	stream.linear.gather [hbm4b:s13+s3], $0xA0, $0x38;
	[tilespmem:$0x14400] =	vst v63  }
0x34: {  	_ =	swait.ge [sflag:s16], $0xA0  }
0x35: {  	[sflag:s16] =	ssyncset.done $0x0  }
0x36: {  	[sflag:s16] =	ssyncadd.s32 $0xFFFFFF60  }
0x37: {  	[tilespmem:s23], [sflag:$0x2] =	stream.indirect.gather [hbm4b:s2+s18], $0x80, s21, s18, $0xb8;
	[tilespmem:$0x14400] =	vst v63  }
0x38: {  	s6 =	simm.s32 $0x0;
	s13 =	smov.u32 s1;
	s12 =	rddreg [dreg:$0x9]  }
0x39: {  	[tilespmem:s24], [sflag:$0x4] =	stream.indirect.gather [hbm4b:s4+s18], $0x80, s22, s18, $0xb8;
	[tilespmem:$0x14400] =	vst v63  }
.LBB2_2:
0x3a: {  	_ =	swait.ge [sflag:s25], $0x5000  }
0x3b: {  	[sflag:s25] =	ssyncset.done $0x0  }
0x3c: {  	[sflag:s25] =	ssyncadd.s32 $0xFFFFB000  }
0x3d: {  	_ =	swait.ge [sflag:s26], $0x5000  }
0x3e: {  	[sflag:s26] =	ssyncset.done $0x0  }
0x3f: {  	s7 =	sadd.s32 $0xFFFFF600, s12;
	p0 =	seq.s32 s6, $0x4D8;
	[sflag:s26] =	ssyncadd.s32 $0xFFFFB000  }
0x40: {  	[hbm4b:s7+s3] =	stream.linear.scatter [tilespmem:s19], [sflag:$0x5], $0x5000, $0x38;
	[tilespmem:$0x14400] =	vst v63  }
0x41: {  	s9 =	sadd.s32 $0xFFFFF600, s13;
	s7 =	simm.s32 @p0 $0x5  }
0x42: {  	[hbm4b:s9+s3] =	stream.linear.scatter [tilespmem:s20], [sflag:$0x7], $0x5000, $0x38;
	[tilespmem:$0x14400] =	vst v63  }
0x43: {  	_ =	swait.ge @p0 [sflag:s7], $0x5000  }
0x44: {  	[sflag:s7] =	ssyncset.done @p0 $0x0  }
0x45: {  	[sflag:s7] =	ssyncadd.s32 @p0 $0xFFFFB000;
	s7 =	simm.s32 @p0 $0x7  }
0x46: {  	_ =	swait.ge @p0 [sflag:s7], $0x5000  }
0x47: {  	[sflag:s7] =	ssyncset.done @p0 $0x0  }
0x48: {  	s8 =	simm.s32 @!p0 $0x0;
	[sflag:s7] =	ssyncadd.s32 @p0 $0xFFFFB000;
	s7 =	sadd.s32 @!p0 s6, s15  }
0x49: {  	[tilespmem:s8], [sflag:$0x9] =	stream.linear.gather @!p0 [hbm4b:s7+s8], $0xA0, $0x38;
	[tilespmem:$0x14400] =	vst v63  }
0x4a: {  	s7 =	simm.s32 @!p0 $0x9  }
0x4b: {  	_ =	swait.ge @!p0 [sflag:s7], $0xA0  }
0x4c: {  	[sflag:s7] =	ssyncset.done @!p0 $0x0  }
0x4d: {  	s5 =	simm.s32 @!p0 $0x200;
	s9 =	sadd.s32 @!p0 s6, s14;
	[sflag:s7] =	ssyncadd.s32 @!p0 $0xFFFFFF60  }
0x4e: {  	[tilespmem:s5], [sflag:$0x9] =	stream.linear.gather @!p0 [hbm4b:s9+s8], $0xA0, $0x38;
	[tilespmem:$0x14400] =	vst v63  }
0x4f: {  	_ =	swait.ge @!p0 [sflag:s7], $0xA0  }
0x50: {  	[sflag:s7] =	ssyncset.done @!p0 $0x0  }
0x51: {  	[sflag:s7] =	ssyncadd.s32 @!p0 $0xFFFFFF60;
	s7 =	simm.s32 @!p0 $0x5  }
0x52: {  	_ =	swait.ge @!p0 [sflag:s7], $0x5000  }
0x53: {  	[sflag:s7] =	ssyncset.done @!p0 $0x0  }
0x54: {  	[sflag:s7] =	ssyncadd.s32 @!p0 $0xFFFFB000;
	s7 =	simm.s32 @!p0 $0x7  }
0x55: {  	_ =	swait.ge @!p0 [sflag:s7], $0x5000  }
0x56: {  	[sflag:s7] =	ssyncset.done @!p0 $0x0  }
0x57: {  	s9 =	simm.s32 @!p0 $0x400;
	[sflag:s7] =	ssyncadd.s32 @!p0 $0xFFFFB000;
	s7 =	simm.s32 @!p0 $0xA0  }
0x58: {  	[tilespmem:s9], [sflag:$0x1] =	stream.indirect.gather @!p0 [hbm4b:s2+s7], $0x80, s8, s7, $0xb8;
	[tilespmem:$0x14400] =	vst v63  }
0x59: {  	s8 =	simm.s32 @!p0 $0xA400  }
0x5a: {  	[tilespmem:s8], [sflag:$0x3] =	stream.indirect.gather @!p0 [hbm4b:s4+s7], $0x80, s5, s7, $0xb8;
	[tilespmem:$0x14400] =	vst v63  }
0x5b: {  	_ =	swait.ge [sflag:s28], $0x5000  }
0x5c: {  	[sflag:s28] =	ssyncset.done $0x0  }
0x5d: {  	[sflag:s28] =	ssyncadd.s32 $0xFFFFB000  }
0x5e: {  	_ =	swait.ge [sflag:s29], $0x5000  }
.Ltmp2:
0x5f: {  	[sflag:s29] =	ssyncset.done $0x0;
	(pc) =	sbr.rel @p0 .LBB2_4-.Ltmp2, $4  }
0x60: {  	[sflag:s29] =	ssyncadd.s32 $0xFFFFB000  }
0x61: {  	[hbm4b:s12+s3] =	stream.linear.scatter [tilespmem:s23], [sflag:$0x6], $0x5000, $0x38;
	[tilespmem:$0x14400] =	vst v63  }
0x62: {  	_ = 	snop  }
0x63: {  	[hbm4b:s13+s3] =	stream.linear.scatter [tilespmem:s24], [sflag:$0x8], $0x5000, $0x38;
	[tilespmem:$0x14400] =	vst v63  }
0x64: {  	s5 =	sadd.s32 s6, s11  }
0x65: {  	[tilespmem:s21], [sflag:$0x9] =	stream.linear.gather [hbm4b:s5+s3], $0xA0, $0x38;
	[tilespmem:$0x14400] =	vst v63  }
0x66: {  	_ =	swait.ge [sflag:s16], $0xA0  }
0x67: {  	[sflag:s16] =	ssyncset.done $0x0  }
0x68: {  	s9 =	sadd.s32 s6, s10;
	[sflag:s16] =	ssyncadd.s32 $0xFFFFFF60  }
0x69: {  	[tilespmem:s22], [sflag:$0x9] =	stream.linear.gather [hbm4b:s9+s3], $0xA0, $0x38;
	[tilespmem:$0x14400] =	vst v63  }
0x6a: {  	_ =	swait.ge [sflag:s16], $0xA0  }
0x6b: {  	[sflag:s16] =	ssyncset.done $0x0  }
0x6c: {  	[sflag:s16] =	ssyncadd.s32 $0xFFFFFF60  }
0x6d: {  	_ =	swait.ge [sflag:s30], $0x5000  }
0x6e: {  	[sflag:s30] =	ssyncset.done $0x0  }
0x6f: {  	[sflag:s30] =	ssyncadd.s32 $0xFFFFB000  }
0x70: {  	_ =	swait.ge [sflag:s31], $0x5000  }
.Ltmp3:
0x71: {  	[sflag:s31] =	ssyncset.done $0x0;
	(pc) =	sbr.rel .LBB2_2-.Ltmp3, $4  }
0x72: {  	[sflag:s31] =	ssyncadd.s32 $0xFFFFB000  }
0x73: {  	[tilespmem:s23], [sflag:$0x2] =	stream.indirect.gather [hbm4b:s2+s18], $0x80, s21, s18, $0xb8;
	[tilespmem:$0x14400] =	vst v63  }
0x74: {  	s6 =	sadd.s32 $0x28, s6;
	s12 =	sadd.s32 $0x1400, s12;
	s13 =	sadd.s32 $0x1400, s13  }
0x75: {  	[tilespmem:s24], [sflag:$0x4] =	stream.indirect.gather [hbm4b:s4+s18], $0x80, s22, s18, $0xb8;
	[tilespmem:$0x14400] =	vst v63  }
.LBB2_5:
0x76: {  	_ =	sfence.sel $0x180000  }
0x77: {  	[bflag:$0x0] =	sbarrier.arrive $0xFFFF  }
0x78: {  	_ =	strace $0x9000004A  }
0x79: {  	s0 =	stileid.u32;
	[bflag:$0x2] =	sbarrier.arrive $0xFFFF  }
0x7a: {  	p0 =	sne.s32 s0, $0x0;
	s0 =	rddreg [dreg:$0x3]  }
0x7b: {  	s0 =	sadd.s32 @!p0 $0x100000, s0  }
0x7c: {  	[sflag:s0] =	ssyncadd.tile.s32 @!p0 $0x1;
	_ =	shalt  }
.Lfunc_end2:
_tile_overlayer_lowered:
.L_overlay_start_2:
0x7d: {  	(tag) =	ssettag $0x2  }
0x7e: {  	s0 =	rddreg [dreg:$0x0];
	s2 =	stileid.u32  }
0x7f: {  	s1 =	rddreg [dreg:$0x1];
	p0 =	sne.s32 s2, $0x0  }
0x80: {  	s3 =	rddreg [dreg:$0x2];
	[bflag:$0x3] =	sbarrier.arrive $0xFFFF;
	s2 =	simm.s32 @!p0 $0x1C09  }
0x81: {  	[timem:s3], [sflag:s2] =	dma.local @!p0 [hbm:s0], s1  }
0x82: {  	s0 =	simm.s32 @!p0 $0x9  }
0x83: {  	_ =	swait.ge @!p0 [sflag:s0], s1  }
0x84: {  	s1 =	ssub.s32 @!p0 $0x0, s1;
	[sflag:s0] =	ssyncset.done @!p0 $0x0  }
0x85: {  	[sflag:s0] =	ssyncadd.s32 @!p0 s1  }
0x86: {  	[bflag:$0x3] =	sbarrier.arrive $0xFFFF  }
0x87: {  	_ =	shalt  }

// kernel: kernel.22.cloned.1.call-start
scs
__scs_entry_jumppad:
0x0: {  	(pc) =	sbr.rel $0x88, $3  }
0x1: {  	(tag) =	ssettag $0x0;
	lr =	simm.s32 $0x1  }
0x2: {  	[smem:$0x3F8C] =	sst lr;
	_ =	strace $0xD0000000  }
0x3: {  	_ = 	snop  }
0x4: {  	_ = 	snop  }
0x5: {  	_ = 	snop  }
0x6: {  	_ = 	snop  }
0x7: {  	_ = 	snop  }
__scs_overlays_trampoline_lowered:
0x8: {  	[smem:$0x3F9B] =	sst s0  }
0x9: {  	[smem:$0x3F9C] =	sst s1  }
0xa: {  	[smem:$0x3F9D] =	sst s2  }
0xb: {  	[smem:$0x3F9E] =	sst s3  }
0xc: {  	[smem:$0x3F9F] =	sst s4  }
0xd: {  	[smem:$0x3FA0] =	sst s5  }
0xe: {  	[smem:$0x3FA1] =	sst s6  }
0xf: {  	[smem:$0x3FA2] =	sst s7  }
0x10: {  	[smem:$0x3FA3] =	sst s8  }
0x11: {  	[smem:$0x3FA4] =	sst s9;
	s0 =	simm.s32 @!p0 $0x0  }
0x12: {  	s1 =	sld [smem:$0x3F8A];
	s0 =	simm.s32 @p0 $0x1  }
0x13: {  	[smem:$0x3FA5] =	sst s0;
	s0 =	simm.s32 @!p1 $0x0  }
0x14: {  	s2 =	sld [smem:$0x3F89];
	s0 =	simm.s32 @p1 $0x1  }
0x15: {  	[smem:$0x3FA6] =	sst s0;
	s0 =	simm.s32 @!p2 $0x0  }
0x16: {  	s3 =	sld [smem:$0x3FDB];
	s0 =	simm.s32 @p2 $0x1  }
0x17: {  	s4 =	simm.s32 $0x1BF5;
	[smem:$0x3FA8] =	sst s0  }
0x18: {  	s0 =	sld [smem:$0x3F8B];
	_ =	swait.ge [sflag:s4], $0x0  }
0x19: {  	s7 =	sld [smem:$0x3F8C]  }
0x1a: {  	s8 =	sadd.s32 $0xFFFFE003, lr  }
0x1b: {  	s9 =	sadd.s32 $0xFFFFFEF7, lr;
	s5 =	simm.s32 $0xFFFFFFFF;
	p2 =	slt.u32 s8, $0xFFFFF086  }
0x1c: {  	p1 =	slt.u32 s9, $0xF7A;
	s5 =	simm.s32 @!p2 $0x0  }
0x1d: {  	s5 =	simm.s32 @p1 $0x1;
	p0 =	seq.s32 s7, s2  }
0x1e: {  	s7 =	smul.u32 @!p0 $0xF7A, s2;
	p2 =	seq.s32 @!p0 s5, $0x0  }
0x1f: {  	s9 =	smul.u32 $0xF7A, s1;
	s8 =	simm.s32 @!p0 $0x1BF5;
	p2 =	por !p2, p0  }
0x20: {  	[sflag:s8] =	ssyncset.s32 @!p0 $0xFFFFF086;
	s6 =	sadd.s32 @!p0 s3, s7;
	s7 =	simm.s32 @!p0 $0x108  }
0x21: {  	s3 =	sadd.s32 s3, s9;
	s6 =	sadd.s32 @!p0 $0x88, s6;
	s7 =	simm.s32 @p2 $0x1082  }
0x22: {  	[simem:s7], [sflag:s8] =	dma.local @!p0 [hbm:s6], $0xF7A  }
0x23: {  	s9 =	sor.u32 $0xD0000000, s2;
	s6 =	simm.s32 $0x108;
	_ =	swait.ge @!p0 [sflag:s8], $0x0  }
0x24: {  	s3 =	sadd.s32 $0x88, s3;
	s6 =	simm.s32 @!p1 $0x1082;
	[sflag:s4] =	ssyncset.s32 $0xFFFFF086  }
0x25: {  	[simem:s6], [sflag:s4] =	dma.local [hbm:s3], $0xF7A  }
0x26: {  	[smem:$0x3F8C] =	sst s1;
	(tag) =	ssettag s2;
	_ =	strace s9  }
0x27: {  	s1 =	sld [smem:$0x3F9C]  }
0x28: {  	s2 =	sld [smem:$0x3F9D]  }
0x29: {  	s4 =	sld [smem:$0x3F9F]  }
0x2a: {  	p0 =	seq.s32 s5, $0x0;
	s5 =	sld [smem:$0x3FA0]  }
0x2b: {  	s6 =	sld [smem:$0x3FA1]  }
0x2c: {  	s7 =	sld [smem:$0x3FA2]  }
0x2d: {  	s3 =	simm.s32 $0x108;
	s8 =	sld [smem:$0x3FA3]  }
0x2e: {  	s3 =	simm.s32 @!p0 $0x1082;
	s9 =	sld [smem:$0x3FA4]  }
0x2f: {  	lr =	sadd.s32 s0, s3;
	s0 =	sld [smem:$0x3F9B]  }
0x30: {  	s3 =	sld [smem:$0x3F9E]  }
0x31: {  	[smem:$0x3FA7] =	sst s10  }
0x32: {  	s10 =	sld [smem:$0x3FA5];
	_ =	sdelay $0x3  }
0x33: {  	p0 =	seq.s32 s10, $0x1;
	s10 =	sld [smem:$0x3FA7];
	_ =	sdelay $0x3  }
0x34: {  	[smem:$0x3FA7] =	sst s10  }
0x35: {  	s10 =	sld [smem:$0x3FA6];
	_ =	sdelay $0x3  }
0x36: {  	p1 =	seq.s32 s10, $0x1;
	s10 =	sld [smem:$0x3FA7];
	_ =	sdelay $0x3  }
0x37: {  	[smem:$0x3FA7] =	sst s10  }
0x38: {  	s10 =	sld [smem:$0x3FA8]  }
0x39: {  	_ = 	snop;
	(pc) =	sbr.ind lr, $3  }
0x3a: {  	_ = 	snop  }
0x3b: {  	_ = 	snop  }
0x3c: {  	p2 =	seq.s32 s10, $0x1;
	s10 =	sld [smem:$0x3FA7]  }
0x3d: {  	_ =	shalt  }
0x3e: {  	_ =	shalt  }
0x3f: {  	_ =	shalt  }
0x40: {  	_ =	shalt  }
0x41: {  	_ =	shalt  }
0x42: {  	_ =	shalt  }
0x43: {  	_ =	shalt  }
0x44: {  	_ =	shalt  }
0x45: {  	_ =	shalt  }
0x46: {  	_ =	shalt  }
0x47: {  	_ =	shalt  }
0x48: {  	_ =	shalt  }
0x49: {  	_ =	shalt  }
0x4a: {  	_ =	shalt  }
0x4b: {  	_ =	shalt  }
0x4c: {  	_ =	shalt  }
0x4d: {  	_ =	shalt  }
0x4e: {  	_ =	shalt  }
0x4f: {  	_ =	shalt  }
0x50: {  	_ =	shalt  }
0x51: {  	_ =	shalt  }
0x52: {  	_ =	shalt  }
0x53: {  	_ =	shalt  }
0x54: {  	_ =	shalt  }
0x55: {  	_ =	shalt  }
0x56: {  	_ =	shalt  }
0x57: {  	_ =	shalt  }
0x58: {  	_ =	shalt  }
0x59: {  	_ =	shalt  }
0x5a: {  	_ =	shalt  }
0x5b: {  	_ =	shalt  }
0x5c: {  	_ =	shalt  }
0x5d: {  	_ =	shalt  }
0x5e: {  	_ =	shalt  }
0x5f: {  	_ =	shalt  }
0x60: {  	_ =	shalt  }
0x61: {  	_ =	shalt  }
0x62: {  	_ =	shalt  }
0x63: {  	_ =	shalt  }
0x64: {  	_ =	shalt  }
0x65: {  	_ =	shalt  }
0x66: {  	_ =	shalt  }
0x67: {  	_ =	shalt  }
0x68: {  	_ =	shalt  }
0x69: {  	_ =	shalt  }
0x6a: {  	_ =	shalt  }
0x6b: {  	_ =	shalt  }
0x6c: {  	_ =	shalt  }
0x6d: {  	_ =	shalt  }
0x6e: {  	_ =	shalt  }
0x6f: {  	_ =	shalt  }
0x70: {  	_ =	shalt  }
0x71: {  	_ =	shalt  }
0x72: {  	_ =	shalt  }
0x73: {  	_ =	shalt  }
0x74: {  	_ =	shalt  }
0x75: {  	_ =	shalt  }
0x76: {  	_ =	shalt  }
0x77: {  	_ =	shalt  }
0x78: {  	_ =	shalt  }
0x79: {  	_ =	shalt  }
0x7a: {  	_ =	shalt  }
0x7b: {  	_ =	shalt  }
0x7c: {  	_ =	shalt  }
0x7d: {  	_ =	shalt  }
0x7e: {  	_ =	shalt  }
0x7f: {  	_ =	shalt  }
0x80: {  	_ =	shalt  }
0x81: {  	_ =	shalt  }
0x82: {  	_ =	shalt  }
0x83: {  	_ =	shalt  }
0x84: {  	_ =	shalt  }
0x85: {  	_ =	shalt  }
0x86: {  	_ =	shalt  }
0x87: {  	_ =	shalt  }
.Lfunc_end0:
.L_simem_size_0:
called_computation.3_lowered:
.L_overlay_start_0:
0x88: {  	s2 =	sld [smem:$0x3FD9]  }
0x89: {  	s3 =	sld [smem:$0x3FFE];
	_ =	sdelay $0x1  }
0x8a: {  	s1 =	srdreg.scid  }
0x8b: {  	s0 =	sand.u32 $0x1, s1  }
0x8c: {  	s14 =	sshll.u32 s0, $0xA;
	s2 =	sadd.s32 s3, s2  }
0x8d: {  	s2 =	sadd.s32 s2, s14  }
0x8e: {  	[smem:$0x3FB3] =	sst s2  }
0x8f: {  	_ = 	snop  }
0x90: {  	s2 =	sld [smem:$0x3FD0];
	_ =	sdelay $0x2  }
0x91: {  	s15 =	simm.s32 $0xB;
	s4 =	simm.s32 $0x10  }
0x92: {  	[smem:s4], [sflag:s15] =	dma.local [hbm:s2], $0x1  }
0x93: {  	_ =	swait.eq [sflag:s15], $0x1  }
0x94: {  	[sflag:s15] =	ssyncset.done $0x0  }
0x95: {  	[sflag:s15] =	ssyncadd.s32 $0xFFFFFFFF  }
0x96: {  	s16 =	sld [smem:$0x11];
	(tm) =	ssettm $0x1  }
0x97: {  	s17 =	sld [smem:$0x3FFB];
	_ =	sdelay $0x3  }
0x98: {  	_ =	strace s17  }
0x99: {  	s3 =	sld [smem:$0x3FFC];
	_ =	sdelay $0x3  }
0x9a: {  	_ =	strace s3  }
0x9b: {  	s3 =	sld [smem:$0x3FFD];
	_ =	sdelay $0x3  }
0x9c: {  	_ =	strace s3  }
0x9d: {  	_ =	strace $0x8FFFFFFF  }
0x9e: {  	s18 =	sld [smem:$0x3FDB];
	_ =	sdelay $0x1  }
0x9f: {  	s19 =	simm.s32 $_scs_section_size  }
0xa0: {  	s5 =	simm.s32 $_size__tile_overlayer_lowered;
	s6 =	simm.s32 $_tile_overlayer_lowered  }
0xa1: {  	s22 =	simm.s32 $0x1BFF;
	s21 =	sshll.u32 s6, $0x1;
	s3 =	sadd.s32 s19, s18  }
0xa2: {  	s7 =	simm.s32 $0x0;
	s20 =	sshll.u32 s5, $0x1;
	s5 =	sadd.s32 s21, s3  }
0xa3: {  	[timem:s7], [sflag:s22] =	dma.local [hbm:s5], s20  }
0xa4: {  	_ =	swait.ge [sflag:s22], s20  }
0xa5: {  	s4 =	ssub.s32 $0x0, s20;
	[sflag:s22] =	ssyncset.done $0x0  }
0xa6: {  	[sflag:s22] =	ssyncadd.s32 s4;
	_ =	sdelay $0x1  }
0xa7: {  	s23 =	simm.s32 $0x1B8B  }
0xa8: {  	_ =	swait.ge [sflag:s23], $0x1  }
0xa9: {  	[sflag:s23] =	ssyncset.done $0x0  }
0xaa: {  	s25 =	simm.s32 $0x1B8E;
	s24 =	sld [smem:$0x3FFE];
	[sflag:s23] =	ssyncadd.s32 $0xFFFFFFFF  }
0xab: {  	s26 =	simm.s32 $execute0_lowered;
	[smem:$0x3FD2] =	sst s25  }
0xac: {  	s5 =	sshll.u32 s26, $0x1;
	_ =	strace $0x8000004C;
	[dreg:$0x1] =	wrdreg $0xFFFFFFFF  }
0xad: {  	s28 =	simm.s32 $_size_execute0_lowered;
	s3 =	sadd.s32 s3, s5;
	[dreg:$0x0] =	wrdreg $0x0  }
0xae: {  	s5 =	sshll.u32 s28, $0x1;
	[dreg:$0x2] =	wrdreg s3  }
0xaf: {  	[dreg:$0x3] =	wrdreg s5  }
0xb0: {  	[dreg:$0x4] =	wrdreg $0xC0  }
0xb1: {  	_ =	task [dreg:s7], $0x5FFFF  }
0xb2: {  	[dreg:$0x1] =	wrdreg $0xFFFFFFFF  }
0xb3: {  	[dreg:$0x0] =	wrdreg $0x60  }
0xb4: {  	[dreg:$0x2] =	wrdreg s24  }
0xb5: {  	[dreg:$0x3] =	wrdreg s16  }
0xb6: {  	[dreg:$0x4] =	wrdreg $0x81000  }
0xb7: {  	[dreg:$0x5] =	wrdreg $0x9  }
0xb8: {  	_ =	task.clear_ibuf [dreg:s7], $0x6FFFF;
	_ =	strace $0x9000004C  }
0xb9: {  	s29 =	simm.s32 $0x9;
	_ =	strace $0x8000004E  }
0xba: {  	_ =	swait.ge [sflag:s29], $0x1  }
0xbb: {  	[sflag:s29] =	ssyncadd.s32 $0xFFFFFFFF  }
0xbc: {  	_ =	strace $0x9000004E  }
0xbd: {  	_ =	sfence  }
0xbe: {  	s30 =	sld [smem:$0x0];
	_ =	sdelay $0x2  }
0xbf: {  	s31 =	sshll.u32 s1, $0xD;
	s1 =	sshrl.u32 s1, $0x2  }
0xc0: {  	s3 =	sand.u32 $0x4000, s31;
	s1 =	sadd.s32 s1, s30  }
0xc1: {  	s0 =	sor.u32 s3, s0;
	s1 =	sshll.u32 s1, $0x11  }
0xc2: {  	s0 =	sor.u32 s1, s0  }
0xc3: {  	s0 =	sadd.s32 $0x8F2B, s0  }
0xc4: {  	[sflag:s0] =	ssyncadd.remote.s32 $0x1  }
0xc5: {  	_ =	sfence.sel $0xFFFF  }
0xc6: {  	[dreg:$0x0] =	wrdreg $0xFFFFFFFF;
	(pc) =	sbr.abs _section_cstart, $3  }
0xc7: {  	[dreg:$0x1] =	wrdreg $0xFFFFFFFF  }
0xc8: {  	_ =	task.clear_ibuf [dreg:s7], $0x2FFFF;
	_ =	strace $0x9FFFFFFF  }
0xc9: {  	(tm) =	ssettm $0x7FFFFFFF  }
tec
execute0_lowered:
.L_overlay_start_1:
0x0: {  	(tag) =	ssettag $0x1  }
0x1: {  	s4 =	rddreg [dreg:$0x0]  }
0x2: {  	s6 =	rddreg [dreg:$0x1]  }
0x3: {  	s2 =	rddreg [dreg:$0x2]  }
0x4: {  	s0 =	rddreg [dreg:$0x3]  }
0x5: {  	s3 =	simm.s32 $0x0;
	s1 =	stileid.u32;
	s7 =	srdreg.scid  }
0x6: {  	s15 =	simm.s32 $0x4100;
	s16 =	simm.s32 $0x0;
	s5 =	smul.u32 $0x50000, s1  }
0x7: {  	[smem:$0x7FF] =	sst s3;
	s9 =	smul.u32 $0x2800, s1;
	s7 =	sand.u32 $0x1, s7  }
0x8: {  	s10 =	sadd.s32 $0x14800, s4;
	s14 =	smul.u32 $0x5000, s1;
	s29 =	sshll.u32 s1, $0x6  }
0x9: {  	_ =	strace $0x8000004D;
	s11 =	ssub.s32 $0x2, s7;
	s12 =	smul.u32 $0x28000, s7  }
0xa: {  	s7 =	smul.u32 $0x2800, s7;
	s8 =	sadd.s32 s5, s4;
	s13 =	sshrl.u32 s11, $0x1  }
0xb: {  	s4 =	sadd.s32 s9, s4;
	s5 =	sshrl.u32 s5, $0x2;
	s11 =	ssub.s32 s11, s13  }
0xc: {  	s28 =	sadd.s32 s5, s2;
	s4 =	sadd.s32 $0x1E800, s4;
	s5 =	sor.u32 $0x1C01, s29  }
0xd: {  	s9 =	sadd.s32 s9, s12;
	s14 =	sadd.s32 s7, s14;
	s8 =	sadd.s32 s12, s8  }
0xe: {  	s12 =	simm.s32 $0x1;
	s13 =	simm.s32 $0x100;
	s6 =	sadd.s32 s6, s9  }
0xf: {  	s7 =	smax.u32 s11, $0x1;
	s30 =	sor.u32 $0x80, s14;
	s31 =	sshrl.u32 s14, $0x3  }
0x10: {  	s8 =	sadd.s32 $0x14A0A00, s8;
	s11 =	sshrl.u32 s28, $0x3;
	s9 =	sshrl.u32 s30, $0x3  }
0x11: {  	s14 =	simm.s32 $0x80;
	s9 =	sadd.s32 s9, s10;
	s10 =	sadd.s32 s31, s10  }
.LBB2_1:
0x12: {  	[spmem:s11], [sflag:s5] =	dma.local [hbm:s4], $0x2800  }
0x13: {  	_ =	swait.ge [sflag:s12], $0x2800  }
0x14: {  	[sflag:s12] =	ssyncset.done $0x0  }
0x15: {  	[sflag:s12] =	ssyncadd.s32 $0xFFFFD800  }
0x16: {  	s17 =	sadd.s32 $0x0, s10;
	[bflag:$0x0] =	sbarrier.arrive $0xFFFF  }
0x17: {  	[tilespmem:s3], [sflag:$0x1] =	stream.linear.gather [hbm4b:s17+s3], $0x80, $0x38;
	[tilespmem:$0x12100] =	vst v63  }
0x18: {  	_ =	swait.ge [sflag:s12], $0x80  }
0x19: {  	[sflag:s12] =	ssyncset.done $0x0  }
0x1a: {  	s30 =	sadd.s32 $0xFFFFF800, s8;
	[sflag:s12] =	ssyncadd.s32 $0xFFFFFF80  }
0x1b: {  	[tilespmem:s13], [sflag:$0x1] =	stream.linear.gather [hbm4b:s30+s3], $0x4000, $0x38;
	[tilespmem:$0x12100] =	vst v63  }
0x1c: {  	_ =	swait.ge [sflag:s12], $0x4000  }
0x1d: {  	[sflag:s12] =	ssyncset.done $0x0  }
0x1e: {  	[sflag:s12] =	ssyncadd.s32 $0xFFFFC000  }
0x1f: {  	[spmem:s2] =	stream.indirect.scatter.add.f32 [tilespmem:s13], [sflag:$0x1], $0x40, s3, s14, $0xb8;
	[tilespmem:$0x12100] =	vst v63  }
0x20: {  	_ =	swait.ge [sflag:s12], $0x2000  }
0x21: {  	[sflag:s12] =	ssyncset.done $0x0  }
0x22: {  	s31 =	sadd.s32 $0x0, s9;
	[sflag:s12] =	ssyncadd.s32 $0xFFFFE000  }
0x23: {  	[tilespmem:s14], [sflag:$0x1] =	stream.linear.gather [hbm4b:s31+s3], $0x80, $0x38;
	[tilespmem:$0x12100] =	vst v63  }
0x24: {  	_ =	swait.ge [sflag:s12], $0x80  }
0x25: {  	[sflag:s12] =	ssyncset.done $0x0  }
0x26: {  	[sflag:s12] =	ssyncadd.s32 $0xFFFFFF80  }
0x27: {  	[tilespmem:s15], [sflag:$0x1] =	stream.linear.gather [hbm4b:s8+s3], $0x4000, $0x38;
	[tilespmem:$0x12100] =	vst v63  }
0x28: {  	_ =	swait.ge [sflag:s12], $0x4000  }
0x29: {  	[sflag:s12] =	ssyncset.done $0x0  }
0x2a: {  	[sflag:s12] =	ssyncadd.s32 $0xFFFFC000  }
0x2b: {  	[spmem:s2] =	stream.indirect.scatter.add.f32 [tilespmem:s15], [sflag:$0x1], $0x40, s14, s14, $0xb8;
	[tilespmem:$0x12100] =	vst v63  }
0x2c: {  	s18 =	simm.s32 $0x20;
	_ =	swait.ge [sflag:s12], $0x2000  }
0x2d: {  	s19 =	simm.s32 $0x40;
	s17 =	sadd.s32 $0x1000, s8;
	[sflag:s12] =	ssyncset.done $0x0  }
.LBB2_2:
0x2e: {  	s20 =	sadd.s32 s18, s10  }
0x2f: {  	[sflag:s12] =	ssyncadd.s32 $0xFFFFE000;
	s21 =	smov.u32 s19;
	s22 =	sadd.s32 $0x20, s19  }
0x30: {  	[tilespmem:s3], [sflag:$0x1] =	stream.linear.gather [hbm4b:s20+s3], $0x80, $0x38;
	[tilespmem:$0x12100] =	vst v63  }
0x31: {  	p0 =	sne.s32 s19, $0x4E0;
	_ =	swait.ge [sflag:s12], $0x80  }
0x32: {  	[sflag:s12] =	ssyncset.done $0x0  }
0x33: {  	s19 =	sadd.s32 $0xFFFFF800, s17;
	[sflag:s12] =	ssyncadd.s32 $0xFFFFFF80  }
0x34: {  	[tilespmem:s13], [sflag:$0x1] =	stream.linear.gather [hbm4b:s19+s3], $0x4000, $0x38;
	[tilespmem:$0x12100] =	vst v63  }
0x35: {  	_ =	swait.ge [sflag:s12], $0x4000  }
0x36: {  	[sflag:s12] =	ssyncset.done $0x0  }
0x37: {  	[sflag:s12] =	ssyncadd.s32 $0xFFFFC000  }
0x38: {  	[spmem:s2] =	stream.indirect.scatter.add.f32 [tilespmem:s13], [sflag:$0x1], $0x40, s3, s14, $0xb8;
	[tilespmem:$0x12100] =	vst v63  }
0x39: {  	_ =	swait.ge [sflag:s12], $0x2000  }
0x3a: {  	[sflag:s12] =	ssyncset.done $0x0  }
0x3b: {  	s19 =	sadd.s32 s18, s9;
	s18 =	smov.u32 s21;
	[sflag:s12] =	ssyncadd.s32 $0xFFFFE000  }
0x3c: {  	[tilespmem:s14], [sflag:$0x1] =	stream.linear.gather [hbm4b:s19+s3], $0x80, $0x38;
	[tilespmem:$0x12100] =	vst v63  }
0x3d: {  	_ =	swait.ge [sflag:s12], $0x80  }
0x3e: {  	[sflag:s12] =	ssyncset.done $0x0  }
0x3f: {  	[sflag:s12] =	ssyncadd.s32 $0xFFFFFF80  }
0x40: {  	[tilespmem:s15], [sflag:$0x1] =	stream.linear.gather [hbm4b:s17+s3], $0x4000, $0x38;
	[tilespmem:$0x12100] =	vst v63  }
0x41: {  	_ =	swait.ge [sflag:s12], $0x4000  }
.Ltmp0:
0x42: {  	[sflag:s12] =	ssyncset.done $0x0;
	(pc) =	sbr.rel @p0 .LBB2_2-.Ltmp0, $4  }
0x43: {  	[sflag:s12] =	ssyncadd.s32 $0xFFFFC000  }
0x44: {  	[spmem:s2] =	stream.indirect.scatter.add.f32 [tilespmem:s15], [sflag:$0x1], $0x40, s14, s14, $0xb8;
	[tilespmem:$0x12100] =	vst v63  }
0x45: {  	_ =	swait.ge [sflag:s12], $0x2000  }
0x46: {  	s19 =	smov.u32 s22;
	s17 =	sadd.s32 $0x1000, s17;
	[sflag:s12] =	ssyncset.done $0x0  }
0x47: {  	s19 =	sadd.s32 s18, s10;
	[sflag:s12] =	ssyncadd.s32 $0xFFFFE000  }
0x48: {  	[tilespmem:s3], [sflag:$0x1] =	stream.linear.gather [hbm4b:s19+s3], $0x80, $0x38;
	[tilespmem:$0x12100] =	vst v63  }
0x49: {  	_ =	swait.ge [sflag:s12], $0x80  }
0x4a: {  	[sflag:s12] =	ssyncset.done $0x0  }
0x4b: {  	s30 =	sadd.s32 $0xFFFFF800, s17;
	[sflag:s12] =	ssyncadd.s32 $0xFFFFFF80  }
0x4c: {  	[tilespmem:s13], [sflag:$0x1] =	stream.linear.gather [hbm4b:s30+s3], $0x4000, $0x38;
	[tilespmem:$0x12100] =	vst v63  }
0x4d: {  	_ =	swait.ge [sflag:s12], $0x4000  }
0x4e: {  	[sflag:s12] =	ssyncset.done $0x0  }
0x4f: {  	[sflag:s12] =	ssyncadd.s32 $0xFFFFC000  }
0x50: {  	[spmem:s2] =	stream.indirect.scatter.add.f32 [tilespmem:s13], [sflag:$0x1], $0x40, s3, s14, $0xb8;
	[tilespmem:$0x12100] =	vst v63  }
0x51: {  	_ =	swait.ge [sflag:s12], $0x2000  }
0x52: {  	[sflag:s12] =	ssyncset.done $0x0  }
0x53: {  	s31 =	sadd.s32 s18, s9;
	[sflag:s12] =	ssyncadd.s32 $0xFFFFE000  }
0x54: {  	[tilespmem:s14], [sflag:$0x1] =	stream.linear.gather [hbm4b:s31+s3], $0x80, $0x38;
	[tilespmem:$0x12100] =	vst v63  }
0x55: {  	_ =	swait.ge [sflag:s12], $0x80  }
0x56: {  	[sflag:s12] =	ssyncset.done $0x0  }
0x57: {  	[sflag:s12] =	ssyncadd.s32 $0xFFFFFF80  }
0x58: {  	[tilespmem:s15], [sflag:$0x1] =	stream.linear.gather [hbm4b:s17+s3], $0x4000, $0x38;
	[tilespmem:$0x12100] =	vst v63  }
0x59: {  	_ =	swait.ge [sflag:s12], $0x4000  }
0x5a: {  	[sflag:s12] =	ssyncset.done $0x0  }
0x5b: {  	[sflag:s12] =	ssyncadd.s32 $0xFFFFC000  }
0x5c: {  	[spmem:s2] =	stream.indirect.scatter.add.f32 [tilespmem:s15], [sflag:$0x1], $0x40, s14, s14, $0xb8;
	[tilespmem:$0x12100] =	vst v63  }
0x5d: {  	_ =	swait.ge [sflag:s12], $0x2000  }
0x5e: {  	s16 =	sadd.s32 $0x1, s16;
	[sflag:s12] =	ssyncset.done $0x0  }
0x5f: {  	p0 =	sne.s32 s16, s7;
	[sflag:s12] =	ssyncadd.s32 $0xFFFFE000  }
.Ltmp1:
0x60: {  	[bflag:$0x0] =	sbarrier.arrive $0xFFFF;
	(pc) =	sbr.rel @p0 .LBB2_1-.Ltmp1, $4  }
0x61: {  	[hbm:s6], [sflag:s5] =	dma.local [spmem:s11], $0x2800  }
0x62: {  	_ =	swait.ge [sflag:s12], $0x2800  }
0x63: {  	[sflag:s12] =	ssyncset.done $0x0  }
0x64: {  	[sflag:s12] =	ssyncadd.s32 $0xFFFFD800  }
0x65: {  	_ =	sfence.sel $0x180000  }
0x66: {  	[bflag:$0x0] =	sbarrier.arrive $0xFFFF  }
0x67: {  	p0 =	sne.s32 s1, $0x0;
	_ =	strace $0x9000004D  }
0x68: {  	s0 =	sadd.s32 @!p0 $0x100000, s0;
	[bflag:$0x2] =	sbarrier.arrive $0xFFFF  }
0x69: {  	[sflag:s0] =	ssyncadd.tile.s32 @!p0 $0x1;
	_ =	shalt  }
.Lfunc_end2:
_tile_overlayer_lowered:
.L_overlay_start_2:
0x6a: {  	(tag) =	ssettag $0x2  }
0x6b: {  	s0 =	rddreg [dreg:$0x0];
	s2 =	stileid.u32  }
0x6c: {  	s1 =	rddreg [dreg:$0x1];
	p0 =	sne.s32 s2, $0x0  }
0x6d: {  	s3 =	rddreg [dreg:$0x2];
	[bflag:$0x3] =	sbarrier.arrive $0xFFFF;
	s2 =	simm.s32 @!p0 $0x1C01  }
0x6e: {  	[timem:s3], [sflag:s2] =	dma.local @!p0 [hbm:s0], s1  }
0x6f: {  	s0 =	simm.s32 @!p0 $0x1  }
0x70: {  	_ =	swait.ge @!p0 [sflag:s0], s1  }
0x71: {  	s1 =	ssub.s32 @!p0 $0x0, s1;
	[sflag:s0] =	ssyncset.done @!p0 $0x0  }
0x72: {  	[sflag:s0] =	ssyncadd.s32 @!p0 s1  }
0x73: {  	[bflag:$0x3] =	sbarrier.arrive $0xFFFF  }
0x74: {  	_ =	shalt  }

// kernel: kernel.25.cloned.1.call-start
scs
__scs_entry_jumppad:
0x0: {  	(pc) =	sbr.rel $0x88, $3  }
0x1: {  	(tag) =	ssettag $0x0;
	lr =	simm.s32 $0x1  }
0x2: {  	[smem:$0x3F8C] =	sst lr;
	_ =	strace $0xD0000000  }
0x3: {  	_ = 	snop  }
0x4: {  	_ = 	snop  }
0x5: {  	_ = 	snop  }
0x6: {  	_ = 	snop  }
0x7: {  	_ = 	snop  }
__scs_overlays_trampoline_lowered:
0x8: {  	[smem:$0x3F9B] =	sst s0  }
0x9: {  	[smem:$0x3F9C] =	sst s1  }
0xa: {  	[smem:$0x3F9D] =	sst s2  }
0xb: {  	[smem:$0x3F9E] =	sst s3  }
0xc: {  	[smem:$0x3F9F] =	sst s4  }
0xd: {  	[smem:$0x3FA0] =	sst s5  }
0xe: {  	[smem:$0x3FA1] =	sst s6  }
0xf: {  	[smem:$0x3FA2] =	sst s7  }
0x10: {  	[smem:$0x3FA3] =	sst s8  }
0x11: {  	[smem:$0x3FA4] =	sst s9;
	s0 =	simm.s32 @!p0 $0x0  }
0x12: {  	s1 =	sld [smem:$0x3F8A];
	s0 =	simm.s32 @p0 $0x1  }
0x13: {  	[smem:$0x3FA5] =	sst s0;
	s0 =	simm.s32 @!p1 $0x0  }
0x14: {  	s2 =	sld [smem:$0x3F89];
	s0 =	simm.s32 @p1 $0x1  }
0x15: {  	[smem:$0x3FA6] =	sst s0;
	s0 =	simm.s32 @!p2 $0x0  }
0x16: {  	s3 =	sld [smem:$0x3FDB];
	s0 =	simm.s32 @p2 $0x1  }
0x17: {  	s4 =	simm.s32 $0x1BF5;
	[smem:$0x3FA8] =	sst s0  }
0x18: {  	s0 =	sld [smem:$0x3F8B];
	_ =	swait.ge [sflag:s4], $0x0  }
0x19: {  	s7 =	sld [smem:$0x3F8C]  }
0x1a: {  	s8 =	sadd.s32 $0xFFFFE003, lr  }
0x1b: {  	s9 =	sadd.s32 $0xFFFFFEF7, lr;
	s5 =	simm.s32 $0xFFFFFFFF;
	p2 =	slt.u32 s8, $0xFFFFF086  }
0x1c: {  	p1 =	slt.u32 s9, $0xF7A;
	s5 =	simm.s32 @!p2 $0x0  }
0x1d: {  	s5 =	simm.s32 @p1 $0x1;
	p0 =	seq.s32 s7, s2  }
0x1e: {  	s7 =	smul.u32 @!p0 $0xF7A, s2;
	p2 =	seq.s32 @!p0 s5, $0x0  }
0x1f: {  	s9 =	smul.u32 $0xF7A, s1;
	s8 =	simm.s32 @!p0 $0x1BF5;
	p2 =	por !p2, p0  }
0x20: {  	[sflag:s8] =	ssyncset.s32 @!p0 $0xFFFFF086;
	s6 =	sadd.s32 @!p0 s3, s7;
	s7 =	simm.s32 @!p0 $0x108  }
0x21: {  	s3 =	sadd.s32 s3, s9;
	s6 =	sadd.s32 @!p0 $0x88, s6;
	s7 =	simm.s32 @p2 $0x1082  }
0x22: {  	[simem:s7], [sflag:s8] =	dma.local @!p0 [hbm:s6], $0xF7A  }
0x23: {  	s9 =	sor.u32 $0xD0000000, s2;
	s6 =	simm.s32 $0x108;
	_ =	swait.ge @!p0 [sflag:s8], $0x0  }
0x24: {  	s3 =	sadd.s32 $0x88, s3;
	s6 =	simm.s32 @!p1 $0x1082;
	[sflag:s4] =	ssyncset.s32 $0xFFFFF086  }
0x25: {  	[simem:s6], [sflag:s4] =	dma.local [hbm:s3], $0xF7A  }
0x26: {  	[smem:$0x3F8C] =	sst s1;
	(tag) =	ssettag s2;
	_ =	strace s9  }
0x27: {  	s1 =	sld [smem:$0x3F9C]  }
0x28: {  	s2 =	sld [smem:$0x3F9D]  }
0x29: {  	s4 =	sld [smem:$0x3F9F]  }
0x2a: {  	p0 =	seq.s32 s5, $0x0;
	s5 =	sld [smem:$0x3FA0]  }
0x2b: {  	s6 =	sld [smem:$0x3FA1]  }
0x2c: {  	s7 =	sld [smem:$0x3FA2]  }
0x2d: {  	s3 =	simm.s32 $0x108;
	s8 =	sld [smem:$0x3FA3]  }
0x2e: {  	s3 =	simm.s32 @!p0 $0x1082;
	s9 =	sld [smem:$0x3FA4]  }
0x2f: {  	lr =	sadd.s32 s0, s3;
	s0 =	sld [smem:$0x3F9B]  }
0x30: {  	s3 =	sld [smem:$0x3F9E]  }
0x31: {  	[smem:$0x3FA7] =	sst s10  }
0x32: {  	s10 =	sld [smem:$0x3FA5];
	_ =	sdelay $0x3  }
0x33: {  	p0 =	seq.s32 s10, $0x1;
	s10 =	sld [smem:$0x3FA7];
	_ =	sdelay $0x3  }
0x34: {  	[smem:$0x3FA7] =	sst s10  }
0x35: {  	s10 =	sld [smem:$0x3FA6];
	_ =	sdelay $0x3  }
0x36: {  	p1 =	seq.s32 s10, $0x1;
	s10 =	sld [smem:$0x3FA7];
	_ =	sdelay $0x3  }
0x37: {  	[smem:$0x3FA7] =	sst s10  }
0x38: {  	s10 =	sld [smem:$0x3FA8]  }
0x39: {  	_ = 	snop;
	(pc) =	sbr.ind lr, $3  }
0x3a: {  	_ = 	snop  }
0x3b: {  	_ = 	snop  }
0x3c: {  	p2 =	seq.s32 s10, $0x1;
	s10 =	sld [smem:$0x3FA7]  }
0x3d: {  	_ =	shalt  }
0x3e: {  	_ =	shalt  }
0x3f: {  	_ =	shalt  }
0x40: {  	_ =	shalt  }
0x41: {  	_ =	shalt  }
0x42: {  	_ =	shalt  }
0x43: {  	_ =	shalt  }
0x44: {  	_ =	shalt  }
0x45: {  	_ =	shalt  }
0x46: {  	_ =	shalt  }
0x47: {  	_ =	shalt  }
0x48: {  	_ =	shalt  }
0x49: {  	_ =	shalt  }
0x4a: {  	_ =	shalt  }
0x4b: {  	_ =	shalt  }
0x4c: {  	_ =	shalt  }
0x4d: {  	_ =	shalt  }
0x4e: {  	_ =	shalt  }
0x4f: {  	_ =	shalt  }
0x50: {  	_ =	shalt  }
0x51: {  	_ =	shalt  }
0x52: {  	_ =	shalt  }
0x53: {  	_ =	shalt  }
0x54: {  	_ =	shalt  }
0x55: {  	_ =	shalt  }
0x56: {  	_ =	shalt  }
0x57: {  	_ =	shalt  }
0x58: {  	_ =	shalt  }
0x59: {  	_ =	shalt  }
0x5a: {  	_ =	shalt  }
0x5b: {  	_ =	shalt  }
0x5c: {  	_ =	shalt  }
0x5d: {  	_ =	shalt  }
0x5e: {  	_ =	shalt  }
0x5f: {  	_ =	shalt  }
0x60: {  	_ =	shalt  }
0x61: {  	_ =	shalt  }
0x62: {  	_ =	shalt  }
0x63: {  	_ =	shalt  }
0x64: {  	_ =	shalt  }
0x65: {  	_ =	shalt  }
0x66: {  	_ =	shalt  }
0x67: {  	_ =	shalt  }
0x68: {  	_ =	shalt  }
0x69: {  	_ =	shalt  }
0x6a: {  	_ =	shalt  }
0x6b: {  	_ =	shalt  }
0x6c: {  	_ =	shalt  }
0x6d: {  	_ =	shalt  }
0x6e: {  	_ =	shalt  }
0x6f: {  	_ =	shalt  }
0x70: {  	_ =	shalt  }
0x71: {  	_ =	shalt  }
0x72: {  	_ =	shalt  }
0x73: {  	_ =	shalt  }
0x74: {  	_ =	shalt  }
0x75: {  	_ =	shalt  }
0x76: {  	_ =	shalt  }
0x77: {  	_ =	shalt  }
0x78: {  	_ =	shalt  }
0x79: {  	_ =	shalt  }
0x7a: {  	_ =	shalt  }
0x7b: {  	_ =	shalt  }
0x7c: {  	_ =	shalt  }
0x7d: {  	_ =	shalt  }
0x7e: {  	_ =	shalt  }
0x7f: {  	_ =	shalt  }
0x80: {  	_ =	shalt  }
0x81: {  	_ =	shalt  }
0x82: {  	_ =	shalt  }
0x83: {  	_ =	shalt  }
0x84: {  	_ =	shalt  }
0x85: {  	_ =	shalt  }
0x86: {  	_ =	shalt  }
0x87: {  	_ =	shalt  }
.Lfunc_end0:
.L_simem_size_0:
called_computation.4_lowered:
.L_overlay_start_0:
0x88: {  	s2 =	sld [smem:$0x3FD9]  }
0x89: {  	s3 =	sld [smem:$0x3FFE];
	_ =	sdelay $0x1  }
0x8a: {  	s1 =	srdreg.scid  }
0x8b: {  	s0 =	sand.u32 $0x1, s1  }
0x8c: {  	s14 =	sshll.u32 s0, $0xA;
	s2 =	sadd.s32 s3, s2  }
0x8d: {  	s2 =	sadd.s32 s2, s14  }
0x8e: {  	[smem:$0x3FB3] =	sst s2  }
0x8f: {  	_ = 	snop  }
0x90: {  	s2 =	sld [smem:$0x3FD0];
	_ =	sdelay $0x2  }
0x91: {  	s15 =	simm.s32 $0xB;
	s4 =	simm.s32 $0x10  }
0x92: {  	[smem:s4], [sflag:s15] =	dma.local [hbm:s2], $0x1  }
0x93: {  	_ =	swait.eq [sflag:s15], $0x1  }
0x94: {  	[sflag:s15] =	ssyncset.done $0x0  }
0x95: {  	s16 =	sld [smem:$0x10];
	[sflag:s15] =	ssyncadd.s32 $0xFFFFFFFF  }
0x96: {  	s17 =	sld [smem:$0x11];
	(tm) =	ssettm $0x1  }
0x97: {  	s18 =	sld [smem:$0x3FFB];
	_ =	sdelay $0x3  }
0x98: {  	_ =	strace s18  }
0x99: {  	s4 =	sld [smem:$0x3FFC];
	_ =	sdelay $0x3  }
0x9a: {  	_ =	strace s4  }
0x9b: {  	s4 =	sld [smem:$0x3FFD];
	_ =	sdelay $0x3  }
0x9c: {  	_ =	strace s4  }
0x9d: {  	_ =	strace $0x8FFFFFFF  }
0x9e: {  	s19 =	sld [smem:$0x3FDB];
	_ =	sdelay $0x1  }
0x9f: {  	s5 =	simm.s32 $_scs_section_size  }
0xa0: {  	s6 =	simm.s32 $_size__tile_overlayer_lowered;
	s7 =	simm.s32 $_tile_overlayer_lowered  }
0xa1: {  	s22 =	simm.s32 $0x1BFF;
	s21 =	sshll.u32 s7, $0x1;
	s4 =	sadd.s32 s5, s19  }
0xa2: {  	s8 =	simm.s32 $0x0;
	s20 =	sshll.u32 s6, $0x1;
	s6 =	sadd.s32 s21, s4  }
0xa3: {  	[timem:s8], [sflag:s22] =	dma.local [hbm:s6], s20  }
0xa4: {  	_ =	swait.ge [sflag:s22], s20  }
0xa5: {  	s5 =	ssub.s32 $0x0, s20;
	[sflag:s22] =	ssyncset.done $0x0  }
0xa6: {  	[sflag:s22] =	ssyncadd.s32 s5;
	_ =	sdelay $0x1  }
0xa7: {  	s23 =	simm.s32 $0x1B8B  }
0xa8: {  	_ =	swait.ge [sflag:s23], $0x1  }
0xa9: {  	[sflag:s23] =	ssyncset.done $0x0  }
0xaa: {  	s25 =	simm.s32 $0x1B8E;
	s24 =	sld [smem:$0x3FFE];
	[sflag:s23] =	ssyncadd.s32 $0xFFFFFFFF  }
0xab: {  	s26 =	simm.s32 $execute0_lowered;
	[smem:$0x3FD2] =	sst s25  }
0xac: {  	s6 =	sshll.u32 s26, $0x1;
	_ =	strace $0x8000004F;
	[dreg:$0x1] =	wrdreg $0xFFFFFFFF  }
0xad: {  	s28 =	simm.s32 $_size_execute0_lowered;
	s4 =	sadd.s32 s4, s6;
	[dreg:$0x0] =	wrdreg $0x0  }
0xae: {  	s6 =	sshll.u32 s28, $0x1;
	[dreg:$0x2] =	wrdreg s4  }
0xaf: {  	[dreg:$0x3] =	wrdreg s6  }
0xb0: {  	[dreg:$0x4] =	wrdreg $0xC0  }
0xb1: {  	_ =	task [dreg:s8], $0x5FFFF  }
0xb2: {  	[dreg:$0x1] =	wrdreg $0xFFFFFFFF  }
0xb3: {  	[dreg:$0x0] =	wrdreg $0x60  }
0xb4: {  	[dreg:$0x2] =	wrdreg s17  }
0xb5: {  	[dreg:$0x3] =	wrdreg s24  }
0xb6: {  	[dreg:$0x4] =	wrdreg s16  }
0xb7: {  	[dreg:$0x5] =	wrdreg $0x9  }
0xb8: {  	_ =	task.clear_ibuf [dreg:s8], $0x6FFFF;
	_ =	strace $0x9000004F  }
0xb9: {  	s29 =	simm.s32 $0x9;
	_ =	strace $0x80000051  }
0xba: {  	_ =	swait.ge [sflag:s29], $0x1  }
0xbb: {  	[sflag:s29] =	ssyncadd.s32 $0xFFFFFFFF  }
0xbc: {  	_ =	strace $0x90000051  }
0xbd: {  	_ =	sfence  }
0xbe: {  	s30 =	sld [smem:$0x0];
	_ =	sdelay $0x2  }
0xbf: {  	s31 =	sshll.u32 s1, $0xD;
	s1 =	sshrl.u32 s1, $0x2  }
0xc0: {  	s3 =	sand.u32 $0x4000, s31;
	s1 =	sadd.s32 s1, s30  }
0xc1: {  	s0 =	sor.u32 s3, s0;
	s1 =	sshll.u32 s1, $0x11  }
0xc2: {  	s0 =	sor.u32 s1, s0  }
0xc3: {  	s0 =	sadd.s32 $0x8F2B, s0  }
0xc4: {  	[sflag:s0] =	ssyncadd.remote.s32 $0x1  }
0xc5: {  	_ =	sfence.sel $0xFFFF  }
0xc6: {  	[dreg:$0x0] =	wrdreg $0xFFFFFFFF;
	(pc) =	sbr.abs _section_cstart, $3  }
0xc7: {  	[dreg:$0x1] =	wrdreg $0xFFFFFFFF  }
0xc8: {  	_ =	task.clear_ibuf [dreg:s8], $0x2FFFF;
	_ =	strace $0x9FFFFFFF  }
0xc9: {  	(tm) =	ssettm $0x7FFFFFFF  }
tec
execute0_lowered:
.L_overlay_start_1:
0x0: {  	(tag) =	ssettag $0x1  }
0x1: {  	s2 =	rddreg [dreg:$0x0]  }
0x2: {  	s0 =	rddreg [dreg:$0x1]  }
0x3: {  	s6 =	rddreg [dreg:$0x2];
	s8 =	stileid.u32  }
0x4: {  	s1 =	srdreg.scid;
	s3 =	simm.s32 $0x0;
	s16 =	simm.s32 $0x9  }
0x5: {  	s17 =	simm.s32 $0x200;
	s18 =	simm.s32 $0xA0;
	s19 =	simm.s32 $0x400  }
0x6: {  	s28 =	simm.s32 $0x2;
	s29 =	simm.s32 $0x4;
	s30 =	simm.s32 $0x6  }
0x7: {  	s31 =	simm.s32 $0x8;
	s1 =	sand.u32 $0x1, s1;
	s5 =	smul.u32 $0x50000, s8  }
0x8: {  	s4 =	sshll.u32 s8, $0x1;
	[smem:$0x7FF] =	sst s3;
	s8 =	smul.u32 $0x5000, s8  }
0x9: {  	s12 =	sadd.s32 $0xA800, s0;
	s4 =	sor.u32 s1, s4;
	s10 =	smul.u32 $0x2800, s1  }
0xa: {  	_ =	strace $0x80000050;
	s9 =	ssub.s32 $0x2, s1;
	s1 =	smul.u32 $0x28000, s1  }
0xb: {  	s7 =	smul.u32 $0x2800, s4;
	s4 =	sadd.s32 $0x97000, s0;
	s20 =	sshrl.u32 s9, $0x1  }
0xc: {  	s0 =	sadd.s32 s5, s0;
	s5 =	ssub.s32 s9, s20;
	s13 =	sadd.s32 s10, s8  }
0xd: {  	s0 =	sadd.s32 s1, s0;
	s20 =	simm.s32 $0xA400;
	s7 =	sshrl.u32 s7, $0x3  }
0xe: {  	s24 =	sor.u32 $0x1E0, s13;
	s5 =	smax.u32 s5, $0x1;
	s13 =	sor.u32 $0x140, s13  }
0xf: {  	s1 =	sadd.s32 $0xE5E00, s0;
	s21 =	sadd.s32 s6, s7;
	s22 =	sadd.s32 s12, s7  }
0x10: {  	s23 =	sor.u32 $0x14, s7;
	s11 =	sshrl.u32 s24, $0x3;
	[dreg:$0x8] =	wrdreg s5  }
0x11: {  	[dreg:$0x9] =	wrdreg s1;
	s1 =	sadd.s32 $0x5E5E00, s0;
	s26 =	sshrl.u32 s13, $0x3  }
0x12: {  	s24 =	simm.s32 $0xF400;
	s0 =	simm.s32 $0x0;
	[dreg:$0x4] =	wrdreg s21  }
.Ltmp0:
0x13: {  	[dreg:$0x5] =	wrdreg s22;
	s7 =	sadd.s32 s6, s23;
	(pc) =	sbr.rel .LBB2_1-.Ltmp0, $4  }
0x14: {  	s25 =	sadd.s32 s12, s23;
	s10 =	sadd.s32 s11, s12;
	s11 =	sadd.s32 s11, s6  }
0x15: {  	s14 =	sadd.s32 s26, s12;
	s15 =	sadd.s32 s26, s6;
	s21 =	simm.s32 $0x100  }
0x16: {  	s22 =	simm.s32 $0x300;
	s23 =	simm.s32 $0x5400;
	[dreg:$0x6] =	wrdreg s7  }
0x17: {  	s26 =	simm.s32 $0x3;
	[dreg:$0x7] =	wrdreg s25;
	s25 =	simm.s32 $0x1  }
.LBB2_4:
0x18: {  	_ =	swait.ge [sflag:s30], $0x5000  }
0x19: {  	[sflag:s30] =	ssyncset.done $0x0  }
0x1a: {  	[sflag:s30] =	ssyncadd.s32 $0xFFFFB000  }
0x1b: {  	_ =	swait.ge [sflag:s31], $0x5000  }
0x1c: {  	s0 =	sadd.s32 $0x1, s0;
	s5 =	rddreg [dreg:$0x8]  }
0x1d: {  	p0 =	sne.s32 s0, s5  }
.Ltmp1:
0x1e: {  	_ = 	snop;
	(pc) =	sbr.rel @!p0 .LBB2_5-.Ltmp1, $3  }
0x1f: {  	_ =	sdelay $0x1  }
0x20: {  	[sflag:s31] =	ssyncset.done $0x0  }
0x21: {  	[sflag:s31] =	ssyncadd.s32 $0xFFFFB000  }
.LBB2_1:
0x22: {  	s5 =	rddreg [dreg:$0x4]  }
0x23: {  	[tilespmem:s3], [sflag:$0x9] =	stream.linear.gather [hbm4b:s5+s3], $0xA0, $0x38;
	[tilespmem:$0x14400] =	vst v63  }
0x24: {  	_ =	swait.ge [sflag:s16], $0xA0  }
0x25: {  	[sflag:s16] =	ssyncset.done $0x0  }
0x26: {  	s9 =	rddreg [dreg:$0x5];
	[sflag:s16] =	ssyncadd.s32 $0xFFFFFF60  }
0x27: {  	[tilespmem:s17], [sflag:$0x9] =	stream.linear.gather [hbm4b:s9+s3], $0xA0, $0x38;
	[tilespmem:$0x14400] =	vst v63  }
0x28: {  	_ =	swait.ge [sflag:s16], $0xA0  }
0x29: {  	[sflag:s16] =	ssyncset.done $0x0  }
0x2a: {  	[sflag:s16] =	ssyncadd.s32 $0xFFFFFF60  }
0x2b: {  	[tilespmem:s19], [sflag:$0x1] =	stream.indirect.gather [hbm4b:s2+s18], $0x80, s3, s18, $0xb8;
	[tilespmem:$0x14400] =	vst v63  }
0x2c: {  	_ = 	snop  }
0x2d: {  	[tilespmem:s20], [sflag:$0x3] =	stream.indirect.gather [hbm4b:s4+s18], $0x80, s17, s18, $0xb8;
	[tilespmem:$0x14400] =	vst v63  }
0x2e: {  	s12 =	rddreg [dreg:$0x6]  }
0x2f: {  	[tilespmem:s21], [sflag:$0x9] =	stream.linear.gather [hbm4b:s12+s3], $0xA0, $0x38;
	[tilespmem:$0x14400] =	vst v63  }
0x30: {  	_ =	swait.ge [sflag:s16], $0xA0  }
0x31: {  	[sflag:s16] =	ssyncset.done $0x0  }
0x32: {  	s13 =	rddreg [dreg:$0x7];
	[sflag:s16] =	ssyncadd.s32 $0xFFFFFF60  }
0x33: {  	[tilespmem:s22], [sflag:$0x9] =	stream.linear.gather [hbm4b:s13+s3], $0xA0, $0x38;
	[tilespmem:$0x14400] =	vst v63  }
0x34: {  	_ =	swait.ge [sflag:s16], $0xA0  }
0x35: {  	[sflag:s16] =	ssyncset.done $0x0  }
0x36: {  	[sflag:s16] =	ssyncadd.s32 $0xFFFFFF60  }
0x37: {  	[tilespmem:s23], [sflag:$0x2] =	stream.indirect.gather [hbm4b:s2+s18], $0x80, s21, s18, $0xb8;
	[tilespmem:$0x14400] =	vst v63  }
0x38: {  	s6 =	simm.s32 $0x0;
	s13 =	smov.u32 s1;
	s12 =	rddreg [dreg:$0x9]  }
0x39: {  	[tilespmem:s24], [sflag:$0x4] =	stream.indirect.gather [hbm4b:s4+s18], $0x80, s22, s18, $0xb8;
	[tilespmem:$0x14400] =	vst v63  }
.LBB2_2:
0x3a: {  	_ =	swait.ge [sflag:s25], $0x5000  }
0x3b: {  	[sflag:s25] =	ssyncset.done $0x0  }
0x3c: {  	[sflag:s25] =	ssyncadd.s32 $0xFFFFB000  }
0x3d: {  	_ =	swait.ge [sflag:s26], $0x5000  }
0x3e: {  	[sflag:s26] =	ssyncset.done $0x0  }
0x3f: {  	s7 =	sadd.s32 $0xFFFFF600, s12;
	p0 =	seq.s32 s6, $0x4D8;
	[sflag:s26] =	ssyncadd.s32 $0xFFFFB000  }
0x40: {  	[hbm4b:s7+s3] =	stream.linear.scatter [tilespmem:s19], [sflag:$0x5], $0x5000, $0x38;
	[tilespmem:$0x14400] =	vst v63  }
0x41: {  	s9 =	sadd.s32 $0xFFFFF600, s13;
	s7 =	simm.s32 @p0 $0x5  }
0x42: {  	[hbm4b:s9+s3] =	stream.linear.scatter [tilespmem:s20], [sflag:$0x7], $0x5000, $0x38;
	[tilespmem:$0x14400] =	vst v63  }
0x43: {  	_ =	swait.ge @p0 [sflag:s7], $0x5000  }
0x44: {  	[sflag:s7] =	ssyncset.done @p0 $0x0  }
0x45: {  	[sflag:s7] =	ssyncadd.s32 @p0 $0xFFFFB000;
	s7 =	simm.s32 @p0 $0x7  }
0x46: {  	_ =	swait.ge @p0 [sflag:s7], $0x5000  }
0x47: {  	[sflag:s7] =	ssyncset.done @p0 $0x0  }
0x48: {  	s8 =	simm.s32 @!p0 $0x0;
	[sflag:s7] =	ssyncadd.s32 @p0 $0xFFFFB000;
	s7 =	sadd.s32 @!p0 s6, s15  }
0x49: {  	[tilespmem:s8], [sflag:$0x9] =	stream.linear.gather @!p0 [hbm4b:s7+s8], $0xA0, $0x38;
	[tilespmem:$0x14400] =	vst v63  }
0x4a: {  	s7 =	simm.s32 @!p0 $0x9  }
0x4b: {  	_ =	swait.ge @!p0 [sflag:s7], $0xA0  }
0x4c: {  	[sflag:s7] =	ssyncset.done @!p0 $0x0  }
0x4d: {  	s5 =	simm.s32 @!p0 $0x200;
	s9 =	sadd.s32 @!p0 s6, s14;
	[sflag:s7] =	ssyncadd.s32 @!p0 $0xFFFFFF60  }
0x4e: {  	[tilespmem:s5], [sflag:$0x9] =	stream.linear.gather @!p0 [hbm4b:s9+s8], $0xA0, $0x38;
	[tilespmem:$0x14400] =	vst v63  }
0x4f: {  	_ =	swait.ge @!p0 [sflag:s7], $0xA0  }
0x50: {  	[sflag:s7] =	ssyncset.done @!p0 $0x0  }
0x51: {  	[sflag:s7] =	ssyncadd.s32 @!p0 $0xFFFFFF60;
	s7 =	simm.s32 @!p0 $0x5  }
0x52: {  	_ =	swait.ge @!p0 [sflag:s7], $0x5000  }
0x53: {  	[sflag:s7] =	ssyncset.done @!p0 $0x0  }
0x54: {  	[sflag:s7] =	ssyncadd.s32 @!p0 $0xFFFFB000;
	s7 =	simm.s32 @!p0 $0x7  }
0x55: {  	_ =	swait.ge @!p0 [sflag:s7], $0x5000  }
0x56: {  	[sflag:s7] =	ssyncset.done @!p0 $0x0  }
0x57: {  	s9 =	simm.s32 @!p0 $0x400;
	[sflag:s7] =	ssyncadd.s32 @!p0 $0xFFFFB000;
	s7 =	simm.s32 @!p0 $0xA0  }
0x58: {  	[tilespmem:s9], [sflag:$0x1] =	stream.indirect.gather @!p0 [hbm4b:s2+s7], $0x80, s8, s7, $0xb8;
	[tilespmem:$0x14400] =	vst v63  }
0x59: {  	s8 =	simm.s32 @!p0 $0xA400  }
0x5a: {  	[tilespmem:s8], [sflag:$0x3] =	stream.indirect.gather @!p0 [hbm4b:s4+s7], $0x80, s5, s7, $0xb8;
	[tilespmem:$0x14400] =	vst v63  }
0x5b: {  	_ =	swait.ge [sflag:s28], $0x5000  }
0x5c: {  	[sflag:s28] =	ssyncset.done $0x0  }
0x5d: {  	[sflag:s28] =	ssyncadd.s32 $0xFFFFB000  }
0x5e: {  	_ =	swait.ge [sflag:s29], $0x5000  }
.Ltmp2:
0x5f: {  	[sflag:s29] =	ssyncset.done $0x0;
	(pc) =	sbr.rel @p0 .LBB2_4-.Ltmp2, $4  }
0x60: {  	[sflag:s29] =	ssyncadd.s32 $0xFFFFB000  }
0x61: {  	[hbm4b:s12+s3] =	stream.linear.scatter [tilespmem:s23], [sflag:$0x6], $0x5000, $0x38;
	[tilespmem:$0x14400] =	vst v63  }
0x62: {  	_ = 	snop  }
0x63: {  	[hbm4b:s13+s3] =	stream.linear.scatter [tilespmem:s24], [sflag:$0x8], $0x5000, $0x38;
	[tilespmem:$0x14400] =	vst v63  }
0x64: {  	s5 =	sadd.s32 s6, s11  }
0x65: {  	[tilespmem:s21], [sflag:$0x9] =	stream.linear.gather [hbm4b:s5+s3], $0xA0, $0x38;
	[tilespmem:$0x14400] =	vst v63  }
0x66: {  	_ =	swait.ge [sflag:s16], $0xA0  }
0x67: {  	[sflag:s16] =	ssyncset.done $0x0  }
0x68: {  	s9 =	sadd.s32 s6, s10;
	[sflag:s16] =	ssyncadd.s32 $0xFFFFFF60  }
0x69: {  	[tilespmem:s22], [sflag:$0x9] =	stream.linear.gather [hbm4b:s9+s3], $0xA0, $0x38;
	[tilespmem:$0x14400] =	vst v63  }
0x6a: {  	_ =	swait.ge [sflag:s16], $0xA0  }
0x6b: {  	[sflag:s16] =	ssyncset.done $0x0  }
0x6c: {  	[sflag:s16] =	ssyncadd.s32 $0xFFFFFF60  }
0x6d: {  	_ =	swait.ge [sflag:s30], $0x5000  }
0x6e: {  	[sflag:s30] =	ssyncset.done $0x0  }
0x6f: {  	[sflag:s30] =	ssyncadd.s32 $0xFFFFB000  }
0x70: {  	_ =	swait.ge [sflag:s31], $0x5000  }
.Ltmp3:
0x71: {  	[sflag:s31] =	ssyncset.done $0x0;
	(pc) =	sbr.rel .LBB2_2-.Ltmp3, $4  }
0x72: {  	[sflag:s31] =	ssyncadd.s32 $0xFFFFB000  }
0x73: {  	[tilespmem:s23], [sflag:$0x2] =	stream.indirect.gather [hbm4b:s2+s18], $0x80, s21, s18, $0xb8;
	[tilespmem:$0x14400] =	vst v63  }
0x74: {  	s6 =	sadd.s32 $0x28, s6;
	s12 =	sadd.s32 $0x1400, s12;
	s13 =	sadd.s32 $0x1400, s13  }
0x75: {  	[tilespmem:s24], [sflag:$0x4] =	stream.indirect.gather [hbm4b:s4+s18], $0x80, s22, s18, $0xb8;
	[tilespmem:$0x14400] =	vst v63  }
.LBB2_5:
0x76: {  	_ =	sfence.sel $0x180000  }
0x77: {  	[bflag:$0x0] =	sbarrier.arrive $0xFFFF  }
0x78: {  	_ =	strace $0x90000050  }
0x79: {  	s0 =	stileid.u32;
	[bflag:$0x2] =	sbarrier.arrive $0xFFFF  }
0x7a: {  	p0 =	sne.s32 s0, $0x0;
	s0 =	rddreg [dreg:$0x3]  }
0x7b: {  	s0 =	sadd.s32 @!p0 $0x100000, s0  }
0x7c: {  	[sflag:s0] =	ssyncadd.tile.s32 @!p0 $0x1;
	_ =	shalt  }
.Lfunc_end2:
_tile_overlayer_lowered:
.L_overlay_start_2:
0x7d: {  	(tag) =	ssettag $0x2  }
0x7e: {  	s0 =	rddreg [dreg:$0x0];
	s2 =	stileid.u32  }
0x7f: {  	s1 =	rddreg [dreg:$0x1];
	p0 =	sne.s32 s2, $0x0  }
0x80: {  	s3 =	rddreg [dreg:$0x2];
	[bflag:$0x3] =	sbarrier.arrive $0xFFFF;
	s2 =	simm.s32 @!p0 $0x1C09  }
0x81: {  	[timem:s3], [sflag:s2] =	dma.local @!p0 [hbm:s0], s1  }
0x82: {  	s0 =	simm.s32 @!p0 $0x9  }
0x83: {  	_ =	swait.ge @!p0 [sflag:s0], s1  }
0x84: {  	s1 =	ssub.s32 @!p0 $0x0, s1;
	[sflag:s0] =	ssyncset.done @!p0 $0x0  }
0x85: {  	[sflag:s0] =	ssyncadd.s32 @!p0 s1  }
0x86: {  	[bflag:$0x3] =	sbarrier.arrive $0xFFFF  }
0x87: {  	_ =	shalt  }

// kernel: kernel.28.cloned.1.call-start
scs
__scs_entry_jumppad:
0x0: {  	(pc) =	sbr.rel $0x88, $3  }
0x1: {  	(tag) =	ssettag $0x0;
	lr =	simm.s32 $0x1  }
0x2: {  	[smem:$0x3F8C] =	sst lr;
	_ =	strace $0xD0000000  }
0x3: {  	_ = 	snop  }
0x4: {  	_ = 	snop  }
0x5: {  	_ = 	snop  }
0x6: {  	_ = 	snop  }
0x7: {  	_ = 	snop  }
__scs_overlays_trampoline_lowered:
0x8: {  	[smem:$0x3F9B] =	sst s0  }
0x9: {  	[smem:$0x3F9C] =	sst s1  }
0xa: {  	[smem:$0x3F9D] =	sst s2  }
0xb: {  	[smem:$0x3F9E] =	sst s3  }
0xc: {  	[smem:$0x3F9F] =	sst s4  }
0xd: {  	[smem:$0x3FA0] =	sst s5  }
0xe: {  	[smem:$0x3FA1] =	sst s6  }
0xf: {  	[smem:$0x3FA2] =	sst s7  }
0x10: {  	[smem:$0x3FA3] =	sst s8  }
0x11: {  	[smem:$0x3FA4] =	sst s9;
	s0 =	simm.s32 @!p0 $0x0  }
0x12: {  	s1 =	sld [smem:$0x3F8A];
	s0 =	simm.s32 @p0 $0x1  }
0x13: {  	[smem:$0x3FA5] =	sst s0;
	s0 =	simm.s32 @!p1 $0x0  }
0x14: {  	s2 =	sld [smem:$0x3F89];
	s0 =	simm.s32 @p1 $0x1  }
0x15: {  	[smem:$0x3FA6] =	sst s0;
	s0 =	simm.s32 @!p2 $0x0  }
0x16: {  	s3 =	sld [smem:$0x3FDB];
	s0 =	simm.s32 @p2 $0x1  }
0x17: {  	s4 =	simm.s32 $0x1BF5;
	[smem:$0x3FA8] =	sst s0  }
0x18: {  	s0 =	sld [smem:$0x3F8B];
	_ =	swait.ge [sflag:s4], $0x0  }
0x19: {  	s7 =	sld [smem:$0x3F8C]  }
0x1a: {  	s8 =	sadd.s32 $0xFFFFE003, lr  }
0x1b: {  	s9 =	sadd.s32 $0xFFFFFEF7, lr;
	s5 =	simm.s32 $0xFFFFFFFF;
	p2 =	slt.u32 s8, $0xFFFFF086  }
0x1c: {  	p1 =	slt.u32 s9, $0xF7A;
	s5 =	simm.s32 @!p2 $0x0  }
0x1d: {  	s5 =	simm.s32 @p1 $0x1;
	p0 =	seq.s32 s7, s2  }
0x1e: {  	s7 =	smul.u32 @!p0 $0xF7A, s2;
	p2 =	seq.s32 @!p0 s5, $0x0  }
0x1f: {  	s9 =	smul.u32 $0xF7A, s1;
	s8 =	simm.s32 @!p0 $0x1BF5;
	p2 =	por !p2, p0  }
0x20: {  	[sflag:s8] =	ssyncset.s32 @!p0 $0xFFFFF086;
	s6 =	sadd.s32 @!p0 s3, s7;
	s7 =	simm.s32 @!p0 $0x108  }
0x21: {  	s3 =	sadd.s32 s3, s9;
	s6 =	sadd.s32 @!p0 $0x88, s6;
	s7 =	simm.s32 @p2 $0x1082  }
0x22: {  	[simem:s7], [sflag:s8] =	dma.local @!p0 [hbm:s6], $0xF7A  }
0x23: {  	s9 =	sor.u32 $0xD0000000, s2;
	s6 =	simm.s32 $0x108;
	_ =	swait.ge @!p0 [sflag:s8], $0x0  }
0x24: {  	s3 =	sadd.s32 $0x88, s3;
	s6 =	simm.s32 @!p1 $0x1082;
	[sflag:s4] =	ssyncset.s32 $0xFFFFF086  }
0x25: {  	[simem:s6], [sflag:s4] =	dma.local [hbm:s3], $0xF7A  }
0x26: {  	[smem:$0x3F8C] =	sst s1;
	(tag) =	ssettag s2;
	_ =	strace s9  }
0x27: {  	s1 =	sld [smem:$0x3F9C]  }
0x28: {  	s2 =	sld [smem:$0x3F9D]  }
0x29: {  	s4 =	sld [smem:$0x3F9F]  }
0x2a: {  	p0 =	seq.s32 s5, $0x0;
	s5 =	sld [smem:$0x3FA0]  }
0x2b: {  	s6 =	sld [smem:$0x3FA1]  }
0x2c: {  	s7 =	sld [smem:$0x3FA2]  }
0x2d: {  	s3 =	simm.s32 $0x108;
	s8 =	sld [smem:$0x3FA3]  }
0x2e: {  	s3 =	simm.s32 @!p0 $0x1082;
	s9 =	sld [smem:$0x3FA4]  }
0x2f: {  	lr =	sadd.s32 s0, s3;
	s0 =	sld [smem:$0x3F9B]  }
0x30: {  	s3 =	sld [smem:$0x3F9E]  }
0x31: {  	[smem:$0x3FA7] =	sst s10  }
0x32: {  	s10 =	sld [smem:$0x3FA5];
	_ =	sdelay $0x3  }
0x33: {  	p0 =	seq.s32 s10, $0x1;
	s10 =	sld [smem:$0x3FA7];
	_ =	sdelay $0x3  }
0x34: {  	[smem:$0x3FA7] =	sst s10  }
0x35: {  	s10 =	sld [smem:$0x3FA6];
	_ =	sdelay $0x3  }
0x36: {  	p1 =	seq.s32 s10, $0x1;
	s10 =	sld [smem:$0x3FA7];
	_ =	sdelay $0x3  }
0x37: {  	[smem:$0x3FA7] =	sst s10  }
0x38: {  	s10 =	sld [smem:$0x3FA8]  }
0x39: {  	_ = 	snop;
	(pc) =	sbr.ind lr, $3  }
0x3a: {  	_ = 	snop  }
0x3b: {  	_ = 	snop  }
0x3c: {  	p2 =	seq.s32 s10, $0x1;
	s10 =	sld [smem:$0x3FA7]  }
0x3d: {  	_ =	shalt  }
0x3e: {  	_ =	shalt  }
0x3f: {  	_ =	shalt  }
0x40: {  	_ =	shalt  }
0x41: {  	_ =	shalt  }
0x42: {  	_ =	shalt  }
0x43: {  	_ =	shalt  }
0x44: {  	_ =	shalt  }
0x45: {  	_ =	shalt  }
0x46: {  	_ =	shalt  }
0x47: {  	_ =	shalt  }
0x48: {  	_ =	shalt  }
0x49: {  	_ =	shalt  }
0x4a: {  	_ =	shalt  }
0x4b: {  	_ =	shalt  }
0x4c: {  	_ =	shalt  }
0x4d: {  	_ =	shalt  }
0x4e: {  	_ =	shalt  }
0x4f: {  	_ =	shalt  }
0x50: {  	_ =	shalt  }
0x51: {  	_ =	shalt  }
0x52: {  	_ =	shalt  }
0x53: {  	_ =	shalt  }
0x54: {  	_ =	shalt  }
0x55: {  	_ =	shalt  }
0x56: {  	_ =	shalt  }
0x57: {  	_ =	shalt  }
0x58: {  	_ =	shalt  }
0x59: {  	_ =	shalt  }
0x5a: {  	_ =	shalt  }
0x5b: {  	_ =	shalt  }
0x5c: {  	_ =	shalt  }
0x5d: {  	_ =	shalt  }
0x5e: {  	_ =	shalt  }
0x5f: {  	_ =	shalt  }
0x60: {  	_ =	shalt  }
0x61: {  	_ =	shalt  }
0x62: {  	_ =	shalt  }
0x63: {  	_ =	shalt  }
0x64: {  	_ =	shalt  }
0x65: {  	_ =	shalt  }
0x66: {  	_ =	shalt  }
0x67: {  	_ =	shalt  }
0x68: {  	_ =	shalt  }
0x69: {  	_ =	shalt  }
0x6a: {  	_ =	shalt  }
0x6b: {  	_ =	shalt  }
0x6c: {  	_ =	shalt  }
0x6d: {  	_ =	shalt  }
0x6e: {  	_ =	shalt  }
0x6f: {  	_ =	shalt  }
0x70: {  	_ =	shalt  }
0x71: {  	_ =	shalt  }
0x72: {  	_ =	shalt  }
0x73: {  	_ =	shalt  }
0x74: {  	_ =	shalt  }
0x75: {  	_ =	shalt  }
0x76: {  	_ =	shalt  }
0x77: {  	_ =	shalt  }
0x78: {  	_ =	shalt  }
0x79: {  	_ =	shalt  }
0x7a: {  	_ =	shalt  }
0x7b: {  	_ =	shalt  }
0x7c: {  	_ =	shalt  }
0x7d: {  	_ =	shalt  }
0x7e: {  	_ =	shalt  }
0x7f: {  	_ =	shalt  }
0x80: {  	_ =	shalt  }
0x81: {  	_ =	shalt  }
0x82: {  	_ =	shalt  }
0x83: {  	_ =	shalt  }
0x84: {  	_ =	shalt  }
0x85: {  	_ =	shalt  }
0x86: {  	_ =	shalt  }
0x87: {  	_ =	shalt  }
.Lfunc_end0:
.L_simem_size_0:
called_computation.5_lowered:
.L_overlay_start_0:
0x88: {  	s2 =	sld [smem:$0x3FD9]  }
0x89: {  	s3 =	sld [smem:$0x3FFE];
	_ =	sdelay $0x1  }
0x8a: {  	s1 =	srdreg.scid  }
0x8b: {  	s0 =	sand.u32 $0x1, s1  }
0x8c: {  	s14 =	sshll.u32 s0, $0xA;
	s2 =	sadd.s32 s3, s2  }
0x8d: {  	s2 =	sadd.s32 s2, s14  }
0x8e: {  	[smem:$0x3FB3] =	sst s2  }
0x8f: {  	_ = 	snop  }
0x90: {  	s2 =	sld [smem:$0x3FD0];
	_ =	sdelay $0x2  }
0x91: {  	s15 =	simm.s32 $0xB;
	s4 =	simm.s32 $0x10  }
0x92: {  	[smem:s4], [sflag:s15] =	dma.local [hbm:s2], $0x1  }
0x93: {  	_ =	swait.eq [sflag:s15], $0x1  }
0x94: {  	[sflag:s15] =	ssyncset.done $0x0  }
0x95: {  	[sflag:s15] =	ssyncadd.s32 $0xFFFFFFFF  }
0x96: {  	s16 =	sld [smem:$0x11];
	(tm) =	ssettm $0x1  }
0x97: {  	s17 =	sld [smem:$0x3FFB];
	_ =	sdelay $0x3  }
0x98: {  	_ =	strace s17  }
0x99: {  	s3 =	sld [smem:$0x3FFC];
	_ =	sdelay $0x3  }
0x9a: {  	_ =	strace s3  }
0x9b: {  	s3 =	sld [smem:$0x3FFD];
	_ =	sdelay $0x3  }
0x9c: {  	_ =	strace s3  }
0x9d: {  	_ =	strace $0x8FFFFFFF  }
0x9e: {  	s18 =	sld [smem:$0x3FDB];
	_ =	sdelay $0x1  }
0x9f: {  	s19 =	simm.s32 $_scs_section_size  }
0xa0: {  	s5 =	simm.s32 $_size__tile_overlayer_lowered;
	s6 =	simm.s32 $_tile_overlayer_lowered  }
0xa1: {  	s22 =	simm.s32 $0x1BFF;
	s21 =	sshll.u32 s6, $0x1;
	s3 =	sadd.s32 s19, s18  }
0xa2: {  	s7 =	simm.s32 $0x0;
	s20 =	sshll.u32 s5, $0x1;
	s5 =	sadd.s32 s21, s3  }
0xa3: {  	[timem:s7], [sflag:s22] =	dma.local [hbm:s5], s20  }
0xa4: {  	_ =	swait.ge [sflag:s22], s20  }
0xa5: {  	s4 =	ssub.s32 $0x0, s20;
	[sflag:s22] =	ssyncset.done $0x0  }
0xa6: {  	[sflag:s22] =	ssyncadd.s32 s4;
	_ =	sdelay $0x1  }
0xa7: {  	s23 =	simm.s32 $0x1B8B  }
0xa8: {  	_ =	swait.ge [sflag:s23], $0x1  }
0xa9: {  	[sflag:s23] =	ssyncset.done $0x0  }
0xaa: {  	s25 =	simm.s32 $0x1B8E;
	s24 =	sld [smem:$0x3FFE];
	[sflag:s23] =	ssyncadd.s32 $0xFFFFFFFF  }
0xab: {  	s26 =	simm.s32 $execute0_lowered;
	[smem:$0x3FD2] =	sst s25  }
0xac: {  	s5 =	sshll.u32 s26, $0x1;
	_ =	strace $0x80000052;
	[dreg:$0x1] =	wrdreg $0xFFFFFFFF  }
0xad: {  	s28 =	simm.s32 $_size_execute0_lowered;
	s3 =	sadd.s32 s3, s5;
	[dreg:$0x0] =	wrdreg $0x0  }
0xae: {  	s5 =	sshll.u32 s28, $0x1;
	[dreg:$0x2] =	wrdreg s3  }
0xaf: {  	[dreg:$0x3] =	wrdreg s5  }
0xb0: {  	[dreg:$0x4] =	wrdreg $0xC0  }
0xb1: {  	_ =	task [dreg:s7], $0x5FFFF  }
0xb2: {  	[dreg:$0x1] =	wrdreg $0xFFFFFFFF  }
0xb3: {  	[dreg:$0x0] =	wrdreg $0x60  }
0xb4: {  	[dreg:$0x2] =	wrdreg s24  }
0xb5: {  	[dreg:$0x3] =	wrdreg s16  }
0xb6: {  	[dreg:$0x4] =	wrdreg $0x81000  }
0xb7: {  	[dreg:$0x5] =	wrdreg $0x9  }
0xb8: {  	_ =	task.clear_ibuf [dreg:s7], $0x6FFFF;
	_ =	strace $0x90000052  }
0xb9: {  	s29 =	simm.s32 $0x9;
	_ =	strace $0x80000054  }
0xba: {  	_ =	swait.ge [sflag:s29], $0x1  }
0xbb: {  	[sflag:s29] =	ssyncadd.s32 $0xFFFFFFFF  }
0xbc: {  	_ =	strace $0x90000054  }
0xbd: {  	_ =	sfence  }
0xbe: {  	s30 =	sld [smem:$0x0];
	_ =	sdelay $0x2  }
0xbf: {  	s31 =	sshll.u32 s1, $0xD;
	s1 =	sshrl.u32 s1, $0x2  }
0xc0: {  	s3 =	sand.u32 $0x4000, s31;
	s1 =	sadd.s32 s1, s30  }
0xc1: {  	s0 =	sor.u32 s3, s0;
	s1 =	sshll.u32 s1, $0x11  }
0xc2: {  	s0 =	sor.u32 s1, s0  }
0xc3: {  	s0 =	sadd.s32 $0x8F2B, s0  }
0xc4: {  	[sflag:s0] =	ssyncadd.remote.s32 $0x1  }
0xc5: {  	_ =	sfence.sel $0xFFFF  }
0xc6: {  	[dreg:$0x0] =	wrdreg $0xFFFFFFFF;
	(pc) =	sbr.abs _section_cstart, $3  }
0xc7: {  	[dreg:$0x1] =	wrdreg $0xFFFFFFFF  }
0xc8: {  	_ =	task.clear_ibuf [dreg:s7], $0x2FFFF;
	_ =	strace $0x9FFFFFFF  }
0xc9: {  	(tm) =	ssettm $0x7FFFFFFF  }
tec
execute0_lowered:
.L_overlay_start_1:
0x0: {  	(tag) =	ssettag $0x1  }
0x1: {  	s4 =	rddreg [dreg:$0x0]  }
0x2: {  	s6 =	rddreg [dreg:$0x1]  }
0x3: {  	s2 =	rddreg [dreg:$0x2]  }
0x4: {  	s0 =	rddreg [dreg:$0x3]  }
0x5: {  	s3 =	simm.s32 $0x0;
	s1 =	stileid.u32;
	s7 =	srdreg.scid  }
0x6: {  	s15 =	simm.s32 $0x4100;
	s16 =	simm.s32 $0x0;
	s5 =	smul.u32 $0x50000, s1  }
0x7: {  	[smem:$0x7FF] =	sst s3;
	s9 =	smul.u32 $0x2800, s1;
	s7 =	sand.u32 $0x1, s7  }
0x8: {  	s10 =	sadd.s32 $0x14800, s4;
	s14 =	smul.u32 $0x5000, s1;
	s29 =	sshll.u32 s1, $0x6  }
0x9: {  	_ =	strace $0x80000053;
	s11 =	ssub.s32 $0x2, s7;
	s12 =	smul.u32 $0x28000, s7  }
0xa: {  	s7 =	smul.u32 $0x2800, s7;
	s8 =	sadd.s32 s5, s4;
	s13 =	sshrl.u32 s11, $0x1  }
0xb: {  	s4 =	sadd.s32 s9, s4;
	s5 =	sshrl.u32 s5, $0x2;
	s11 =	ssub.s32 s11, s13  }
0xc: {  	s28 =	sadd.s32 s5, s2;
	s4 =	sadd.s32 $0x1E800, s4;
	s5 =	sor.u32 $0x1C01, s29  }
0xd: {  	s9 =	sadd.s32 s9, s12;
	s14 =	sadd.s32 s7, s14;
	s8 =	sadd.s32 s12, s8  }
0xe: {  	s12 =	simm.s32 $0x1;
	s13 =	simm.s32 $0x100;
	s6 =	sadd.s32 s6, s9  }
0xf: {  	s7 =	smax.u32 s11, $0x1;
	s30 =	sor.u32 $0x80, s14;
	s31 =	sshrl.u32 s14, $0x3  }
0x10: {  	s8 =	sadd.s32 $0xAE5C00, s8;
	s11 =	sshrl.u32 s28, $0x3;
	s9 =	sshrl.u32 s30, $0x3  }
0x11: {  	s14 =	simm.s32 $0x80;
	s9 =	sadd.s32 s9, s10;
	s10 =	sadd.s32 s31, s10  }
.LBB2_1:
0x12: {  	[spmem:s11], [sflag:s5] =	dma.local [hbm:s4], $0x2800  }
0x13: {  	_ =	swait.ge [sflag:s12], $0x2800  }
0x14: {  	[sflag:s12] =	ssyncset.done $0x0  }
0x15: {  	[sflag:s12] =	ssyncadd.s32 $0xFFFFD800  }
0x16: {  	s17 =	sadd.s32 $0x0, s10;
	[bflag:$0x0] =	sbarrier.arrive $0xFFFF  }
0x17: {  	[tilespmem:s3], [sflag:$0x1] =	stream.linear.gather [hbm4b:s17+s3], $0x80, $0x38;
	[tilespmem:$0x12100] =	vst v63  }
0x18: {  	_ =	swait.ge [sflag:s12], $0x80  }
0x19: {  	[sflag:s12] =	ssyncset.done $0x0  }
0x1a: {  	s30 =	sadd.s32 $0xFFFFF800, s8;
	[sflag:s12] =	ssyncadd.s32 $0xFFFFFF80  }
0x1b: {  	[tilespmem:s13], [sflag:$0x1] =	stream.linear.gather [hbm4b:s30+s3], $0x4000, $0x38;
	[tilespmem:$0x12100] =	vst v63  }
0x1c: {  	_ =	swait.ge [sflag:s12], $0x4000  }
0x1d: {  	[sflag:s12] =	ssyncset.done $0x0  }
0x1e: {  	[sflag:s12] =	ssyncadd.s32 $0xFFFFC000  }
0x1f: {  	[spmem:s2] =	stream.indirect.scatter.add.f32 [tilespmem:s13], [sflag:$0x1], $0x40, s3, s14, $0xb8;
	[tilespmem:$0x12100] =	vst v63  }
0x20: {  	_ =	swait.ge [sflag:s12], $0x2000  }
0x21: {  	[sflag:s12] =	ssyncset.done $0x0  }
0x22: {  	s31 =	sadd.s32 $0x0, s9;
	[sflag:s12] =	ssyncadd.s32 $0xFFFFE000  }
0x23: {  	[tilespmem:s14], [sflag:$0x1] =	stream.linear.gather [hbm4b:s31+s3], $0x80, $0x38;
	[tilespmem:$0x12100] =	vst v63  }
0x24: {  	_ =	swait.ge [sflag:s12], $0x80  }
0x25: {  	[sflag:s12] =	ssyncset.done $0x0  }
0x26: {  	[sflag:s12] =	ssyncadd.s32 $0xFFFFFF80  }
0x27: {  	[tilespmem:s15], [sflag:$0x1] =	stream.linear.gather [hbm4b:s8+s3], $0x4000, $0x38;
	[tilespmem:$0x12100] =	vst v63  }
0x28: {  	_ =	swait.ge [sflag:s12], $0x4000  }
0x29: {  	[sflag:s12] =	ssyncset.done $0x0  }
0x2a: {  	[sflag:s12] =	ssyncadd.s32 $0xFFFFC000  }
0x2b: {  	[spmem:s2] =	stream.indirect.scatter.add.f32 [tilespmem:s15], [sflag:$0x1], $0x40, s14, s14, $0xb8;
	[tilespmem:$0x12100] =	vst v63  }
0x2c: {  	s18 =	simm.s32 $0x20;
	_ =	swait.ge [sflag:s12], $0x2000  }
0x2d: {  	s19 =	simm.s32 $0x40;
	s17 =	sadd.s32 $0x1000, s8;
	[sflag:s12] =	ssyncset.done $0x0  }
.LBB2_2:
0x2e: {  	s20 =	sadd.s32 s18, s10  }
0x2f: {  	[sflag:s12] =	ssyncadd.s32 $0xFFFFE000;
	s21 =	smov.u32 s19;
	s22 =	sadd.s32 $0x20, s19  }
0x30: {  	[tilespmem:s3], [sflag:$0x1] =	stream.linear.gather [hbm4b:s20+s3], $0x80, $0x38;
	[tilespmem:$0x12100] =	vst v63  }
0x31: {  	p0 =	sne.s32 s19, $0x4E0;
	_ =	swait.ge [sflag:s12], $0x80  }
0x32: {  	[sflag:s12] =	ssyncset.done $0x0  }
0x33: {  	s19 =	sadd.s32 $0xFFFFF800, s17;
	[sflag:s12] =	ssyncadd.s32 $0xFFFFFF80  }
0x34: {  	[tilespmem:s13], [sflag:$0x1] =	stream.linear.gather [hbm4b:s19+s3], $0x4000, $0x38;
	[tilespmem:$0x12100] =	vst v63  }
0x35: {  	_ =	swait.ge [sflag:s12], $0x4000  }
0x36: {  	[sflag:s12] =	ssyncset.done $0x0  }
0x37: {  	[sflag:s12] =	ssyncadd.s32 $0xFFFFC000  }
0x38: {  	[spmem:s2] =	stream.indirect.scatter.add.f32 [tilespmem:s13], [sflag:$0x1], $0x40, s3, s14, $0xb8;
	[tilespmem:$0x12100] =	vst v63  }
0x39: {  	_ =	swait.ge [sflag:s12], $0x2000  }
0x3a: {  	[sflag:s12] =	ssyncset.done $0x0  }
0x3b: {  	s19 =	sadd.s32 s18, s9;
	s18 =	smov.u32 s21;
	[sflag:s12] =	ssyncadd.s32 $0xFFFFE000  }
0x3c: {  	[tilespmem:s14], [sflag:$0x1] =	stream.linear.gather [hbm4b:s19+s3], $0x80, $0x38;
	[tilespmem:$0x12100] =	vst v63  }
0x3d: {  	_ =	swait.ge [sflag:s12], $0x80  }
0x3e: {  	[sflag:s12] =	ssyncset.done $0x0  }
0x3f: {  	[sflag:s12] =	ssyncadd.s32 $0xFFFFFF80  }
0x40: {  	[tilespmem:s15], [sflag:$0x1] =	stream.linear.gather [hbm4b:s17+s3], $0x4000, $0x38;
	[tilespmem:$0x12100] =	vst v63  }
0x41: {  	_ =	swait.ge [sflag:s12], $0x4000  }
.Ltmp0:
0x42: {  	[sflag:s12] =	ssyncset.done $0x0;
	(pc) =	sbr.rel @p0 .LBB2_2-.Ltmp0, $4  }
0x43: {  	[sflag:s12] =	ssyncadd.s32 $0xFFFFC000  }
0x44: {  	[spmem:s2] =	stream.indirect.scatter.add.f32 [tilespmem:s15], [sflag:$0x1], $0x40, s14, s14, $0xb8;
	[tilespmem:$0x12100] =	vst v63  }
0x45: {  	_ =	swait.ge [sflag:s12], $0x2000  }
0x46: {  	s19 =	smov.u32 s22;
	s17 =	sadd.s32 $0x1000, s17;
	[sflag:s12] =	ssyncset.done $0x0  }
0x47: {  	s19 =	sadd.s32 s18, s10;
	[sflag:s12] =	ssyncadd.s32 $0xFFFFE000  }
0x48: {  	[tilespmem:s3], [sflag:$0x1] =	stream.linear.gather [hbm4b:s19+s3], $0x80, $0x38;
	[tilespmem:$0x12100] =	vst v63  }
0x49: {  	_ =	swait.ge [sflag:s12], $0x80  }
0x4a: {  	[sflag:s12] =	ssyncset.done $0x0  }
0x4b: {  	s30 =	sadd.s32 $0xFFFFF800, s17;
	[sflag:s12] =	ssyncadd.s32 $0xFFFFFF80  }
0x4c: {  	[tilespmem:s13], [sflag:$0x1] =	stream.linear.gather [hbm4b:s30+s3], $0x4000, $0x38;
	[tilespmem:$0x12100] =	vst v63  }
0x4d: {  	_ =	swait.ge [sflag:s12], $0x4000  }
0x4e: {  	[sflag:s12] =	ssyncset.done $0x0  }
0x4f: {  	[sflag:s12] =	ssyncadd.s32 $0xFFFFC000  }
0x50: {  	[spmem:s2] =	stream.indirect.scatter.add.f32 [tilespmem:s13], [sflag:$0x1], $0x40, s3, s14, $0xb8;
	[tilespmem:$0x12100] =	vst v63  }
0x51: {  	_ =	swait.ge [sflag:s12], $0x2000  }
0x52: {  	[sflag:s12] =	ssyncset.done $0x0  }
0x53: {  	s31 =	sadd.s32 s18, s9;
	[sflag:s12] =	ssyncadd.s32 $0xFFFFE000  }
0x54: {  	[tilespmem:s14], [sflag:$0x1] =	stream.linear.gather [hbm4b:s31+s3], $0x80, $0x38;
	[tilespmem:$0x12100] =	vst v63  }
0x55: {  	_ =	swait.ge [sflag:s12], $0x80  }
0x56: {  	[sflag:s12] =	ssyncset.done $0x0  }
0x57: {  	[sflag:s12] =	ssyncadd.s32 $0xFFFFFF80  }
0x58: {  	[tilespmem:s15], [sflag:$0x1] =	stream.linear.gather [hbm4b:s17+s3], $0x4000, $0x38;
	[tilespmem:$0x12100] =	vst v63  }
0x59: {  	_ =	swait.ge [sflag:s12], $0x4000  }
0x5a: {  	[sflag:s12] =	ssyncset.done $0x0  }
0x5b: {  	[sflag:s12] =	ssyncadd.s32 $0xFFFFC000  }
0x5c: {  	[spmem:s2] =	stream.indirect.scatter.add.f32 [tilespmem:s15], [sflag:$0x1], $0x40, s14, s14, $0xb8;
	[tilespmem:$0x12100] =	vst v63  }
0x5d: {  	_ =	swait.ge [sflag:s12], $0x2000  }
0x5e: {  	s16 =	sadd.s32 $0x1, s16;
	[sflag:s12] =	ssyncset.done $0x0  }
0x5f: {  	p0 =	sne.s32 s16, s7;
	[sflag:s12] =	ssyncadd.s32 $0xFFFFE000  }
.Ltmp1:
0x60: {  	[bflag:$0x0] =	sbarrier.arrive $0xFFFF;
	(pc) =	sbr.rel @p0 .LBB2_1-.Ltmp1, $4  }
0x61: {  	[hbm:s6], [sflag:s5] =	dma.local [spmem:s11], $0x2800  }
0x62: {  	_ =	swait.ge [sflag:s12], $0x2800  }
0x63: {  	[sflag:s12] =	ssyncset.done $0x0  }
0x64: {  	[sflag:s12] =	ssyncadd.s32 $0xFFFFD800  }
0x65: {  	_ =	sfence.sel $0x180000  }
0x66: {  	[bflag:$0x0] =	sbarrier.arrive $0xFFFF  }
0x67: {  	p0 =	sne.s32 s1, $0x0;
	_ =	strace $0x90000053  }
0x68: {  	s0 =	sadd.s32 @!p0 $0x100000, s0;
	[bflag:$0x2] =	sbarrier.arrive $0xFFFF  }
0x69: {  	[sflag:s0] =	ssyncadd.tile.s32 @!p0 $0x1;
	_ =	shalt  }
.Lfunc_end2:
_tile_overlayer_lowered:
.L_overlay_start_2:
0x6a: {  	(tag) =	ssettag $0x2  }
0x6b: {  	s0 =	rddreg [dreg:$0x0];
	s2 =	stileid.u32  }
0x6c: {  	s1 =	rddreg [dreg:$0x1];
	p0 =	sne.s32 s2, $0x0  }
0x6d: {  	s3 =	rddreg [dreg:$0x2];
	[bflag:$0x3] =	sbarrier.arrive $0xFFFF;
	s2 =	simm.s32 @!p0 $0x1C01  }
0x6e: {  	[timem:s3], [sflag:s2] =	dma.local @!p0 [hbm:s0], s1  }
0x6f: {  	s0 =	simm.s32 @!p0 $0x1  }
0x70: {  	_ =	swait.ge @!p0 [sflag:s0], s1  }
0x71: {  	s1 =	ssub.s32 @!p0 $0x0, s1;
	[sflag:s0] =	ssyncset.done @!p0 $0x0  }
0x72: {  	[sflag:s0] =	ssyncadd.s32 @!p0 s1  }
0x73: {  	[bflag:$0x3] =	sbarrier.arrive $0xFFFF  }
0x74: {  	_ =	shalt  }

// kernel: kernel.31.cloned.1.call-start
scs
__scs_entry_jumppad:
0x0: {  	(pc) =	sbr.rel $0x88, $3  }
0x1: {  	(tag) =	ssettag $0x0;
	lr =	simm.s32 $0x1  }
0x2: {  	[smem:$0x3F8C] =	sst lr;
	_ =	strace $0xD0000000  }
0x3: {  	_ = 	snop  }
0x4: {  	_ = 	snop  }
0x5: {  	_ = 	snop  }
0x6: {  	_ = 	snop  }
0x7: {  	_ = 	snop  }
__scs_overlays_trampoline_lowered:
0x8: {  	[smem:$0x3F9B] =	sst s0  }
0x9: {  	[smem:$0x3F9C] =	sst s1  }
0xa: {  	[smem:$0x3F9D] =	sst s2  }
0xb: {  	[smem:$0x3F9E] =	sst s3  }
0xc: {  	[smem:$0x3F9F] =	sst s4  }
0xd: {  	[smem:$0x3FA0] =	sst s5  }
0xe: {  	[smem:$0x3FA1] =	sst s6  }
0xf: {  	[smem:$0x3FA2] =	sst s7  }
0x10: {  	[smem:$0x3FA3] =	sst s8  }
0x11: {  	[smem:$0x3FA4] =	sst s9;
	s0 =	simm.s32 @!p0 $0x0  }
0x12: {  	s1 =	sld [smem:$0x3F8A];
	s0 =	simm.s32 @p0 $0x1  }
0x13: {  	[smem:$0x3FA5] =	sst s0;
	s0 =	simm.s32 @!p1 $0x0  }
0x14: {  	s2 =	sld [smem:$0x3F89];
	s0 =	simm.s32 @p1 $0x1  }
0x15: {  	[smem:$0x3FA6] =	sst s0;
	s0 =	simm.s32 @!p2 $0x0  }
0x16: {  	s3 =	sld [smem:$0x3FDB];
	s0 =	simm.s32 @p2 $0x1  }
0x17: {  	s4 =	simm.s32 $0x1BF5;
	[smem:$0x3FA8] =	sst s0  }
0x18: {  	s0 =	sld [smem:$0x3F8B];
	_ =	swait.ge [sflag:s4], $0x0  }
0x19: {  	s7 =	sld [smem:$0x3F8C]  }
0x1a: {  	s8 =	sadd.s32 $0xFFFFE003, lr  }
0x1b: {  	s9 =	sadd.s32 $0xFFFFFEF7, lr;
	s5 =	simm.s32 $0xFFFFFFFF;
	p2 =	slt.u32 s8, $0xFFFFF086  }
0x1c: {  	p1 =	slt.u32 s9, $0xF7A;
	s5 =	simm.s32 @!p2 $0x0  }
0x1d: {  	s5 =	simm.s32 @p1 $0x1;
	p0 =	seq.s32 s7, s2  }
0x1e: {  	s7 =	smul.u32 @!p0 $0xF7A, s2;
	p2 =	seq.s32 @!p0 s5, $0x0  }
0x1f: {  	s9 =	smul.u32 $0xF7A, s1;
	s8 =	simm.s32 @!p0 $0x1BF5;
	p2 =	por !p2, p0  }
0x20: {  	[sflag:s8] =	ssyncset.s32 @!p0 $0xFFFFF086;
	s6 =	sadd.s32 @!p0 s3, s7;
	s7 =	simm.s32 @!p0 $0x108  }
0x21: {  	s3 =	sadd.s32 s3, s9;
	s6 =	sadd.s32 @!p0 $0x88, s6;
	s7 =	simm.s32 @p2 $0x1082  }
0x22: {  	[simem:s7], [sflag:s8] =	dma.local @!p0 [hbm:s6], $0xF7A  }
0x23: {  	s9 =	sor.u32 $0xD0000000, s2;
	s6 =	simm.s32 $0x108;
	_ =	swait.ge @!p0 [sflag:s8], $0x0  }
0x24: {  	s3 =	sadd.s32 $0x88, s3;
	s6 =	simm.s32 @!p1 $0x1082;
	[sflag:s4] =	ssyncset.s32 $0xFFFFF086  }
0x25: {  	[simem:s6], [sflag:s4] =	dma.local [hbm:s3], $0xF7A  }
0x26: {  	[smem:$0x3F8C] =	sst s1;
	(tag) =	ssettag s2;
	_ =	strace s9  }
0x27: {  	s1 =	sld [smem:$0x3F9C]  }
0x28: {  	s2 =	sld [smem:$0x3F9D]  }
0x29: {  	s4 =	sld [smem:$0x3F9F]  }
0x2a: {  	p0 =	seq.s32 s5, $0x0;
	s5 =	sld [smem:$0x3FA0]  }
0x2b: {  	s6 =	sld [smem:$0x3FA1]  }
0x2c: {  	s7 =	sld [smem:$0x3FA2]  }
0x2d: {  	s3 =	simm.s32 $0x108;
	s8 =	sld [smem:$0x3FA3]  }
0x2e: {  	s3 =	simm.s32 @!p0 $0x1082;
	s9 =	sld [smem:$0x3FA4]  }
0x2f: {  	lr =	sadd.s32 s0, s3;
	s0 =	sld [smem:$0x3F9B]  }
0x30: {  	s3 =	sld [smem:$0x3F9E]  }
0x31: {  	[smem:$0x3FA7] =	sst s10  }
0x32: {  	s10 =	sld [smem:$0x3FA5];
	_ =	sdelay $0x3  }
0x33: {  	p0 =	seq.s32 s10, $0x1;
	s10 =	sld [smem:$0x3FA7];
	_ =	sdelay $0x3  }
0x34: {  	[smem:$0x3FA7] =	sst s10  }
0x35: {  	s10 =	sld [smem:$0x3FA6];
	_ =	sdelay $0x3  }
0x36: {  	p1 =	seq.s32 s10, $0x1;
	s10 =	sld [smem:$0x3FA7];
	_ =	sdelay $0x3  }
0x37: {  	[smem:$0x3FA7] =	sst s10  }
0x38: {  	s10 =	sld [smem:$0x3FA8]  }
0x39: {  	_ = 	snop;
	(pc) =	sbr.ind lr, $3  }
0x3a: {  	_ = 	snop  }
0x3b: {  	_ = 	snop  }
0x3c: {  	p2 =	seq.s32 s10, $0x1;
	s10 =	sld [smem:$0x3FA7]  }
0x3d: {  	_ =	shalt  }
0x3e: {  	_ =	shalt  }
0x3f: {  	_ =	shalt  }
0x40: {  	_ =	shalt  }
0x41: {  	_ =	shalt  }
0x42: {  	_ =	shalt  }
0x43: {  	_ =	shalt  }
0x44: {  	_ =	shalt  }
0x45: {  	_ =	shalt  }
0x46: {  	_ =	shalt  }
0x47: {  	_ =	shalt  }
0x48: {  	_ =	shalt  }
0x49: {  	_ =	shalt  }
0x4a: {  	_ =	shalt  }
0x4b: {  	_ =	shalt  }
0x4c: {  	_ =	shalt  }
0x4d: {  	_ =	shalt  }
0x4e: {  	_ =	shalt  }
0x4f: {  	_ =	shalt  }
0x50: {  	_ =	shalt  }
0x51: {  	_ =	shalt  }
0x52: {  	_ =	shalt  }
0x53: {  	_ =	shalt  }
0x54: {  	_ =	shalt  }
0x55: {  	_ =	shalt  }
0x56: {  	_ =	shalt  }
0x57: {  	_ =	shalt  }
0x58: {  	_ =	shalt  }
0x59: {  	_ =	shalt  }
0x5a: {  	_ =	shalt  }
0x5b: {  	_ =	shalt  }
0x5c: {  	_ =	shalt  }
0x5d: {  	_ =	shalt  }
0x5e: {  	_ =	shalt  }
0x5f: {  	_ =	shalt  }
0x60: {  	_ =	shalt  }
0x61: {  	_ =	shalt  }
0x62: {  	_ =	shalt  }
0x63: {  	_ =	shalt  }
0x64: {  	_ =	shalt  }
0x65: {  	_ =	shalt  }
0x66: {  	_ =	shalt  }
0x67: {  	_ =	shalt  }
0x68: {  	_ =	shalt  }
0x69: {  	_ =	shalt  }
0x6a: {  	_ =	shalt  }
0x6b: {  	_ =	shalt  }
0x6c: {  	_ =	shalt  }
0x6d: {  	_ =	shalt  }
0x6e: {  	_ =	shalt  }
0x6f: {  	_ =	shalt  }
0x70: {  	_ =	shalt  }
0x71: {  	_ =	shalt  }
0x72: {  	_ =	shalt  }
0x73: {  	_ =	shalt  }
0x74: {  	_ =	shalt  }
0x75: {  	_ =	shalt  }
0x76: {  	_ =	shalt  }
0x77: {  	_ =	shalt  }
0x78: {  	_ =	shalt  }
0x79: {  	_ =	shalt  }
0x7a: {  	_ =	shalt  }
0x7b: {  	_ =	shalt  }
0x7c: {  	_ =	shalt  }
0x7d: {  	_ =	shalt  }
0x7e: {  	_ =	shalt  }
0x7f: {  	_ =	shalt  }
0x80: {  	_ =	shalt  }
0x81: {  	_ =	shalt  }
0x82: {  	_ =	shalt  }
0x83: {  	_ =	shalt  }
0x84: {  	_ =	shalt  }
0x85: {  	_ =	shalt  }
0x86: {  	_ =	shalt  }
0x87: {  	_ =	shalt  }
.Lfunc_end0:
.L_simem_size_0:
called_computation.6_lowered:
.L_overlay_start_0:
0x88: {  	s2 =	sld [smem:$0x3FD9]  }
0x89: {  	s3 =	sld [smem:$0x3FFE];
	_ =	sdelay $0x1  }
0x8a: {  	s1 =	srdreg.scid  }
0x8b: {  	s0 =	sand.u32 $0x1, s1  }
0x8c: {  	s14 =	sshll.u32 s0, $0xA;
	s2 =	sadd.s32 s3, s2  }
0x8d: {  	s2 =	sadd.s32 s2, s14  }
0x8e: {  	[smem:$0x3FB3] =	sst s2  }
0x8f: {  	_ = 	snop  }
0x90: {  	s2 =	sld [smem:$0x3FD0];
	_ =	sdelay $0x2  }
0x91: {  	s15 =	simm.s32 $0xB;
	s4 =	simm.s32 $0x10  }
0x92: {  	[smem:s4], [sflag:s15] =	dma.local [hbm:s2], $0x1  }
0x93: {  	_ =	swait.eq [sflag:s15], $0x1  }
0x94: {  	[sflag:s15] =	ssyncset.done $0x0  }
0x95: {  	s16 =	sld [smem:$0x10];
	[sflag:s15] =	ssyncadd.s32 $0xFFFFFFFF  }
0x96: {  	s17 =	sld [smem:$0x11];
	(tm) =	ssettm $0x1  }
0x97: {  	s18 =	sld [smem:$0x3FFB];
	_ =	sdelay $0x3  }
0x98: {  	_ =	strace s18  }
0x99: {  	s4 =	sld [smem:$0x3FFC];
	_ =	sdelay $0x3  }
0x9a: {  	_ =	strace s4  }
0x9b: {  	s4 =	sld [smem:$0x3FFD];
	_ =	sdelay $0x3  }
0x9c: {  	_ =	strace s4  }
0x9d: {  	_ =	strace $0x8FFFFFFF  }
0x9e: {  	s19 =	sld [smem:$0x3FDB];
	_ =	sdelay $0x1  }
0x9f: {  	s5 =	simm.s32 $_scs_section_size  }
0xa0: {  	s6 =	simm.s32 $_size__tile_overlayer_lowered;
	s7 =	simm.s32 $_tile_overlayer_lowered  }
0xa1: {  	s22 =	simm.s32 $0x1BFF;
	s21 =	sshll.u32 s7, $0x1;
	s4 =	sadd.s32 s5, s19  }
0xa2: {  	s8 =	simm.s32 $0x0;
	s20 =	sshll.u32 s6, $0x1;
	s6 =	sadd.s32 s21, s4  }
0xa3: {  	[timem:s8], [sflag:s22] =	dma.local [hbm:s6], s20  }
0xa4: {  	_ =	swait.ge [sflag:s22], s20  }
0xa5: {  	s5 =	ssub.s32 $0x0, s20;
	[sflag:s22] =	ssyncset.done $0x0  }
0xa6: {  	[sflag:s22] =	ssyncadd.s32 s5;
	_ =	sdelay $0x1  }
0xa7: {  	s23 =	simm.s32 $0x1B8B  }
0xa8: {  	_ =	swait.ge [sflag:s23], $0x1  }
0xa9: {  	[sflag:s23] =	ssyncset.done $0x0  }
0xaa: {  	s25 =	simm.s32 $0x1B8E;
	s24 =	sld [smem:$0x3FFE];
	[sflag:s23] =	ssyncadd.s32 $0xFFFFFFFF  }
0xab: {  	s26 =	simm.s32 $execute0_lowered;
	[smem:$0x3FD2] =	sst s25  }
0xac: {  	s6 =	sshll.u32 s26, $0x1;
	_ =	strace $0x80000055;
	[dreg:$0x1] =	wrdreg $0xFFFFFFFF  }
0xad: {  	s28 =	simm.s32 $_size_execute0_lowered;
	s4 =	sadd.s32 s4, s6;
	[dreg:$0x0] =	wrdreg $0x0  }
0xae: {  	s6 =	sshll.u32 s28, $0x1;
	[dreg:$0x2] =	wrdreg s4  }
0xaf: {  	[dreg:$0x3] =	wrdreg s6  }
0xb0: {  	[dreg:$0x4] =	wrdreg $0xC0  }
0xb1: {  	_ =	task [dreg:s8], $0x5FFFF  }
0xb2: {  	[dreg:$0x1] =	wrdreg $0xFFFFFFFF  }
0xb3: {  	[dreg:$0x0] =	wrdreg $0x60  }
0xb4: {  	[dreg:$0x2] =	wrdreg s17  }
0xb5: {  	[dreg:$0x3] =	wrdreg s24  }
0xb6: {  	[dreg:$0x4] =	wrdreg s16  }
0xb7: {  	[dreg:$0x5] =	wrdreg $0x9  }
0xb8: {  	_ =	task.clear_ibuf [dreg:s8], $0x6FFFF;
	_ =	strace $0x90000055  }
0xb9: {  	s29 =	simm.s32 $0x9;
	_ =	strace $0x80000057  }
0xba: {  	_ =	swait.ge [sflag:s29], $0x1  }
0xbb: {  	[sflag:s29] =	ssyncadd.s32 $0xFFFFFFFF  }
0xbc: {  	_ =	strace $0x90000057  }
0xbd: {  	_ =	sfence  }
0xbe: {  	s30 =	sld [smem:$0x0];
	_ =	sdelay $0x2  }
0xbf: {  	s31 =	sshll.u32 s1, $0xD;
	s1 =	sshrl.u32 s1, $0x2  }
0xc0: {  	s3 =	sand.u32 $0x4000, s31;
	s1 =	sadd.s32 s1, s30  }
0xc1: {  	s0 =	sor.u32 s3, s0;
	s1 =	sshll.u32 s1, $0x11  }
0xc2: {  	s0 =	sor.u32 s1, s0  }
0xc3: {  	s0 =	sadd.s32 $0x8F2B, s0  }
0xc4: {  	[sflag:s0] =	ssyncadd.remote.s32 $0x1  }
0xc5: {  	_ =	sfence.sel $0xFFFF  }
0xc6: {  	[dreg:$0x0] =	wrdreg $0xFFFFFFFF;
	(pc) =	sbr.abs _section_cstart, $3  }
0xc7: {  	[dreg:$0x1] =	wrdreg $0xFFFFFFFF  }
0xc8: {  	_ =	task.clear_ibuf [dreg:s8], $0x2FFFF;
	_ =	strace $0x9FFFFFFF  }
0xc9: {  	(tm) =	ssettm $0x7FFFFFFF  }
tec
execute0_lowered:
.L_overlay_start_1:
0x0: {  	(tag) =	ssettag $0x1  }
0x1: {  	s2 =	rddreg [dreg:$0x0]  }
0x2: {  	s0 =	rddreg [dreg:$0x1]  }
0x3: {  	s6 =	rddreg [dreg:$0x2];
	s8 =	stileid.u32  }
0x4: {  	s1 =	srdreg.scid;
	s3 =	simm.s32 $0x0;
	s16 =	simm.s32 $0x9  }
0x5: {  	s17 =	simm.s32 $0x200;
	s18 =	simm.s32 $0xA0;
	s19 =	simm.s32 $0x400  }
0x6: {  	s28 =	simm.s32 $0x2;
	s29 =	simm.s32 $0x4;
	s30 =	simm.s32 $0x6  }
0x7: {  	s31 =	simm.s32 $0x8;
	s1 =	sand.u32 $0x1, s1;
	s5 =	smul.u32 $0x50000, s8  }
0x8: {  	s4 =	sshll.u32 s8, $0x1;
	[smem:$0x7FF] =	sst s3;
	s8 =	smul.u32 $0x5000, s8  }
0x9: {  	s12 =	sadd.s32 $0xA800, s0;
	s4 =	sor.u32 s1, s4;
	s10 =	smul.u32 $0x2800, s1  }
0xa: {  	_ =	strace $0x80000056;
	s9 =	ssub.s32 $0x2, s1;
	s1 =	smul.u32 $0x28000, s1  }
0xb: {  	s7 =	smul.u32 $0x2800, s4;
	s4 =	sadd.s32 $0x97000, s0;
	s20 =	sshrl.u32 s9, $0x1  }
0xc: {  	s0 =	sadd.s32 s5, s0;
	s5 =	ssub.s32 s9, s20;
	s13 =	sadd.s32 s10, s8  }
0xd: {  	s0 =	sadd.s32 s1, s0;
	s20 =	simm.s32 $0xA400;
	s7 =	sshrl.u32 s7, $0x3  }
0xe: {  	s24 =	sor.u32 $0x1E0, s13;
	s5 =	smax.u32 s5, $0x1;
	s13 =	sor.u32 $0x140, s13  }
0xf: {  	s1 =	sadd.s32 $0xE5E00, s0;
	s21 =	sadd.s32 s6, s7;
	s22 =	sadd.s32 s12, s7  }
0x10: {  	s23 =	sor.u32 $0x14, s7;
	s11 =	sshrl.u32 s24, $0x3;
	[dreg:$0x8] =	wrdreg s5  }
0x11: {  	[dreg:$0x9] =	wrdreg s1;
	s1 =	sadd.s32 $0x5E5E00, s0;
	s26 =	sshrl.u32 s13, $0x3  }
0x12: {  	s24 =	simm.s32 $0xF400;
	s0 =	simm.s32 $0x0;
	[dreg:$0x4] =	wrdreg s21  }
.Ltmp0:
0x13: {  	[dreg:$0x5] =	wrdreg s22;
	s7 =	sadd.s32 s6, s23;
	(pc) =	sbr.rel .LBB2_1-.Ltmp0, $4  }
0x14: {  	s25 =	sadd.s32 s12, s23;
	s10 =	sadd.s32 s11, s12;
	s11 =	sadd.s32 s11, s6  }
0x15: {  	s14 =	sadd.s32 s26, s12;
	s15 =	sadd.s32 s26, s6;
	s21 =	simm.s32 $0x100  }
0x16: {  	s22 =	simm.s32 $0x300;
	s23 =	simm.s32 $0x5400;
	[dreg:$0x6] =	wrdreg s7  }
0x17: {  	s26 =	simm.s32 $0x3;
	[dreg:$0x7] =	wrdreg s25;
	s25 =	simm.s32 $0x1  }
.LBB2_4:
0x18: {  	_ =	swait.ge [sflag:s30], $0x5000  }
0x19: {  	[sflag:s30] =	ssyncset.done $0x0  }
0x1a: {  	[sflag:s30] =	ssyncadd.s32 $0xFFFFB000  }
0x1b: {  	_ =	swait.ge [sflag:s31], $0x5000  }
0x1c: {  	s0 =	sadd.s32 $0x1, s0;
	s5 =	rddreg [dreg:$0x8]  }
0x1d: {  	p0 =	sne.s32 s0, s5  }
.Ltmp1:
0x1e: {  	_ = 	snop;
	(pc) =	sbr.rel @!p0 .LBB2_5-.Ltmp1, $3  }
0x1f: {  	_ =	sdelay $0x1  }
0x20: {  	[sflag:s31] =	ssyncset.done $0x0  }
0x21: {  	[sflag:s31] =	ssyncadd.s32 $0xFFFFB000  }
.LBB2_1:
0x22: {  	s5 =	rddreg [dreg:$0x4]  }
0x23: {  	[tilespmem:s3], [sflag:$0x9] =	stream.linear.gather [hbm4b:s5+s3], $0xA0, $0x38;
	[tilespmem:$0x14400] =	vst v63  }
0x24: {  	_ =	swait.ge [sflag:s16], $0xA0  }
0x25: {  	[sflag:s16] =	ssyncset.done $0x0  }
0x26: {  	s9 =	rddreg [dreg:$0x5];
	[sflag:s16] =	ssyncadd.s32 $0xFFFFFF60  }
0x27: {  	[tilespmem:s17], [sflag:$0x9] =	stream.linear.gather [hbm4b:s9+s3], $0xA0, $0x38;
	[tilespmem:$0x14400] =	vst v63  }
0x28: {  	_ =	swait.ge [sflag:s16], $0xA0  }
0x29: {  	[sflag:s16] =	ssyncset.done $0x0  }
0x2a: {  	[sflag:s16] =	ssyncadd.s32 $0xFFFFFF60  }
0x2b: {  	[tilespmem:s19], [sflag:$0x1] =	stream.indirect.gather [hbm4b:s2+s18], $0x80, s3, s18, $0xb8;
	[tilespmem:$0x14400] =	vst v63  }
0x2c: {  	_ = 	snop  }
0x2d: {  	[tilespmem:s20], [sflag:$0x3] =	stream.indirect.gather [hbm4b:s4+s18], $0x80, s17, s18, $0xb8;
	[tilespmem:$0x14400] =	vst v63  }
0x2e: {  	s12 =	rddreg [dreg:$0x6]  }
0x2f: {  	[tilespmem:s21], [sflag:$0x9] =	stream.linear.gather [hbm4b:s12+s3], $0xA0, $0x38;
	[tilespmem:$0x14400] =	vst v63  }
0x30: {  	_ =	swait.ge [sflag:s16], $0xA0  }
0x31: {  	[sflag:s16] =	ssyncset.done $0x0  }
0x32: {  	s13 =	rddreg [dreg:$0x7];
	[sflag:s16] =	ssyncadd.s32 $0xFFFFFF60  }
0x33: {  	[tilespmem:s22], [sflag:$0x9] =	stream.linear.gather [hbm4b:s13+s3], $0xA0, $0x38;
	[tilespmem:$0x14400] =	vst v63  }
0x34: {  	_ =	swait.ge [sflag:s16], $0xA0  }
0x35: {  	[sflag:s16] =	ssyncset.done $0x0  }
0x36: {  	[sflag:s16] =	ssyncadd.s32 $0xFFFFFF60  }
0x37: {  	[tilespmem:s23], [sflag:$0x2] =	stream.indirect.gather [hbm4b:s2+s18], $0x80, s21, s18, $0xb8;
	[tilespmem:$0x14400] =	vst v63  }
0x38: {  	s6 =	simm.s32 $0x0;
	s13 =	smov.u32 s1;
	s12 =	rddreg [dreg:$0x9]  }
0x39: {  	[tilespmem:s24], [sflag:$0x4] =	stream.indirect.gather [hbm4b:s4+s18], $0x80, s22, s18, $0xb8;
	[tilespmem:$0x14400] =	vst v63  }
.LBB2_2:
0x3a: {  	_ =	swait.ge [sflag:s25], $0x5000  }
0x3b: {  	[sflag:s25] =	ssyncset.done $0x0  }
0x3c: {  	[sflag:s25] =	ssyncadd.s32 $0xFFFFB000  }
0x3d: {  	_ =	swait.ge [sflag:s26], $0x5000  }
0x3e: {  	[sflag:s26] =	ssyncset.done $0x0  }
0x3f: {  	s7 =	sadd.s32 $0xFFFFF600, s12;
	p0 =	seq.s32 s6, $0x4D8;
	[sflag:s26] =	ssyncadd.s32 $0xFFFFB000  }
0x40: {  	[hbm4b:s7+s3] =	stream.linear.scatter [tilespmem:s19], [sflag:$0x5], $0x5000, $0x38;
	[tilespmem:$0x14400] =	vst v63  }
0x41: {  	s9 =	sadd.s32 $0xFFFFF600, s13;
	s7 =	simm.s32 @p0 $0x5  }
0x42: {  	[hbm4b:s9+s3] =	stream.linear.scatter [tilespmem:s20], [sflag:$0x7], $0x5000, $0x38;
	[tilespmem:$0x14400] =	vst v63  }
0x43: {  	_ =	swait.ge @p0 [sflag:s7], $0x5000  }
0x44: {  	[sflag:s7] =	ssyncset.done @p0 $0x0  }
0x45: {  	[sflag:s7] =	ssyncadd.s32 @p0 $0xFFFFB000;
	s7 =	simm.s32 @p0 $0x7  }
0x46: {  	_ =	swait.ge @p0 [sflag:s7], $0x5000  }
0x47: {  	[sflag:s7] =	ssyncset.done @p0 $0x0  }
0x48: {  	s8 =	simm.s32 @!p0 $0x0;
	[sflag:s7] =	ssyncadd.s32 @p0 $0xFFFFB000;
	s7 =	sadd.s32 @!p0 s6, s15  }
0x49: {  	[tilespmem:s8], [sflag:$0x9] =	stream.linear.gather @!p0 [hbm4b:s7+s8], $0xA0, $0x38;
	[tilespmem:$0x14400] =	vst v63  }
0x4a: {  	s7 =	simm.s32 @!p0 $0x9  }
0x4b: {  	_ =	swait.ge @!p0 [sflag:s7], $0xA0  }
0x4c: {  	[sflag:s7] =	ssyncset.done @!p0 $0x0  }
0x4d: {  	s5 =	simm.s32 @!p0 $0x200;
	s9 =	sadd.s32 @!p0 s6, s14;
	[sflag:s7] =	ssyncadd.s32 @!p0 $0xFFFFFF60  }
0x4e: {  	[tilespmem:s5], [sflag:$0x9] =	stream.linear.gather @!p0 [hbm4b:s9+s8], $0xA0, $0x38;
	[tilespmem:$0x14400] =	vst v63  }
0x4f: {  	_ =	swait.ge @!p0 [sflag:s7], $0xA0  }
0x50: {  	[sflag:s7] =	ssyncset.done @!p0 $0x0  }
0x51: {  	[sflag:s7] =	ssyncadd.s32 @!p0 $0xFFFFFF60;
	s7 =	simm.s32 @!p0 $0x5  }
0x52: {  	_ =	swait.ge @!p0 [sflag:s7], $0x5000  }
0x53: {  	[sflag:s7] =	ssyncset.done @!p0 $0x0  }
0x54: {  	[sflag:s7] =	ssyncadd.s32 @!p0 $0xFFFFB000;
	s7 =	simm.s32 @!p0 $0x7  }
0x55: {  	_ =	swait.ge @!p0 [sflag:s7], $0x5000  }
0x56: {  	[sflag:s7] =	ssyncset.done @!p0 $0x0  }
0x57: {  	s9 =	simm.s32 @!p0 $0x400;
	[sflag:s7] =	ssyncadd.s32 @!p0 $0xFFFFB000;
	s7 =	simm.s32 @!p0 $0xA0  }
0x58: {  	[tilespmem:s9], [sflag:$0x1] =	stream.indirect.gather @!p0 [hbm4b:s2+s7], $0x80, s8, s7, $0xb8;
	[tilespmem:$0x14400] =	vst v63  }
0x59: {  	s8 =	simm.s32 @!p0 $0xA400  }
0x5a: {  	[tilespmem:s8], [sflag:$0x3] =	stream.indirect.gather @!p0 [hbm4b:s4+s7], $0x80, s5, s7, $0xb8;
	[tilespmem:$0x14400] =	vst v63  }
0x5b: {  	_ =	swait.ge [sflag:s28], $0x5000  }
0x5c: {  	[sflag:s28] =	ssyncset.done $0x0  }
0x5d: {  	[sflag:s28] =	ssyncadd.s32 $0xFFFFB000  }
0x5e: {  	_ =	swait.ge [sflag:s29], $0x5000  }
.Ltmp2:
0x5f: {  	[sflag:s29] =	ssyncset.done $0x0;
	(pc) =	sbr.rel @p0 .LBB2_4-.Ltmp2, $4  }
0x60: {  	[sflag:s29] =	ssyncadd.s32 $0xFFFFB000  }
0x61: {  	[hbm4b:s12+s3] =	stream.linear.scatter [tilespmem:s23], [sflag:$0x6], $0x5000, $0x38;
	[tilespmem:$0x14400] =	vst v63  }
0x62: {  	_ = 	snop  }
0x63: {  	[hbm4b:s13+s3] =	stream.linear.scatter [tilespmem:s24], [sflag:$0x8], $0x5000, $0x38;
	[tilespmem:$0x14400] =	vst v63  }
0x64: {  	s5 =	sadd.s32 s6, s11  }
0x65: {  	[tilespmem:s21], [sflag:$0x9] =	stream.linear.gather [hbm4b:s5+s3], $0xA0, $0x38;
	[tilespmem:$0x14400] =	vst v63  }
0x66: {  	_ =	swait.ge [sflag:s16], $0xA0  }
0x67: {  	[sflag:s16] =	ssyncset.done $0x0  }
0x68: {  	s9 =	sadd.s32 s6, s10;
	[sflag:s16] =	ssyncadd.s32 $0xFFFFFF60  }
0x69: {  	[tilespmem:s22], [sflag:$0x9] =	stream.linear.gather [hbm4b:s9+s3], $0xA0, $0x38;
	[tilespmem:$0x14400] =	vst v63  }
0x6a: {  	_ =	swait.ge [sflag:s16], $0xA0  }
0x6b: {  	[sflag:s16] =	ssyncset.done $0x0  }
0x6c: {  	[sflag:s16] =	ssyncadd.s32 $0xFFFFFF60  }
0x6d: {  	_ =	swait.ge [sflag:s30], $0x5000  }
0x6e: {  	[sflag:s30] =	ssyncset.done $0x0  }
0x6f: {  	[sflag:s30] =	ssyncadd.s32 $0xFFFFB000  }
0x70: {  	_ =	swait.ge [sflag:s31], $0x5000  }
.Ltmp3:
0x71: {  	[sflag:s31] =	ssyncset.done $0x0;
	(pc) =	sbr.rel .LBB2_2-.Ltmp3, $4  }
0x72: {  	[sflag:s31] =	ssyncadd.s32 $0xFFFFB000  }
0x73: {  	[tilespmem:s23], [sflag:$0x2] =	stream.indirect.gather [hbm4b:s2+s18], $0x80, s21, s18, $0xb8;
	[tilespmem:$0x14400] =	vst v63  }
0x74: {  	s6 =	sadd.s32 $0x28, s6;
	s12 =	sadd.s32 $0x1400, s12;
	s13 =	sadd.s32 $0x1400, s13  }
0x75: {  	[tilespmem:s24], [sflag:$0x4] =	stream.indirect.gather [hbm4b:s4+s18], $0x80, s22, s18, $0xb8;
	[tilespmem:$0x14400] =	vst v63  }
.LBB2_5:
0x76: {  	_ =	sfence.sel $0x180000  }
0x77: {  	[bflag:$0x0] =	sbarrier.arrive $0xFFFF  }
0x78: {  	_ =	strace $0x90000056  }
0x79: {  	s0 =	stileid.u32;
	[bflag:$0x2] =	sbarrier.arrive $0xFFFF  }
0x7a: {  	p0 =	sne.s32 s0, $0x0;
	s0 =	rddreg [dreg:$0x3]  }
0x7b: {  	s0 =	sadd.s32 @!p0 $0x100000, s0  }
0x7c: {  	[sflag:s0] =	ssyncadd.tile.s32 @!p0 $0x1;
	_ =	shalt  }
.Lfunc_end2:
_tile_overlayer_lowered:
.L_overlay_start_2:
0x7d: {  	(tag) =	ssettag $0x2  }
0x7e: {  	s0 =	rddreg [dreg:$0x0];
	s2 =	stileid.u32  }
0x7f: {  	s1 =	rddreg [dreg:$0x1];
	p0 =	sne.s32 s2, $0x0  }
0x80: {  	s3 =	rddreg [dreg:$0x2];
	[bflag:$0x3] =	sbarrier.arrive $0xFFFF;
	s2 =	simm.s32 @!p0 $0x1C09  }
0x81: {  	[timem:s3], [sflag:s2] =	dma.local @!p0 [hbm:s0], s1  }
0x82: {  	s0 =	simm.s32 @!p0 $0x9  }
0x83: {  	_ =	swait.ge @!p0 [sflag:s0], s1  }
0x84: {  	s1 =	ssub.s32 @!p0 $0x0, s1;
	[sflag:s0] =	ssyncset.done @!p0 $0x0  }
0x85: {  	[sflag:s0] =	ssyncadd.s32 @!p0 s1  }
0x86: {  	[bflag:$0x3] =	sbarrier.arrive $0xFFFF  }
0x87: {  	_ =	shalt  }

// kernel: kernel.34.cloned.1.call-start
scs
__scs_entry_jumppad:
0x0: {  	(pc) =	sbr.rel $0x88, $3  }
0x1: {  	(tag) =	ssettag $0x0;
	lr =	simm.s32 $0x1  }
0x2: {  	[smem:$0x3F8C] =	sst lr;
	_ =	strace $0xD0000000  }
0x3: {  	_ = 	snop  }
0x4: {  	_ = 	snop  }
0x5: {  	_ = 	snop  }
0x6: {  	_ = 	snop  }
0x7: {  	_ = 	snop  }
__scs_overlays_trampoline_lowered:
0x8: {  	[smem:$0x3F9B] =	sst s0  }
0x9: {  	[smem:$0x3F9C] =	sst s1  }
0xa: {  	[smem:$0x3F9D] =	sst s2  }
0xb: {  	[smem:$0x3F9E] =	sst s3  }
0xc: {  	[smem:$0x3F9F] =	sst s4  }
0xd: {  	[smem:$0x3FA0] =	sst s5  }
0xe: {  	[smem:$0x3FA1] =	sst s6  }
0xf: {  	[smem:$0x3FA2] =	sst s7  }
0x10: {  	[smem:$0x3FA3] =	sst s8  }
0x11: {  	[smem:$0x3FA4] =	sst s9;
	s0 =	simm.s32 @!p0 $0x0  }
0x12: {  	s1 =	sld [smem:$0x3F8A];
	s0 =	simm.s32 @p0 $0x1  }
0x13: {  	[smem:$0x3FA5] =	sst s0;
	s0 =	simm.s32 @!p1 $0x0  }
0x14: {  	s2 =	sld [smem:$0x3F89];
	s0 =	simm.s32 @p1 $0x1  }
0x15: {  	[smem:$0x3FA6] =	sst s0;
	s0 =	simm.s32 @!p2 $0x0  }
0x16: {  	s3 =	sld [smem:$0x3FDB];
	s0 =	simm.s32 @p2 $0x1  }
0x17: {  	s4 =	simm.s32 $0x1BF5;
	[smem:$0x3FA8] =	sst s0  }
0x18: {  	s0 =	sld [smem:$0x3F8B];
	_ =	swait.ge [sflag:s4], $0x0  }
0x19: {  	s7 =	sld [smem:$0x3F8C]  }
0x1a: {  	s8 =	sadd.s32 $0xFFFFE003, lr  }
0x1b: {  	s9 =	sadd.s32 $0xFFFFFEF7, lr;
	s5 =	simm.s32 $0xFFFFFFFF;
	p2 =	slt.u32 s8, $0xFFFFF086  }
0x1c: {  	p1 =	slt.u32 s9, $0xF7A;
	s5 =	simm.s32 @!p2 $0x0  }
0x1d: {  	s5 =	simm.s32 @p1 $0x1;
	p0 =	seq.s32 s7, s2  }
0x1e: {  	s7 =	smul.u32 @!p0 $0xF7A, s2;
	p2 =	seq.s32 @!p0 s5, $0x0  }
0x1f: {  	s9 =	smul.u32 $0xF7A, s1;
	s8 =	simm.s32 @!p0 $0x1BF5;
	p2 =	por !p2, p0  }
0x20: {  	[sflag:s8] =	ssyncset.s32 @!p0 $0xFFFFF086;
	s6 =	sadd.s32 @!p0 s3, s7;
	s7 =	simm.s32 @!p0 $0x108  }
0x21: {  	s3 =	sadd.s32 s3, s9;
	s6 =	sadd.s32 @!p0 $0x88, s6;
	s7 =	simm.s32 @p2 $0x1082  }
0x22: {  	[simem:s7], [sflag:s8] =	dma.local @!p0 [hbm:s6], $0xF7A  }
0x23: {  	s9 =	sor.u32 $0xD0000000, s2;
	s6 =	simm.s32 $0x108;
	_ =	swait.ge @!p0 [sflag:s8], $0x0  }
0x24: {  	s3 =	sadd.s32 $0x88, s3;
	s6 =	simm.s32 @!p1 $0x1082;
	[sflag:s4] =	ssyncset.s32 $0xFFFFF086  }
0x25: {  	[simem:s6], [sflag:s4] =	dma.local [hbm:s3], $0xF7A  }
0x26: {  	[smem:$0x3F8C] =	sst s1;
	(tag) =	ssettag s2;
	_ =	strace s9  }
0x27: {  	s1 =	sld [smem:$0x3F9C]  }
0x28: {  	s2 =	sld [smem:$0x3F9D]  }
0x29: {  	s4 =	sld [smem:$0x3F9F]  }
0x2a: {  	p0 =	seq.s32 s5, $0x0;
	s5 =	sld [smem:$0x3FA0]  }
0x2b: {  	s6 =	sld [smem:$0x3FA1]  }
0x2c: {  	s7 =	sld [smem:$0x3FA2]  }
0x2d: {  	s3 =	simm.s32 $0x108;
	s8 =	sld [smem:$0x3FA3]  }
0x2e: {  	s3 =	simm.s32 @!p0 $0x1082;
	s9 =	sld [smem:$0x3FA4]  }
0x2f: {  	lr =	sadd.s32 s0, s3;
	s0 =	sld [smem:$0x3F9B]  }
0x30: {  	s3 =	sld [smem:$0x3F9E]  }
0x31: {  	[smem:$0x3FA7] =	sst s10  }
0x32: {  	s10 =	sld [smem:$0x3FA5];
	_ =	sdelay $0x3  }
0x33: {  	p0 =	seq.s32 s10, $0x1;
	s10 =	sld [smem:$0x3FA7];
	_ =	sdelay $0x3  }
0x34: {  	[smem:$0x3FA7] =	sst s10  }
0x35: {  	s10 =	sld [smem:$0x3FA6];
	_ =	sdelay $0x3  }
0x36: {  	p1 =	seq.s32 s10, $0x1;
	s10 =	sld [smem:$0x3FA7];
	_ =	sdelay $0x3  }
0x37: {  	[smem:$0x3FA7] =	sst s10  }
0x38: {  	s10 =	sld [smem:$0x3FA8]  }
0x39: {  	_ = 	snop;
	(pc) =	sbr.ind lr, $3  }
0x3a: {  	_ = 	snop  }
0x3b: {  	_ = 	snop  }
0x3c: {  	p2 =	seq.s32 s10, $0x1;
	s10 =	sld [smem:$0x3FA7]  }
0x3d: {  	_ =	shalt  }
0x3e: {  	_ =	shalt  }
0x3f: {  	_ =	shalt  }
0x40: {  	_ =	shalt  }
0x41: {  	_ =	shalt  }
0x42: {  	_ =	shalt  }
0x43: {  	_ =	shalt  }
0x44: {  	_ =	shalt  }
0x45: {  	_ =	shalt  }
0x46: {  	_ =	shalt  }
0x47: {  	_ =	shalt  }
0x48: {  	_ =	shalt  }
0x49: {  	_ =	shalt  }
0x4a: {  	_ =	shalt  }
0x4b: {  	_ =	shalt  }
0x4c: {  	_ =	shalt  }
0x4d: {  	_ =	shalt  }
0x4e: {  	_ =	shalt  }
0x4f: {  	_ =	shalt  }
0x50: {  	_ =	shalt  }
0x51: {  	_ =	shalt  }
0x52: {  	_ =	shalt  }
0x53: {  	_ =	shalt  }
0x54: {  	_ =	shalt  }
0x55: {  	_ =	shalt  }
0x56: {  	_ =	shalt  }
0x57: {  	_ =	shalt  }
0x58: {  	_ =	shalt  }
0x59: {  	_ =	shalt  }
0x5a: {  	_ =	shalt  }
0x5b: {  	_ =	shalt  }
0x5c: {  	_ =	shalt  }
0x5d: {  	_ =	shalt  }
0x5e: {  	_ =	shalt  }
0x5f: {  	_ =	shalt  }
0x60: {  	_ =	shalt  }
0x61: {  	_ =	shalt  }
0x62: {  	_ =	shalt  }
0x63: {  	_ =	shalt  }
0x64: {  	_ =	shalt  }
0x65: {  	_ =	shalt  }
0x66: {  	_ =	shalt  }
0x67: {  	_ =	shalt  }
0x68: {  	_ =	shalt  }
0x69: {  	_ =	shalt  }
0x6a: {  	_ =	shalt  }
0x6b: {  	_ =	shalt  }
0x6c: {  	_ =	shalt  }
0x6d: {  	_ =	shalt  }
0x6e: {  	_ =	shalt  }
0x6f: {  	_ =	shalt  }
0x70: {  	_ =	shalt  }
0x71: {  	_ =	shalt  }
0x72: {  	_ =	shalt  }
0x73: {  	_ =	shalt  }
0x74: {  	_ =	shalt  }
0x75: {  	_ =	shalt  }
0x76: {  	_ =	shalt  }
0x77: {  	_ =	shalt  }
0x78: {  	_ =	shalt  }
0x79: {  	_ =	shalt  }
0x7a: {  	_ =	shalt  }
0x7b: {  	_ =	shalt  }
0x7c: {  	_ =	shalt  }
0x7d: {  	_ =	shalt  }
0x7e: {  	_ =	shalt  }
0x7f: {  	_ =	shalt  }
0x80: {  	_ =	shalt  }
0x81: {  	_ =	shalt  }
0x82: {  	_ =	shalt  }
0x83: {  	_ =	shalt  }
0x84: {  	_ =	shalt  }
0x85: {  	_ =	shalt  }
0x86: {  	_ =	shalt  }
0x87: {  	_ =	shalt  }
.Lfunc_end0:
.L_simem_size_0:
called_computation.7_lowered:
.L_overlay_start_0:
0x88: {  	s2 =	sld [smem:$0x3FD9]  }
0x89: {  	s3 =	sld [smem:$0x3FFE];
	_ =	sdelay $0x1  }
0x8a: {  	s1 =	srdreg.scid  }
0x8b: {  	s0 =	sand.u32 $0x1, s1  }
0x8c: {  	s16 =	sshll.u32 s0, $0xA;
	s2 =	sadd.s32 s3, s2  }
0x8d: {  	s2 =	sadd.s32 s2, s16  }
0x8e: {  	[smem:$0x3FB3] =	sst s2  }
0x8f: {  	_ = 	snop  }
0x90: {  	(tm) =	ssettm $0x1  }
0x91: {  	s17 =	sld [smem:$0x3FFB];
	_ =	sdelay $0x3  }
0x92: {  	_ =	strace s17  }
0x93: {  	s2 =	sld [smem:$0x3FFC];
	_ =	sdelay $0x3  }
0x94: {  	_ =	strace s2  }
0x95: {  	s2 =	sld [smem:$0x3FFD];
	_ =	sdelay $0x3  }
0x96: {  	_ =	strace s2  }
0x97: {  	_ =	strace $0x8FFFFFFF  }
0x98: {  	s18 =	sld [smem:$0x3FDB];
	_ =	sdelay $0x1  }
0x99: {  	s19 =	simm.s32 $_scs_section_size  }
0x9a: {  	s4 =	simm.s32 $_size__tile_overlayer_lowered;
	s5 =	simm.s32 $_tile_overlayer_lowered  }
0x9b: {  	s22 =	simm.s32 $0x1BFF;
	s21 =	sshll.u32 s5, $0x1;
	s2 =	sadd.s32 s19, s18  }
0x9c: {  	s6 =	simm.s32 $0x0;
	s20 =	sshll.u32 s4, $0x1;
	s4 =	sadd.s32 s21, s2  }
0x9d: {  	[timem:s6], [sflag:s22] =	dma.local [hbm:s4], s20  }
0x9e: {  	_ =	swait.ge [sflag:s22], s20  }
0x9f: {  	s3 =	ssub.s32 $0x0, s20;
	[sflag:s22] =	ssyncset.done $0x0  }
0xa0: {  	[sflag:s22] =	ssyncadd.s32 s3;
	_ =	sdelay $0x1  }
0xa1: {  	s23 =	simm.s32 $0x1B8B  }
0xa2: {  	_ =	swait.ge [sflag:s23], $0x1  }
0xa3: {  	[sflag:s23] =	ssyncset.done $0x0  }
0xa4: {  	s25 =	simm.s32 $0x1B8E;
	s24 =	sld [smem:$0x3FFE];
	[sflag:s23] =	ssyncadd.s32 $0xFFFFFFFF  }
0xa5: {  	s26 =	simm.s32 $execute0_lowered;
	[smem:$0x3FD2] =	sst s25  }
0xa6: {  	s4 =	sshll.u32 s26, $0x1;
	_ =	strace $0x80000058;
	[dreg:$0x1] =	wrdreg $0xFFFFFFFF  }
0xa7: {  	s28 =	simm.s32 $_size_execute0_lowered;
	s2 =	sadd.s32 s2, s4;
	[dreg:$0x0] =	wrdreg $0x0  }
0xa8: {  	s4 =	sshll.u32 s28, $0x1;
	[dreg:$0x2] =	wrdreg s2  }
0xa9: {  	[dreg:$0x3] =	wrdreg s4  }
0xaa: {  	[dreg:$0x4] =	wrdreg $0xC0  }
0xab: {  	_ =	task [dreg:s6], $0x5FFFF  }
0xac: {  	[dreg:$0x1] =	wrdreg $0xFFFFFFFF  }
0xad: {  	[dreg:$0x0] =	wrdreg $0x60  }
0xae: {  	[dreg:$0x2] =	wrdreg s24  }
0xaf: {  	[dreg:$0x3] =	wrdreg $0x81000  }
0xb0: {  	[dreg:$0x4] =	wrdreg $0xA  }
0xb1: {  	_ =	task.clear_ibuf [dreg:s6], $0x5FFFF;
	_ =	strace $0x90000058  }
0xb2: {  	s29 =	simm.s32 $0xA;
	_ =	strace $0x8000005A  }
0xb3: {  	_ =	swait.ge [sflag:s29], $0x1  }
0xb4: {  	[sflag:s29] =	ssyncadd.s32 $0xFFFFFFFF  }
0xb5: {  	_ =	strace $0x9000005A  }
0xb6: {  	_ =	sfence  }
0xb7: {  	s30 =	sld [smem:$0x0];
	_ =	sdelay $0x2  }
0xb8: {  	s31 =	sshll.u32 s1, $0xD;
	s1 =	sshrl.u32 s1, $0x2  }
0xb9: {  	s3 =	sand.u32 $0x4000, s31;
	s1 =	sadd.s32 s1, s30  }
0xba: {  	s0 =	sor.u32 s3, s0;
	s1 =	sshll.u32 s1, $0x11  }
0xbb: {  	s0 =	sor.u32 s1, s0  }
0xbc: {  	s0 =	sadd.s32 $0x8F2B, s0  }
0xbd: {  	[sflag:s0] =	ssyncadd.remote.s32 $0x1  }
0xbe: {  	_ =	sfence.sel $0xFFFF  }
0xbf: {  	[dreg:$0x0] =	wrdreg $0xFFFFFFFF;
	(pc) =	sbr.abs _section_cstart, $3  }
0xc0: {  	[dreg:$0x1] =	wrdreg $0xFFFFFFFF  }
0xc1: {  	_ =	task.clear_ibuf [dreg:s6], $0x2FFFF;
	_ =	strace $0x9FFFFFFF  }
0xc2: {  	(tm) =	ssettm $0x7FFFFFFF  }
0xc3: {  	_ =	shalt  }
tec
execute0_lowered:
.L_overlay_start_1:
0x0: {  	(tag) =	ssettag $0x1  }
0x1: {  	s4 =	rddreg [dreg:$0x0]  }
0x2: {  	s2 =	rddreg [dreg:$0x1]  }
0x3: {  	s0 =	rddreg [dreg:$0x2];
	s1 =	stileid.u32  }
0x4: {  	s6 =	srdreg.scid;
	s3 =	simm.s32 $0x0;
	s5 =	smul.u32 $0x50000, s1  }
0x5: {  	s15 =	simm.s32 $0x4100;
	s16 =	simm.s32 $0x0;
	s7 =	smul.u32 $0x2800, s1  }
0x6: {  	s6 =	sand.u32 $0x1, s6;
	[smem:$0x7FF] =	sst s3;
	s12 =	smul.u32 $0x5000, s1  }
0x7: {  	s10 =	sadd.s32 $0x14800, s4;
	s29 =	sshll.u32 s1, $0x6;
	s8 =	smul.u32 $0x28000, s6  }
0x8: {  	_ =	strace $0x80000059;
	s28 =	ssub.s32 $0x2, s6;
	s6 =	smul.u32 $0x2800, s6  }
0x9: {  	s9 =	sadd.s32 s5, s4;
	s11 =	sadd.s32 s7, s4;
	s13 =	sshrl.u32 s28, $0x1  }
0xa: {  	s5 =	sshrl.u32 s5, $0x2;
	s7 =	sadd.s32 s7, s8;
	s13 =	ssub.s32 s28, s13  }
0xb: {  	s14 =	sadd.s32 s5, s2;
	s5 =	sor.u32 $0x1C01, s29;
	s30 =	sadd.s32 s6, s12  }
0xc: {  	s8 =	sadd.s32 s8, s9;
	s7 =	sadd.s32 s7, s4;
	s4 =	sadd.s32 $0x1E800, s11  }
0xd: {  	s12 =	sor.u32 $0x80, s30;
	s11 =	sshrl.u32 s30, $0x3;
	s8 =	sadd.s32 $0x14E5C00, s8  }
0xe: {  	s6 =	sadd.s32 $0xFE5400, s7;
	s7 =	smax.u32 s13, $0x1;
	s31 =	sshrl.u32 s12, $0x3  }
0xf: {  	s12 =	simm.s32 $0x1;
	s13 =	simm.s32 $0x100;
	s9 =	sadd.s32 s31, s10  }
0x10: {  	s10 =	sadd.s32 s11, s10;
	s11 =	sshrl.u32 s14, $0x3;
	s14 =	simm.s32 $0x80  }
.LBB2_1:
0x11: {  	[spmem:s11], [sflag:s5] =	dma.local [hbm:s4], $0x2800  }
0x12: {  	_ =	swait.ge [sflag:s12], $0x2800  }
0x13: {  	[sflag:s12] =	ssyncset.done $0x0  }
0x14: {  	[sflag:s12] =	ssyncadd.s32 $0xFFFFD800  }
0x15: {  	s17 =	sadd.s32 $0x0, s10;
	[bflag:$0x0] =	sbarrier.arrive $0xFFFF  }
0x16: {  	[tilespmem:s3], [sflag:$0x1] =	stream.linear.gather [hbm4b:s17+s3], $0x80, $0x38;
	[tilespmem:$0x12100] =	vst v63  }
0x17: {  	_ =	swait.ge [sflag:s12], $0x80  }
0x18: {  	[sflag:s12] =	ssyncset.done $0x0  }
0x19: {  	s30 =	sadd.s32 $0xFFFFF800, s8;
	[sflag:s12] =	ssyncadd.s32 $0xFFFFFF80  }
0x1a: {  	[tilespmem:s13], [sflag:$0x1] =	stream.linear.gather [hbm4b:s30+s3], $0x4000, $0x38;
	[tilespmem:$0x12100] =	vst v63  }
0x1b: {  	_ =	swait.ge [sflag:s12], $0x4000  }
0x1c: {  	[sflag:s12] =	ssyncset.done $0x0  }
0x1d: {  	[sflag:s12] =	ssyncadd.s32 $0xFFFFC000  }
0x1e: {  	[spmem:s2] =	stream.indirect.scatter.add.f32 [tilespmem:s13], [sflag:$0x1], $0x40, s3, s14, $0xb8;
	[tilespmem:$0x12100] =	vst v63  }
0x1f: {  	_ =	swait.ge [sflag:s12], $0x2000  }
0x20: {  	[sflag:s12] =	ssyncset.done $0x0  }
0x21: {  	s31 =	sadd.s32 $0x0, s9;
	[sflag:s12] =	ssyncadd.s32 $0xFFFFE000  }
0x22: {  	[tilespmem:s14], [sflag:$0x1] =	stream.linear.gather [hbm4b:s31+s3], $0x80, $0x38;
	[tilespmem:$0x12100] =	vst v63  }
0x23: {  	_ =	swait.ge [sflag:s12], $0x80  }
0x24: {  	[sflag:s12] =	ssyncset.done $0x0  }
0x25: {  	[sflag:s12] =	ssyncadd.s32 $0xFFFFFF80  }
0x26: {  	[tilespmem:s15], [sflag:$0x1] =	stream.linear.gather [hbm4b:s8+s3], $0x4000, $0x38;
	[tilespmem:$0x12100] =	vst v63  }
0x27: {  	_ =	swait.ge [sflag:s12], $0x4000  }
0x28: {  	[sflag:s12] =	ssyncset.done $0x0  }
0x29: {  	[sflag:s12] =	ssyncadd.s32 $0xFFFFC000  }
0x2a: {  	[spmem:s2] =	stream.indirect.scatter.add.f32 [tilespmem:s15], [sflag:$0x1], $0x40, s14, s14, $0xb8;
	[tilespmem:$0x12100] =	vst v63  }
0x2b: {  	s18 =	simm.s32 $0x20;
	_ =	swait.ge [sflag:s12], $0x2000  }
0x2c: {  	s19 =	simm.s32 $0x40;
	s17 =	sadd.s32 $0x1000, s8;
	[sflag:s12] =	ssyncset.done $0x0  }
.LBB2_2:
0x2d: {  	s20 =	sadd.s32 s18, s10  }
0x2e: {  	[sflag:s12] =	ssyncadd.s32 $0xFFFFE000;
	s21 =	smov.u32 s19;
	s22 =	sadd.s32 $0x20, s19  }
0x2f: {  	[tilespmem:s3], [sflag:$0x1] =	stream.linear.gather [hbm4b:s20+s3], $0x80, $0x38;
	[tilespmem:$0x12100] =	vst v63  }
0x30: {  	p0 =	sne.s32 s19, $0x4E0;
	_ =	swait.ge [sflag:s12], $0x80  }
0x31: {  	[sflag:s12] =	ssyncset.done $0x0  }
0x32: {  	s19 =	sadd.s32 $0xFFFFF800, s17;
	[sflag:s12] =	ssyncadd.s32 $0xFFFFFF80  }
0x33: {  	[tilespmem:s13], [sflag:$0x1] =	stream.linear.gather [hbm4b:s19+s3], $0x4000, $0x38;
	[tilespmem:$0x12100] =	vst v63  }
0x34: {  	_ =	swait.ge [sflag:s12], $0x4000  }
0x35: {  	[sflag:s12] =	ssyncset.done $0x0  }
0x36: {  	[sflag:s12] =	ssyncadd.s32 $0xFFFFC000  }
0x37: {  	[spmem:s2] =	stream.indirect.scatter.add.f32 [tilespmem:s13], [sflag:$0x1], $0x40, s3, s14, $0xb8;
	[tilespmem:$0x12100] =	vst v63  }
0x38: {  	_ =	swait.ge [sflag:s12], $0x2000  }
0x39: {  	[sflag:s12] =	ssyncset.done $0x0  }
0x3a: {  	s19 =	sadd.s32 s18, s9;
	s18 =	smov.u32 s21;
	[sflag:s12] =	ssyncadd.s32 $0xFFFFE000  }
0x3b: {  	[tilespmem:s14], [sflag:$0x1] =	stream.linear.gather [hbm4b:s19+s3], $0x80, $0x38;
	[tilespmem:$0x12100] =	vst v63  }
0x3c: {  	_ =	swait.ge [sflag:s12], $0x80  }
0x3d: {  	[sflag:s12] =	ssyncset.done $0x0  }
0x3e: {  	[sflag:s12] =	ssyncadd.s32 $0xFFFFFF80  }
0x3f: {  	[tilespmem:s15], [sflag:$0x1] =	stream.linear.gather [hbm4b:s17+s3], $0x4000, $0x38;
	[tilespmem:$0x12100] =	vst v63  }
0x40: {  	_ =	swait.ge [sflag:s12], $0x4000  }
.Ltmp0:
0x41: {  	[sflag:s12] =	ssyncset.done $0x0;
	(pc) =	sbr.rel @p0 .LBB2_2-.Ltmp0, $4  }
0x42: {  	[sflag:s12] =	ssyncadd.s32 $0xFFFFC000  }
0x43: {  	[spmem:s2] =	stream.indirect.scatter.add.f32 [tilespmem:s15], [sflag:$0x1], $0x40, s14, s14, $0xb8;
	[tilespmem:$0x12100] =	vst v63  }
0x44: {  	_ =	swait.ge [sflag:s12], $0x2000  }
0x45: {  	s19 =	smov.u32 s22;
	s17 =	sadd.s32 $0x1000, s17;
	[sflag:s12] =	ssyncset.done $0x0  }
0x46: {  	s19 =	sadd.s32 s18, s10;
	[sflag:s12] =	ssyncadd.s32 $0xFFFFE000  }
0x47: {  	[tilespmem:s3], [sflag:$0x1] =	stream.linear.gather [hbm4b:s19+s3], $0x80, $0x38;
	[tilespmem:$0x12100] =	vst v63  }
0x48: {  	_ =	swait.ge [sflag:s12], $0x80  }
0x49: {  	[sflag:s12] =	ssyncset.done $0x0  }
0x4a: {  	s30 =	sadd.s32 $0xFFFFF800, s17;
	[sflag:s12] =	ssyncadd.s32 $0xFFFFFF80  }
0x4b: {  	[tilespmem:s13], [sflag:$0x1] =	stream.linear.gather [hbm4b:s30+s3], $0x4000, $0x38;
	[tilespmem:$0x12100] =	vst v63  }
0x4c: {  	_ =	swait.ge [sflag:s12], $0x4000  }
0x4d: {  	[sflag:s12] =	ssyncset.done $0x0  }
0x4e: {  	[sflag:s12] =	ssyncadd.s32 $0xFFFFC000  }
0x4f: {  	[spmem:s2] =	stream.indirect.scatter.add.f32 [tilespmem:s13], [sflag:$0x1], $0x40, s3, s14, $0xb8;
	[tilespmem:$0x12100] =	vst v63  }
0x50: {  	_ =	swait.ge [sflag:s12], $0x2000  }
0x51: {  	[sflag:s12] =	ssyncset.done $0x0  }
0x52: {  	s31 =	sadd.s32 s18, s9;
	[sflag:s12] =	ssyncadd.s32 $0xFFFFE000  }
0x53: {  	[tilespmem:s14], [sflag:$0x1] =	stream.linear.gather [hbm4b:s31+s3], $0x80, $0x38;
	[tilespmem:$0x12100] =	vst v63  }
0x54: {  	_ =	swait.ge [sflag:s12], $0x80  }
0x55: {  	[sflag:s12] =	ssyncset.done $0x0  }
0x56: {  	[sflag:s12] =	ssyncadd.s32 $0xFFFFFF80  }
0x57: {  	[tilespmem:s15], [sflag:$0x1] =	stream.linear.gather [hbm4b:s17+s3], $0x4000, $0x38;
	[tilespmem:$0x12100] =	vst v63  }
0x58: {  	_ =	swait.ge [sflag:s12], $0x4000  }
0x59: {  	[sflag:s12] =	ssyncset.done $0x0  }
0x5a: {  	[sflag:s12] =	ssyncadd.s32 $0xFFFFC000  }
0x5b: {  	[spmem:s2] =	stream.indirect.scatter.add.f32 [tilespmem:s15], [sflag:$0x1], $0x40, s14, s14, $0xb8;
	[tilespmem:$0x12100] =	vst v63  }
0x5c: {  	_ =	swait.ge [sflag:s12], $0x2000  }
0x5d: {  	s16 =	sadd.s32 $0x1, s16;
	[sflag:s12] =	ssyncset.done $0x0  }
0x5e: {  	p0 =	sne.s32 s16, s7;
	[sflag:s12] =	ssyncadd.s32 $0xFFFFE000  }
.Ltmp1:
0x5f: {  	[bflag:$0x0] =	sbarrier.arrive $0xFFFF;
	(pc) =	sbr.rel @p0 .LBB2_1-.Ltmp1, $4  }
0x60: {  	[hbm:s6], [sflag:s5] =	dma.local [spmem:s11], $0x2800  }
0x61: {  	_ =	swait.ge [sflag:s12], $0x2800  }
0x62: {  	[sflag:s12] =	ssyncset.done $0x0  }
0x63: {  	[sflag:s12] =	ssyncadd.s32 $0xFFFFD800  }
0x64: {  	_ =	sfence.sel $0x180000  }
0x65: {  	[bflag:$0x0] =	sbarrier.arrive $0xFFFF  }
0x66: {  	p0 =	sne.s32 s1, $0x0;
	_ =	strace $0x90000059  }
0x67: {  	s0 =	sadd.s32 @!p0 $0x100000, s0;
	[bflag:$0x2] =	sbarrier.arrive $0xFFFF  }
0x68: {  	[sflag:s0] =	ssyncadd.tile.s32 @!p0 $0x1;
	_ =	shalt  }
.Lfunc_end2:
_tile_overlayer_lowered:
.L_overlay_start_2:
0x69: {  	(tag) =	ssettag $0x2  }
0x6a: {  	s0 =	rddreg [dreg:$0x0];
	s2 =	stileid.u32  }
0x6b: {  	s1 =	rddreg [dreg:$0x1];
	p0 =	sne.s32 s2, $0x0  }
0x6c: {  	s3 =	rddreg [dreg:$0x2];
	[bflag:$0x3] =	sbarrier.arrive $0xFFFF;
	s2 =	simm.s32 @!p0 $0x1C01  }
0x6d: {  	[timem:s3], [sflag:s2] =	dma.local @!p0 [hbm:s0], s1  }
0x6e: {  	s0 =	simm.s32 @!p0 $0x1  }
0x6f: {  	_ =	swait.ge @!p0 [sflag:s0], s1  }
0x70: {  	s1 =	ssub.s32 @!p0 $0x0, s1;
	[sflag:s0] =	ssyncset.done @!p0 $0x0  }
0x71: {  	[sflag:s0] =	ssyncadd.s32 @!p0 s1  }
0x72: {  	[bflag:$0x3] =	sbarrier.arrive $0xFFFF  }
0x73: {  	_ =	shalt  }

// kernel: sparse-core-data-format-call.cloned.1.call-start
scs
called_computation_lowered:
.L_overlay_start_0:
0x0: {  	s2 =	sld [smem:$0x3FD9]  }
0x1: {  	s3 =	sld [smem:$0x3FFE];
	_ =	sdelay $0x1  }
0x2: {  	s1 =	srdreg.scid  }
0x3: {  	s0 =	sand.u32 $0x1, s1  }
0x4: {  	s16 =	sshll.u32 s0, $0xA;
	s2 =	sadd.s32 s3, s2  }
0x5: {  	s2 =	sadd.s32 s2, s16  }
0x6: {  	[smem:$0x3FB3] =	sst s2  }
0x7: {  	_ = 	snop  }
0x8: {  	s2 =	sld [smem:$0x3FD0];
	_ =	sdelay $0x2  }
0x9: {  	s17 =	simm.s32 $0xB;
	s4 =	simm.s32 $0x10  }
0xa: {  	[smem:s4], [sflag:s17] =	dma.local [hbm:s2], $0x1  }
0xb: {  	_ =	swait.eq [sflag:s17], $0x1  }
0xc: {  	[sflag:s17] =	ssyncset.done $0x0  }
0xd: {  	[sflag:s17] =	ssyncadd.s32 $0xFFFFFFFF  }
0xe: {  	s18 =	sld [smem:$0x11];
	(tm) =	ssettm $0x1  }
0xf: {  	s19 =	sld [smem:$0x3FFB];
	_ =	sdelay $0x3  }
0x10: {  	_ =	strace s19  }
0x11: {  	s2 =	sld [smem:$0x3FFC];
	_ =	sdelay $0x3  }
0x12: {  	_ =	strace s2  }
0x13: {  	s2 =	sld [smem:$0x3FFD];
	_ =	sdelay $0x3  }
0x14: {  	_ =	strace s2  }
0x15: {  	_ =	strace $0x8FFFFFFF  }
0x16: {  	s20 =	sld [smem:$0x3FDB];
	_ =	sdelay $0x1  }
0x17: {  	s21 =	simm.s32 $_scs_section_size  }
0x18: {  	s5 =	simm.s32 $_size__tile_overlayer_lowered;
	s6 =	simm.s32 $_tile_overlayer_lowered  }
0x19: {  	s7 =	simm.s32 $0x1BFF;
	s22 =	sshll.u32 s6, $0x1;
	s4 =	sadd.s32 s21, s20  }
0x1a: {  	s23 =	simm.s32 $0x0;
	s5 =	sshll.u32 s5, $0x1;
	s6 =	sadd.s32 s22, s4  }
0x1b: {  	[timem:s23], [sflag:s7] =	dma.local [hbm:s6], s5  }
0x1c: {  	_ =	swait.ge [sflag:s7], s5  }
0x1d: {  	s5 =	ssub.s32 $0x0, s5;
	[sflag:s7] =	ssyncset.done $0x0  }
0x1e: {  	[sflag:s7] =	ssyncadd.s32 s5;
	_ =	sdelay $0x1  }
0x1f: {  	s24 =	simm.s32 $0x1B8B  }
0x20: {  	_ =	swait.ge [sflag:s24], $0x1  }
0x21: {  	[sflag:s24] =	ssyncset.done $0x0  }
0x22: {  	[sflag:s24] =	ssyncadd.s32 $0xFFFFFFFF  }
0x23: {  	s5 =	sld [smem:$0x0]  }
0x24: {  	s6 =	sand.u32 $0xFFFFFFFE, s1  }
0x25: {  	p0 =	sne.s32 s1, s6  }
0x26: {  	s6 =	sshll.u32 @p0 s6, $0xE  }
0x27: {  	s6 =	sadd.s32 @p0 $0x11B8D, s6;
	s7 =	sshll.u32 @p0 s5, $0x11  }
0x28: {  	s6 =	sor.u32 @p0 s7, s6  }
0x29: {  	[sflag:s6] =	ssyncadd.remote.s32 @p0 $0x1;
	_ =	sdelay $0x1  }
0x2a: {  	s6 =	simm.s32 @p0 $0x1B8D  }
0x2b: {  	_ =	swait.eq @p0 [sflag:s6], $0x1  }
0x2c: {  	[sflag:s6] =	ssyncadd.s32 @p0 $0xFFFFFFFF  }
0x2d: {  	s7 =	sshll.u32 @!p0 s1, $0xE  }
0x2e: {  	s7 =	sor.u32 @!p0 $0x4000, s7;
	s6 =	simm.s32 @!p0 $0x1B8D  }
0x2f: {  	s5 =	sshll.u32 @!p0 s5, $0x11;
	s7 =	sadd.s32 @!p0 $0x11B8D, s7;
	_ =	swait.eq @!p0 [sflag:s6], $0x1  }
0x30: {  	s5 =	sor.u32 @!p0 s5, s7;
	[sflag:s6] =	ssyncadd.s32 @!p0 $0xFFFFFFFF  }
0x31: {  	s26 =	simm.s32 $0x1B8E;
	s25 =	sld [smem:$0x3FFE];
	[sflag:s5] =	ssyncadd.remote.s32 @!p0 $0x1  }
0x32: {  	s27 =	simm.s32 $execute0_lowered;
	[smem:$0x3FD2] =	sst s26  }
0x33: {  	s6 =	sshll.u32 s27, $0x1;
	_ =	strace $0x8000005B;
	[dreg:$0x1] =	wrdreg $0xFFFFFFFF  }
0x34: {  	s28 =	simm.s32 $_size_execute0_lowered;
	s4 =	sadd.s32 s4, s6;
	[dreg:$0x0] =	wrdreg $0x0  }
0x35: {  	s6 =	sshll.u32 s28, $0x1;
	[dreg:$0x2] =	wrdreg s4  }
0x36: {  	[dreg:$0x3] =	wrdreg s6  }
0x37: {  	[dreg:$0x4] =	wrdreg $0xC0  }
0x38: {  	_ =	task [dreg:s23], $0x5FFFF  }
0x39: {  	[dreg:$0x1] =	wrdreg $0xFFFFFFFF  }
0x3a: {  	[dreg:$0x0] =	wrdreg $0x60  }
0x3b: {  	[dreg:$0x2] =	wrdreg s25  }
0x3c: {  	[dreg:$0x3] =	wrdreg s18  }
0x3d: {  	[dreg:$0x4] =	wrdreg $0x9  }
0x3e: {  	_ =	task.clear_ibuf [dreg:s23], $0x5FFFF;
	_ =	strace $0x9000005B  }
0x3f: {  	s29 =	simm.s32 $0x9;
	_ =	strace $0x8000005D  }
0x40: {  	_ =	swait.ge [sflag:s29], $0x1  }
0x41: {  	[sflag:s29] =	ssyncadd.s32 $0xFFFFFFFF  }
0x42: {  	_ =	strace $0x9000005D  }
0x43: {  	_ =	sfence  }
0x44: {  	s30 =	sld [smem:$0x0];
	_ =	sdelay $0x2  }
0x45: {  	s31 =	sshll.u32 s1, $0xD;
	s1 =	sshrl.u32 s1, $0x2  }
0x46: {  	s4 =	sand.u32 $0x4000, s31;
	s1 =	sadd.s32 s1, s30  }
0x47: {  	s0 =	sor.u32 s4, s0;
	s1 =	sshll.u32 s1, $0x11  }
0x48: {  	s0 =	sor.u32 s1, s0  }
0x49: {  	s0 =	sadd.s32 $0x8F2B, s0  }
0x4a: {  	[sflag:s0] =	ssyncadd.remote.s32 $0x1  }
0x4b: {  	_ =	sfence.sel $0xFFFF  }
0x4c: {  	[dreg:$0x0] =	wrdreg $0xFFFFFFFF;
	(pc) =	sbr.abs _section_cstart, $3  }
0x4d: {  	[dreg:$0x1] =	wrdreg $0xFFFFFFFF  }
0x4e: {  	_ =	task.clear_ibuf [dreg:s23], $0x2FFFF;
	_ =	strace $0x9FFFFFFF  }
0x4f: {  	(tm) =	ssettm $0x7FFFFFFF  }
tec
execute0_lowered:
.L_overlay_start_1:
0x0: {  	(tag) =	ssettag $0x1  }
0x1: {  	s0 =	srdreg.scid  }
0x2: {  	s1 =	sshll.u32 s0, $0x4  }
0x3: {  	s4 =	rddreg [dreg:$0x0];
	s0 =	stileid.u32;
	s1 =	sand.u32 $0x10, s1  }
0x4: {  	s2 =	rddreg [dreg:$0x1];
	s7 =	simm.s32 $0x1;
	s1 =	sor.u32 s0, s1  }
0x5: {  	s8 =	simm.s32 $0x2;
	s11 =	simm.s32 $0x0;
	s3 =	sshll.u32 s1, $0x7  }
0x6: {  	s10 =	simm.s32 $0x0;
	s4 =	sadd.s32 $0xE5400, s4;
	s6 =	ssub.s32 $0x4E200, s3  }
.Ltmp0:
0x7: {  	s1 =	rddreg [dreg:$0x2];
	s5 =	sand.u32 $0xF80, s6;
	(pc) =	sbr.rel .LBB1_1-.Ltmp0, $4  }
0x8: {  	_ =	strace $0x8000005C;
	s9 =	smov.u32 s3;
	p0 =	sne.s32 s5, $0x0  }
0x9: {  	s6 =	sshrl.u32 s6, $0xC;
	s5 =	simm.s32 $0x1;
	s7 =	simm.s32 @!p0 $0x0  }
0xa: {  	[sflag:s5] =	ssyncpa.u1 $0x0;
	p0 =	por $0x0, $0x0;
	s6 =	sadd.s32 s7, s6  }
0xb: {  	[sflag:s8] =	ssyncpa.u1 $0x0;
	s8 =	simm.s32 $0x271000;
	s7 =	sadd.s32 $0x1, s6  }
.LBB1_4:
0xc: {  	s14 =	sshll.u32 s11, $0x3  }
0xd: {  	s30 =	sand.u32 $0x7F, s11;
	s14 =	sand.u32 $0xFFFFFC00, s14  }
0xe: {  	s11 =	sor.u32 s30, s14  }
0xf: {  	s15 =	smulhi.u32 $0xD1B71759, s11;
	_ =	sdelay $0x1  }
0x10: {  	s14 =	smulhi.u32 $0xD1B71759, s14;
	s15 =	sshrl.u32 s15, $0x12  }
0x11: {  	s15 =	smul.u32 $0x4E200, s15  }
0x12: {  	s14 =	sshrl.u32 s14, $0x12  }
0x13: {  	s14 =	sand.u32 $0x3F, s14;
	s11 =	ssub.s32 s11, s15  }
0x14: {  	[tilespmem:s13+$0x810 ss:$0x81] =	vst.msk $0xffff, v2;
	s14 =	smul.u32 $0x9C40, s14;
	s15 =	sshrl.u32 s11, $0x3;
	s11 =	sand.u32 $0x7, s11  }
0x15: {  	[tilespmem:s13+$0x1020 ss:$0x81] =	vst.msk $0xffff, v0;
	s15 =	sadd.s32 s2, s15;
	s11 =	sshll.u32 s11, $0x12  }
0x16: {  	[tilespmem:s13+$0x0 ss:$0x81] =	vst.msk $0xffff, v1;
	s31 =	sadd.s32 s14, s15;
	s11 =	sor.u32 $0x400, s11  }
0x17: {  	[hbm4b:s31+s11] =	stream.strided.scatter [tilespmem:s12], [sflag:$0x2], $0x2000, s8, s11, $0x20;
	[tilespmem:$0x8080] =	vst v63  }
.LBB1_5:
0x18: {  	s13 =	sadd.s32 $0x1000, s9  }
0x19: {  	p2 =	sgt.s32 s13, $0x4E1FF  }
0x1a: {  	s13 =	smov.u32 @p2 s3;
	p2 =	sne.s32 s10, s7  }
.Ltmp1:
0x1b: {  	p1 =	slt.u32 s10, $0x2;
	(pc) =	sbr.rel @!p2 .LBB1_6-.Ltmp1, $4  }
0x1c: {  	s12 =	simm.s32 @!p1 $0x2  }
0x1d: {  	s14 =	sadd.s32 $0x1, s10;
	_ =	swait.ge @!p1 [sflag:s12], $0x2000  }
0x1e: {  	s11 =	smov.u32 s9;
	p0 =	por !p0, !p0;
	[sflag:s12] =	ssyncset.done @!p1 $0x0  }
0x1f: {  	s10 =	smov.u32 s14;
	s9 =	smov.u32 s13;
	[sflag:s12] =	ssyncadd.s32 @!p1 $0xFFFFE000  }
.LBB1_1:
0x20: {  	p1 =	sge.u32 s10, s6  }
0x21: {  	s12 =	sand.u32 @!p1 $0x1FFFFFF, s9  }
0x22: {  	s13 =	smulhi.u32 @!p1 $0x1A36E2F, s12;
	_ =	sdelay $0x1  }
0x23: {  	s13 =	sshrl.u32 @!p1 s13, $0xB  }
0x24: {  	s13 =	smul.u32 @!p1 $0x4E200, s13;
	_ =	sdelay $0x1  }
0x25: {  	s31 =	sadd.s32 $0xFFFFFFFF, s10;
	s14 =	sxor.u32 @!p1 $0xFFFFFFFF, s10;
	s12 =	ssub.s32 @!p1 s12, s13  }
0x26: {  	s15 =	simm.s32 @!p1 $0x80;
	s14 =	sshll.u32 @!p1 s14, $0xD;
	s12 =	sshll.u32 @!p1 s12, $0x4  }
0x27: {  	s13 =	sand.u32 @!p1 $0x2000, s14;
	s14 =	simm.s32 @!p1 $0x40;
	s12 =	sadd.s32 @!p1 s4, s12  }
0x28: {  	[tilespmem:s13], [sflag:$0x1] =	stream.strided.gather @!p1 [hbm4b:s12+s14], $0x2000, s15, s14, $0x38;
	[tilespmem:$0x8080] =	vst v63  }
0x29: {  	p1 =	sge.u32 s31, s6  }
.Ltmp2:
0x2a: {  	_ = 	snop;
	(pc) =	sbr.rel @p1 .LBB1_5-.Ltmp2, $1  }
0x2b: {  	_ =	sdelay $0x3  }
0x2c: {  	s12 =	simm.s32 $0x1  }
0x2d: {  	_ =	swait.ge [sflag:s5], $0x2000;
	s12 =	simm.s32 @!p0 $0x0  }
0x2e: {  	[sflag:s5] =	ssyncset.done $0x0;
	s13 =	sshll.u32 s12, $0xD  }
0x2f: {  	[sflag:s5] =	ssyncadd.s32 $0xFFFFE000;
	s16 =	sor.u32 $0x20, s13  }
0x30: {  	s12 =	smul.u32 $0x8100, s12;
	v3 =	vld [tilespmem:s16+$0x10]  }
0x31: {  	s30 =	sand.u32 $0x1, s10;
	v2 =	vld [tilespmem:s16+$0xFFFFFFF0]  }
0x32: {  	s13 =	smul.u32 $0x8100, s30;
	s12 =	sshrl.u32 s12, $0x2;
	v0 =	vld [tilespmem:s16+$0x0]  }
0x33: {  	v1 =	vld [tilespmem:s16+$0xFFFFFFE0];
	s14 =	sor.u32 $0x4000, s12  }
0x34: {  	s31 =	sshrl.u32 s13, $0x2;
	s13 =	sadd.s32 $0x0, s14  }
0x35: {  	s15 =	simm.s32 $0x4;
	s16 =	sadd.s32 $0x40, s16;
	s12 =	sor.u32 $0x4000, s31;
	[tilespmem:s13+$0x1830 ss:$0x81] =	vst.msk $0xffff, v3  }
.LBB1_3:
0x36: {  	v3 =	vld [tilespmem:s16+$0x10];
	p1 =	sne.s32 s15, $0x1FC;
	[tilespmem:s13+$0x810 ss:$0x81] =	vst.msk $0xffff, v2;
	s17 =	smov.u32 s15;
	s15 =	sadd.s32 $0x4, s15  }
.Ltmp3:
0x37: {  	v2 =	vld [tilespmem:s16+$0xFFFFFFF0];
	[tilespmem:s13+$0x1020 ss:$0x81] =	vst.msk $0xffff, v0;
	(pc) =	sbr.rel @p1 .LBB1_3-.Ltmp3, $4  }
0x38: {  	v0 =	vld [tilespmem:s16+$0x0];
	[tilespmem:s13+$0x0 ss:$0x81] =	vst.msk $0xffff, v1  }
0x39: {  	s13 =	sshra.s32 s17, $0x2;
	v1 =	vld [tilespmem:s16+$0xFFFFFFE0]  }
0x3a: {  	s13 =	sadd.s32 s13, s14  }
0x3b: {  	s16 =	sadd.s32 $0x40, s16;
	[tilespmem:s13+$0x1830 ss:$0x81] =	vst.msk $0xffff, v3  }
.Ltmp4:
0x3c: {  	_ = 	snop;
	(pc) =	sbr.rel .LBB1_4-.Ltmp4, $1  }
0x3d: {  	_ =	sdelay $0x3  }
.LBB1_6:
0x3e: {  	_ =	sfence.sel $0x180000  }
0x3f: {  	s2 =	simm.s32 $0x1;
	[bflag:$0x0] =	sbarrier.arrive $0xFFFF  }
0x40: {  	s31 =	simm.s32 $0x2;
	[sflag:s2] =	ssyncpa.u1 $0x1  }
0x41: {  	[sflag:s31] =	ssyncpa.u1 $0x1  }
0x42: {  	p0 =	sne.s32 s0, $0x0;
	_ =	strace $0x9000005C  }
0x43: {  	s0 =	sadd.s32 @!p0 $0x100000, s1;
	[bflag:$0x2] =	sbarrier.arrive $0xFFFF  }
0x44: {  	[sflag:s0] =	ssyncadd.tile.s32 @!p0 $0x1;
	_ =	shalt  }
.Lfunc_end1:
_tile_overlayer_lowered:
.L_overlay_start_2:
0x45: {  	(tag) =	ssettag $0x2  }
0x46: {  	s0 =	rddreg [dreg:$0x0];
	s2 =	stileid.u32  }
0x47: {  	s1 =	rddreg [dreg:$0x1];
	p0 =	sne.s32 s2, $0x0  }
0x48: {  	s3 =	rddreg [dreg:$0x2];
	[bflag:$0x3] =	sbarrier.arrive $0xFFFF;
	s2 =	simm.s32 @!p0 $0x1C01  }
0x49: {  	[timem:s3], [sflag:s2] =	dma.local @!p0 [hbm:s0], s1  }
0x4a: {  	s0 =	simm.s32 @!p0 $0x1  }
0x4b: {  	_ =	swait.ge @!p0 [sflag:s0], s1  }
0x4c: {  	s1 =	ssub.s32 @!p0 $0x0, s1;
	[sflag:s0] =	ssyncset.done @!p0 $0x0  }
0x4d: {  	[sflag:s0] =	ssyncadd.s32 @!p0 s1  }
0x4e: {  	[bflag:$0x3] =	sbarrier.arrive $0xFFFF  }
0x4f: {  	_ =	shalt  }

</sc_bundles>
